<compile_context>
chip_gen: v7x
topology: tpu7x:2x2x1
jax: 0.10.2.dev20260603
libtpu: 0.0.44.dev20260713+nightly
codegen_flags: <defaults>
</compile_context>

<pallas_src>
import jax
import jax.numpy as jnp
from jax import lax
from jax.experimental import pallas as pl
from jax.experimental.pallas import tpu as pltpu
from jax.experimental.pallas import tpu_sc as plsc

_N_COMP, _N_NODES, _N_T = 16, 325, 12
_W = _N_COMP * _N_NODES * _N_T
_B = 64
_NC, _NS, _L = 2, 16, 16
_NG = _B // _L
_NN = 168
_N0_H1 = _N_NODES - _NN
_JN = _NN * _N_T
_HR, _DR = 24, 7
_P = 48
_HDW = 98304
_CHN = 8
_NPAIR = 10


def _body(hm_hbm, dm_hbm, hdt_hbm, out_hbm,
          hm_v, dm_v, stage, sem_t, s0, s1):
    wid = lax.axis_index("s") * _NC + lax.axis_index("c")
    comp = wid // 2
    half = wid % 2
    n0 = half * _N0_H1
    j0 = (comp * _N_NODES + n0) * _N_T

    off = jnp.minimum((j0 * _P) // 1024 * 1024, _W * _P - _HDW)
    off = pl.multiple_of(off, 1024)
    shift = j0 * _P - off

    pltpu.sync_copy(hm_hbm, hm_v)
    pltpu.sync_copy(dm_hbm, dm_v)
    pltpu.async_copy(hdt_hbm.at[pl.ds(off, _HDW)], stage, sem_t).wait()

    def _scoped(ob0, ob1):
        _compute(out_hbm, stage, hm_v, dm_v,
                 comp, n0, shift, (ob0, ob1), (s0, s1))

    pl.run_scoped(_scoped,
                  pltpu.VMEM((_CHN, _N_T, _B), jnp.float32),
                  pltpu.VMEM((_CHN, _N_T, _B), jnp.float32))


def _lane_shuffle(vec, idx):
    dnums = lax.GatherDimensionNumbers(
        offset_dims=(), collapsed_slice_dims=(0,), start_index_map=(0,))
    return lax.gather(vec, idx[:, None], dnums, (1,),
                      mode=lax.GatherScatterMode.PROMISE_IN_BOUNDS)


def _compute(out_hbm, stage, hm_v, dm_v, comp, n0, shift, obufs, sems):
    hlo, hhi, hmask, dsh = [], [], [], []
    for g in range(_NG):
        hm = hm_v[g]
        dm = dm_v[g]
        hlo.append(hm)
        hhi.append(jnp.maximum(hm - _L, 0))
        hmask.append(hm < _L)
        dsh.append(dm + _HR - _L)

    def _chunk(ci, j, drain):
        ob = obufs[j]
        if drain is True:
            pltpu.make_async_copy(ob, out_hbm.at[comp, pl.ds(0, _CHN)],
                                  sems[j]).wait()
        elif drain is not None:
            @pl.when(drain)
            def _drain():
                pltpu.make_async_copy(ob, out_hbm.at[comp, pl.ds(0, _CHN)],
                                      sems[j]).wait()
        base = ci * _CHN

        @plsc.parallel_loop(0, _N_T, unroll=2)
        def _tloop(t):
            for nj in range(_CHN):
                jl = (base + nj) * _N_T + t
                hb = jl * _P + shift
                hv0 = stage[pl.ds(hb, _L)]
                hv1 = stage[pl.ds(hb + _L, _L)]
                for g in range(_NG):
                    hs = jnp.where(hmask[g],
                                   _lane_shuffle(hv0, hlo[g]),
                                   _lane_shuffle(hv1, hhi[g]))
                    ds_ = _lane_shuffle(hv1, dsh[g])
                    ob[nj, t, pl.ds(g * _L, _L)] = hs + ds_

        pltpu.async_copy(ob, out_hbm.at[comp, pl.ds(n0 + base, _CHN)],
                         sems[j])

    def _pair(i, carry):
        base2 = i * 2
        _chunk(base2, 0, i > 0)
        _chunk(base2 + 1, 1, i > 0)
        return carry

    lax.fori_loop(0, _NPAIR, _pair, 0)
    _chunk(2 * _NPAIR, 0, True)
    pltpu.make_async_copy(obufs[0], out_hbm.at[comp, pl.ds(0, _CHN)],
                          sems[0]).wait()
    pltpu.make_async_copy(obufs[1], out_hbm.at[comp, pl.ds(0, _CHN)],
                          sems[1]).wait()


@jax.jit
def _run(H, D, h_ebd, d_ebd):
    hm = H.reshape(_NG, _L).astype(jnp.int32)
    dm = D.reshape(_NG, _L).astype(jnp.int32)
    hd = jnp.concatenate([h_ebd, d_ebd], axis=0)
    hdt = jnp.pad(hd, ((0, _P - _HR - _DR), (0, 0))).T.reshape(_W * _P)
    mesh = plsc.VectorSubcoreMesh(core_axis_name="c", subcore_axis_name="s")
    out = pl.kernel(
        _body,
        out_type=jax.ShapeDtypeStruct((_N_COMP, _N_NODES, _N_T, _B),
                                      jnp.float32),
        mesh=mesh,
        compiler_params=pltpu.CompilerParams(needs_layout_passes=False,
                                             disable_bounds_checks=True),
        scratch_types=[
            pltpu.VMEM((_NG, _L), jnp.int32),
            pltpu.VMEM((_NG, _L), jnp.int32),
            pltpu.VMEM((_HDW,), jnp.float32),
            pltpu.SemaphoreType.DMA,
            pltpu.SemaphoreType.DMA,
            pltpu.SemaphoreType.DMA,
        ],
    )(hm, dm, hdt)
    return jnp.transpose(out, (3, 0, 1, 2))


def kernel(H, D, h_ebd, d_ebd):
    return _run(H, D, h_ebd, d_ebd)

# --- scband reference (transcript-rebuilt; emitter-appended) ---
"""Pipeline reference for scband-te-22041772163127 (READ-ONLY COPY).

The authoritative reference and input builder live on the scoring server;
editing this copy changes nothing except your own understanding.
"""

import jax, jax.numpy as jnp
import numpy as np

N_COMP = 16
N_NODES = 325
N_T = 12
EDIM = N_COMP * N_NODES * N_T  # 62400
B = 64


def setup_inputs(seed: int = 0) -> dict:
    key = jax.random.key(seed)
    k1, k2, k3, k4 = jax.random.split(key, 4)
    H = jax.random.randint(k1, (B,), 0, 24, dtype=jnp.int32)
    D = jax.random.randint(k2, (B,), 0, 7, dtype=jnp.int32)
    h_ebd = jax.random.normal(k3, (24, EDIM), dtype=jnp.float32)
    d_ebd = jax.random.normal(k4, (7, EDIM), dtype=jnp.float32)
    return {"H": H, "D": D, "h_ebd": h_ebd, "d_ebd": d_ebd}


def reference(H, D, h_ebd, d_ebd):
    # G = h_ebd(H) + d_ebd(D); embedding lookup == row gather
    G = jnp.take(h_ebd, H, axis=0) + jnp.take(d_ebd, D, axis=0)
    return G.reshape(G.shape[0], N_COMP, N_NODES, N_T)

if __name__ == "__main__":
    import jax
    _d = setup_inputs()
    print(jax.jit(kernel)(*tuple(_d.values())))

</pallas_src>

<mosaic_0001>
#map = affine_map<(d0, d1) -> (0, 0)>
#map1 = affine_map<(d0, d1) -> (0)>
#map2 = affine_map<(d0, d1) -> (0, 0, 0, 0)>
module attributes {stable_mosaic.version = 14 : i64} {
  func.func @_body(%arg0: i32, %arg1: i32, %arg2: memref<4x16xi32, #tpu.memory_space<hbm>>, %arg3: memref<4x16xi32, #tpu.memory_space<hbm>>, %arg4: memref<2995200xf32, #tpu.memory_space<hbm>>, %arg5: memref<16x325x12x64xf32, #tpu.memory_space<hbm>>, %arg6: memref<4x16xi32, #tpu.memory_space<vmem>>, %arg7: memref<4x16xi32, #tpu.memory_space<vmem>>, %arg8: memref<98304xf32, #tpu.memory_space<vmem>>, %arg9: memref<!tpu.dma_semaphore, #tpu.memory_space<semaphore_mem>>, %arg10: memref<!tpu.dma_semaphore, #tpu.memory_space<semaphore_mem>>, %arg11: memref<!tpu.dma_semaphore, #tpu.memory_space<semaphore_mem>>) attributes {dimension_semantics = [#tpu.dimension_semantics<core_parallel>, #tpu.dimension_semantics<subcore_parallel>], iteration_bounds = array<i64: 2, 16>, scalar_prefetch = 0 : i64, scratch_operands = 6 : i64, tpu.core_type = #tpu.core_type<sc_vector_subcore>, window_params = [{transform_indices = #map}, {transform_indices = #map}, {transform_indices = #map1}, {transform_indices = #map2}]} {
    %mul3A = arith.constant 2 : i32
    %mul3A_0 = arith.muli %arg1, %mul3A : i32
    %add3A = arith.addi %mul3A_0, %arg0 : i32
    %jit3A = arith.constant 2 : i32
    %div3A = arith.divsi %add3A, %jit3A : i32
    %sign3A = arith.constant 0 : i32
    %sign3A_1 = arith.cmpi sgt, %add3A, %sign3A : i32
    %sign3A_2 = arith.extui %sign3A_1 : i1 to i32
    %sign3A_3 = arith.constant 0 : i32
    %sign3A_4 = arith.cmpi slt, %add3A, %sign3A_3 : i32
    %sign3A_5 = arith.extui %sign3A_4 : i1 to i32
    %sign3A_6 = arith.subi %sign3A_2, %sign3A_5 : i32
    %sign3A_7 = arith.constant 0 : i32
    %sign3A_8 = arith.cmpi sgt, %jit3A, %sign3A_7 : i32
    %sign3A_9 = arith.extui %sign3A_8 : i1 to i32
    %sign3A_10 = arith.constant 0 : i32
    %sign3A_11 = arith.cmpi slt, %jit3A, %sign3A_10 : i32
    %sign3A_12 = arith.extui %sign3A_11 : i1 to i32
    %sign3A_13 = arith.subi %sign3A_9, %sign3A_12 : i32
    %ne3A = arith.cmpi ne, %sign3A_6, %sign3A_13 : i32
    %rem3A = arith.remsi %add3A, %jit3A : i32
    %ne3A_14 = arith.constant 0 : i32
    %ne3A_15 = arith.cmpi ne, %rem3A, %ne3A_14 : i32
    %and3A = arith.andi %ne3A, %ne3A_15 : i1
    %sub3A = arith.constant 1 : i32
    %sub3A_16 = arith.subi %div3A, %sub3A : i32
    %select_n3A = arith.select %and3A, %sub3A_16, %div3A : i32
    %jit3A_17 = arith.constant 2 : i32
    %eq3A = arith.constant 0 : i32
    %eq3A_18 = arith.cmpi eq, %jit3A_17, %eq3A : i32
    %jit3A_19 = arith.constant 1 : i32
    %select_n3A_20 = arith.select %eq3A_18, %jit3A_19, %jit3A_17 : i32
    %rem3A_21 = arith.remsi %add3A, %select_n3A_20 : i32
    %ne3A_22 = arith.constant 0 : i32
    %ne3A_23 = arith.cmpi ne, %rem3A_21, %ne3A_22 : i32
    %lt3A = arith.constant 0 : i32
    %lt3A_24 = arith.cmpi slt, %rem3A_21, %lt3A : i32
    %lt3A_25 = arith.constant 0 : i32
    %lt3A_26 = arith.cmpi slt, %select_n3A_20, %lt3A_25 : i32
    %ne3A_27 = arith.xori %lt3A_24, %lt3A_26 : i1
    %and3A_28 = arith.andi %ne3A_27, %ne3A_23 : i1
    %add3A_29 = arith.addi %rem3A_21, %select_n3A_20 : i32
    %select_n3A_30 = arith.select %and3A_28, %add3A_29, %rem3A_21 : i32
    %mul3A_31 = arith.constant 157 : i32
    %mul3A_32 = arith.muli %select_n3A_30, %mul3A_31 : i32
    %mul3A_33 = arith.constant 325 : i32
    %mul3A_34 = arith.muli %select_n3A, %mul3A_33 : i32
    %add3A_35 = arith.addi %mul3A_34, %mul3A_32 : i32
    %mul3A_36 = arith.constant 12 : i32
    %mul3A_37 = arith.muli %add3A_35, %mul3A_36 : i32
    %mul3A_38 = arith.constant 48 : i32
    %mul3A_39 = arith.muli %mul3A_37, %mul3A_38 : i32
    %jit3A_40 = arith.constant 1024 : i32
    %div3A_41 = arith.divsi %mul3A_39, %jit3A_40 : i32
    %sign3A_42 = arith.constant 0 : i32
    %sign3A_43 = arith.cmpi sgt, %mul3A_39, %sign3A_42 : i32
    %sign3A_44 = arith.extui %sign3A_43 : i1 to i32
    %sign3A_45 = arith.constant 0 : i32
    %sign3A_46 = arith.cmpi slt, %mul3A_39, %sign3A_45 : i32
    %sign3A_47 = arith.extui %sign3A_46 : i1 to i32
    %sign3A_48 = arith.subi %sign3A_44, %sign3A_47 : i32
    %sign3A_49 = arith.constant 0 : i32
    %sign3A_50 = arith.cmpi sgt, %jit3A_40, %sign3A_49 : i32
    %sign3A_51 = arith.extui %sign3A_50 : i1 to i32
    %sign3A_52 = arith.constant 0 : i32
    %sign3A_53 = arith.cmpi slt, %jit3A_40, %sign3A_52 : i32
    %sign3A_54 = arith.extui %sign3A_53 : i1 to i32
    %sign3A_55 = arith.subi %sign3A_51, %sign3A_54 : i32
    %ne3A_56 = arith.cmpi ne, %sign3A_48, %sign3A_55 : i32
    %rem3A_57 = arith.remsi %mul3A_39, %jit3A_40 : i32
    %ne3A_58 = arith.constant 0 : i32
    %ne3A_59 = arith.cmpi ne, %rem3A_57, %ne3A_58 : i32
    %and3A_60 = arith.andi %ne3A_56, %ne3A_59 : i1
    %sub3A_61 = arith.constant 1 : i32
    %sub3A_62 = arith.subi %div3A_41, %sub3A_61 : i32
    %select_n3A_63 = arith.select %and3A_60, %sub3A_62, %div3A_41 : i32
    %mul3A_64 = arith.constant 1024 : i32
    %mul3A_65 = arith.muli %select_n3A_63, %mul3A_64 : i32
    %min3A = arith.constant 2896896 : i32
    %min3A_66 = arith.minsi %mul3A_65, %min3A : i32
    %multiple_of3A = tpu.assume_multiple %min3A_66, 1024 : i32
    %mul3A_67 = arith.constant 48 : i32
    %mul3A_68 = arith.muli %mul3A_37, %mul3A_67 : i32
    %sub3A_69 = arith.subi %mul3A_68, %multiple_of3A : i32
    "tpu.region"() ({
      %run_scoped3A = tpu.sem_alloc : memref<!tpu.dma_semaphore, #tpu.memory_space<semaphore_mem>>
      tpu.enqueue_dma source(%arg2 : memref<4x16xi32, #tpu.memory_space<hbm>>) target(%arg6 : memref<4x16xi32, #tpu.memory_space<vmem>>) target_semaphore(%run_scoped3A : memref<!tpu.dma_semaphore, #tpu.memory_space<semaphore_mem>>)
      tpu.wait_dma2 semaphore(%run_scoped3A : memref<!tpu.dma_semaphore, #tpu.memory_space<semaphore_mem>>) src(%arg2 : memref<4x16xi32, #tpu.memory_space<hbm>>) dst(%arg6 : memref<4x16xi32, #tpu.memory_space<vmem>>)
      tpu.yield
    }) : () -> ()
    "tpu.region"() ({
      %run_scoped3A = tpu.sem_alloc : memref<!tpu.dma_semaphore, #tpu.memory_space<semaphore_mem>>
      tpu.enqueue_dma source(%arg3 : memref<4x16xi32, #tpu.memory_space<hbm>>) target(%arg7 : memref<4x16xi32, #tpu.memory_space<vmem>>) target_semaphore(%run_scoped3A : memref<!tpu.dma_semaphore, #tpu.memory_space<semaphore_mem>>)
      tpu.wait_dma2 semaphore(%run_scoped3A : memref<!tpu.dma_semaphore, #tpu.memory_space<semaphore_mem>>) src(%arg3 : memref<4x16xi32, #tpu.memory_space<hbm>>) dst(%arg7 : memref<4x16xi32, #tpu.memory_space<vmem>>)
      tpu.yield
    }) : () -> ()
    %dma_start3A = tpu.memref_slice %arg4[%multiple_of3A] : memref<2995200xf32, #tpu.memory_space<hbm>> -> memref<98304xf32, #tpu.memory_space<hbm>>
    %dma_start3A_70 = tpu.memref_slice %arg4[%multiple_of3A] : memref<2995200xf32, #tpu.memory_space<hbm>> -> memref<98304xf32, #tpu.memory_space<hbm>>
    tpu.enqueue_dma source(%dma_start3A_70 : memref<98304xf32, #tpu.memory_space<hbm>>) target(%arg8 : memref<98304xf32, #tpu.memory_space<vmem>>) target_semaphore(%arg9 : memref<!tpu.dma_semaphore, #tpu.memory_space<semaphore_mem>>)
    %dma_wait3A = tpu.memref_slice %arg4[%multiple_of3A] : memref<2995200xf32, #tpu.memory_space<hbm>> -> memref<98304xf32, #tpu.memory_space<hbm>>
    %dma_wait3A_71 = tpu.memref_slice %arg4[%multiple_of3A] : memref<2995200xf32, #tpu.memory_space<hbm>> -> memref<98304xf32, #tpu.memory_space<hbm>>
    tpu.wait_dma2 semaphore(%arg9 : memref<!tpu.dma_semaphore, #tpu.memory_space<semaphore_mem>>) src(%dma_wait3A_71 : memref<98304xf32, #tpu.memory_space<hbm>>) dst(%arg8 : memref<98304xf32, #tpu.memory_space<vmem>>)
    "tpu.region"() ({
      %run_scoped3A = memref.alloca() : memref<8x12x64xf32, #tpu.memory_space<vmem>>
      %run_scoped3A_72 = memref.alloca() : memref<8x12x64xf32, #tpu.memory_space<vmem>>
      %get3A = arith.constant 0 : i32
      %get3A_73 = arith.index_cast %get3A : i32 to index
      %get3A_74 = arith.constant 0 : index
      %get3A_75 = tpu.vector_load %arg6[%get3A_73, %get3A_74] {strides = array<i32>} : memref<4x16xi32, #tpu.memory_space<vmem>>, vector<16xi32>,
      %get3A_76 = arith.constant 0 : i32
      %get3A_77 = arith.index_cast %get3A_76 : i32 to index
      %get3A_78 = arith.constant 0 : index
      %get3A_79 = tpu.vector_load %arg7[%get3A_77, %get3A_78] {strides = array<i32>} : memref<4x16xi32, #tpu.memory_space<vmem>>, vector<16xi32>,
      %sub3A_80 = arith.constant 16 : i32
      %sub3A_81 = vector.broadcast %sub3A_80 : i32 to vector<16xi32>
      %sub3A_82 = arith.subi %get3A_75, %sub3A_81 : vector<16xi32>
      %max3A = arith.constant 0 : i32
      %max3A_83 = vector.broadcast %max3A : i32 to vector<16xi32>
      %max3A_84 = arith.maxsi %sub3A_82, %max3A_83 : vector<16xi32>
      %lt3A_85 = arith.constant 16 : i32
      %lt3A_86 = vector.broadcast %lt3A_85 : i32 to vector<16xi32>
      %lt3A_87 = arith.cmpi slt, %get3A_75, %lt3A_86 : vector<16xi32>
      %add3A_88 = arith.constant 24 : i32
      %add3A_89 = vector.broadcast %add3A_88 : i32 to vector<16xi32>
      %add3A_90 = arith.addi %get3A_79, %add3A_89 : vector<16xi32>
      %sub3A_91 = arith.constant 16 : i32
      %sub3A_92 = vector.broadcast %sub3A_91 : i32 to vector<16xi32>
      %sub3A_93 = arith.subi %add3A_90, %sub3A_92 : vector<16xi32>
      %get3A_94 = arith.constant 1 : i32
      %get3A_95 = arith.index_cast %get3A_94 : i32 to index
      %get3A_96 = arith.constant 0 : index
      %get3A_97 = tpu.vector_load %arg6[%get3A_95, %get3A_96] {strides = array<i32>} : memref<4x16xi32, #tpu.memory_space<vmem>>, vector<16xi32>,
      %get3A_98 = arith.constant 1 : i32
      %get3A_99 = arith.index_cast %get3A_98 : i32 to index
      %get3A_100 = arith.constant 0 : index
      %get3A_101 = tpu.vector_load %arg7[%get3A_99, %get3A_100] {strides = array<i32>} : memref<4x16xi32, #tpu.memory_space<vmem>>, vector<16xi32>,
      %sub3A_102 = arith.constant 16 : i32
      %sub3A_103 = vector.broadcast %sub3A_102 : i32 to vector<16xi32>
      %sub3A_104 = arith.subi %get3A_97, %sub3A_103 : vector<16xi32>
      %max3A_105 = arith.constant 0 : i32
      %max3A_106 = vector.broadcast %max3A_105 : i32 to vector<16xi32>
      %max3A_107 = arith.maxsi %sub3A_104, %max3A_106 : vector<16xi32>
      %lt3A_108 = arith.constant 16 : i32
      %lt3A_109 = vector.broadcast %lt3A_108 : i32 to vector<16xi32>
      %lt3A_110 = arith.cmpi slt, %get3A_97, %lt3A_109 : vector<16xi32>
      %add3A_111 = arith.constant 24 : i32
      %add3A_112 = vector.broadcast %add3A_111 : i32 to vector<16xi32>
      %add3A_113 = arith.addi %get3A_101, %add3A_112 : vector<16xi32>
      %sub3A_114 = arith.constant 16 : i32
      %sub3A_115 = vector.broadcast %sub3A_114 : i32 to vector<16xi32>
      %sub3A_116 = arith.subi %add3A_113, %sub3A_115 : vector<16xi32>
      %get3A_117 = arith.constant 2 : i32
      %get3A_118 = arith.index_cast %get3A_117 : i32 to index
      %get3A_119 = arith.constant 0 : index
      %get3A_120 = tpu.vector_load %arg6[%get3A_118, %get3A_119] {strides = array<i32>} : memref<4x16xi32, #tpu.memory_space<vmem>>, vector<16xi32>,
      %get3A_121 = arith.constant 2 : i32
      %get3A_122 = arith.index_cast %get3A_121 : i32 to index
      %get3A_123 = arith.constant 0 : index
      %get3A_124 = tpu.vector_load %arg7[%get3A_122, %get3A_123] {strides = array<i32>} : memref<4x16xi32, #tpu.memory_space<vmem>>, vector<16xi32>,
      %sub3A_125 = arith.constant 16 : i32
      %sub3A_126 = vector.broadcast %sub3A_125 : i32 to vector<16xi32>
      %sub3A_127 = arith.subi %get3A_120, %sub3A_126 : vector<16xi32>
      %max3A_128 = arith.constant 0 : i32
      %max3A_129 = vector.broadcast %max3A_128 : i32 to vector<16xi32>
      %max3A_130 = arith.maxsi %sub3A_127, %max3A_129 : vector<16xi32>
      %lt3A_131 = arith.constant 16 : i32
      %lt3A_132 = vector.broadcast %lt3A_131 : i32 to vector<16xi32>
      %lt3A_133 = arith.cmpi slt, %get3A_120, %lt3A_132 : vector<16xi32>
      %add3A_134 = arith.constant 24 : i32
      %add3A_135 = vector.broadcast %add3A_134 : i32 to vector<16xi32>
      %add3A_136 = arith.addi %get3A_124, %add3A_135 : vector<16xi32>
      %sub3A_137 = arith.constant 16 : i32
      %sub3A_138 = vector.broadcast %sub3A_137 : i32 to vector<16xi32>
      %sub3A_139 = arith.subi %add3A_136, %sub3A_138 : vector<16xi32>
      %get3A_140 = arith.constant 3 : i32
      %get3A_141 = arith.index_cast %get3A_140 : i32 to index
      %get3A_142 = arith.constant 0 : index
      %get3A_143 = tpu.vector_load %arg6[%get3A_141, %get3A_142] {strides = array<i32>} : memref<4x16xi32, #tpu.memory_space<vmem>>, vector<16xi32>,
      %get3A_144 = arith.constant 3 : i32
      %get3A_145 = arith.index_cast %get3A_144 : i32 to index
      %get3A_146 = arith.constant 0 : index
      %get3A_147 = tpu.vector_load %arg7[%get3A_145, %get3A_146] {strides = array<i32>} : memref<4x16xi32, #tpu.memory_space<vmem>>, vector<16xi32>,
      %sub3A_148 = arith.constant 16 : i32
      %sub3A_149 = vector.broadcast %sub3A_148 : i32 to vector<16xi32>
      %sub3A_150 = arith.subi %get3A_143, %sub3A_149 : vector<16xi32>
      %max3A_151 = arith.constant 0 : i32
      %max3A_152 = vector.broadcast %max3A_151 : i32 to vector<16xi32>
      %max3A_153 = arith.maxsi %sub3A_150, %max3A_152 : vector<16xi32>
      %lt3A_154 = arith.constant 16 : i32
      %lt3A_155 = vector.broadcast %lt3A_154 : i32 to vector<16xi32>
      %lt3A_156 = arith.cmpi slt, %get3A_143, %lt3A_155 : vector<16xi32>
      %add3A_157 = arith.constant 24 : i32
      %add3A_158 = vector.broadcast %add3A_157 : i32 to vector<16xi32>
      %add3A_159 = arith.addi %get3A_147, %add3A_158 : vector<16xi32>
      %sub3A_160 = arith.constant 16 : i32
      %sub3A_161 = vector.broadcast %sub3A_160 : i32 to vector<16xi32>
      %sub3A_162 = arith.subi %add3A_159, %sub3A_161 : vector<16xi32>
      %scan3A = arith.constant 0 : i32
      %scan3A_163 = arith.constant 0 : i32
      %scan3A_164 = arith.constant 10 : i32
      %scan3A_165 = arith.addi %scan3A_163, %scan3A_164 : i32
      %scan3A_166 = arith.constant 1 : i32
      scf.for %scan3A_210 = %scan3A_163 to %scan3A_165 step %scan3A_166  : i32 {
        %mul3A_211 = arith.constant 2 : i32
        %mul3A_212 = arith.muli %scan3A_210, %mul3A_211 : i32
        %gt3A = arith.constant 0 : i32
        %gt3A_213 = arith.cmpi sgt, %scan3A_210, %gt3A : i32
        %convert_element_type3A = arith.extui %gt3A_213 : i1 to i32
        %cond3A = arith.constant 0 : i32
        %cond3A_214 = arith.cmpi ne, %convert_element_type3A, %cond3A : i32
        scf.if %cond3A_214 {
          %dma_wait3A_250 = arith.constant 0 : i32
          %dma_wait3A_251 = arith.constant 0 : i32
          %dma_wait3A_252 = arith.constant 0 : i32
          %dma_wait3A_253 = tpu.memref_slice %arg5[%select_n3A, %dma_wait3A_250, %dma_wait3A_251, %dma_wait3A_252] : memref<16x325x12x64xf32, #tpu.memory_space<hbm>> -> memref<1x8x12x64xf32, #tpu.memory_space<hbm>>
          %dma_wait3A_254 = tpu.memref_squeeze %dma_wait3A_253 : memref<1x8x12x64xf32, #tpu.memory_space<hbm>> -> memref<8x12x64xf32, #tpu.memory_space<hbm>>
          %dma_wait3A_255 = arith.constant 0 : i32
          %dma_wait3A_256 = arith.constant 0 : i32
          %dma_wait3A_257 = arith.constant 0 : i32
          %dma_wait3A_258 = tpu.memref_slice %arg5[%select_n3A, %dma_wait3A_255, %dma_wait3A_256, %dma_wait3A_257] : memref<16x325x12x64xf32, #tpu.memory_space<hbm>> -> memref<1x8x12x64xf32, #tpu.memory_space<hbm>>
          %dma_wait3A_259 = tpu.memref_squeeze %dma_wait3A_258 : memref<1x8x12x64xf32, #tpu.memory_space<hbm>> -> memref<8x12x64xf32, #tpu.memory_space<hbm>>
          tpu.wait_dma2 semaphore(%arg10 : memref<!tpu.dma_semaphore, #tpu.memory_space<semaphore_mem>>) src(%run_scoped3A : memref<8x12x64xf32, #tpu.memory_space<vmem>>) dst(%dma_wait3A_259 : memref<8x12x64xf32, #tpu.memory_space<hbm>>)
        } else {
        }
        %mul3A_215 = arith.constant 8 : i32
        %mul3A_216 = arith.muli %mul3A_212, %mul3A_215 : i32
        %parallel_loop3A_217 = arith.constant 0 : i32
        %parallel_loop3A_218 = arith.constant 12 : i32
        %parallel_loop3A_219 = arith.constant 1 : i32
        scf.for %parallel_loop3A_250 = %parallel_loop3A_217 to %parallel_loop3A_218 step %parallel_loop3A_219  : i32 {
          %parallel_loop3A_251 = arith.constant 0 : i32
          %parallel_loop3A_252 = arith.addi %mul3A_216, %parallel_loop3A_251 : i32
          %parallel_loop3A_253 = arith.constant 12 : i32
          %parallel_loop3A_254 = arith.muli %parallel_loop3A_252, %parallel_loop3A_253 : i32
          %parallel_loop3A_255 = arith.addi %parallel_loop3A_254, %parallel_loop3A_250 : i32
          %parallel_loop3A_256 = arith.constant 48 : i32
          %parallel_loop3A_257 = arith.muli %parallel_loop3A_255, %parallel_loop3A_256 : i32
          %parallel_loop3A_258 = arith.addi %parallel_loop3A_257, %sub3A_69 : i32
          %parallel_loop3A_259 = arith.index_cast %parallel_loop3A_258 : i32 to index
          %parallel_loop3A_260 = tpu.vector_load %arg8[%parallel_loop3A_259] {strides = array<i32>} : memref<98304xf32, #tpu.memory_space<vmem>>, vector<16xf32>,
          %parallel_loop3A_261 = arith.constant 16 : i32
          %parallel_loop3A_262 = arith.addi %parallel_loop3A_258, %parallel_loop3A_261 : i32
          %parallel_loop3A_263 = arith.index_cast %parallel_loop3A_262 : i32 to index
          %parallel_loop3A_264 = tpu.vector_load %arg8[%parallel_loop3A_263] {strides = array<i32>} : memref<98304xf32, #tpu.memory_space<vmem>>, vector<16xf32>,
          %parallel_loop3A_265 = vector.shape_cast %get3A_75 : vector<16xi32> to vector<16x1xi32>
          %parallel_loop3A_266 = vector.shape_cast %parallel_loop3A_265 : vector<16x1xi32> to vector<16xi32>
          %parallel_loop3A_267 = tpu.dynamic_gather %parallel_loop3A_260[%parallel_loop3A_266] in [0] : vector<16xf32>, vector<16xi32> -> vector<16xf32>
          %parallel_loop3A_268 = vector.shape_cast %max3A_84 : vector<16xi32> to vector<16x1xi32>
          %parallel_loop3A_269 = vector.shape_cast %parallel_loop3A_268 : vector<16x1xi32> to vector<16xi32>
          %parallel_loop3A_270 = tpu.dynamic_gather %parallel_loop3A_264[%parallel_loop3A_269] in [0] : vector<16xf32>, vector<16xi32> -> vector<16xf32>
          %parallel_loop3A_271 = arith.select %lt3A_87, %parallel_loop3A_267, %parallel_loop3A_270 : vector<16xi1>, vector<16xf32>
          %parallel_loop3A_272 = vector.shape_cast %sub3A_93 : vector<16xi32> to vector<16x1xi32>
          %parallel_loop3A_273 = vector.shape_cast %parallel_loop3A_272 : vector<16x1xi32> to vector<16xi32>
          %parallel_loop3A_274 = tpu.dynamic_gather %parallel_loop3A_264[%parallel_loop3A_273] in [0] : vector<16xf32>, vector<16xi32> -> vector<16xf32>
          %parallel_loop3A_275 = arith.addf %parallel_loop3A_271, %parallel_loop3A_274 : vector<16xf32>
          %parallel_loop3A_276 = arith.constant 0 : i32
          %parallel_loop3A_277 = arith.index_cast %parallel_loop3A_276 : i32 to index
          %parallel_loop3A_278 = arith.index_cast %parallel_loop3A_250 : i32 to index
          %parallel_loop3A_279 = arith.constant 0 : index
          %parallel_loop3A_280 = tpu.vector_load %run_scoped3A[%parallel_loop3A_277, %parallel_loop3A_278, %parallel_loop3A_279] {strides = array<i32>} : memref<8x12x64xf32, #tpu.memory_space<vmem>>, vector<16xf32>,
          tpu.vector_store %run_scoped3A[%parallel_loop3A_277, %parallel_loop3A_278, %parallel_loop3A_279], %parallel_loop3A_275 {strides = array<i32>} : memref<8x12x64xf32, #tpu.memory_space<vmem>>, vector<16xf32>,
          %parallel_loop3A_281 = vector.shape_cast %get3A_97 : vector<16xi32> to vector<16x1xi32>
          %parallel_loop3A_282 = vector.shape_cast %parallel_loop3A_281 : vector<16x1xi32> to vector<16xi32>
          %parallel_loop3A_283 = tpu.dynamic_gather %parallel_loop3A_260[%parallel_loop3A_282] in [0] : vector<16xf32>, vector<16xi32> -> vector<16xf32>
          %parallel_loop3A_284 = vector.shape_cast %max3A_107 : vector<16xi32> to vector<16x1xi32>
          %parallel_loop3A_285 = vector.shape_cast %parallel_loop3A_284 : vector<16x1xi32> to vector<16xi32>
          %parallel_loop3A_286 = tpu.dynamic_gather %parallel_loop3A_264[%parallel_loop3A_285] in [0] : vector<16xf32>, vector<16xi32> -> vector<16xf32>
          %parallel_loop3A_287 = arith.select %lt3A_110, %parallel_loop3A_283, %parallel_loop3A_286 : vector<16xi1>, vector<16xf32>
          %parallel_loop3A_288 = vector.shape_cast %sub3A_116 : vector<16xi32> to vector<16x1xi32>
          %parallel_loop3A_289 = vector.shape_cast %parallel_loop3A_288 : vector<16x1xi32> to vector<16xi32>
          %parallel_loop3A_290 = tpu.dynamic_gather %parallel_loop3A_264[%parallel_loop3A_289] in [0] : vector<16xf32>, vector<16xi32> -> vector<16xf32>
          %parallel_loop3A_291 = arith.addf %parallel_loop3A_287, %parallel_loop3A_290 : vector<16xf32>
          %parallel_loop3A_292 = arith.constant 0 : i32
          %parallel_loop3A_293 = arith.index_cast %parallel_loop3A_292 : i32 to index
          %parallel_loop3A_294 = arith.index_cast %parallel_loop3A_250 : i32 to index
          %parallel_loop3A_295 = arith.constant 16 : index
          %parallel_loop3A_296 = tpu.vector_load %run_scoped3A[%parallel_loop3A_293, %parallel_loop3A_294, %parallel_loop3A_295] {strides = array<i32>} : memref<8x12x64xf32, #tpu.memory_space<vmem>>, vector<16xf32>,
          tpu.vector_store %run_scoped3A[%parallel_loop3A_293, %parallel_loop3A_294, %parallel_loop3A_295], %parallel_loop3A_291 {strides = array<i32>} : memref<8x12x64xf32, #tpu.memory_space<vmem>>, vector<16xf32>,
          %parallel_loop3A_297 = vector.shape_cast %get3A_120 : vector<16xi32> to vector<16x1xi32>
          %parallel_loop3A_298 = vector.shape_cast %parallel_loop3A_297 : vector<16x1xi32> to vector<16xi32>
          %parallel_loop3A_299 = tpu.dynamic_gather %parallel_loop3A_260[%parallel_loop3A_298] in [0] : vector<16xf32>, vector<16xi32> -> vector<16xf32>
          %parallel_loop3A_300 = vector.shape_cast %max3A_130 : vector<16xi32> to vector<16x1xi32>
          %parallel_loop3A_301 = vector.shape_cast %parallel_loop3A_300 : vector<16x1xi32> to vector<16xi32>
          %parallel_loop3A_302 = tpu.dynamic_gather %parallel_loop3A_264[%parallel_loop3A_301] in [0] : vector<16xf32>, vector<16xi32> -> vector<16xf32>
          %parallel_loop3A_303 = arith.select %lt3A_133, %parallel_loop3A_299, %parallel_loop3A_302 : vector<16xi1>, vector<16xf32>
          %parallel_loop3A_304 = vector.shape_cast %sub3A_139 : vector<16xi32> to vector<16x1xi32>
          %parallel_loop3A_305 = vector.shape_cast %parallel_loop3A_304 : vector<16x1xi32> to vector<16xi32>
          %parallel_loop3A_306 = tpu.dynamic_gather %parallel_loop3A_264[%parallel_loop3A_305] in [0] : vector<16xf32>, vector<16xi32> -> vector<16xf32>
          %parallel_loop3A_307 = arith.addf %parallel_loop3A_303, %parallel_loop3A_306 : vector<16xf32>
          %parallel_loop3A_308 = arith.constant 0 : i32
          %parallel_loop3A_309 = arith.index_cast %parallel_loop3A_308 : i32 to index
          %parallel_loop3A_310 = arith.index_cast %parallel_loop3A_250 : i32 to index
          %parallel_loop3A_311 = arith.constant 32 : index
          %parallel_loop3A_312 = tpu.vector_load %run_scoped3A[%parallel_loop3A_309, %parallel_loop3A_310, %parallel_loop3A_311] {strides = array<i32>} : memref<8x12x64xf32, #tpu.memory_space<vmem>>, vector<16xf32>,
          tpu.vector_store %run_scoped3A[%parallel_loop3A_309, %parallel_loop3A_310, %parallel_loop3A_311], %parallel_loop3A_307 {strides = array<i32>} : memref<8x12x64xf32, #tpu.memory_space<vmem>>, vector<16xf32>,
          %parallel_loop3A_313 = vector.shape_cast %get3A_143 : vector<16xi32> to vector<16x1xi32>
          %parallel_loop3A_314 = vector.shape_cast %parallel_loop3A_313 : vector<16x1xi32> to vector<16xi32>
          %parallel_loop3A_315 = tpu.dynamic_gather %parallel_loop3A_260[%parallel_loop3A_314] in [0] : vector<16xf32>, vector<16xi32> -> vector<16xf32>
          %parallel_loop3A_316 = vector.shape_cast %max3A_153 : vector<16xi32> to vector<16x1xi32>
          %parallel_loop3A_317 = vector.shape_cast %parallel_loop3A_316 : vector<16x1xi32> to vector<16xi32>
          %parallel_loop3A_318 = tpu.dynamic_gather %parallel_loop3A_264[%parallel_loop3A_317] in [0] : vector<16xf32>, vector<16xi32> -> vector<16xf32>
          %parallel_loop3A_319 = arith.select %lt3A_156, %parallel_loop3A_315, %parallel_loop3A_318 : vector<16xi1>, vector<16xf32>
          %parallel_loop3A_320 = vector.shape_cast %sub3A_162 : vector<16xi32> to vector<16x1xi32>
          %parallel_loop3A_321 = vector.shape_cast %parallel_loop3A_320 : vector<16x1xi32> to vector<16xi32>
          %parallel_loop3A_322 = tpu.dynamic_gather %parallel_loop3A_264[%parallel_loop3A_321] in [0] : vector<16xf32>, vector<16xi32> -> vector<16xf32>
          %parallel_loop3A_323 = arith.addf %parallel_loop3A_319, %parallel_loop3A_322 : vector<16xf32>
          %parallel_loop3A_324 = arith.constant 0 : i32
          %parallel_loop3A_325 = arith.index_cast %parallel_loop3A_324 : i32 to index
          %parallel_loop3A_326 = arith.index_cast %parallel_loop3A_250 : i32 to index
          %parallel_loop3A_327 = arith.constant 48 : index
          %parallel_loop3A_328 = tpu.vector_load %run_scoped3A[%parallel_loop3A_325, %parallel_loop3A_326, %parallel_loop3A_327] {strides = array<i32>} : memref<8x12x64xf32, #tpu.memory_space<vmem>>, vector<16xf32>,
          tpu.vector_store %run_scoped3A[%parallel_loop3A_325, %parallel_loop3A_326, %parallel_loop3A_327], %parallel_loop3A_323 {strides = array<i32>} : memref<8x12x64xf32, #tpu.memory_space<vmem>>, vector<16xf32>,
          %parallel_loop3A_329 = arith.constant 1 : i32
          %parallel_loop3A_330 = arith.addi %mul3A_216, %parallel_loop3A_329 : i32
          %parallel_loop3A_331 = arith.constant 12 : i32
          %parallel_loop3A_332 = arith.muli %parallel_loop3A_330, %parallel_loop3A_331 : i32
          %parallel_loop3A_333 = arith.addi %parallel_loop3A_332, %parallel_loop3A_250 : i32
          %parallel_loop3A_334 = arith.constant 48 : i32
          %parallel_loop3A_335 = arith.muli %parallel_loop3A_333, %parallel_loop3A_334 : i32
          %parallel_loop3A_336 = arith.addi %parallel_loop3A_335, %sub3A_69 : i32
          %parallel_loop3A_337 = arith.index_cast %parallel_loop3A_336 : i32 to index
          %parallel_loop3A_338 = tpu.vector_load %arg8[%parallel_loop3A_337] {strides = array<i32>} : memref<98304xf32, #tpu.memory_space<vmem>>, vector<16xf32>,
          %parallel_loop3A_339 = arith.constant 16 : i32
          %parallel_loop3A_340 = arith.addi %parallel_loop3A_336, %parallel_loop3A_339 : i32
          %parallel_loop3A_341 = arith.index_cast %parallel_loop3A_340 : i32 to index
          %parallel_loop3A_342 = tpu.vector_load %arg8[%parallel_loop3A_341] {strides = array<i32>} : memref<98304xf32, #tpu.memory_space<vmem>>, vector<16xf32>,
          %parallel_loop3A_343 = vector.shape_cast %get3A_75 : vector<16xi32> to vector<16x1xi32>
          %parallel_loop3A_344 = vector.shape_cast %parallel_loop3A_343 : vector<16x1xi32> to vector<16xi32>
          %parallel_loop3A_345 = tpu.dynamic_gather %parallel_loop3A_338[%parallel_loop3A_344] in [0] : vector<16xf32>, vector<16xi32> -> vector<16xf32>
          %parallel_loop3A_346 = vector.shape_cast %max3A_84 : vector<16xi32> to vector<16x1xi32>
          %parallel_loop3A_347 = vector.shape_cast %parallel_loop3A_346 : vector<16x1xi32> to vector<16xi32>
          %parallel_loop3A_348 = tpu.dynamic_gather %parallel_loop3A_342[%parallel_loop3A_347] in [0] : vector<16xf32>, vector<16xi32> -> vector<16xf32>
          %parallel_loop3A_349 = arith.select %lt3A_87, %parallel_loop3A_345, %parallel_loop3A_348 : vector<16xi1>, vector<16xf32>
          %parallel_loop3A_350 = vector.shape_cast %sub3A_93 : vector<16xi32> to vector<16x1xi32>
          %parallel_loop3A_351 = vector.shape_cast %parallel_loop3A_350 : vector<16x1xi32> to vector<16xi32>
          %parallel_loop3A_352 = tpu.dynamic_gather %parallel_loop3A_342[%parallel_loop3A_351] in [0] : vector<16xf32>, vector<16xi32> -> vector<16xf32>
          %parallel_loop3A_353 = arith.addf %parallel_loop3A_349, %parallel_loop3A_352 : vector<16xf32>
          %parallel_loop3A_354 = arith.constant 1 : i32
          %parallel_loop3A_355 = arith.index_cast %parallel_loop3A_354 : i32 to index
          %parallel_loop3A_356 = arith.index_cast %parallel_loop3A_250 : i32 to index
          %parallel_loop3A_357 = arith.constant 0 : index
          %parallel_loop3A_358 = tpu.vector_load %run_scoped3A[%parallel_loop3A_355, %parallel_loop3A_356, %parallel_loop3A_357] {strides = array<i32>} : memref<8x12x64xf32, #tpu.memory_space<vmem>>, vector<16xf32>,
          tpu.vector_store %run_scoped3A[%parallel_loop3A_355, %parallel_loop3A_356, %parallel_loop3A_357], %parallel_loop3A_353 {strides = array<i32>} : memref<8x12x64xf32, #tpu.memory_space<vmem>>, vector<16xf32>,
          %parallel_loop3A_359 = vector.shape_cast %get3A_97 : vector<16xi32> to vector<16x1xi32>
          %parallel_loop3A_360 = vector.shape_cast %parallel_loop3A_359 : vector<16x1xi32> to vector<16xi32>
          %parallel_loop3A_361 = tpu.dynamic_gather %parallel_loop3A_338[%parallel_loop3A_360] in [0] : vector<16xf32>, vector<16xi32> -> vector<16xf32>
          %parallel_loop3A_362 = vector.shape_cast %max3A_107 : vector<16xi32> to vector<16x1xi32>
          %parallel_loop3A_363 = vector.shape_cast %parallel_loop3A_362 : vector<16x1xi32> to vector<16xi32>
          %parallel_loop3A_364 = tpu.dynamic_gather %parallel_loop3A_342[%parallel_loop3A_363] in [0] : vector<16xf32>, vector<16xi32> -> vector<16xf32>
          %parallel_loop3A_365 = arith.select %lt3A_110, %parallel_loop3A_361, %parallel_loop3A_364 : vector<16xi1>, vector<16xf32>
          %parallel_loop3A_366 = vector.shape_cast %sub3A_116 : vector<16xi32> to vector<16x1xi32>
          %parallel_loop3A_367 = vector.shape_cast %parallel_loop3A_366 : vector<16x1xi32> to vector<16xi32>
          %parallel_loop3A_368 = tpu.dynamic_gather %parallel_loop3A_342[%parallel_loop3A_367] in [0] : vector<16xf32>, vector<16xi32> -> vector<16xf32>
          %parallel_loop3A_369 = arith.addf %parallel_loop3A_365, %parallel_loop3A_368 : vector<16xf32>
          %parallel_loop3A_370 = arith.constant 1 : i32
          %parallel_loop3A_371 = arith.index_cast %parallel_loop3A_370 : i32 to index
          %parallel_loop3A_372 = arith.index_cast %parallel_loop3A_250 : i32 to index
          %parallel_loop3A_373 = arith.constant 16 : index
          %parallel_loop3A_374 = tpu.vector_load %run_scoped3A[%parallel_loop3A_371, %parallel_loop3A_372, %parallel_loop3A_373] {strides = array<i32>} : memref<8x12x64xf32, #tpu.memory_space<vmem>>, vector<16xf32>,
          tpu.vector_store %run_scoped3A[%parallel_loop3A_371, %parallel_loop3A_372, %parallel_loop3A_373], %parallel_loop3A_369 {strides = array<i32>} : memref<8x12x64xf32, #tpu.memory_space<vmem>>, vector<16xf32>,
          %parallel_loop3A_375 = vector.shape_cast %get3A_120 : vector<16xi32> to vector<16x1xi32>
          %parallel_loop3A_376 = vector.shape_cast %parallel_loop3A_375 : vector<16x1xi32> to vector<16xi32>
          %parallel_loop3A_377 = tpu.dynamic_gather %parallel_loop3A_338[%parallel_loop3A_376] in [0] : vector<16xf32>, vector<16xi32> -> vector<16xf32>
          %parallel_loop3A_378 = vector.shape_cast %max3A_130 : vector<16xi32> to vector<16x1xi32>
          %parallel_loop3A_379 = vector.shape_cast %parallel_loop3A_378 : vector<16x1xi32> to vector<16xi32>
          %parallel_loop3A_380 = tpu.dynamic_gather %parallel_loop3A_342[%parallel_loop3A_379] in [0] : vector<16xf32>, vector<16xi32> -> vector<16xf32>
          %parallel_loop3A_381 = arith.select %lt3A_133, %parallel_loop3A_377, %parallel_loop3A_380 : vector<16xi1>, vector<16xf32>
          %parallel_loop3A_382 = vector.shape_cast %sub3A_139 : vector<16xi32> to vector<16x1xi32>
          %parallel_loop3A_383 = vector.shape_cast %parallel_loop3A_382 : vector<16x1xi32> to vector<16xi32>
          %parallel_loop3A_384 = tpu.dynamic_gather %parallel_loop3A_342[%parallel_loop3A_383] in [0] : vector<16xf32>, vector<16xi32> -> vector<16xf32>
          %parallel_loop3A_385 = arith.addf %parallel_loop3A_381, %parallel_loop3A_384 : vector<16xf32>
          %parallel_loop3A_386 = arith.constant 1 : i32
          %parallel_loop3A_387 = arith.index_cast %parallel_loop3A_386 : i32 to index
          %parallel_loop3A_388 = arith.index_cast %parallel_loop3A_250 : i32 to index
          %parallel_loop3A_389 = arith.constant 32 : index
          %parallel_loop3A_390 = tpu.vector_load %run_scoped3A[%parallel_loop3A_387, %parallel_loop3A_388, %parallel_loop3A_389] {strides = array<i32>} : memref<8x12x64xf32, #tpu.memory_space<vmem>>, vector<16xf32>,
          tpu.vector_store %run_scoped3A[%parallel_loop3A_387, %parallel_loop3A_388, %parallel_loop3A_389], %parallel_loop3A_385 {strides = array<i32>} : memref<8x12x64xf32, #tpu.memory_space<vmem>>, vector<16xf32>,
          %parallel_loop3A_391 = vector.shape_cast %get3A_143 : vector<16xi32> to vector<16x1xi32>
          %parallel_loop3A_392 = vector.shape_cast %parallel_loop3A_391 : vector<16x1xi32> to vector<16xi32>
          %parallel_loop3A_393 = tpu.dynamic_gather %parallel_loop3A_338[%parallel_loop3A_392] in [0] : vector<16xf32>, vector<16xi32> -> vector<16xf32>
          %parallel_loop3A_394 = vector.shape_cast %max3A_153 : vector<16xi32> to vector<16x1xi32>
          %parallel_loop3A_395 = vector.shape_cast %parallel_loop3A_394 : vector<16x1xi32> to vector<16xi32>
          %parallel_loop3A_396 = tpu.dynamic_gather %parallel_loop3A_342[%parallel_loop3A_395] in [0] : vector<16xf32>, vector<16xi32> -> vector<16xf32>
          %parallel_loop3A_397 = arith.select %lt3A_156, %parallel_loop3A_393, %parallel_loop3A_396 : vector<16xi1>, vector<16xf32>
          %parallel_loop3A_398 = vector.shape_cast %sub3A_162 : vector<16xi32> to vector<16x1xi32>
          %parallel_loop3A_399 = vector.shape_cast %parallel_loop3A_398 : vector<16x1xi32> to vector<16xi32>
          %parallel_loop3A_400 = tpu.dynamic_gather %parallel_loop3A_342[%parallel_loop3A_399] in [0] : vector<16xf32>, vector<16xi32> -> vector<16xf32>
          %parallel_loop3A_401 = arith.addf %parallel_loop3A_397, %parallel_loop3A_400 : vector<16xf32>
          %parallel_loop3A_402 = arith.constant 1 : i32
          %parallel_loop3A_403 = arith.index_cast %parallel_loop3A_402 : i32 to index
          %parallel_loop3A_404 = arith.index_cast %parallel_loop3A_250 : i32 to index
          %parallel_loop3A_405 = arith.constant 48 : index
          %parallel_loop3A_406 = tpu.vector_load %run_scoped3A[%parallel_loop3A_403, %parallel_loop3A_404, %parallel_loop3A_405] {strides = array<i32>} : memref<8x12x64xf32, #tpu.memory_space<vmem>>, vector<16xf32>,
          tpu.vector_store %run_scoped3A[%parallel_loop3A_403, %parallel_loop3A_404, %parallel_loop3A_405], %parallel_loop3A_401 {strides = array<i32>} : memref<8x12x64xf32, #tpu.memory_space<vmem>>, vector<16xf32>,
          %parallel_loop3A_407 = arith.constant 2 : i32
          %parallel_loop3A_408 = arith.addi %mul3A_216, %parallel_loop3A_407 : i32
          %parallel_loop3A_409 = arith.constant 12 : i32
          %parallel_loop3A_410 = arith.muli %parallel_loop3A_408, %parallel_loop3A_409 : i32
          %parallel_loop3A_411 = arith.addi %parallel_loop3A_410, %parallel_loop3A_250 : i32
          %parallel_loop3A_412 = arith.constant 48 : i32
          %parallel_loop3A_413 = arith.muli %parallel_loop3A_411, %parallel_loop3A_412 : i32
          %parallel_loop3A_414 = arith.addi %parallel_loop3A_413, %sub3A_69 : i32
          %parallel_loop3A_415 = arith.index_cast %parallel_loop3A_414 : i32 to index
          %parallel_loop3A_416 = tpu.vector_load %arg8[%parallel_loop3A_415] {strides = array<i32>} : memref<98304xf32, #tpu.memory_space<vmem>>, vector<16xf32>,
          %parallel_loop3A_417 = arith.constant 16 : i32
          %parallel_loop3A_418 = arith.addi %parallel_loop3A_414, %parallel_loop3A_417 : i32
          %parallel_loop3A_419 = arith.index_cast %parallel_loop3A_418 : i32 to index
          %parallel_loop3A_420 = tpu.vector_load %arg8[%parallel_loop3A_419] {strides = array<i32>} : memref<98304xf32, #tpu.memory_space<vmem>>, vector<16xf32>,
          %parallel_loop3A_421 = vector.shape_cast %get3A_75 : vector<16xi32> to vector<16x1xi32>
          %parallel_loop3A_422 = vector.shape_cast %parallel_loop3A_421 : vector<16x1xi32> to vector<16xi32>
          %parallel_loop3A_423 = tpu.dynamic_gather %parallel_loop3A_416[%parallel_loop3A_422] in [0] : vector<16xf32>, vector<16xi32> -> vector<16xf32>
          %parallel_loop3A_424 = vector.shape_cast %max3A_84 : vector<16xi32> to vector<16x1xi32>
          %parallel_loop3A_425 = vector.shape_cast %parallel_loop3A_424 : vector<16x1xi32> to vector<16xi32>
          %parallel_loop3A_426 = tpu.dynamic_gather %parallel_loop3A_420[%parallel_loop3A_425] in [0] : vector<16xf32>, vector<16xi32> -> vector<16xf32>
          %parallel_loop3A_427 = arith.select %lt3A_87, %parallel_loop3A_423, %parallel_loop3A_426 : vector<16xi1>, vector<16xf32>
          %parallel_loop3A_428 = vector.shape_cast %sub3A_93 : vector<16xi32> to vector<16x1xi32>
          %parallel_loop3A_429 = vector.shape_cast %parallel_loop3A_428 : vector<16x1xi32> to vector<16xi32>
          %parallel_loop3A_430 = tpu.dynamic_gather %parallel_loop3A_420[%parallel_loop3A_429] in [0] : vector<16xf32>, vector<16xi32> -> vector<16xf32>
          %parallel_loop3A_431 = arith.addf %parallel_loop3A_427, %parallel_loop3A_430 : vector<16xf32>
          %parallel_loop3A_432 = arith.constant 2 : i32
          %parallel_loop3A_433 = arith.index_cast %parallel_loop3A_432 : i32 to index
          %parallel_loop3A_434 = arith.index_cast %parallel_loop3A_250 : i32 to index
          %parallel_loop3A_435 = arith.constant 0 : index
          %parallel_loop3A_436 = tpu.vector_load %run_scoped3A[%parallel_loop3A_433, %parallel_loop3A_434, %parallel_loop3A_435] {strides = array<i32>} : memref<8x12x64xf32, #tpu.memory_space<vmem>>, vector<16xf32>,
          tpu.vector_store %run_scoped3A[%parallel_loop3A_433, %parallel_loop3A_434, %parallel_loop3A_435], %parallel_loop3A_431 {strides = array<i32>} : memref<8x12x64xf32, #tpu.memory_space<vmem>>, vector<16xf32>,
          %parallel_loop3A_437 = vector.shape_cast %get3A_97 : vector<16xi32> to vector<16x1xi32>
          %parallel_loop3A_438 = vector.shape_cast %parallel_loop3A_437 : vector<16x1xi32> to vector<16xi32>
          %parallel_loop3A_439 = tpu.dynamic_gather %parallel_loop3A_416[%parallel_loop3A_438] in [0] : vector<16xf32>, vector<16xi32> -> vector<16xf32>
          %parallel_loop3A_440 = vector.shape_cast %max3A_107 : vector<16xi32> to vector<16x1xi32>
          %parallel_loop3A_441 = vector.shape_cast %parallel_loop3A_440 : vector<16x1xi32> to vector<16xi32>
          %parallel_loop3A_442 = tpu.dynamic_gather %parallel_loop3A_420[%parallel_loop3A_441] in [0] : vector<16xf32>, vector<16xi32> -> vector<16xf32>
          %parallel_loop3A_443 = arith.select %lt3A_110, %parallel_loop3A_439, %parallel_loop3A_442 : vector<16xi1>, vector<16xf32>
          %parallel_loop3A_444 = vector.shape_cast %sub3A_116 : vector<16xi32> to vector<16x1xi32>
          %parallel_loop3A_445 = vector.shape_cast %parallel_loop3A_444 : vector<16x1xi32> to vector<16xi32>
          %parallel_loop3A_446 = tpu.dynamic_gather %parallel_loop3A_420[%parallel_loop3A_445] in [0] : vector<16xf32>, vector<16xi32> -> vector<16xf32>
          %parallel_loop3A_447 = arith.addf %parallel_loop3A_443, %parallel_loop3A_446 : vector<16xf32>
          %parallel_loop3A_448 = arith.constant 2 : i32
          %parallel_loop3A_449 = arith.index_cast %parallel_loop3A_448 : i32 to index
          %parallel_loop3A_450 = arith.index_cast %parallel_loop3A_250 : i32 to index
          %parallel_loop3A_451 = arith.constant 16 : index
          %parallel_loop3A_452 = tpu.vector_load %run_scoped3A[%parallel_loop3A_449, %parallel_loop3A_450, %parallel_loop3A_451] {strides = array<i32>} : memref<8x12x64xf32, #tpu.memory_space<vmem>>, vector<16xf32>,
          tpu.vector_store %run_scoped3A[%parallel_loop3A_449, %parallel_loop3A_450, %parallel_loop3A_451], %parallel_loop3A_447 {strides = array<i32>} : memref<8x12x64xf32, #tpu.memory_space<vmem>>, vector<16xf32>,
          %parallel_loop3A_453 = vector.shape_cast %get3A_120 : vector<16xi32> to vector<16x1xi32>
          %parallel_loop3A_454 = vector.shape_cast %parallel_loop3A_453 : vector<16x1xi32> to vector<16xi32>
          %parallel_loop3A_455 = tpu.dynamic_gather %parallel_loop3A_416[%parallel_loop3A_454] in [0] : vector<16xf32>, vector<16xi32> -> vector<16xf32>
          %parallel_loop3A_456 = vector.shape_cast %max3A_130 : vector<16xi32> to vector<16x1xi32>
          %parallel_loop3A_457 = vector.shape_cast %parallel_loop3A_456 : vector<16x1xi32> to vector<16xi32>
          %parallel_loop3A_458 = tpu.dynamic_gather %parallel_loop3A_420[%parallel_loop3A_457] in [0] : vector<16xf32>, vector<16xi32> -> vector<16xf32>
          %parallel_loop3A_459 = arith.select %lt3A_133, %parallel_loop3A_455, %parallel_loop3A_458 : vector<16xi1>, vector<16xf32>
          %parallel_loop3A_460 = vector.shape_cast %sub3A_139 : vector<16xi32> to vector<16x1xi32>
          %parallel_loop3A_461 = vector.shape_cast %parallel_loop3A_460 : vector<16x1xi32> to vector<16xi32>
          %parallel_loop3A_462 = tpu.dynamic_gather %parallel_loop3A_420[%parallel_loop3A_461] in [0] : vector<16xf32>, vector<16xi32> -> vector<16xf32>
          %parallel_loop3A_463 = arith.addf %parallel_loop3A_459, %parallel_loop3A_462 : vector<16xf32>
          %parallel_loop3A_464 = arith.constant 2 : i32
          %parallel_loop3A_465 = arith.index_cast %parallel_loop3A_464 : i32 to index
          %parallel_loop3A_466 = arith.index_cast %parallel_loop3A_250 : i32 to index
          %parallel_loop3A_467 = arith.constant 32 : index
          %parallel_loop3A_468 = tpu.vector_load %run_scoped3A[%parallel_loop3A_465, %parallel_loop3A_466, %parallel_loop3A_467] {strides = array<i32>} : memref<8x12x64xf32, #tpu.memory_space<vmem>>, vector<16xf32>,
          tpu.vector_store %run_scoped3A[%parallel_loop3A_465, %parallel_loop3A_466, %parallel_loop3A_467], %parallel_loop3A_463 {strides = array<i32>} : memref<8x12x64xf32, #tpu.memory_space<vmem>>, vector<16xf32>,
          %parallel_loop3A_469 = vector.shape_cast %get3A_143 : vector<16xi32> to vector<16x1xi32>
          %parallel_loop3A_470 = vector.shape_cast %parallel_loop3A_469 : vector<16x1xi32> to vector<16xi32>
          %parallel_loop3A_471 = tpu.dynamic_gather %parallel_loop3A_416[%parallel_loop3A_470] in [0] : vector<16xf32>, vector<16xi32> -> vector<16xf32>
          %parallel_loop3A_472 = vector.shape_cast %max3A_153 : vector<16xi32> to vector<16x1xi32>
          %parallel_loop3A_473 = vector.shape_cast %parallel_loop3A_472 : vector<16x1xi32> to vector<16xi32>
          %parallel_loop3A_474 = tpu.dynamic_gather %parallel_loop3A_420[%parallel_loop3A_473] in [0] : vector<16xf32>, vector<16xi32> -> vector<16xf32>
          %parallel_loop3A_475 = arith.select %lt3A_156, %parallel_loop3A_471, %parallel_loop3A_474 : vector<16xi1>, vector<16xf32>
          %parallel_loop3A_476 = vector.shape_cast %sub3A_162 : vector<16xi32> to vector<16x1xi32>
          %parallel_loop3A_477 = vector.shape_cast %parallel_loop3A_476 : vector<16x1xi32> to vector<16xi32>
          %parallel_loop3A_478 = tpu.dynamic_gather %parallel_loop3A_420[%parallel_loop3A_477] in [0] : vector<16xf32>, vector<16xi32> -> vector<16xf32>
          %parallel_loop3A_479 = arith.addf %parallel_loop3A_475, %parallel_loop3A_478 : vector<16xf32>
          %parallel_loop3A_480 = arith.constant 2 : i32
          %parallel_loop3A_481 = arith.index_cast %parallel_loop3A_480 : i32 to index
          %parallel_loop3A_482 = arith.index_cast %parallel_loop3A_250 : i32 to index
          %parallel_loop3A_483 = arith.constant 48 : index
          %parallel_loop3A_484 = tpu.vector_load %run_scoped3A[%parallel_loop3A_481, %parallel_loop3A_482, %parallel_loop3A_483] {strides = array<i32>} : memref<8x12x64xf32, #tpu.memory_space<vmem>>, vector<16xf32>,
          tpu.vector_store %run_scoped3A[%parallel_loop3A_481, %parallel_loop3A_482, %parallel_loop3A_483], %parallel_loop3A_479 {strides = array<i32>} : memref<8x12x64xf32, #tpu.memory_space<vmem>>, vector<16xf32>,
          %parallel_loop3A_485 = arith.constant 3 : i32
          %parallel_loop3A_486 = arith.addi %mul3A_216, %parallel_loop3A_485 : i32
          %parallel_loop3A_487 = arith.constant 12 : i32
          %parallel_loop3A_488 = arith.muli %parallel_loop3A_486, %parallel_loop3A_487 : i32
          %parallel_loop3A_489 = arith.addi %parallel_loop3A_488, %parallel_loop3A_250 : i32
          %parallel_loop3A_490 = arith.constant 48 : i32
          %parallel_loop3A_491 = arith.muli %parallel_loop3A_489, %parallel_loop3A_490 : i32
          %parallel_loop3A_492 = arith.addi %parallel_loop3A_491, %sub3A_69 : i32
          %parallel_loop3A_493 = arith.index_cast %parallel_loop3A_492 : i32 to index
          %parallel_loop3A_494 = tpu.vector_load %arg8[%parallel_loop3A_493] {strides = array<i32>} : memref<98304xf32, #tpu.memory_space<vmem>>, vector<16xf32>,
          %parallel_loop3A_495 = arith.constant 16 : i32
          %parallel_loop3A_496 = arith.addi %parallel_loop3A_492, %parallel_loop3A_495 : i32
          %parallel_loop3A_497 = arith.index_cast %parallel_loop3A_496 : i32 to index
          %parallel_loop3A_498 = tpu.vector_load %arg8[%parallel_loop3A_497] {strides = array<i32>} : memref<98304xf32, #tpu.memory_space<vmem>>, vector<16xf32>,
          %parallel_loop3A_499 = vector.shape_cast %get3A_75 : vector<16xi32> to vector<16x1xi32>
          %parallel_loop3A_500 = vector.shape_cast %parallel_loop3A_499 : vector<16x1xi32> to vector<16xi32>
          %parallel_loop3A_501 = tpu.dynamic_gather %parallel_loop3A_494[%parallel_loop3A_500] in [0] : vector<16xf32>, vector<16xi32> -> vector<16xf32>
          %parallel_loop3A_502 = vector.shape_cast %max3A_84 : vector<16xi32> to vector<16x1xi32>
          %parallel_loop3A_503 = vector.shape_cast %parallel_loop3A_502 : vector<16x1xi32> to vector<16xi32>
          %parallel_loop3A_504 = tpu.dynamic_gather %parallel_loop3A_498[%parallel_loop3A_503] in [0] : vector<16xf32>, vector<16xi32> -> vector<16xf32>
          %parallel_loop3A_505 = arith.select %lt3A_87, %parallel_loop3A_501, %parallel_loop3A_504 : vector<16xi1>, vector<16xf32>
          %parallel_loop3A_506 = vector.shape_cast %sub3A_93 : vector<16xi32> to vector<16x1xi32>
          %parallel_loop3A_507 = vector.shape_cast %parallel_loop3A_506 : vector<16x1xi32> to vector<16xi32>
          %parallel_loop3A_508 = tpu.dynamic_gather %parallel_loop3A_498[%parallel_loop3A_507] in [0] : vector<16xf32>, vector<16xi32> -> vector<16xf32>
          %parallel_loop3A_509 = arith.addf %parallel_loop3A_505, %parallel_loop3A_508 : vector<16xf32>
          %parallel_loop3A_510 = arith.constant 3 : i32
          %parallel_loop3A_511 = arith.index_cast %parallel_loop3A_510 : i32 to index
          %parallel_loop3A_512 = arith.index_cast %parallel_loop3A_250 : i32 to index
          %parallel_loop3A_513 = arith.constant 0 : index
          %parallel_loop3A_514 = tpu.vector_load %run_scoped3A[%parallel_loop3A_511, %parallel_loop3A_512, %parallel_loop3A_513] {strides = array<i32>} : memref<8x12x64xf32, #tpu.memory_space<vmem>>, vector<16xf32>,
          tpu.vector_store %run_scoped3A[%parallel_loop3A_511, %parallel_loop3A_512, %parallel_loop3A_513], %parallel_loop3A_509 {strides = array<i32>} : memref<8x12x64xf32, #tpu.memory_space<vmem>>, vector<16xf32>,
          %parallel_loop3A_515 = vector.shape_cast %get3A_97 : vector<16xi32> to vector<16x1xi32>
          %parallel_loop3A_516 = vector.shape_cast %parallel_loop3A_515 : vector<16x1xi32> to vector<16xi32>
          %parallel_loop3A_517 = tpu.dynamic_gather %parallel_loop3A_494[%parallel_loop3A_516] in [0] : vector<16xf32>, vector<16xi32> -> vector<16xf32>
          %parallel_loop3A_518 = vector.shape_cast %max3A_107 : vector<16xi32> to vector<16x1xi32>
          %parallel_loop3A_519 = vector.shape_cast %parallel_loop3A_518 : vector<16x1xi32> to vector<16xi32>
          %parallel_loop3A_520 = tpu.dynamic_gather %parallel_loop3A_498[%parallel_loop3A_519] in [0] : vector<16xf32>, vector<16xi32> -> vector<16xf32>
          %parallel_loop3A_521 = arith.select %lt3A_110, %parallel_loop3A_517, %parallel_loop3A_520 : vector<16xi1>, vector<16xf32>
          %parallel_loop3A_522 = vector.shape_cast %sub3A_116 : vector<16xi32> to vector<16x1xi32>
          %parallel_loop3A_523 = vector.shape_cast %parallel_loop3A_522 : vector<16x1xi32> to vector<16xi32>
          %parallel_loop3A_524 = tpu.dynamic_gather %parallel_loop3A_498[%parallel_loop3A_523] in [0] : vector<16xf32>, vector<16xi32> -> vector<16xf32>
          %parallel_loop3A_525 = arith.addf %parallel_loop3A_521, %parallel_loop3A_524 : vector<16xf32>
          %parallel_loop3A_526 = arith.constant 3 : i32
          %parallel_loop3A_527 = arith.index_cast %parallel_loop3A_526 : i32 to index
          %parallel_loop3A_528 = arith.index_cast %parallel_loop3A_250 : i32 to index
          %parallel_loop3A_529 = arith.constant 16 : index
          %parallel_loop3A_530 = tpu.vector_load %run_scoped3A[%parallel_loop3A_527, %parallel_loop3A_528, %parallel_loop3A_529] {strides = array<i32>} : memref<8x12x64xf32, #tpu.memory_space<vmem>>, vector<16xf32>,
          tpu.vector_store %run_scoped3A[%parallel_loop3A_527, %parallel_loop3A_528, %parallel_loop3A_529], %parallel_loop3A_525 {strides = array<i32>} : memref<8x12x64xf32, #tpu.memory_space<vmem>>, vector<16xf32>,
          %parallel_loop3A_531 = vector.shape_cast %get3A_120 : vector<16xi32> to vector<16x1xi32>
          %parallel_loop3A_532 = vector.shape_cast %parallel_loop3A_531 : vector<16x1xi32> to vector<16xi32>
          %parallel_loop3A_533 = tpu.dynamic_gather %parallel_loop3A_494[%parallel_loop3A_532] in [0] : vector<16xf32>, vector<16xi32> -> vector<16xf32>
          %parallel_loop3A_534 = vector.shape_cast %max3A_130 : vector<16xi32> to vector<16x1xi32>
          %parallel_loop3A_535 = vector.shape_cast %parallel_loop3A_534 : vector<16x1xi32> to vector<16xi32>
          %parallel_loop3A_536 = tpu.dynamic_gather %parallel_loop3A_498[%parallel_loop3A_535] in [0] : vector<16xf32>, vector<16xi32> -> vector<16xf32>
          %parallel_loop3A_537 = arith.select %lt3A_133, %parallel_loop3A_533, %parallel_loop3A_536 : vector<16xi1>, vector<16xf32>
          %parallel_loop3A_538 = vector.shape_cast %sub3A_139 : vector<16xi32> to vector<16x1xi32>
          %parallel_loop3A_539 = vector.shape_cast %parallel_loop3A_538 : vector<16x1xi32> to vector<16xi32>
          %parallel_loop3A_540 = tpu.dynamic_gather %parallel_loop3A_498[%parallel_loop3A_539] in [0] : vector<16xf32>, vector<16xi32> -> vector<16xf32>
          %parallel_loop3A_541 = arith.addf %parallel_loop3A_537, %parallel_loop3A_540 : vector<16xf32>
          %parallel_loop3A_542 = arith.constant 3 : i32
          %parallel_loop3A_543 = arith.index_cast %parallel_loop3A_542 : i32 to index
          %parallel_loop3A_544 = arith.index_cast %parallel_loop3A_250 : i32 to index
          %parallel_loop3A_545 = arith.constant 32 : index
          %parallel_loop3A_546 = tpu.vector_load %run_scoped3A[%parallel_loop3A_543, %parallel_loop3A_544, %parallel_loop3A_545] {strides = array<i32>} : memref<8x12x64xf32, #tpu.memory_space<vmem>>, vector<16xf32>,
          tpu.vector_store %run_scoped3A[%parallel_loop3A_543, %parallel_loop3A_544, %parallel_loop3A_545], %parallel_loop3A_541 {strides = array<i32>} : memref<8x12x64xf32, #tpu.memory_space<vmem>>, vector<16xf32>,
          %parallel_loop3A_547 = vector.shape_cast %get3A_143 : vector<16xi32> to vector<16x1xi32>
          %parallel_loop3A_548 = vector.shape_cast %parallel_loop3A_547 : vector<16x1xi32> to vector<16xi32>
          %parallel_loop3A_549 = tpu.dynamic_gather %parallel_loop3A_494[%parallel_loop3A_548] in [0] : vector<16xf32>, vector<16xi32> -> vector<16xf32>
          %parallel_loop3A_550 = vector.shape_cast %max3A_153 : vector<16xi32> to vector<16x1xi32>
          %parallel_loop3A_551 = vector.shape_cast %parallel_loop3A_550 : vector<16x1xi32> to vector<16xi32>
          %parallel_loop3A_552 = tpu.dynamic_gather %parallel_loop3A_498[%parallel_loop3A_551] in [0] : vector<16xf32>, vector<16xi32> -> vector<16xf32>
          %parallel_loop3A_553 = arith.select %lt3A_156, %parallel_loop3A_549, %parallel_loop3A_552 : vector<16xi1>, vector<16xf32>
          %parallel_loop3A_554 = vector.shape_cast %sub3A_162 : vector<16xi32> to vector<16x1xi32>
          %parallel_loop3A_555 = vector.shape_cast %parallel_loop3A_554 : vector<16x1xi32> to vector<16xi32>
          %parallel_loop3A_556 = tpu.dynamic_gather %parallel_loop3A_498[%parallel_loop3A_555] in [0] : vector<16xf32>, vector<16xi32> -> vector<16xf32>
          %parallel_loop3A_557 = arith.addf %parallel_loop3A_553, %parallel_loop3A_556 : vector<16xf32>
          %parallel_loop3A_558 = arith.constant 3 : i32
          %parallel_loop3A_559 = arith.index_cast %parallel_loop3A_558 : i32 to index
          %parallel_loop3A_560 = arith.index_cast %parallel_loop3A_250 : i32 to index
          %parallel_loop3A_561 = arith.constant 48 : index
          %parallel_loop3A_562 = tpu.vector_load %run_scoped3A[%parallel_loop3A_559, %parallel_loop3A_560, %parallel_loop3A_561] {strides = array<i32>} : memref<8x12x64xf32, #tpu.memory_space<vmem>>, vector<16xf32>,
          tpu.vector_store %run_scoped3A[%parallel_loop3A_559, %parallel_loop3A_560, %parallel_loop3A_561], %parallel_loop3A_557 {strides = array<i32>} : memref<8x12x64xf32, #tpu.memory_space<vmem>>, vector<16xf32>,
          %parallel_loop3A_563 = arith.constant 4 : i32
          %parallel_loop3A_564 = arith.addi %mul3A_216, %parallel_loop3A_563 : i32
          %parallel_loop3A_565 = arith.constant 12 : i32
          %parallel_loop3A_566 = arith.muli %parallel_loop3A_564, %parallel_loop3A_565 : i32
          %parallel_loop3A_567 = arith.addi %parallel_loop3A_566, %parallel_loop3A_250 : i32
          %parallel_loop3A_568 = arith.constant 48 : i32
          %parallel_loop3A_569 = arith.muli %parallel_loop3A_567, %parallel_loop3A_568 : i32
          %parallel_loop3A_570 = arith.addi %parallel_loop3A_569, %sub3A_69 : i32
          %parallel_loop3A_571 = arith.index_cast %parallel_loop3A_570 : i32 to index
          %parallel_loop3A_572 = tpu.vector_load %arg8[%parallel_loop3A_571] {strides = array<i32>} : memref<98304xf32, #tpu.memory_space<vmem>>, vector<16xf32>,
          %parallel_loop3A_573 = arith.constant 16 : i32
          %parallel_loop3A_574 = arith.addi %parallel_loop3A_570, %parallel_loop3A_573 : i32
          %parallel_loop3A_575 = arith.index_cast %parallel_loop3A_574 : i32 to index
          %parallel_loop3A_576 = tpu.vector_load %arg8[%parallel_loop3A_575] {strides = array<i32>} : memref<98304xf32, #tpu.memory_space<vmem>>, vector<16xf32>,
          %parallel_loop3A_577 = vector.shape_cast %get3A_75 : vector<16xi32> to vector<16x1xi32>
          %parallel_loop3A_578 = vector.shape_cast %parallel_loop3A_577 : vector<16x1xi32> to vector<16xi32>
          %parallel_loop3A_579 = tpu.dynamic_gather %parallel_loop3A_572[%parallel_loop3A_578] in [0] : vector<16xf32>, vector<16xi32> -> vector<16xf32>
          %parallel_loop3A_580 = vector.shape_cast %max3A_84 : vector<16xi32> to vector<16x1xi32>
          %parallel_loop3A_581 = vector.shape_cast %parallel_loop3A_580 : vector<16x1xi32> to vector<16xi32>
          %parallel_loop3A_582 = tpu.dynamic_gather %parallel_loop3A_576[%parallel_loop3A_581] in [0] : vector<16xf32>, vector<16xi32> -> vector<16xf32>
          %parallel_loop3A_583 = arith.select %lt3A_87, %parallel_loop3A_579, %parallel_loop3A_582 : vector<16xi1>, vector<16xf32>
          %parallel_loop3A_584 = vector.shape_cast %sub3A_93 : vector<16xi32> to vector<16x1xi32>
          %parallel_loop3A_585 = vector.shape_cast %parallel_loop3A_584 : vector<16x1xi32> to vector<16xi32>
          %parallel_loop3A_586 = tpu.dynamic_gather %parallel_loop3A_576[%parallel_loop3A_585] in [0] : vector<16xf32>, vector<16xi32> -> vector<16xf32>
          %parallel_loop3A_587 = arith.addf %parallel_loop3A_583, %parallel_loop3A_586 : vector<16xf32>
          %parallel_loop3A_588 = arith.constant 4 : i32
          %parallel_loop3A_589 = arith.index_cast %parallel_loop3A_588 : i32 to index
          %parallel_loop3A_590 = arith.index_cast %parallel_loop3A_250 : i32 to index
          %parallel_loop3A_591 = arith.constant 0 : index
          %parallel_loop3A_592 = tpu.vector_load %run_scoped3A[%parallel_loop3A_589, %parallel_loop3A_590, %parallel_loop3A_591] {strides = array<i32>} : memref<8x12x64xf32, #tpu.memory_space<vmem>>, vector<16xf32>,
          tpu.vector_store %run_scoped3A[%parallel_loop3A_589, %parallel_loop3A_590, %parallel_loop3A_591], %parallel_loop3A_587 {strides = array<i32>} : memref<8x12x64xf32, #tpu.memory_space<vmem>>, vector<16xf32>,
          %parallel_loop3A_593 = vector.shape_cast %get3A_97 : vector<16xi32> to vector<16x1xi32>
          %parallel_loop3A_594 = vector.shape_cast %parallel_loop3A_593 : vector<16x1xi32> to vector<16xi32>
          %parallel_loop3A_595 = tpu.dynamic_gather %parallel_loop3A_572[%parallel_loop3A_594] in [0] : vector<16xf32>, vector<16xi32> -> vector<16xf32>
          %parallel_loop3A_596 = vector.shape_cast %max3A_107 : vector<16xi32> to vector<16x1xi32>
          %parallel_loop3A_597 = vector.shape_cast %parallel_loop3A_596 : vector<16x1xi32> to vector<16xi32>
          %parallel_loop3A_598 = tpu.dynamic_gather %parallel_loop3A_576[%parallel_loop3A_597] in [0] : vector<16xf32>, vector<16xi32> -> vector<16xf32>
          %parallel_loop3A_599 = arith.select %lt3A_110, %parallel_loop3A_595, %parallel_loop3A_598 : vector<16xi1>, vector<16xf32>
          %parallel_loop3A_600 = vector.shape_cast %sub3A_116 : vector<16xi32> to vector<16x1xi32>
          %parallel_loop3A_601 = vector.shape_cast %parallel_loop3A_600 : vector<16x1xi32> to vector<16xi32>
          %parallel_loop3A_602 = tpu.dynamic_gather %parallel_loop3A_576[%parallel_loop3A_601] in [0] : vector<16xf32>, vector<16xi32> -> vector<16xf32>
          %parallel_loop3A_603 = arith.addf %parallel_loop3A_599, %parallel_loop3A_602 : vector<16xf32>
          %parallel_loop3A_604 = arith.constant 4 : i32
          %parallel_loop3A_605 = arith.index_cast %parallel_loop3A_604 : i32 to index
          %parallel_loop3A_606 = arith.index_cast %parallel_loop3A_250 : i32 to index
          %parallel_loop3A_607 = arith.constant 16 : index
          %parallel_loop3A_608 = tpu.vector_load %run_scoped3A[%parallel_loop3A_605, %parallel_loop3A_606, %parallel_loop3A_607] {strides = array<i32>} : memref<8x12x64xf32, #tpu.memory_space<vmem>>, vector<16xf32>,
          tpu.vector_store %run_scoped3A[%parallel_loop3A_605, %parallel_loop3A_606, %parallel_loop3A_607], %parallel_loop3A_603 {strides = array<i32>} : memref<8x12x64xf32, #tpu.memory_space<vmem>>, vector<16xf32>,
          %parallel_loop3A_609 = vector.shape_cast %get3A_120 : vector<16xi32> to vector<16x1xi32>
          %parallel_loop3A_610 = vector.shape_cast %parallel_loop3A_609 : vector<16x1xi32> to vector<16xi32>
          %parallel_loop3A_611 = tpu.dynamic_gather %parallel_loop3A_572[%parallel_loop3A_610] in [0] : vector<16xf32>, vector<16xi32> -> vector<16xf32>
          %parallel_loop3A_612 = vector.shape_cast %max3A_130 : vector<16xi32> to vector<16x1xi32>
          %parallel_loop3A_613 = vector.shape_cast %parallel_loop3A_612 : vector<16x1xi32> to vector<16xi32>
          %parallel_loop3A_614 = tpu.dynamic_gather %parallel_loop3A_576[%parallel_loop3A_613] in [0] : vector<16xf32>, vector<16xi32> -> vector<16xf32>
          %parallel_loop3A_615 = arith.select %lt3A_133, %parallel_loop3A_611, %parallel_loop3A_614 : vector<16xi1>, vector<16xf32>
          %parallel_loop3A_616 = vector.shape_cast %sub3A_139 : vector<16xi32> to vector<16x1xi32>
          %parallel_loop3A_617 = vector.shape_cast %parallel_loop3A_616 : vector<16x1xi32> to vector<16xi32>
          %parallel_loop3A_618 = tpu.dynamic_gather %parallel_loop3A_576[%parallel_loop3A_617] in [0] : vector<16xf32>, vector<16xi32> -> vector<16xf32>
          %parallel_loop3A_619 = arith.addf %parallel_loop3A_615, %parallel_loop3A_618 : vector<16xf32>
          %parallel_loop3A_620 = arith.constant 4 : i32
          %parallel_loop3A_621 = arith.index_cast %parallel_loop3A_620 : i32 to index
          %parallel_loop3A_622 = arith.index_cast %parallel_loop3A_250 : i32 to index
          %parallel_loop3A_623 = arith.constant 32 : index
          %parallel_loop3A_624 = tpu.vector_load %run_scoped3A[%parallel_loop3A_621, %parallel_loop3A_622, %parallel_loop3A_623] {strides = array<i32>} : memref<8x12x64xf32, #tpu.memory_space<vmem>>, vector<16xf32>,
          tpu.vector_store %run_scoped3A[%parallel_loop3A_621, %parallel_loop3A_622, %parallel_loop3A_623], %parallel_loop3A_619 {strides = array<i32>} : memref<8x12x64xf32, #tpu.memory_space<vmem>>, vector<16xf32>,
          %parallel_loop3A_625 = vector.shape_cast %get3A_143 : vector<16xi32> to vector<16x1xi32>
          %parallel_loop3A_626 = vector.shape_cast %parallel_loop3A_625 : vector<16x1xi32> to vector<16xi32>
          %parallel_loop3A_627 = tpu.dynamic_gather %parallel_loop3A_572[%parallel_loop3A_626] in [0] : vector<16xf32>, vector<16xi32> -> vector<16xf32>
          %parallel_loop3A_628 = vector.shape_cast %max3A_153 : vector<16xi32> to vector<16x1xi32>
          %parallel_loop3A_629 = vector.shape_cast %parallel_loop3A_628 : vector<16x1xi32> to vector<16xi32>
          %parallel_loop3A_630 = tpu.dynamic_gather %parallel_loop3A_576[%parallel_loop3A_629] in [0] : vector<16xf32>, vector<16xi32> -> vector<16xf32>
          %parallel_loop3A_631 = arith.select %lt3A_156, %parallel_loop3A_627, %parallel_loop3A_630 : vector<16xi1>, vector<16xf32>
          %parallel_loop3A_632 = vector.shape_cast %sub3A_162 : vector<16xi32> to vector<16x1xi32>
          %parallel_loop3A_633 = vector.shape_cast %parallel_loop3A_632 : vector<16x1xi32> to vector<16xi32>
          %parallel_loop3A_634 = tpu.dynamic_gather %parallel_loop3A_576[%parallel_loop3A_633] in [0] : vector<16xf32>, vector<16xi32> -> vector<16xf32>
          %parallel_loop3A_635 = arith.addf %parallel_loop3A_631, %parallel_loop3A_634 : vector<16xf32>
          %parallel_loop3A_636 = arith.constant 4 : i32
          %parallel_loop3A_637 = arith.index_cast %parallel_loop3A_636 : i32 to index
          %parallel_loop3A_638 = arith.index_cast %parallel_loop3A_250 : i32 to index
          %parallel_loop3A_639 = arith.constant 48 : index
          %parallel_loop3A_640 = tpu.vector_load %run_scoped3A[%parallel_loop3A_637, %parallel_loop3A_638, %parallel_loop3A_639] {strides = array<i32>} : memref<8x12x64xf32, #tpu.memory_space<vmem>>, vector<16xf32>,
          tpu.vector_store %run_scoped3A[%parallel_loop3A_637, %parallel_loop3A_638, %parallel_loop3A_639], %parallel_loop3A_635 {strides = array<i32>} : memref<8x12x64xf32, #tpu.memory_space<vmem>>, vector<16xf32>,
          %parallel_loop3A_641 = arith.constant 5 : i32
          %parallel_loop3A_642 = arith.addi %mul3A_216, %parallel_loop3A_641 : i32
          %parallel_loop3A_643 = arith.constant 12 : i32
          %parallel_loop3A_644 = arith.muli %parallel_loop3A_642, %parallel_loop3A_643 : i32
          %parallel_loop3A_645 = arith.addi %parallel_loop3A_644, %parallel_loop3A_250 : i32
          %parallel_loop3A_646 = arith.constant 48 : i32
          %parallel_loop3A_647 = arith.muli %parallel_loop3A_645, %parallel_loop3A_646 : i32
          %parallel_loop3A_648 = arith.addi %parallel_loop3A_647, %sub3A_69 : i32
          %parallel_loop3A_649 = arith.index_cast %parallel_loop3A_648 : i32 to index
          %parallel_loop3A_650 = tpu.vector_load %arg8[%parallel_loop3A_649] {strides = array<i32>} : memref<98304xf32, #tpu.memory_space<vmem>>, vector<16xf32>,
          %parallel_loop3A_651 = arith.constant 16 : i32
          %parallel_loop3A_652 = arith.addi %parallel_loop3A_648, %parallel_loop3A_651 : i32
          %parallel_loop3A_653 = arith.index_cast %parallel_loop3A_652 : i32 to index
          %parallel_loop3A_654 = tpu.vector_load %arg8[%parallel_loop3A_653] {strides = array<i32>} : memref<98304xf32, #tpu.memory_space<vmem>>, vector<16xf32>,
          %parallel_loop3A_655 = vector.shape_cast %get3A_75 : vector<16xi32> to vector<16x1xi32>
          %parallel_loop3A_656 = vector.shape_cast %parallel_loop3A_655 : vector<16x1xi32> to vector<16xi32>
          %parallel_loop3A_657 = tpu.dynamic_gather %parallel_loop3A_650[%parallel_loop3A_656] in [0] : vector<16xf32>, vector<16xi32> -> vector<16xf32>
          %parallel_loop3A_658 = vector.shape_cast %max3A_84 : vector<16xi32> to vector<16x1xi32>
          %parallel_loop3A_659 = vector.shape_cast %parallel_loop3A_658 : vector<16x1xi32> to vector<16xi32>
          %parallel_loop3A_660 = tpu.dynamic_gather %parallel_loop3A_654[%parallel_loop3A_659] in [0] : vector<16xf32>, vector<16xi32> -> vector<16xf32>
          %parallel_loop3A_661 = arith.select %lt3A_87, %parallel_loop3A_657, %parallel_loop3A_660 : vector<16xi1>, vector<16xf32>
          %parallel_loop3A_662 = vector.shape_cast %sub3A_93 : vector<16xi32> to vector<16x1xi32>
          %parallel_loop3A_663 = vector.shape_cast %parallel_loop3A_662 : vector<16x1xi32> to vector<16xi32>
          %parallel_loop3A_664 = tpu.dynamic_gather %parallel_loop3A_654[%parallel_loop3A_663] in [0] : vector<16xf32>, vector<16xi32> -> vector<16xf32>
          %parallel_loop3A_665 = arith.addf %parallel_loop3A_661, %parallel_loop3A_664 : vector<16xf32>
          %parallel_loop3A_666 = arith.constant 5 : i32
          %parallel_loop3A_667 = arith.index_cast %parallel_loop3A_666 : i32 to index
          %parallel_loop3A_668 = arith.index_cast %parallel_loop3A_250 : i32 to index
          %parallel_loop3A_669 = arith.constant 0 : index
          %parallel_loop3A_670 = tpu.vector_load %run_scoped3A[%parallel_loop3A_667, %parallel_loop3A_668, %parallel_loop3A_669] {strides = array<i32>} : memref<8x12x64xf32, #tpu.memory_space<vmem>>, vector<16xf32>,
          tpu.vector_store %run_scoped3A[%parallel_loop3A_667, %parallel_loop3A_668, %parallel_loop3A_669], %parallel_loop3A_665 {strides = array<i32>} : memref<8x12x64xf32, #tpu.memory_space<vmem>>, vector<16xf32>,
          %parallel_loop3A_671 = vector.shape_cast %get3A_97 : vector<16xi32> to vector<16x1xi32>
          %parallel_loop3A_672 = vector.shape_cast %parallel_loop3A_671 : vector<16x1xi32> to vector<16xi32>
          %parallel_loop3A_673 = tpu.dynamic_gather %parallel_loop3A_650[%parallel_loop3A_672] in [0] : vector<16xf32>, vector<16xi32> -> vector<16xf32>
          %parallel_loop3A_674 = vector.shape_cast %max3A_107 : vector<16xi32> to vector<16x1xi32>
          %parallel_loop3A_675 = vector.shape_cast %parallel_loop3A_674 : vector<16x1xi32> to vector<16xi32>
          %parallel_loop3A_676 = tpu.dynamic_gather %parallel_loop3A_654[%parallel_loop3A_675] in [0] : vector<16xf32>, vector<16xi32> -> vector<16xf32>
          %parallel_loop3A_677 = arith.select %lt3A_110, %parallel_loop3A_673, %parallel_loop3A_676 : vector<16xi1>, vector<16xf32>
          %parallel_loop3A_678 = vector.shape_cast %sub3A_116 : vector<16xi32> to vector<16x1xi32>
          %parallel_loop3A_679 = vector.shape_cast %parallel_loop3A_678 : vector<16x1xi32> to vector<16xi32>
          %parallel_loop3A_680 = tpu.dynamic_gather %parallel_loop3A_654[%parallel_loop3A_679] in [0] : vector<16xf32>, vector<16xi32> -> vector<16xf32>
          %parallel_loop3A_681 = arith.addf %parallel_loop3A_677, %parallel_loop3A_680 : vector<16xf32>
          %parallel_loop3A_682 = arith.constant 5 : i32
          %parallel_loop3A_683 = arith.index_cast %parallel_loop3A_682 : i32 to index
          %parallel_loop3A_684 = arith.index_cast %parallel_loop3A_250 : i32 to index
          %parallel_loop3A_685 = arith.constant 16 : index
          %parallel_loop3A_686 = tpu.vector_load %run_scoped3A[%parallel_loop3A_683, %parallel_loop3A_684, %parallel_loop3A_685] {strides = array<i32>} : memref<8x12x64xf32, #tpu.memory_space<vmem>>, vector<16xf32>,
          tpu.vector_store %run_scoped3A[%parallel_loop3A_683, %parallel_loop3A_684, %parallel_loop3A_685], %parallel_loop3A_681 {strides = array<i32>} : memref<8x12x64xf32, #tpu.memory_space<vmem>>, vector<16xf32>,
          %parallel_loop3A_687 = vector.shape_cast %get3A_120 : vector<16xi32> to vector<16x1xi32>
          %parallel_loop3A_688 = vector.shape_cast %parallel_loop3A_687 : vector<16x1xi32> to vector<16xi32>
          %parallel_loop3A_689 = tpu.dynamic_gather %parallel_loop3A_650[%parallel_loop3A_688] in [0] : vector<16xf32>, vector<16xi32> -> vector<16xf32>
          %parallel_loop3A_690 = vector.shape_cast %max3A_130 : vector<16xi32> to vector<16x1xi32>
          %parallel_loop3A_691 = vector.shape_cast %parallel_loop3A_690 : vector<16x1xi32> to vector<16xi32>
          %parallel_loop3A_692 = tpu.dynamic_gather %parallel_loop3A_654[%parallel_loop3A_691] in [0] : vector<16xf32>, vector<16xi32> -> vector<16xf32>
          %parallel_loop3A_693 = arith.select %lt3A_133, %parallel_loop3A_689, %parallel_loop3A_692 : vector<16xi1>, vector<16xf32>
          %parallel_loop3A_694 = vector.shape_cast %sub3A_139 : vector<16xi32> to vector<16x1xi32>
          %parallel_loop3A_695 = vector.shape_cast %parallel_loop3A_694 : vector<16x1xi32> to vector<16xi32>
          %parallel_loop3A_696 = tpu.dynamic_gather %parallel_loop3A_654[%parallel_loop3A_695] in [0] : vector<16xf32>, vector<16xi32> -> vector<16xf32>
          %parallel_loop3A_697 = arith.addf %parallel_loop3A_693, %parallel_loop3A_696 : vector<16xf32>
          %parallel_loop3A_698 = arith.constant 5 : i32
          %parallel_loop3A_699 = arith.index_cast %parallel_loop3A_698 : i32 to index
          %parallel_loop3A_700 = arith.index_cast %parallel_loop3A_250 : i32 to index
          %parallel_loop3A_701 = arith.constant 32 : index
          %parallel_loop3A_702 = tpu.vector_load %run_scoped3A[%parallel_loop3A_699, %parallel_loop3A_700, %parallel_loop3A_701] {strides = array<i32>} : memref<8x12x64xf32, #tpu.memory_space<vmem>>, vector<16xf32>,
          tpu.vector_store %run_scoped3A[%parallel_loop3A_699, %parallel_loop3A_700, %parallel_loop3A_701], %parallel_loop3A_697 {strides = array<i32>} : memref<8x12x64xf32, #tpu.memory_space<vmem>>, vector<16xf32>,
          %parallel_loop3A_703 = vector.shape_cast %get3A_143 : vector<16xi32> to vector<16x1xi32>
          %parallel_loop3A_704 = vector.shape_cast %parallel_loop3A_703 : vector<16x1xi32> to vector<16xi32>
          %parallel_loop3A_705 = tpu.dynamic_gather %parallel_loop3A_650[%parallel_loop3A_704] in [0] : vector<16xf32>, vector<16xi32> -> vector<16xf32>
          %parallel_loop3A_706 = vector.shape_cast %max3A_153 : vector<16xi32> to vector<16x1xi32>
          %parallel_loop3A_707 = vector.shape_cast %parallel_loop3A_706 : vector<16x1xi32> to vector<16xi32>
          %parallel_loop3A_708 = tpu.dynamic_gather %parallel_loop3A_654[%parallel_loop3A_707] in [0] : vector<16xf32>, vector<16xi32> -> vector<16xf32>
          %parallel_loop3A_709 = arith.select %lt3A_156, %parallel_loop3A_705, %parallel_loop3A_708 : vector<16xi1>, vector<16xf32>
          %parallel_loop3A_710 = vector.shape_cast %sub3A_162 : vector<16xi32> to vector<16x1xi32>
          %parallel_loop3A_711 = vector.shape_cast %parallel_loop3A_710 : vector<16x1xi32> to vector<16xi32>
          %parallel_loop3A_712 = tpu.dynamic_gather %parallel_loop3A_654[%parallel_loop3A_711] in [0] : vector<16xf32>, vector<16xi32> -> vector<16xf32>
          %parallel_loop3A_713 = arith.addf %parallel_loop3A_709, %parallel_loop3A_712 : vector<16xf32>
          %parallel_loop3A_714 = arith.constant 5 : i32
          %parallel_loop3A_715 = arith.index_cast %parallel_loop3A_714 : i32 to index
          %parallel_loop3A_716 = arith.index_cast %parallel_loop3A_250 : i32 to index
          %parallel_loop3A_717 = arith.constant 48 : index
          %parallel_loop3A_718 = tpu.vector_load %run_scoped3A[%parallel_loop3A_715, %parallel_loop3A_716, %parallel_loop3A_717] {strides = array<i32>} : memref<8x12x64xf32, #tpu.memory_space<vmem>>, vector<16xf32>,
          tpu.vector_store %run_scoped3A[%parallel_loop3A_715, %parallel_loop3A_716, %parallel_loop3A_717], %parallel_loop3A_713 {strides = array<i32>} : memref<8x12x64xf32, #tpu.memory_space<vmem>>, vector<16xf32>,
          %parallel_loop3A_719 = arith.constant 6 : i32
          %parallel_loop3A_720 = arith.addi %mul3A_216, %parallel_loop3A_719 : i32
          %parallel_loop3A_721 = arith.constant 12 : i32
          %parallel_loop3A_722 = arith.muli %parallel_loop3A_720, %parallel_loop3A_721 : i32
          %parallel_loop3A_723 = arith.addi %parallel_loop3A_722, %parallel_loop3A_250 : i32
          %parallel_loop3A_724 = arith.constant 48 : i32
          %parallel_loop3A_725 = arith.muli %parallel_loop3A_723, %parallel_loop3A_724 : i32
          %parallel_loop3A_726 = arith.addi %parallel_loop3A_725, %sub3A_69 : i32
          %parallel_loop3A_727 = arith.index_cast %parallel_loop3A_726 : i32 to index
          %parallel_loop3A_728 = tpu.vector_load %arg8[%parallel_loop3A_727] {strides = array<i32>} : memref<98304xf32, #tpu.memory_space<vmem>>, vector<16xf32>,
          %parallel_loop3A_729 = arith.constant 16 : i32
          %parallel_loop3A_730 = arith.addi %parallel_loop3A_726, %parallel_loop3A_729 : i32
          %parallel_loop3A_731 = arith.index_cast %parallel_loop3A_730 : i32 to index
          %parallel_loop3A_732 = tpu.vector_load %arg8[%parallel_loop3A_731] {strides = array<i32>} : memref<98304xf32, #tpu.memory_space<vmem>>, vector<16xf32>,
          %parallel_loop3A_733 = vector.shape_cast %get3A_75 : vector<16xi32> to vector<16x1xi32>
          %parallel_loop3A_734 = vector.shape_cast %parallel_loop3A_733 : vector<16x1xi32> to vector<16xi32>
          %parallel_loop3A_735 = tpu.dynamic_gather %parallel_loop3A_728[%parallel_loop3A_734] in [0] : vector<16xf32>, vector<16xi32> -> vector<16xf32>
          %parallel_loop3A_736 = vector.shape_cast %max3A_84 : vector<16xi32> to vector<16x1xi32>
          %parallel_loop3A_737 = vector.shape_cast %parallel_loop3A_736 : vector<16x1xi32> to vector<16xi32>
          %parallel_loop3A_738 = tpu.dynamic_gather %parallel_loop3A_732[%parallel_loop3A_737] in [0] : vector<16xf32>, vector<16xi32> -> vector<16xf32>
          %parallel_loop3A_739 = arith.select %lt3A_87, %parallel_loop3A_735, %parallel_loop3A_738 : vector<16xi1>, vector<16xf32>
          %parallel_loop3A_740 = vector.shape_cast %sub3A_93 : vector<16xi32> to vector<16x1xi32>
          %parallel_loop3A_741 = vector.shape_cast %parallel_loop3A_740 : vector<16x1xi32> to vector<16xi32>
          %parallel_loop3A_742 = tpu.dynamic_gather %parallel_loop3A_732[%parallel_loop3A_741] in [0] : vector<16xf32>, vector<16xi32> -> vector<16xf32>
          %parallel_loop3A_743 = arith.addf %parallel_loop3A_739, %parallel_loop3A_742 : vector<16xf32>
          %parallel_loop3A_744 = arith.constant 6 : i32
          %parallel_loop3A_745 = arith.index_cast %parallel_loop3A_744 : i32 to index
          %parallel_loop3A_746 = arith.index_cast %parallel_loop3A_250 : i32 to index
          %parallel_loop3A_747 = arith.constant 0 : index
          %parallel_loop3A_748 = tpu.vector_load %run_scoped3A[%parallel_loop3A_745, %parallel_loop3A_746, %parallel_loop3A_747] {strides = array<i32>} : memref<8x12x64xf32, #tpu.memory_space<vmem>>, vector<16xf32>,
          tpu.vector_store %run_scoped3A[%parallel_loop3A_745, %parallel_loop3A_746, %parallel_loop3A_747], %parallel_loop3A_743 {strides = array<i32>} : memref<8x12x64xf32, #tpu.memory_space<vmem>>, vector<16xf32>,
          %parallel_loop3A_749 = vector.shape_cast %get3A_97 : vector<16xi32> to vector<16x1xi32>
          %parallel_loop3A_750 = vector.shape_cast %parallel_loop3A_749 : vector<16x1xi32> to vector<16xi32>
          %parallel_loop3A_751 = tpu.dynamic_gather %parallel_loop3A_728[%parallel_loop3A_750] in [0] : vector<16xf32>, vector<16xi32> -> vector<16xf32>
          %parallel_loop3A_752 = vector.shape_cast %max3A_107 : vector<16xi32> to vector<16x1xi32>
          %parallel_loop3A_753 = vector.shape_cast %parallel_loop3A_752 : vector<16x1xi32> to vector<16xi32>
          %parallel_loop3A_754 = tpu.dynamic_gather %parallel_loop3A_732[%parallel_loop3A_753] in [0] : vector<16xf32>, vector<16xi32> -> vector<16xf32>
          %parallel_loop3A_755 = arith.select %lt3A_110, %parallel_loop3A_751, %parallel_loop3A_754 : vector<16xi1>, vector<16xf32>
          %parallel_loop3A_756 = vector.shape_cast %sub3A_116 : vector<16xi32> to vector<16x1xi32>
          %parallel_loop3A_757 = vector.shape_cast %parallel_loop3A_756 : vector<16x1xi32> to vector<16xi32>
          %parallel_loop3A_758 = tpu.dynamic_gather %parallel_loop3A_732[%parallel_loop3A_757] in [0] : vector<16xf32>, vector<16xi32> -> vector<16xf32>
          %parallel_loop3A_759 = arith.addf %parallel_loop3A_755, %parallel_loop3A_758 : vector<16xf32>
          %parallel_loop3A_760 = arith.constant 6 : i32
          %parallel_loop3A_761 = arith.index_cast %parallel_loop3A_760 : i32 to index
          %parallel_loop3A_762 = arith.index_cast %parallel_loop3A_250 : i32 to index
          %parallel_loop3A_763 = arith.constant 16 : index
          %parallel_loop3A_764 = tpu.vector_load %run_scoped3A[%parallel_loop3A_761, %parallel_loop3A_762, %parallel_loop3A_763] {strides = array<i32>} : memref<8x12x64xf32, #tpu.memory_space<vmem>>, vector<16xf32>,
          tpu.vector_store %run_scoped3A[%parallel_loop3A_761, %parallel_loop3A_762, %parallel_loop3A_763], %parallel_loop3A_759 {strides = array<i32>} : memref<8x12x64xf32, #tpu.memory_space<vmem>>, vector<16xf32>,
          %parallel_loop3A_765 = vector.shape_cast %get3A_120 : vector<16xi32> to vector<16x1xi32>
          %parallel_loop3A_766 = vector.shape_cast %parallel_loop3A_765 : vector<16x1xi32> to vector<16xi32>
          %parallel_loop3A_767 = tpu.dynamic_gather %parallel_loop3A_728[%parallel_loop3A_766] in [0] : vector<16xf32>, vector<16xi32> -> vector<16xf32>
          %parallel_loop3A_768 = vector.shape_cast %max3A_130 : vector<16xi32> to vector<16x1xi32>
          %parallel_loop3A_769 = vector.shape_cast %parallel_loop3A_768 : vector<16x1xi32> to vector<16xi32>
          %parallel_loop3A_770 = tpu.dynamic_gather %parallel_loop3A_732[%parallel_loop3A_769] in [0] : vector<16xf32>, vector<16xi32> -> vector<16xf32>
          %parallel_loop3A_771 = arith.select %lt3A_133, %parallel_loop3A_767, %parallel_loop3A_770 : vector<16xi1>, vector<16xf32>
          %parallel_loop3A_772 = vector.shape_cast %sub3A_139 : vector<16xi32> to vector<16x1xi32>
          %parallel_loop3A_773 = vector.shape_cast %parallel_loop3A_772 : vector<16x1xi32> to vector<16xi32>
          %parallel_loop3A_774 = tpu.dynamic_gather %parallel_loop3A_732[%parallel_loop3A_773] in [0] : vector<16xf32>, vector<16xi32> -> vector<16xf32>
          %parallel_loop3A_775 = arith.addf %parallel_loop3A_771, %parallel_loop3A_774 : vector<16xf32>
          %parallel_loop3A_776 = arith.constant 6 : i32
          %parallel_loop3A_777 = arith.index_cast %parallel_loop3A_776 : i32 to index
          %parallel_loop3A_778 = arith.index_cast %parallel_loop3A_250 : i32 to index
          %parallel_loop3A_779 = arith.constant 32 : index
          %parallel_loop3A_780 = tpu.vector_load %run_scoped3A[%parallel_loop3A_777, %parallel_loop3A_778, %parallel_loop3A_779] {strides = array<i32>} : memref<8x12x64xf32, #tpu.memory_space<vmem>>, vector<16xf32>,
          tpu.vector_store %run_scoped3A[%parallel_loop3A_777, %parallel_loop3A_778, %parallel_loop3A_779], %parallel_loop3A_775 {strides = array<i32>} : memref<8x12x64xf32, #tpu.memory_space<vmem>>, vector<16xf32>,
          %parallel_loop3A_781 = vector.shape_cast %get3A_143 : vector<16xi32> to vector<16x1xi32>
          %parallel_loop3A_782 = vector.shape_cast %parallel_loop3A_781 : vector<16x1xi32> to vector<16xi32>
          %parallel_loop3A_783 = tpu.dynamic_gather %parallel_loop3A_728[%parallel_loop3A_782] in [0] : vector<16xf32>, vector<16xi32> -> vector<16xf32>
          %parallel_loop3A_784 = vector.shape_cast %max3A_153 : vector<16xi32> to vector<16x1xi32>
          %parallel_loop3A_785 = vector.shape_cast %parallel_loop3A_784 : vector<16x1xi32> to vector<16xi32>
          %parallel_loop3A_786 = tpu.dynamic_gather %parallel_loop3A_732[%parallel_loop3A_785] in [0] : vector<16xf32>, vector<16xi32> -> vector<16xf32>
          %parallel_loop3A_787 = arith.select %lt3A_156, %parallel_loop3A_783, %parallel_loop3A_786 : vector<16xi1>, vector<16xf32>
          %parallel_loop3A_788 = vector.shape_cast %sub3A_162 : vector<16xi32> to vector<16x1xi32>
          %parallel_loop3A_789 = vector.shape_cast %parallel_loop3A_788 : vector<16x1xi32> to vector<16xi32>
          %parallel_loop3A_790 = tpu.dynamic_gather %parallel_loop3A_732[%parallel_loop3A_789] in [0] : vector<16xf32>, vector<16xi32> -> vector<16xf32>
          %parallel_loop3A_791 = arith.addf %parallel_loop3A_787, %parallel_loop3A_790 : vector<16xf32>
          %parallel_loop3A_792 = arith.constant 6 : i32
          %parallel_loop3A_793 = arith.index_cast %parallel_loop3A_792 : i32 to index
          %parallel_loop3A_794 = arith.index_cast %parallel_loop3A_250 : i32 to index
          %parallel_loop3A_795 = arith.constant 48 : index
          %parallel_loop3A_796 = tpu.vector_load %run_scoped3A[%parallel_loop3A_793, %parallel_loop3A_794, %parallel_loop3A_795] {strides = array<i32>} : memref<8x12x64xf32, #tpu.memory_space<vmem>>, vector<16xf32>,
          tpu.vector_store %run_scoped3A[%parallel_loop3A_793, %parallel_loop3A_794, %parallel_loop3A_795], %parallel_loop3A_791 {strides = array<i32>} : memref<8x12x64xf32, #tpu.memory_space<vmem>>, vector<16xf32>,
          %parallel_loop3A_797 = arith.constant 7 : i32
          %parallel_loop3A_798 = arith.addi %mul3A_216, %parallel_loop3A_797 : i32
          %parallel_loop3A_799 = arith.constant 12 : i32
          %parallel_loop3A_800 = arith.muli %parallel_loop3A_798, %parallel_loop3A_799 : i32
          %parallel_loop3A_801 = arith.addi %parallel_loop3A_800, %parallel_loop3A_250 : i32
          %parallel_loop3A_802 = arith.constant 48 : i32
          %parallel_loop3A_803 = arith.muli %parallel_loop3A_801, %parallel_loop3A_802 : i32
          %parallel_loop3A_804 = arith.addi %parallel_loop3A_803, %sub3A_69 : i32
          %parallel_loop3A_805 = arith.index_cast %parallel_loop3A_804 : i32 to index
          %parallel_loop3A_806 = tpu.vector_load %arg8[%parallel_loop3A_805] {strides = array<i32>} : memref<98304xf32, #tpu.memory_space<vmem>>, vector<16xf32>,
          %parallel_loop3A_807 = arith.constant 16 : i32
          %parallel_loop3A_808 = arith.addi %parallel_loop3A_804, %parallel_loop3A_807 : i32
          %parallel_loop3A_809 = arith.index_cast %parallel_loop3A_808 : i32 to index
          %parallel_loop3A_810 = tpu.vector_load %arg8[%parallel_loop3A_809] {strides = array<i32>} : memref<98304xf32, #tpu.memory_space<vmem>>, vector<16xf32>,
          %parallel_loop3A_811 = vector.shape_cast %get3A_75 : vector<16xi32> to vector<16x1xi32>
          %parallel_loop3A_812 = vector.shape_cast %parallel_loop3A_811 : vector<16x1xi32> to vector<16xi32>
          %parallel_loop3A_813 = tpu.dynamic_gather %parallel_loop3A_806[%parallel_loop3A_812] in [0] : vector<16xf32>, vector<16xi32> -> vector<16xf32>
          %parallel_loop3A_814 = vector.shape_cast %max3A_84 : vector<16xi32> to vector<16x1xi32>
          %parallel_loop3A_815 = vector.shape_cast %parallel_loop3A_814 : vector<16x1xi32> to vector<16xi32>
          %parallel_loop3A_816 = tpu.dynamic_gather %parallel_loop3A_810[%parallel_loop3A_815] in [0] : vector<16xf32>, vector<16xi32> -> vector<16xf32>
          %parallel_loop3A_817 = arith.select %lt3A_87, %parallel_loop3A_813, %parallel_loop3A_816 : vector<16xi1>, vector<16xf32>
          %parallel_loop3A_818 = vector.shape_cast %sub3A_93 : vector<16xi32> to vector<16x1xi32>
          %parallel_loop3A_819 = vector.shape_cast %parallel_loop3A_818 : vector<16x1xi32> to vector<16xi32>
          %parallel_loop3A_820 = tpu.dynamic_gather %parallel_loop3A_810[%parallel_loop3A_819] in [0] : vector<16xf32>, vector<16xi32> -> vector<16xf32>
          %parallel_loop3A_821 = arith.addf %parallel_loop3A_817, %parallel_loop3A_820 : vector<16xf32>
          %parallel_loop3A_822 = arith.constant 7 : i32
          %parallel_loop3A_823 = arith.index_cast %parallel_loop3A_822 : i32 to index
          %parallel_loop3A_824 = arith.index_cast %parallel_loop3A_250 : i32 to index
          %parallel_loop3A_825 = arith.constant 0 : index
          %parallel_loop3A_826 = tpu.vector_load %run_scoped3A[%parallel_loop3A_823, %parallel_loop3A_824, %parallel_loop3A_825] {strides = array<i32>} : memref<8x12x64xf32, #tpu.memory_space<vmem>>, vector<16xf32>,
          tpu.vector_store %run_scoped3A[%parallel_loop3A_823, %parallel_loop3A_824, %parallel_loop3A_825], %parallel_loop3A_821 {strides = array<i32>} : memref<8x12x64xf32, #tpu.memory_space<vmem>>, vector<16xf32>,
          %parallel_loop3A_827 = vector.shape_cast %get3A_97 : vector<16xi32> to vector<16x1xi32>
          %parallel_loop3A_828 = vector.shape_cast %parallel_loop3A_827 : vector<16x1xi32> to vector<16xi32>
          %parallel_loop3A_829 = tpu.dynamic_gather %parallel_loop3A_806[%parallel_loop3A_828] in [0] : vector<16xf32>, vector<16xi32> -> vector<16xf32>
          %parallel_loop3A_830 = vector.shape_cast %max3A_107 : vector<16xi32> to vector<16x1xi32>
          %parallel_loop3A_831 = vector.shape_cast %parallel_loop3A_830 : vector<16x1xi32> to vector<16xi32>
          %parallel_loop3A_832 = tpu.dynamic_gather %parallel_loop3A_810[%parallel_loop3A_831] in [0] : vector<16xf32>, vector<16xi32> -> vector<16xf32>
          %parallel_loop3A_833 = arith.select %lt3A_110, %parallel_loop3A_829, %parallel_loop3A_832 : vector<16xi1>, vector<16xf32>
          %parallel_loop3A_834 = vector.shape_cast %sub3A_116 : vector<16xi32> to vector<16x1xi32>
          %parallel_loop3A_835 = vector.shape_cast %parallel_loop3A_834 : vector<16x1xi32> to vector<16xi32>
          %parallel_loop3A_836 = tpu.dynamic_gather %parallel_loop3A_810[%parallel_loop3A_835] in [0] : vector<16xf32>, vector<16xi32> -> vector<16xf32>
          %parallel_loop3A_837 = arith.addf %parallel_loop3A_833, %parallel_loop3A_836 : vector<16xf32>
          %parallel_loop3A_838 = arith.constant 7 : i32
          %parallel_loop3A_839 = arith.index_cast %parallel_loop3A_838 : i32 to index
          %parallel_loop3A_840 = arith.index_cast %parallel_loop3A_250 : i32 to index
          %parallel_loop3A_841 = arith.constant 16 : index
          %parallel_loop3A_842 = tpu.vector_load %run_scoped3A[%parallel_loop3A_839, %parallel_loop3A_840, %parallel_loop3A_841] {strides = array<i32>} : memref<8x12x64xf32, #tpu.memory_space<vmem>>, vector<16xf32>,
          tpu.vector_store %run_scoped3A[%parallel_loop3A_839, %parallel_loop3A_840, %parallel_loop3A_841], %parallel_loop3A_837 {strides = array<i32>} : memref<8x12x64xf32, #tpu.memory_space<vmem>>, vector<16xf32>,
          %parallel_loop3A_843 = vector.shape_cast %get3A_120 : vector<16xi32> to vector<16x1xi32>
          %parallel_loop3A_844 = vector.shape_cast %parallel_loop3A_843 : vector<16x1xi32> to vector<16xi32>
          %parallel_loop3A_845 = tpu.dynamic_gather %parallel_loop3A_806[%parallel_loop3A_844] in [0] : vector<16xf32>, vector<16xi32> -> vector<16xf32>
          %parallel_loop3A_846 = vector.shape_cast %max3A_130 : vector<16xi32> to vector<16x1xi32>
          %parallel_loop3A_847 = vector.shape_cast %parallel_loop3A_846 : vector<16x1xi32> to vector<16xi32>
          %parallel_loop3A_848 = tpu.dynamic_gather %parallel_loop3A_810[%parallel_loop3A_847] in [0] : vector<16xf32>, vector<16xi32> -> vector<16xf32>
          %parallel_loop3A_849 = arith.select %lt3A_133, %parallel_loop3A_845, %parallel_loop3A_848 : vector<16xi1>, vector<16xf32>
          %parallel_loop3A_850 = vector.shape_cast %sub3A_139 : vector<16xi32> to vector<16x1xi32>
          %parallel_loop3A_851 = vector.shape_cast %parallel_loop3A_850 : vector<16x1xi32> to vector<16xi32>
          %parallel_loop3A_852 = tpu.dynamic_gather %parallel_loop3A_810[%parallel_loop3A_851] in [0] : vector<16xf32>, vector<16xi32> -> vector<16xf32>
          %parallel_loop3A_853 = arith.addf %parallel_loop3A_849, %parallel_loop3A_852 : vector<16xf32>
          %parallel_loop3A_854 = arith.constant 7 : i32
          %parallel_loop3A_855 = arith.index_cast %parallel_loop3A_854 : i32 to index
          %parallel_loop3A_856 = arith.index_cast %parallel_loop3A_250 : i32 to index
          %parallel_loop3A_857 = arith.constant 32 : index
          %parallel_loop3A_858 = tpu.vector_load %run_scoped3A[%parallel_loop3A_855, %parallel_loop3A_856, %parallel_loop3A_857] {strides = array<i32>} : memref<8x12x64xf32, #tpu.memory_space<vmem>>, vector<16xf32>,
          tpu.vector_store %run_scoped3A[%parallel_loop3A_855, %parallel_loop3A_856, %parallel_loop3A_857], %parallel_loop3A_853 {strides = array<i32>} : memref<8x12x64xf32, #tpu.memory_space<vmem>>, vector<16xf32>,
          %parallel_loop3A_859 = vector.shape_cast %get3A_143 : vector<16xi32> to vector<16x1xi32>
          %parallel_loop3A_860 = vector.shape_cast %parallel_loop3A_859 : vector<16x1xi32> to vector<16xi32>
          %parallel_loop3A_861 = tpu.dynamic_gather %parallel_loop3A_806[%parallel_loop3A_860] in [0] : vector<16xf32>, vector<16xi32> -> vector<16xf32>
          %parallel_loop3A_862 = vector.shape_cast %max3A_153 : vector<16xi32> to vector<16x1xi32>
          %parallel_loop3A_863 = vector.shape_cast %parallel_loop3A_862 : vector<16x1xi32> to vector<16xi32>
          %parallel_loop3A_864 = tpu.dynamic_gather %parallel_loop3A_810[%parallel_loop3A_863] in [0] : vector<16xf32>, vector<16xi32> -> vector<16xf32>
          %parallel_loop3A_865 = arith.select %lt3A_156, %parallel_loop3A_861, %parallel_loop3A_864 : vector<16xi1>, vector<16xf32>
          %parallel_loop3A_866 = vector.shape_cast %sub3A_162 : vector<16xi32> to vector<16x1xi32>
          %parallel_loop3A_867 = vector.shape_cast %parallel_loop3A_866 : vector<16x1xi32> to vector<16xi32>
          %parallel_loop3A_868 = tpu.dynamic_gather %parallel_loop3A_810[%parallel_loop3A_867] in [0] : vector<16xf32>, vector<16xi32> -> vector<16xf32>
          %parallel_loop3A_869 = arith.addf %parallel_loop3A_865, %parallel_loop3A_868 : vector<16xf32>
          %parallel_loop3A_870 = arith.constant 7 : i32
          %parallel_loop3A_871 = arith.index_cast %parallel_loop3A_870 : i32 to index
          %parallel_loop3A_872 = arith.index_cast %parallel_loop3A_250 : i32 to index
          %parallel_loop3A_873 = arith.constant 48 : index
          %parallel_loop3A_874 = tpu.vector_load %run_scoped3A[%parallel_loop3A_871, %parallel_loop3A_872, %parallel_loop3A_873] {strides = array<i32>} : memref<8x12x64xf32, #tpu.memory_space<vmem>>, vector<16xf32>,
          tpu.vector_store %run_scoped3A[%parallel_loop3A_871, %parallel_loop3A_872, %parallel_loop3A_873], %parallel_loop3A_869 {strides = array<i32>} : memref<8x12x64xf32, #tpu.memory_space<vmem>>, vector<16xf32>,
        } {sc.loop_unroll_factor = 2 : i64, sc.parallel_access}
        %add3A_220 = arith.addi %mul3A_32, %mul3A_216 : i32
        %dma_start3A_221 = arith.constant 0 : i32
        %dma_start3A_222 = arith.constant 0 : i32
        %dma_start3A_223 = tpu.memref_slice %arg5[%select_n3A, %add3A_220, %dma_start3A_221, %dma_start3A_222] : memref<16x325x12x64xf32, #tpu.memory_space<hbm>> -> memref<1x8x12x64xf32, #tpu.memory_space<hbm>>
        %dma_start3A_224 = tpu.memref_squeeze %dma_start3A_223 : memref<1x8x12x64xf32, #tpu.memory_space<hbm>> -> memref<8x12x64xf32, #tpu.memory_space<hbm>>
        %dma_start3A_225 = arith.constant 0 : i32
        %dma_start3A_226 = arith.constant 0 : i32
        %dma_start3A_227 = tpu.memref_slice %arg5[%select_n3A, %add3A_220, %dma_start3A_225, %dma_start3A_226] : memref<16x325x12x64xf32, #tpu.memory_space<hbm>> -> memref<1x8x12x64xf32, #tpu.memory_space<hbm>>
        %dma_start3A_228 = tpu.memref_squeeze %dma_start3A_227 : memref<1x8x12x64xf32, #tpu.memory_space<hbm>> -> memref<8x12x64xf32, #tpu.memory_space<hbm>>
        tpu.enqueue_dma source(%run_scoped3A : memref<8x12x64xf32, #tpu.memory_space<vmem>>) target(%dma_start3A_228 : memref<8x12x64xf32, #tpu.memory_space<hbm>>) target_semaphore(%arg10 : memref<!tpu.dma_semaphore, #tpu.memory_space<semaphore_mem>>)
        %add3A_229 = arith.constant 1 : i32
        %add3A_230 = arith.addi %mul3A_212, %add3A_229 : i32
        %gt3A_231 = arith.constant 0 : i32
        %gt3A_232 = arith.cmpi sgt, %scan3A_210, %gt3A_231 : i32
        %convert_element_type3A_233 = arith.extui %gt3A_232 : i1 to i32
        %cond3A_234 = arith.constant 0 : i32
        %cond3A_235 = arith.cmpi ne, %convert_element_type3A_233, %cond3A_234 : i32
        scf.if %cond3A_235 {
          %dma_wait3A_250 = arith.constant 0 : i32
          %dma_wait3A_251 = arith.constant 0 : i32
          %dma_wait3A_252 = arith.constant 0 : i32
          %dma_wait3A_253 = tpu.memref_slice %arg5[%select_n3A, %dma_wait3A_250, %dma_wait3A_251, %dma_wait3A_252] : memref<16x325x12x64xf32, #tpu.memory_space<hbm>> -> memref<1x8x12x64xf32, #tpu.memory_space<hbm>>
          %dma_wait3A_254 = tpu.memref_squeeze %dma_wait3A_253 : memref<1x8x12x64xf32, #tpu.memory_space<hbm>> -> memref<8x12x64xf32, #tpu.memory_space<hbm>>
          %dma_wait3A_255 = arith.constant 0 : i32
          %dma_wait3A_256 = arith.constant 0 : i32
          %dma_wait3A_257 = arith.constant 0 : i32
          %dma_wait3A_258 = tpu.memref_slice %arg5[%select_n3A, %dma_wait3A_255, %dma_wait3A_256, %dma_wait3A_257] : memref<16x325x12x64xf32, #tpu.memory_space<hbm>> -> memref<1x8x12x64xf32, #tpu.memory_space<hbm>>
          %dma_wait3A_259 = tpu.memref_squeeze %dma_wait3A_258 : memref<1x8x12x64xf32, #tpu.memory_space<hbm>> -> memref<8x12x64xf32, #tpu.memory_space<hbm>>
          tpu.wait_dma2 semaphore(%arg11 : memref<!tpu.dma_semaphore, #tpu.memory_space<semaphore_mem>>) src(%run_scoped3A_72 : memref<8x12x64xf32, #tpu.memory_space<vmem>>) dst(%dma_wait3A_259 : memref<8x12x64xf32, #tpu.memory_space<hbm>>)
        } else {
        }
        %mul3A_236 = arith.constant 8 : i32
        %mul3A_237 = arith.muli %add3A_230, %mul3A_236 : i32
        %parallel_loop3A_238 = arith.constant 0 : i32
        %parallel_loop3A_239 = arith.constant 12 : i32
        %parallel_loop3A_240 = arith.constant 1 : i32
        scf.for %parallel_loop3A_250 = %parallel_loop3A_238 to %parallel_loop3A_239 step %parallel_loop3A_240  : i32 {
          %parallel_loop3A_251 = arith.constant 0 : i32
          %parallel_loop3A_252 = arith.addi %mul3A_237, %parallel_loop3A_251 : i32
          %parallel_loop3A_253 = arith.constant 12 : i32
          %parallel_loop3A_254 = arith.muli %parallel_loop3A_252, %parallel_loop3A_253 : i32
          %parallel_loop3A_255 = arith.addi %parallel_loop3A_254, %parallel_loop3A_250 : i32
          %parallel_loop3A_256 = arith.constant 48 : i32
          %parallel_loop3A_257 = arith.muli %parallel_loop3A_255, %parallel_loop3A_256 : i32
          %parallel_loop3A_258 = arith.addi %parallel_loop3A_257, %sub3A_69 : i32
          %parallel_loop3A_259 = arith.index_cast %parallel_loop3A_258 : i32 to index
          %parallel_loop3A_260 = tpu.vector_load %arg8[%parallel_loop3A_259] {strides = array<i32>} : memref<98304xf32, #tpu.memory_space<vmem>>, vector<16xf32>,
          %parallel_loop3A_261 = arith.constant 16 : i32
          %parallel_loop3A_262 = arith.addi %parallel_loop3A_258, %parallel_loop3A_261 : i32
          %parallel_loop3A_263 = arith.index_cast %parallel_loop3A_262 : i32 to index
          %parallel_loop3A_264 = tpu.vector_load %arg8[%parallel_loop3A_263] {strides = array<i32>} : memref<98304xf32, #tpu.memory_space<vmem>>, vector<16xf32>,
          %parallel_loop3A_265 = vector.shape_cast %get3A_75 : vector<16xi32> to vector<16x1xi32>
          %parallel_loop3A_266 = vector.shape_cast %parallel_loop3A_265 : vector<16x1xi32> to vector<16xi32>
          %parallel_loop3A_267 = tpu.dynamic_gather %parallel_loop3A_260[%parallel_loop3A_266] in [0] : vector<16xf32>, vector<16xi32> -> vector<16xf32>
          %parallel_loop3A_268 = vector.shape_cast %max3A_84 : vector<16xi32> to vector<16x1xi32>
          %parallel_loop3A_269 = vector.shape_cast %parallel_loop3A_268 : vector<16x1xi32> to vector<16xi32>
          %parallel_loop3A_270 = tpu.dynamic_gather %parallel_loop3A_264[%parallel_loop3A_269] in [0] : vector<16xf32>, vector<16xi32> -> vector<16xf32>
          %parallel_loop3A_271 = arith.select %lt3A_87, %parallel_loop3A_267, %parallel_loop3A_270 : vector<16xi1>, vector<16xf32>
          %parallel_loop3A_272 = vector.shape_cast %sub3A_93 : vector<16xi32> to vector<16x1xi32>
          %parallel_loop3A_273 = vector.shape_cast %parallel_loop3A_272 : vector<16x1xi32> to vector<16xi32>
          %parallel_loop3A_274 = tpu.dynamic_gather %parallel_loop3A_264[%parallel_loop3A_273] in [0] : vector<16xf32>, vector<16xi32> -> vector<16xf32>
          %parallel_loop3A_275 = arith.addf %parallel_loop3A_271, %parallel_loop3A_274 : vector<16xf32>
          %parallel_loop3A_276 = arith.constant 0 : i32
          %parallel_loop3A_277 = arith.index_cast %parallel_loop3A_276 : i32 to index
          %parallel_loop3A_278 = arith.index_cast %parallel_loop3A_250 : i32 to index
          %parallel_loop3A_279 = arith.constant 0 : index
          %parallel_loop3A_280 = tpu.vector_load %run_scoped3A_72[%parallel_loop3A_277, %parallel_loop3A_278, %parallel_loop3A_279] {strides = array<i32>} : memref<8x12x64xf32, #tpu.memory_space<vmem>>, vector<16xf32>,
          tpu.vector_store %run_scoped3A_72[%parallel_loop3A_277, %parallel_loop3A_278, %parallel_loop3A_279], %parallel_loop3A_275 {strides = array<i32>} : memref<8x12x64xf32, #tpu.memory_space<vmem>>, vector<16xf32>,
          %parallel_loop3A_281 = vector.shape_cast %get3A_97 : vector<16xi32> to vector<16x1xi32>
          %parallel_loop3A_282 = vector.shape_cast %parallel_loop3A_281 : vector<16x1xi32> to vector<16xi32>
          %parallel_loop3A_283 = tpu.dynamic_gather %parallel_loop3A_260[%parallel_loop3A_282] in [0] : vector<16xf32>, vector<16xi32> -> vector<16xf32>
          %parallel_loop3A_284 = vector.shape_cast %max3A_107 : vector<16xi32> to vector<16x1xi32>
          %parallel_loop3A_285 = vector.shape_cast %parallel_loop3A_284 : vector<16x1xi32> to vector<16xi32>
          %parallel_loop3A_286 = tpu.dynamic_gather %parallel_loop3A_264[%parallel_loop3A_285] in [0] : vector<16xf32>, vector<16xi32> -> vector<16xf32>
          %parallel_loop3A_287 = arith.select %lt3A_110, %parallel_loop3A_283, %parallel_loop3A_286 : vector<16xi1>, vector<16xf32>
          %parallel_loop3A_288 = vector.shape_cast %sub3A_116 : vector<16xi32> to vector<16x1xi32>
          %parallel_loop3A_289 = vector.shape_cast %parallel_loop3A_288 : vector<16x1xi32> to vector<16xi32>
          %parallel_loop3A_290 = tpu.dynamic_gather %parallel_loop3A_264[%parallel_loop3A_289] in [0] : vector<16xf32>, vector<16xi32> -> vector<16xf32>
          %parallel_loop3A_291 = arith.addf %parallel_loop3A_287, %parallel_loop3A_290 : vector<16xf32>
          %parallel_loop3A_292 = arith.constant 0 : i32
          %parallel_loop3A_293 = arith.index_cast %parallel_loop3A_292 : i32 to index
          %parallel_loop3A_294 = arith.index_cast %parallel_loop3A_250 : i32 to index
          %parallel_loop3A_295 = arith.constant 16 : index
          %parallel_loop3A_296 = tpu.vector_load %run_scoped3A_72[%parallel_loop3A_293, %parallel_loop3A_294, %parallel_loop3A_295] {strides = array<i32>} : memref<8x12x64xf32, #tpu.memory_space<vmem>>, vector<16xf32>,
          tpu.vector_store %run_scoped3A_72[%parallel_loop3A_293, %parallel_loop3A_294, %parallel_loop3A_295], %parallel_loop3A_291 {strides = array<i32>} : memref<8x12x64xf32, #tpu.memory_space<vmem>>, vector<16xf32>,
          %parallel_loop3A_297 = vector.shape_cast %get3A_120 : vector<16xi32> to vector<16x1xi32>
          %parallel_loop3A_298 = vector.shape_cast %parallel_loop3A_297 : vector<16x1xi32> to vector<16xi32>
          %parallel_loop3A_299 = tpu.dynamic_gather %parallel_loop3A_260[%parallel_loop3A_298] in [0] : vector<16xf32>, vector<16xi32> -> vector<16xf32>
          %parallel_loop3A_300 = vector.shape_cast %max3A_130 : vector<16xi32> to vector<16x1xi32>
          %parallel_loop3A_301 = vector.shape_cast %parallel_loop3A_300 : vector<16x1xi32> to vector<16xi32>
          %parallel_loop3A_302 = tpu.dynamic_gather %parallel_loop3A_264[%parallel_loop3A_301] in [0] : vector<16xf32>, vector<16xi32> -> vector<16xf32>
          %parallel_loop3A_303 = arith.select %lt3A_133, %parallel_loop3A_299, %parallel_loop3A_302 : vector<16xi1>, vector<16xf32>
          %parallel_loop3A_304 = vector.shape_cast %sub3A_139 : vector<16xi32> to vector<16x1xi32>
          %parallel_loop3A_305 = vector.shape_cast %parallel_loop3A_304 : vector<16x1xi32> to vector<16xi32>
          %parallel_loop3A_306 = tpu.dynamic_gather %parallel_loop3A_264[%parallel_loop3A_305] in [0] : vector<16xf32>, vector<16xi32> -> vector<16xf32>
          %parallel_loop3A_307 = arith.addf %parallel_loop3A_303, %parallel_loop3A_306 : vector<16xf32>
          %parallel_loop3A_308 = arith.constant 0 : i32
          %parallel_loop3A_309 = arith.index_cast %parallel_loop3A_308 : i32 to index
          %parallel_loop3A_310 = arith.index_cast %parallel_loop3A_250 : i32 to index
          %parallel_loop3A_311 = arith.constant 32 : index
          %parallel_loop3A_312 = tpu.vector_load %run_scoped3A_72[%parallel_loop3A_309, %parallel_loop3A_310, %parallel_loop3A_311] {strides = array<i32>} : memref<8x12x64xf32, #tpu.memory_space<vmem>>, vector<16xf32>,
          tpu.vector_store %run_scoped3A_72[%parallel_loop3A_309, %parallel_loop3A_310, %parallel_loop3A_311], %parallel_loop3A_307 {strides = array<i32>} : memref<8x12x64xf32, #tpu.memory_space<vmem>>, vector<16xf32>,
          %parallel_loop3A_313 = vector.shape_cast %get3A_143 : vector<16xi32> to vector<16x1xi32>
          %parallel_loop3A_314 = vector.shape_cast %parallel_loop3A_313 : vector<16x1xi32> to vector<16xi32>
          %parallel_loop3A_315 = tpu.dynamic_gather %parallel_loop3A_260[%parallel_loop3A_314] in [0] : vector<16xf32>, vector<16xi32> -> vector<16xf32>
          %parallel_loop3A_316 = vector.shape_cast %max3A_153 : vector<16xi32> to vector<16x1xi32>
          %parallel_loop3A_317 = vector.shape_cast %parallel_loop3A_316 : vector<16x1xi32> to vector<16xi32>
          %parallel_loop3A_318 = tpu.dynamic_gather %parallel_loop3A_264[%parallel_loop3A_317] in [0] : vector<16xf32>, vector<16xi32> -> vector<16xf32>
          %parallel_loop3A_319 = arith.select %lt3A_156, %parallel_loop3A_315, %parallel_loop3A_318 : vector<16xi1>, vector<16xf32>
          %parallel_loop3A_320 = vector.shape_cast %sub3A_162 : vector<16xi32> to vector<16x1xi32>
          %parallel_loop3A_321 = vector.shape_cast %parallel_loop3A_320 : vector<16x1xi32> to vector<16xi32>
          %parallel_loop3A_322 = tpu.dynamic_gather %parallel_loop3A_264[%parallel_loop3A_321] in [0] : vector<16xf32>, vector<16xi32> -> vector<16xf32>
          %parallel_loop3A_323 = arith.addf %parallel_loop3A_319, %parallel_loop3A_322 : vector<16xf32>
          %parallel_loop3A_324 = arith.constant 0 : i32
          %parallel_loop3A_325 = arith.index_cast %parallel_loop3A_324 : i32 to index
          %parallel_loop3A_326 = arith.index_cast %parallel_loop3A_250 : i32 to index
          %parallel_loop3A_327 = arith.constant 48 : index
          %parallel_loop3A_328 = tpu.vector_load %run_scoped3A_72[%parallel_loop3A_325, %parallel_loop3A_326, %parallel_loop3A_327] {strides = array<i32>} : memref<8x12x64xf32, #tpu.memory_space<vmem>>, vector<16xf32>,
          tpu.vector_store %run_scoped3A_72[%parallel_loop3A_325, %parallel_loop3A_326, %parallel_loop3A_327], %parallel_loop3A_323 {strides = array<i32>} : memref<8x12x64xf32, #tpu.memory_space<vmem>>, vector<16xf32>,
          %parallel_loop3A_329 = arith.constant 1 : i32
          %parallel_loop3A_330 = arith.addi %mul3A_237, %parallel_loop3A_329 : i32
          %parallel_loop3A_331 = arith.constant 12 : i32
          %parallel_loop3A_332 = arith.muli %parallel_loop3A_330, %parallel_loop3A_331 : i32
          %parallel_loop3A_333 = arith.addi %parallel_loop3A_332, %parallel_loop3A_250 : i32
          %parallel_loop3A_334 = arith.constant 48 : i32
          %parallel_loop3A_335 = arith.muli %parallel_loop3A_333, %parallel_loop3A_334 : i32
          %parallel_loop3A_336 = arith.addi %parallel_loop3A_335, %sub3A_69 : i32
          %parallel_loop3A_337 = arith.index_cast %parallel_loop3A_336 : i32 to index
          %parallel_loop3A_338 = tpu.vector_load %arg8[%parallel_loop3A_337] {strides = array<i32>} : memref<98304xf32, #tpu.memory_space<vmem>>, vector<16xf32>,
          %parallel_loop3A_339 = arith.constant 16 : i32
          %parallel_loop3A_340 = arith.addi %parallel_loop3A_336, %parallel_loop3A_339 : i32
          %parallel_loop3A_341 = arith.index_cast %parallel_loop3A_340 : i32 to index
          %parallel_loop3A_342 = tpu.vector_load %arg8[%parallel_loop3A_341] {strides = array<i32>} : memref<98304xf32, #tpu.memory_space<vmem>>, vector<16xf32>,
          %parallel_loop3A_343 = vector.shape_cast %get3A_75 : vector<16xi32> to vector<16x1xi32>
          %parallel_loop3A_344 = vector.shape_cast %parallel_loop3A_343 : vector<16x1xi32> to vector<16xi32>
          %parallel_loop3A_345 = tpu.dynamic_gather %parallel_loop3A_338[%parallel_loop3A_344] in [0] : vector<16xf32>, vector<16xi32> -> vector<16xf32>
          %parallel_loop3A_346 = vector.shape_cast %max3A_84 : vector<16xi32> to vector<16x1xi32>
          %parallel_loop3A_347 = vector.shape_cast %parallel_loop3A_346 : vector<16x1xi32> to vector<16xi32>
          %parallel_loop3A_348 = tpu.dynamic_gather %parallel_loop3A_342[%parallel_loop3A_347] in [0] : vector<16xf32>, vector<16xi32> -> vector<16xf32>
          %parallel_loop3A_349 = arith.select %lt3A_87, %parallel_loop3A_345, %parallel_loop3A_348 : vector<16xi1>, vector<16xf32>
          %parallel_loop3A_350 = vector.shape_cast %sub3A_93 : vector<16xi32> to vector<16x1xi32>
          %parallel_loop3A_351 = vector.shape_cast %parallel_loop3A_350 : vector<16x1xi32> to vector<16xi32>
          %parallel_loop3A_352 = tpu.dynamic_gather %parallel_loop3A_342[%parallel_loop3A_351] in [0] : vector<16xf32>, vector<16xi32> -> vector<16xf32>
          %parallel_loop3A_353 = arith.addf %parallel_loop3A_349, %parallel_loop3A_352 : vector<16xf32>
          %parallel_loop3A_354 = arith.constant 1 : i32
          %parallel_loop3A_355 = arith.index_cast %parallel_loop3A_354 : i32 to index
          %parallel_loop3A_356 = arith.index_cast %parallel_loop3A_250 : i32 to index
          %parallel_loop3A_357 = arith.constant 0 : index
          %parallel_loop3A_358 = tpu.vector_load %run_scoped3A_72[%parallel_loop3A_355, %parallel_loop3A_356, %parallel_loop3A_357] {strides = array<i32>} : memref<8x12x64xf32, #tpu.memory_space<vmem>>, vector<16xf32>,
          tpu.vector_store %run_scoped3A_72[%parallel_loop3A_355, %parallel_loop3A_356, %parallel_loop3A_357], %parallel_loop3A_353 {strides = array<i32>} : memref<8x12x64xf32, #tpu.memory_space<vmem>>, vector<16xf32>,
          %parallel_loop3A_359 = vector.shape_cast %get3A_97 : vector<16xi32> to vector<16x1xi32>
          %parallel_loop3A_360 = vector.shape_cast %parallel_loop3A_359 : vector<16x1xi32> to vector<16xi32>
          %parallel_loop3A_361 = tpu.dynamic_gather %parallel_loop3A_338[%parallel_loop3A_360] in [0] : vector<16xf32>, vector<16xi32> -> vector<16xf32>
          %parallel_loop3A_362 = vector.shape_cast %max3A_107 : vector<16xi32> to vector<16x1xi32>
          %parallel_loop3A_363 = vector.shape_cast %parallel_loop3A_362 : vector<16x1xi32> to vector<16xi32>
          %parallel_loop3A_364 = tpu.dynamic_gather %parallel_loop3A_342[%parallel_loop3A_363] in [0] : vector<16xf32>, vector<16xi32> -> vector<16xf32>
          %parallel_loop3A_365 = arith.select %lt3A_110, %parallel_loop3A_361, %parallel_loop3A_364 : vector<16xi1>, vector<16xf32>
          %parallel_loop3A_366 = vector.shape_cast %sub3A_116 : vector<16xi32> to vector<16x1xi32>
          %parallel_loop3A_367 = vector.shape_cast %parallel_loop3A_366 : vector<16x1xi32> to vector<16xi32>
          %parallel_loop3A_368 = tpu.dynamic_gather %parallel_loop3A_342[%parallel_loop3A_367] in [0] : vector<16xf32>, vector<16xi32> -> vector<16xf32>
          %parallel_loop3A_369 = arith.addf %parallel_loop3A_365, %parallel_loop3A_368 : vector<16xf32>
          %parallel_loop3A_370 = arith.constant 1 : i32
          %parallel_loop3A_371 = arith.index_cast %parallel_loop3A_370 : i32 to index
          %parallel_loop3A_372 = arith.index_cast %parallel_loop3A_250 : i32 to index
          %parallel_loop3A_373 = arith.constant 16 : index
          %parallel_loop3A_374 = tpu.vector_load %run_scoped3A_72[%parallel_loop3A_371, %parallel_loop3A_372, %parallel_loop3A_373] {strides = array<i32>} : memref<8x12x64xf32, #tpu.memory_space<vmem>>, vector<16xf32>,
          tpu.vector_store %run_scoped3A_72[%parallel_loop3A_371, %parallel_loop3A_372, %parallel_loop3A_373], %parallel_loop3A_369 {strides = array<i32>} : memref<8x12x64xf32, #tpu.memory_space<vmem>>, vector<16xf32>,
          %parallel_loop3A_375 = vector.shape_cast %get3A_120 : vector<16xi32> to vector<16x1xi32>
          %parallel_loop3A_376 = vector.shape_cast %parallel_loop3A_375 : vector<16x1xi32> to vector<16xi32>
          %parallel_loop3A_377 = tpu.dynamic_gather %parallel_loop3A_338[%parallel_loop3A_376] in [0] : vector<16xf32>, vector<16xi32> -> vector<16xf32>
          %parallel_loop3A_378 = vector.shape_cast %max3A_130 : vector<16xi32> to vector<16x1xi32>
          %parallel_loop3A_379 = vector.shape_cast %parallel_loop3A_378 : vector<16x1xi32> to vector<16xi32>
          %parallel_loop3A_380 = tpu.dynamic_gather %parallel_loop3A_342[%parallel_loop3A_379] in [0] : vector<16xf32>, vector<16xi32> -> vector<16xf32>
          %parallel_loop3A_381 = arith.select %lt3A_133, %parallel_loop3A_377, %parallel_loop3A_380 : vector<16xi1>, vector<16xf32>
          %parallel_loop3A_382 = vector.shape_cast %sub3A_139 : vector<16xi32> to vector<16x1xi32>
          %parallel_loop3A_383 = vector.shape_cast %parallel_loop3A_382 : vector<16x1xi32> to vector<16xi32>
          %parallel_loop3A_384 = tpu.dynamic_gather %parallel_loop3A_342[%parallel_loop3A_383] in [0] : vector<16xf32>, vector<16xi32> -> vector<16xf32>
          %parallel_loop3A_385 = arith.addf %parallel_loop3A_381, %parallel_loop3A_384 : vector<16xf32>
          %parallel_loop3A_386 = arith.constant 1 : i32
          %parallel_loop3A_387 = arith.index_cast %parallel_loop3A_386 : i32 to index
          %parallel_loop3A_388 = arith.index_cast %parallel_loop3A_250 : i32 to index
          %parallel_loop3A_389 = arith.constant 32 : index
          %parallel_loop3A_390 = tpu.vector_load %run_scoped3A_72[%parallel_loop3A_387, %parallel_loop3A_388, %parallel_loop3A_389] {strides = array<i32>} : memref<8x12x64xf32, #tpu.memory_space<vmem>>, vector<16xf32>,
          tpu.vector_store %run_scoped3A_72[%parallel_loop3A_387, %parallel_loop3A_388, %parallel_loop3A_389], %parallel_loop3A_385 {strides = array<i32>} : memref<8x12x64xf32, #tpu.memory_space<vmem>>, vector<16xf32>,
          %parallel_loop3A_391 = vector.shape_cast %get3A_143 : vector<16xi32> to vector<16x1xi32>
          %parallel_loop3A_392 = vector.shape_cast %parallel_loop3A_391 : vector<16x1xi32> to vector<16xi32>
          %parallel_loop3A_393 = tpu.dynamic_gather %parallel_loop3A_338[%parallel_loop3A_392] in [0] : vector<16xf32>, vector<16xi32> -> vector<16xf32>
          %parallel_loop3A_394 = vector.shape_cast %max3A_153 : vector<16xi32> to vector<16x1xi32>
          %parallel_loop3A_395 = vector.shape_cast %parallel_loop3A_394 : vector<16x1xi32> to vector<16xi32>
          %parallel_loop3A_396 = tpu.dynamic_gather %parallel_loop3A_342[%parallel_loop3A_395] in [0] : vector<16xf32>, vector<16xi32> -> vector<16xf32>
          %parallel_loop3A_397 = arith.select %lt3A_156, %parallel_loop3A_393, %parallel_loop3A_396 : vector<16xi1>, vector<16xf32>
          %parallel_loop3A_398 = vector.shape_cast %sub3A_162 : vector<16xi32> to vector<16x1xi32>
          %parallel_loop3A_399 = vector.shape_cast %parallel_loop3A_398 : vector<16x1xi32> to vector<16xi32>
          %parallel_loop3A_400 = tpu.dynamic_gather %parallel_loop3A_342[%parallel_loop3A_399] in [0] : vector<16xf32>, vector<16xi32> -> vector<16xf32>
          %parallel_loop3A_401 = arith.addf %parallel_loop3A_397, %parallel_loop3A_400 : vector<16xf32>
          %parallel_loop3A_402 = arith.constant 1 : i32
          %parallel_loop3A_403 = arith.index_cast %parallel_loop3A_402 : i32 to index
          %parallel_loop3A_404 = arith.index_cast %parallel_loop3A_250 : i32 to index
          %parallel_loop3A_405 = arith.constant 48 : index
          %parallel_loop3A_406 = tpu.vector_load %run_scoped3A_72[%parallel_loop3A_403, %parallel_loop3A_404, %parallel_loop3A_405] {strides = array<i32>} : memref<8x12x64xf32, #tpu.memory_space<vmem>>, vector<16xf32>,
          tpu.vector_store %run_scoped3A_72[%parallel_loop3A_403, %parallel_loop3A_404, %parallel_loop3A_405], %parallel_loop3A_401 {strides = array<i32>} : memref<8x12x64xf32, #tpu.memory_space<vmem>>, vector<16xf32>,
          %parallel_loop3A_407 = arith.constant 2 : i32
          %parallel_loop3A_408 = arith.addi %mul3A_237, %parallel_loop3A_407 : i32
          %parallel_loop3A_409 = arith.constant 12 : i32
          %parallel_loop3A_410 = arith.muli %parallel_loop3A_408, %parallel_loop3A_409 : i32
          %parallel_loop3A_411 = arith.addi %parallel_loop3A_410, %parallel_loop3A_250 : i32
          %parallel_loop3A_412 = arith.constant 48 : i32
          %parallel_loop3A_413 = arith.muli %parallel_loop3A_411, %parallel_loop3A_412 : i32
          %parallel_loop3A_414 = arith.addi %parallel_loop3A_413, %sub3A_69 : i32
          %parallel_loop3A_415 = arith.index_cast %parallel_loop3A_414 : i32 to index
          %parallel_loop3A_416 = tpu.vector_load %arg8[%parallel_loop3A_415] {strides = array<i32>} : memref<98304xf32, #tpu.memory_space<vmem>>, vector<16xf32>,
          %parallel_loop3A_417 = arith.constant 16 : i32
          %parallel_loop3A_418 = arith.addi %parallel_loop3A_414, %parallel_loop3A_417 : i32
          %parallel_loop3A_419 = arith.index_cast %parallel_loop3A_418 : i32 to index
          %parallel_loop3A_420 = tpu.vector_load %arg8[%parallel_loop3A_419] {strides = array<i32>} : memref<98304xf32, #tpu.memory_space<vmem>>, vector<16xf32>,
          %parallel_loop3A_421 = vector.shape_cast %get3A_75 : vector<16xi32> to vector<16x1xi32>
          %parallel_loop3A_422 = vector.shape_cast %parallel_loop3A_421 : vector<16x1xi32> to vector<16xi32>
          %parallel_loop3A_423 = tpu.dynamic_gather %parallel_loop3A_416[%parallel_loop3A_422] in [0] : vector<16xf32>, vector<16xi32> -> vector<16xf32>
          %parallel_loop3A_424 = vector.shape_cast %max3A_84 : vector<16xi32> to vector<16x1xi32>
          %parallel_loop3A_425 = vector.shape_cast %parallel_loop3A_424 : vector<16x1xi32> to vector<16xi32>
          %parallel_loop3A_426 = tpu.dynamic_gather %parallel_loop3A_420[%parallel_loop3A_425] in [0] : vector<16xf32>, vector<16xi32> -> vector<16xf32>
          %parallel_loop3A_427 = arith.select %lt3A_87, %parallel_loop3A_423, %parallel_loop3A_426 : vector<16xi1>, vector<16xf32>
          %parallel_loop3A_428 = vector.shape_cast %sub3A_93 : vector<16xi32> to vector<16x1xi32>
          %parallel_loop3A_429 = vector.shape_cast %parallel_loop3A_428 : vector<16x1xi32> to vector<16xi32>
          %parallel_loop3A_430 = tpu.dynamic_gather %parallel_loop3A_420[%parallel_loop3A_429] in [0] : vector<16xf32>, vector<16xi32> -> vector<16xf32>
          %parallel_loop3A_431 = arith.addf %parallel_loop3A_427, %parallel_loop3A_430 : vector<16xf32>
          %parallel_loop3A_432 = arith.constant 2 : i32
          %parallel_loop3A_433 = arith.index_cast %parallel_loop3A_432 : i32 to index
          %parallel_loop3A_434 = arith.index_cast %parallel_loop3A_250 : i32 to index
          %parallel_loop3A_435 = arith.constant 0 : index
          %parallel_loop3A_436 = tpu.vector_load %run_scoped3A_72[%parallel_loop3A_433, %parallel_loop3A_434, %parallel_loop3A_435] {strides = array<i32>} : memref<8x12x64xf32, #tpu.memory_space<vmem>>, vector<16xf32>,
          tpu.vector_store %run_scoped3A_72[%parallel_loop3A_433, %parallel_loop3A_434, %parallel_loop3A_435], %parallel_loop3A_431 {strides = array<i32>} : memref<8x12x64xf32, #tpu.memory_space<vmem>>, vector<16xf32>,
          %parallel_loop3A_437 = vector.shape_cast %get3A_97 : vector<16xi32> to vector<16x1xi32>
          %parallel_loop3A_438 = vector.shape_cast %parallel_loop3A_437 : vector<16x1xi32> to vector<16xi32>
          %parallel_loop3A_439 = tpu.dynamic_gather %parallel_loop3A_416[%parallel_loop3A_438] in [0] : vector<16xf32>, vector<16xi32> -> vector<16xf32>
          %parallel_loop3A_440 = vector.shape_cast %max3A_107 : vector<16xi32> to vector<16x1xi32>
          %parallel_loop3A_441 = vector.shape_cast %parallel_loop3A_440 : vector<16x1xi32> to vector<16xi32>
          %parallel_loop3A_442 = tpu.dynamic_gather %parallel_loop3A_420[%parallel_loop3A_441] in [0] : vector<16xf32>, vector<16xi32> -> vector<16xf32>
          %parallel_loop3A_443 = arith.select %lt3A_110, %parallel_loop3A_439, %parallel_loop3A_442 : vector<16xi1>, vector<16xf32>
          %parallel_loop3A_444 = vector.shape_cast %sub3A_116 : vector<16xi32> to vector<16x1xi32>
          %parallel_loop3A_445 = vector.shape_cast %parallel_loop3A_444 : vector<16x1xi32> to vector<16xi32>
          %parallel_loop3A_446 = tpu.dynamic_gather %parallel_loop3A_420[%parallel_loop3A_445] in [0] : vector<16xf32>, vector<16xi32> -> vector<16xf32>
          %parallel_loop3A_447 = arith.addf %parallel_loop3A_443, %parallel_loop3A_446 : vector<16xf32>
          %parallel_loop3A_448 = arith.constant 2 : i32
          %parallel_loop3A_449 = arith.index_cast %parallel_loop3A_448 : i32 to index
          %parallel_loop3A_450 = arith.index_cast %parallel_loop3A_250 : i32 to index
          %parallel_loop3A_451 = arith.constant 16 : index
          %parallel_loop3A_452 = tpu.vector_load %run_scoped3A_72[%parallel_loop3A_449, %parallel_loop3A_450, %parallel_loop3A_451] {strides = array<i32>} : memref<8x12x64xf32, #tpu.memory_space<vmem>>, vector<16xf32>,
          tpu.vector_store %run_scoped3A_72[%parallel_loop3A_449, %parallel_loop3A_450, %parallel_loop3A_451], %parallel_loop3A_447 {strides = array<i32>} : memref<8x12x64xf32, #tpu.memory_space<vmem>>, vector<16xf32>,
          %parallel_loop3A_453 = vector.shape_cast %get3A_120 : vector<16xi32> to vector<16x1xi32>
          %parallel_loop3A_454 = vector.shape_cast %parallel_loop3A_453 : vector<16x1xi32> to vector<16xi32>
          %parallel_loop3A_455 = tpu.dynamic_gather %parallel_loop3A_416[%parallel_loop3A_454] in [0] : vector<16xf32>, vector<16xi32> -> vector<16xf32>
          %parallel_loop3A_456 = vector.shape_cast %max3A_130 : vector<16xi32> to vector<16x1xi32>
          %parallel_loop3A_457 = vector.shape_cast %parallel_loop3A_456 : vector<16x1xi32> to vector<16xi32>
          %parallel_loop3A_458 = tpu.dynamic_gather %parallel_loop3A_420[%parallel_loop3A_457] in [0] : vector<16xf32>, vector<16xi32> -> vector<16xf32>
          %parallel_loop3A_459 = arith.select %lt3A_133, %parallel_loop3A_455, %parallel_loop3A_458 : vector<16xi1>, vector<16xf32>
          %parallel_loop3A_460 = vector.shape_cast %sub3A_139 : vector<16xi32> to vector<16x1xi32>
          %parallel_loop3A_461 = vector.shape_cast %parallel_loop3A_460 : vector<16x1xi32> to vector<16xi32>
          %parallel_loop3A_462 = tpu.dynamic_gather %parallel_loop3A_420[%parallel_loop3A_461] in [0] : vector<16xf32>, vector<16xi32> -> vector<16xf32>
          %parallel_loop3A_463 = arith.addf %parallel_loop3A_459, %parallel_loop3A_462 : vector<16xf32>
          %parallel_loop3A_464 = arith.constant 2 : i32
          %parallel_loop3A_465 = arith.index_cast %parallel_loop3A_464 : i32 to index
          %parallel_loop3A_466 = arith.index_cast %parallel_loop3A_250 : i32 to index
          %parallel_loop3A_467 = arith.constant 32 : index
          %parallel_loop3A_468 = tpu.vector_load %run_scoped3A_72[%parallel_loop3A_465, %parallel_loop3A_466, %parallel_loop3A_467] {strides = array<i32>} : memref<8x12x64xf32, #tpu.memory_space<vmem>>, vector<16xf32>,
          tpu.vector_store %run_scoped3A_72[%parallel_loop3A_465, %parallel_loop3A_466, %parallel_loop3A_467], %parallel_loop3A_463 {strides = array<i32>} : memref<8x12x64xf32, #tpu.memory_space<vmem>>, vector<16xf32>,
          %parallel_loop3A_469 = vector.shape_cast %get3A_143 : vector<16xi32> to vector<16x1xi32>
          %parallel_loop3A_470 = vector.shape_cast %parallel_loop3A_469 : vector<16x1xi32> to vector<16xi32>
          %parallel_loop3A_471 = tpu.dynamic_gather %parallel_loop3A_416[%parallel_loop3A_470] in [0] : vector<16xf32>, vector<16xi32> -> vector<16xf32>
          %parallel_loop3A_472 = vector.shape_cast %max3A_153 : vector<16xi32> to vector<16x1xi32>
          %parallel_loop3A_473 = vector.shape_cast %parallel_loop3A_472 : vector<16x1xi32> to vector<16xi32>
          %parallel_loop3A_474 = tpu.dynamic_gather %parallel_loop3A_420[%parallel_loop3A_473] in [0] : vector<16xf32>, vector<16xi32> -> vector<16xf32>
          %parallel_loop3A_475 = arith.select %lt3A_156, %parallel_loop3A_471, %parallel_loop3A_474 : vector<16xi1>, vector<16xf32>
          %parallel_loop3A_476 = vector.shape_cast %sub3A_162 : vector<16xi32> to vector<16x1xi32>
          %parallel_loop3A_477 = vector.shape_cast %parallel_loop3A_476 : vector<16x1xi32> to vector<16xi32>
          %parallel_loop3A_478 = tpu.dynamic_gather %parallel_loop3A_420[%parallel_loop3A_477] in [0] : vector<16xf32>, vector<16xi32> -> vector<16xf32>
          %parallel_loop3A_479 = arith.addf %parallel_loop3A_475, %parallel_loop3A_478 : vector<16xf32>
          %parallel_loop3A_480 = arith.constant 2 : i32
          %parallel_loop3A_481 = arith.index_cast %parallel_loop3A_480 : i32 to index
          %parallel_loop3A_482 = arith.index_cast %parallel_loop3A_250 : i32 to index
          %parallel_loop3A_483 = arith.constant 48 : index
          %parallel_loop3A_484 = tpu.vector_load %run_scoped3A_72[%parallel_loop3A_481, %parallel_loop3A_482, %parallel_loop3A_483] {strides = array<i32>} : memref<8x12x64xf32, #tpu.memory_space<vmem>>, vector<16xf32>,
          tpu.vector_store %run_scoped3A_72[%parallel_loop3A_481, %parallel_loop3A_482, %parallel_loop3A_483], %parallel_loop3A_479 {strides = array<i32>} : memref<8x12x64xf32, #tpu.memory_space<vmem>>, vector<16xf32>,
          %parallel_loop3A_485 = arith.constant 3 : i32
          %parallel_loop3A_486 = arith.addi %mul3A_237, %parallel_loop3A_485 : i32
          %parallel_loop3A_487 = arith.constant 12 : i32
          %parallel_loop3A_488 = arith.muli %parallel_loop3A_486, %parallel_loop3A_487 : i32
          %parallel_loop3A_489 = arith.addi %parallel_loop3A_488, %parallel_loop3A_250 : i32
          %parallel_loop3A_490 = arith.constant 48 : i32
          %parallel_loop3A_491 = arith.muli %parallel_loop3A_489, %parallel_loop3A_490 : i32
          %parallel_loop3A_492 = arith.addi %parallel_loop3A_491, %sub3A_69 : i32
          %parallel_loop3A_493 = arith.index_cast %parallel_loop3A_492 : i32 to index
          %parallel_loop3A_494 = tpu.vector_load %arg8[%parallel_loop3A_493] {strides = array<i32>} : memref<98304xf32, #tpu.memory_space<vmem>>, vector<16xf32>,
          %parallel_loop3A_495 = arith.constant 16 : i32
          %parallel_loop3A_496 = arith.addi %parallel_loop3A_492, %parallel_loop3A_495 : i32
          %parallel_loop3A_497 = arith.index_cast %parallel_loop3A_496 : i32 to index
          %parallel_loop3A_498 = tpu.vector_load %arg8[%parallel_loop3A_497] {strides = array<i32>} : memref<98304xf32, #tpu.memory_space<vmem>>, vector<16xf32>,
          %parallel_loop3A_499 = vector.shape_cast %get3A_75 : vector<16xi32> to vector<16x1xi32>
          %parallel_loop3A_500 = vector.shape_cast %parallel_loop3A_499 : vector<16x1xi32> to vector<16xi32>
          %parallel_loop3A_501 = tpu.dynamic_gather %parallel_loop3A_494[%parallel_loop3A_500] in [0] : vector<16xf32>, vector<16xi32> -> vector<16xf32>
          %parallel_loop3A_502 = vector.shape_cast %max3A_84 : vector<16xi32> to vector<16x1xi32>
          %parallel_loop3A_503 = vector.shape_cast %parallel_loop3A_502 : vector<16x1xi32> to vector<16xi32>
          %parallel_loop3A_504 = tpu.dynamic_gather %parallel_loop3A_498[%parallel_loop3A_503] in [0] : vector<16xf32>, vector<16xi32> -> vector<16xf32>
          %parallel_loop3A_505 = arith.select %lt3A_87, %parallel_loop3A_501, %parallel_loop3A_504 : vector<16xi1>, vector<16xf32>
          %parallel_loop3A_506 = vector.shape_cast %sub3A_93 : vector<16xi32> to vector<16x1xi32>
          %parallel_loop3A_507 = vector.shape_cast %parallel_loop3A_506 : vector<16x1xi32> to vector<16xi32>
          %parallel_loop3A_508 = tpu.dynamic_gather %parallel_loop3A_498[%parallel_loop3A_507] in [0] : vector<16xf32>, vector<16xi32> -> vector<16xf32>
          %parallel_loop3A_509 = arith.addf %parallel_loop3A_505, %parallel_loop3A_508 : vector<16xf32>
          %parallel_loop3A_510 = arith.constant 3 : i32
          %parallel_loop3A_511 = arith.index_cast %parallel_loop3A_510 : i32 to index
          %parallel_loop3A_512 = arith.index_cast %parallel_loop3A_250 : i32 to index
          %parallel_loop3A_513 = arith.constant 0 : index
          %parallel_loop3A_514 = tpu.vector_load %run_scoped3A_72[%parallel_loop3A_511, %parallel_loop3A_512, %parallel_loop3A_513] {strides = array<i32>} : memref<8x12x64xf32, #tpu.memory_space<vmem>>, vector<16xf32>,
          tpu.vector_store %run_scoped3A_72[%parallel_loop3A_511, %parallel_loop3A_512, %parallel_loop3A_513], %parallel_loop3A_509 {strides = array<i32>} : memref<8x12x64xf32, #tpu.memory_space<vmem>>, vector<16xf32>,
          %parallel_loop3A_515 = vector.shape_cast %get3A_97 : vector<16xi32> to vector<16x1xi32>
          %parallel_loop3A_516 = vector.shape_cast %parallel_loop3A_515 : vector<16x1xi32> to vector<16xi32>
          %parallel_loop3A_517 = tpu.dynamic_gather %parallel_loop3A_494[%parallel_loop3A_516] in [0] : vector<16xf32>, vector<16xi32> -> vector<16xf32>
          %parallel_loop3A_518 = vector.shape_cast %max3A_107 : vector<16xi32> to vector<16x1xi32>
          %parallel_loop3A_519 = vector.shape_cast %parallel_loop3A_518 : vector<16x1xi32> to vector<16xi32>
          %parallel_loop3A_520 = tpu.dynamic_gather %parallel_loop3A_498[%parallel_loop3A_519] in [0] : vector<16xf32>, vector<16xi32> -> vector<16xf32>
          %parallel_loop3A_521 = arith.select %lt3A_110, %parallel_loop3A_517, %parallel_loop3A_520 : vector<16xi1>, vector<16xf32>
          %parallel_loop3A_522 = vector.shape_cast %sub3A_116 : vector<16xi32> to vector<16x1xi32>
          %parallel_loop3A_523 = vector.shape_cast %parallel_loop3A_522 : vector<16x1xi32> to vector<16xi32>
          %parallel_loop3A_524 = tpu.dynamic_gather %parallel_loop3A_498[%parallel_loop3A_523] in [0] : vector<16xf32>, vector<16xi32> -> vector<16xf32>
          %parallel_loop3A_525 = arith.addf %parallel_loop3A_521, %parallel_loop3A_524 : vector<16xf32>
          %parallel_loop3A_526 = arith.constant 3 : i32
          %parallel_loop3A_527 = arith.index_cast %parallel_loop3A_526 : i32 to index
          %parallel_loop3A_528 = arith.index_cast %parallel_loop3A_250 : i32 to index
          %parallel_loop3A_529 = arith.constant 16 : index
          %parallel_loop3A_530 = tpu.vector_load %run_scoped3A_72[%parallel_loop3A_527, %parallel_loop3A_528, %parallel_loop3A_529] {strides = array<i32>} : memref<8x12x64xf32, #tpu.memory_space<vmem>>, vector<16xf32>,
          tpu.vector_store %run_scoped3A_72[%parallel_loop3A_527, %parallel_loop3A_528, %parallel_loop3A_529], %parallel_loop3A_525 {strides = array<i32>} : memref<8x12x64xf32, #tpu.memory_space<vmem>>, vector<16xf32>,
          %parallel_loop3A_531 = vector.shape_cast %get3A_120 : vector<16xi32> to vector<16x1xi32>
          %parallel_loop3A_532 = vector.shape_cast %parallel_loop3A_531 : vector<16x1xi32> to vector<16xi32>
          %parallel_loop3A_533 = tpu.dynamic_gather %parallel_loop3A_494[%parallel_loop3A_532] in [0] : vector<16xf32>, vector<16xi32> -> vector<16xf32>
          %parallel_loop3A_534 = vector.shape_cast %max3A_130 : vector<16xi32> to vector<16x1xi32>
          %parallel_loop3A_535 = vector.shape_cast %parallel_loop3A_534 : vector<16x1xi32> to vector<16xi32>
          %parallel_loop3A_536 = tpu.dynamic_gather %parallel_loop3A_498[%parallel_loop3A_535] in [0] : vector<16xf32>, vector<16xi32> -> vector<16xf32>
          %parallel_loop3A_537 = arith.select %lt3A_133, %parallel_loop3A_533, %parallel_loop3A_536 : vector<16xi1>, vector<16xf32>
          %parallel_loop3A_538 = vector.shape_cast %sub3A_139 : vector<16xi32> to vector<16x1xi32>
          %parallel_loop3A_539 = vector.shape_cast %parallel_loop3A_538 : vector<16x1xi32> to vector<16xi32>
          %parallel_loop3A_540 = tpu.dynamic_gather %parallel_loop3A_498[%parallel_loop3A_539] in [0] : vector<16xf32>, vector<16xi32> -> vector<16xf32>
          %parallel_loop3A_541 = arith.addf %parallel_loop3A_537, %parallel_loop3A_540 : vector<16xf32>
          %parallel_loop3A_542 = arith.constant 3 : i32
          %parallel_loop3A_543 = arith.index_cast %parallel_loop3A_542 : i32 to index
          %parallel_loop3A_544 = arith.index_cast %parallel_loop3A_250 : i32 to index
          %parallel_loop3A_545 = arith.constant 32 : index
          %parallel_loop3A_546 = tpu.vector_load %run_scoped3A_72[%parallel_loop3A_543, %parallel_loop3A_544, %parallel_loop3A_545] {strides = array<i32>} : memref<8x12x64xf32, #tpu.memory_space<vmem>>, vector<16xf32>,
          tpu.vector_store %run_scoped3A_72[%parallel_loop3A_543, %parallel_loop3A_544, %parallel_loop3A_545], %parallel_loop3A_541 {strides = array<i32>} : memref<8x12x64xf32, #tpu.memory_space<vmem>>, vector<16xf32>,
          %parallel_loop3A_547 = vector.shape_cast %get3A_143 : vector<16xi32> to vector<16x1xi32>
          %parallel_loop3A_548 = vector.shape_cast %parallel_loop3A_547 : vector<16x1xi32> to vector<16xi32>
          %parallel_loop3A_549 = tpu.dynamic_gather %parallel_loop3A_494[%parallel_loop3A_548] in [0] : vector<16xf32>, vector<16xi32> -> vector<16xf32>
          %parallel_loop3A_550 = vector.shape_cast %max3A_153 : vector<16xi32> to vector<16x1xi32>
          %parallel_loop3A_551 = vector.shape_cast %parallel_loop3A_550 : vector<16x1xi32> to vector<16xi32>
          %parallel_loop3A_552 = tpu.dynamic_gather %parallel_loop3A_498[%parallel_loop3A_551] in [0] : vector<16xf32>, vector<16xi32> -> vector<16xf32>
          %parallel_loop3A_553 = arith.select %lt3A_156, %parallel_loop3A_549, %parallel_loop3A_552 : vector<16xi1>, vector<16xf32>
          %parallel_loop3A_554 = vector.shape_cast %sub3A_162 : vector<16xi32> to vector<16x1xi32>
          %parallel_loop3A_555 = vector.shape_cast %parallel_loop3A_554 : vector<16x1xi32> to vector<16xi32>
          %parallel_loop3A_556 = tpu.dynamic_gather %parallel_loop3A_498[%parallel_loop3A_555] in [0] : vector<16xf32>, vector<16xi32> -> vector<16xf32>
          %parallel_loop3A_557 = arith.addf %parallel_loop3A_553, %parallel_loop3A_556 : vector<16xf32>
          %parallel_loop3A_558 = arith.constant 3 : i32
          %parallel_loop3A_559 = arith.index_cast %parallel_loop3A_558 : i32 to index
          %parallel_loop3A_560 = arith.index_cast %parallel_loop3A_250 : i32 to index
          %parallel_loop3A_561 = arith.constant 48 : index
          %parallel_loop3A_562 = tpu.vector_load %run_scoped3A_72[%parallel_loop3A_559, %parallel_loop3A_560, %parallel_loop3A_561] {strides = array<i32>} : memref<8x12x64xf32, #tpu.memory_space<vmem>>, vector<16xf32>,
          tpu.vector_store %run_scoped3A_72[%parallel_loop3A_559, %parallel_loop3A_560, %parallel_loop3A_561], %parallel_loop3A_557 {strides = array<i32>} : memref<8x12x64xf32, #tpu.memory_space<vmem>>, vector<16xf32>,
          %parallel_loop3A_563 = arith.constant 4 : i32
          %parallel_loop3A_564 = arith.addi %mul3A_237, %parallel_loop3A_563 : i32
          %parallel_loop3A_565 = arith.constant 12 : i32
          %parallel_loop3A_566 = arith.muli %parallel_loop3A_564, %parallel_loop3A_565 : i32
          %parallel_loop3A_567 = arith.addi %parallel_loop3A_566, %parallel_loop3A_250 : i32
          %parallel_loop3A_568 = arith.constant 48 : i32
          %parallel_loop3A_569 = arith.muli %parallel_loop3A_567, %parallel_loop3A_568 : i32
          %parallel_loop3A_570 = arith.addi %parallel_loop3A_569, %sub3A_69 : i32
          %parallel_loop3A_571 = arith.index_cast %parallel_loop3A_570 : i32 to index
          %parallel_loop3A_572 = tpu.vector_load %arg8[%parallel_loop3A_571] {strides = array<i32>} : memref<98304xf32, #tpu.memory_space<vmem>>, vector<16xf32>,
          %parallel_loop3A_573 = arith.constant 16 : i32
          %parallel_loop3A_574 = arith.addi %parallel_loop3A_570, %parallel_loop3A_573 : i32
          %parallel_loop3A_575 = arith.index_cast %parallel_loop3A_574 : i32 to index
          %parallel_loop3A_576 = tpu.vector_load %arg8[%parallel_loop3A_575] {strides = array<i32>} : memref<98304xf32, #tpu.memory_space<vmem>>, vector<16xf32>,
          %parallel_loop3A_577 = vector.shape_cast %get3A_75 : vector<16xi32> to vector<16x1xi32>
          %parallel_loop3A_578 = vector.shape_cast %parallel_loop3A_577 : vector<16x1xi32> to vector<16xi32>
          %parallel_loop3A_579 = tpu.dynamic_gather %parallel_loop3A_572[%parallel_loop3A_578] in [0] : vector<16xf32>, vector<16xi32> -> vector<16xf32>
          %parallel_loop3A_580 = vector.shape_cast %max3A_84 : vector<16xi32> to vector<16x1xi32>
          %parallel_loop3A_581 = vector.shape_cast %parallel_loop3A_580 : vector<16x1xi32> to vector<16xi32>
          %parallel_loop3A_582 = tpu.dynamic_gather %parallel_loop3A_576[%parallel_loop3A_581] in [0] : vector<16xf32>, vector<16xi32> -> vector<16xf32>
          %parallel_loop3A_583 = arith.select %lt3A_87, %parallel_loop3A_579, %parallel_loop3A_582 : vector<16xi1>, vector<16xf32>
          %parallel_loop3A_584 = vector.shape_cast %sub3A_93 : vector<16xi32> to vector<16x1xi32>
          %parallel_loop3A_585 = vector.shape_cast %parallel_loop3A_584 : vector<16x1xi32> to vector<16xi32>
          %parallel_loop3A_586 = tpu.dynamic_gather %parallel_loop3A_576[%parallel_loop3A_585] in [0] : vector<16xf32>, vector<16xi32> -> vector<16xf32>
          %parallel_loop3A_587 = arith.addf %parallel_loop3A_583, %parallel_loop3A_586 : vector<16xf32>
          %parallel_loop3A_588 = arith.constant 4 : i32
          %parallel_loop3A_589 = arith.index_cast %parallel_loop3A_588 : i32 to index
          %parallel_loop3A_590 = arith.index_cast %parallel_loop3A_250 : i32 to index
          %parallel_loop3A_591 = arith.constant 0 : index
          %parallel_loop3A_592 = tpu.vector_load %run_scoped3A_72[%parallel_loop3A_589, %parallel_loop3A_590, %parallel_loop3A_591] {strides = array<i32>} : memref<8x12x64xf32, #tpu.memory_space<vmem>>, vector<16xf32>,
          tpu.vector_store %run_scoped3A_72[%parallel_loop3A_589, %parallel_loop3A_590, %parallel_loop3A_591], %parallel_loop3A_587 {strides = array<i32>} : memref<8x12x64xf32, #tpu.memory_space<vmem>>, vector<16xf32>,
          %parallel_loop3A_593 = vector.shape_cast %get3A_97 : vector<16xi32> to vector<16x1xi32>
          %parallel_loop3A_594 = vector.shape_cast %parallel_loop3A_593 : vector<16x1xi32> to vector<16xi32>
          %parallel_loop3A_595 = tpu.dynamic_gather %parallel_loop3A_572[%parallel_loop3A_594] in [0] : vector<16xf32>, vector<16xi32> -> vector<16xf32>
          %parallel_loop3A_596 = vector.shape_cast %max3A_107 : vector<16xi32> to vector<16x1xi32>
          %parallel_loop3A_597 = vector.shape_cast %parallel_loop3A_596 : vector<16x1xi32> to vector<16xi32>
          %parallel_loop3A_598 = tpu.dynamic_gather %parallel_loop3A_576[%parallel_loop3A_597] in [0] : vector<16xf32>, vector<16xi32> -> vector<16xf32>
          %parallel_loop3A_599 = arith.select %lt3A_110, %parallel_loop3A_595, %parallel_loop3A_598 : vector<16xi1>, vector<16xf32>
          %parallel_loop3A_600 = vector.shape_cast %sub3A_116 : vector<16xi32> to vector<16x1xi32>
          %parallel_loop3A_601 = vector.shape_cast %parallel_loop3A_600 : vector<16x1xi32> to vector<16xi32>
          %parallel_loop3A_602 = tpu.dynamic_gather %parallel_loop3A_576[%parallel_loop3A_601] in [0] : vector<16xf32>, vector<16xi32> -> vector<16xf32>
          %parallel_loop3A_603 = arith.addf %parallel_loop3A_599, %parallel_loop3A_602 : vector<16xf32>
          %parallel_loop3A_604 = arith.constant 4 : i32
          %parallel_loop3A_605 = arith.index_cast %parallel_loop3A_604 : i32 to index
          %parallel_loop3A_606 = arith.index_cast %parallel_loop3A_250 : i32 to index
          %parallel_loop3A_607 = arith.constant 16 : index
          %parallel_loop3A_608 = tpu.vector_load %run_scoped3A_72[%parallel_loop3A_605, %parallel_loop3A_606, %parallel_loop3A_607] {strides = array<i32>} : memref<8x12x64xf32, #tpu.memory_space<vmem>>, vector<16xf32>,
          tpu.vector_store %run_scoped3A_72[%parallel_loop3A_605, %parallel_loop3A_606, %parallel_loop3A_607], %parallel_loop3A_603 {strides = array<i32>} : memref<8x12x64xf32, #tpu.memory_space<vmem>>, vector<16xf32>,
          %parallel_loop3A_609 = vector.shape_cast %get3A_120 : vector<16xi32> to vector<16x1xi32>
          %parallel_loop3A_610 = vector.shape_cast %parallel_loop3A_609 : vector<16x1xi32> to vector<16xi32>
          %parallel_loop3A_611 = tpu.dynamic_gather %parallel_loop3A_572[%parallel_loop3A_610] in [0] : vector<16xf32>, vector<16xi32> -> vector<16xf32>
          %parallel_loop3A_612 = vector.shape_cast %max3A_130 : vector<16xi32> to vector<16x1xi32>
          %parallel_loop3A_613 = vector.shape_cast %parallel_loop3A_612 : vector<16x1xi32> to vector<16xi32>
          %parallel_loop3A_614 = tpu.dynamic_gather %parallel_loop3A_576[%parallel_loop3A_613] in [0] : vector<16xf32>, vector<16xi32> -> vector<16xf32>
          %parallel_loop3A_615 = arith.select %lt3A_133, %parallel_loop3A_611, %parallel_loop3A_614 : vector<16xi1>, vector<16xf32>
          %parallel_loop3A_616 = vector.shape_cast %sub3A_139 : vector<16xi32> to vector<16x1xi32>
          %parallel_loop3A_617 = vector.shape_cast %parallel_loop3A_616 : vector<16x1xi32> to vector<16xi32>
          %parallel_loop3A_618 = tpu.dynamic_gather %parallel_loop3A_576[%parallel_loop3A_617] in [0] : vector<16xf32>, vector<16xi32> -> vector<16xf32>
          %parallel_loop3A_619 = arith.addf %parallel_loop3A_615, %parallel_loop3A_618 : vector<16xf32>
          %parallel_loop3A_620 = arith.constant 4 : i32
          %parallel_loop3A_621 = arith.index_cast %parallel_loop3A_620 : i32 to index
          %parallel_loop3A_622 = arith.index_cast %parallel_loop3A_250 : i32 to index
          %parallel_loop3A_623 = arith.constant 32 : index
          %parallel_loop3A_624 = tpu.vector_load %run_scoped3A_72[%parallel_loop3A_621, %parallel_loop3A_622, %parallel_loop3A_623] {strides = array<i32>} : memref<8x12x64xf32, #tpu.memory_space<vmem>>, vector<16xf32>,
          tpu.vector_store %run_scoped3A_72[%parallel_loop3A_621, %parallel_loop3A_622, %parallel_loop3A_623], %parallel_loop3A_619 {strides = array<i32>} : memref<8x12x64xf32, #tpu.memory_space<vmem>>, vector<16xf32>,
          %parallel_loop3A_625 = vector.shape_cast %get3A_143 : vector<16xi32> to vector<16x1xi32>
          %parallel_loop3A_626 = vector.shape_cast %parallel_loop3A_625 : vector<16x1xi32> to vector<16xi32>
          %parallel_loop3A_627 = tpu.dynamic_gather %parallel_loop3A_572[%parallel_loop3A_626] in [0] : vector<16xf32>, vector<16xi32> -> vector<16xf32>
          %parallel_loop3A_628 = vector.shape_cast %max3A_153 : vector<16xi32> to vector<16x1xi32>
          %parallel_loop3A_629 = vector.shape_cast %parallel_loop3A_628 : vector<16x1xi32> to vector<16xi32>
          %parallel_loop3A_630 = tpu.dynamic_gather %parallel_loop3A_576[%parallel_loop3A_629] in [0] : vector<16xf32>, vector<16xi32> -> vector<16xf32>
          %parallel_loop3A_631 = arith.select %lt3A_156, %parallel_loop3A_627, %parallel_loop3A_630 : vector<16xi1>, vector<16xf32>
          %parallel_loop3A_632 = vector.shape_cast %sub3A_162 : vector<16xi32> to vector<16x1xi32>
          %parallel_loop3A_633 = vector.shape_cast %parallel_loop3A_632 : vector<16x1xi32> to vector<16xi32>
          %parallel_loop3A_634 = tpu.dynamic_gather %parallel_loop3A_576[%parallel_loop3A_633] in [0] : vector<16xf32>, vector<16xi32> -> vector<16xf32>
          %parallel_loop3A_635 = arith.addf %parallel_loop3A_631, %parallel_loop3A_634 : vector<16xf32>
          %parallel_loop3A_636 = arith.constant 4 : i32
          %parallel_loop3A_637 = arith.index_cast %parallel_loop3A_636 : i32 to index
          %parallel_loop3A_638 = arith.index_cast %parallel_loop3A_250 : i32 to index
          %parallel_loop3A_639 = arith.constant 48 : index
          %parallel_loop3A_640 = tpu.vector_load %run_scoped3A_72[%parallel_loop3A_637, %parallel_loop3A_638, %parallel_loop3A_639] {strides = array<i32>} : memref<8x12x64xf32, #tpu.memory_space<vmem>>, vector<16xf32>,
          tpu.vector_store %run_scoped3A_72[%parallel_loop3A_637, %parallel_loop3A_638, %parallel_loop3A_639], %parallel_loop3A_635 {strides = array<i32>} : memref<8x12x64xf32, #tpu.memory_space<vmem>>, vector<16xf32>,
          %parallel_loop3A_641 = arith.constant 5 : i32
          %parallel_loop3A_642 = arith.addi %mul3A_237, %parallel_loop3A_641 : i32
          %parallel_loop3A_643 = arith.constant 12 : i32
          %parallel_loop3A_644 = arith.muli %parallel_loop3A_642, %parallel_loop3A_643 : i32
          %parallel_loop3A_645 = arith.addi %parallel_loop3A_644, %parallel_loop3A_250 : i32
          %parallel_loop3A_646 = arith.constant 48 : i32
          %parallel_loop3A_647 = arith.muli %parallel_loop3A_645, %parallel_loop3A_646 : i32
          %parallel_loop3A_648 = arith.addi %parallel_loop3A_647, %sub3A_69 : i32
          %parallel_loop3A_649 = arith.index_cast %parallel_loop3A_648 : i32 to index
          %parallel_loop3A_650 = tpu.vector_load %arg8[%parallel_loop3A_649] {strides = array<i32>} : memref<98304xf32, #tpu.memory_space<vmem>>, vector<16xf32>,
          %parallel_loop3A_651 = arith.constant 16 : i32
          %parallel_loop3A_652 = arith.addi %parallel_loop3A_648, %parallel_loop3A_651 : i32
          %parallel_loop3A_653 = arith.index_cast %parallel_loop3A_652 : i32 to index
          %parallel_loop3A_654 = tpu.vector_load %arg8[%parallel_loop3A_653] {strides = array<i32>} : memref<98304xf32, #tpu.memory_space<vmem>>, vector<16xf32>,
          %parallel_loop3A_655 = vector.shape_cast %get3A_75 : vector<16xi32> to vector<16x1xi32>
          %parallel_loop3A_656 = vector.shape_cast %parallel_loop3A_655 : vector<16x1xi32> to vector<16xi32>
          %parallel_loop3A_657 = tpu.dynamic_gather %parallel_loop3A_650[%parallel_loop3A_656] in [0] : vector<16xf32>, vector<16xi32> -> vector<16xf32>
          %parallel_loop3A_658 = vector.shape_cast %max3A_84 : vector<16xi32> to vector<16x1xi32>
          %parallel_loop3A_659 = vector.shape_cast %parallel_loop3A_658 : vector<16x1xi32> to vector<16xi32>
          %parallel_loop3A_660 = tpu.dynamic_gather %parallel_loop3A_654[%parallel_loop3A_659] in [0] : vector<16xf32>, vector<16xi32> -> vector<16xf32>
          %parallel_loop3A_661 = arith.select %lt3A_87, %parallel_loop3A_657, %parallel_loop3A_660 : vector<16xi1>, vector<16xf32>
          %parallel_loop3A_662 = vector.shape_cast %sub3A_93 : vector<16xi32> to vector<16x1xi32>
          %parallel_loop3A_663 = vector.shape_cast %parallel_loop3A_662 : vector<16x1xi32> to vector<16xi32>
          %parallel_loop3A_664 = tpu.dynamic_gather %parallel_loop3A_654[%parallel_loop3A_663] in [0] : vector<16xf32>, vector<16xi32> -> vector<16xf32>
          %parallel_loop3A_665 = arith.addf %parallel_loop3A_661, %parallel_loop3A_664 : vector<16xf32>
          %parallel_loop3A_666 = arith.constant 5 : i32
          %parallel_loop3A_667 = arith.index_cast %parallel_loop3A_666 : i32 to index
          %parallel_loop3A_668 = arith.index_cast %parallel_loop3A_250 : i32 to index
          %parallel_loop3A_669 = arith.constant 0 : index
          %parallel_loop3A_670 = tpu.vector_load %run_scoped3A_72[%parallel_loop3A_667, %parallel_loop3A_668, %parallel_loop3A_669] {strides = array<i32>} : memref<8x12x64xf32, #tpu.memory_space<vmem>>, vector<16xf32>,
          tpu.vector_store %run_scoped3A_72[%parallel_loop3A_667, %parallel_loop3A_668, %parallel_loop3A_669], %parallel_loop3A_665 {strides = array<i32>} : memref<8x12x64xf32, #tpu.memory_space<vmem>>, vector<16xf32>,
          %parallel_loop3A_671 = vector.shape_cast %get3A_97 : vector<16xi32> to vector<16x1xi32>
          %parallel_loop3A_672 = vector.shape_cast %parallel_loop3A_671 : vector<16x1xi32> to vector<16xi32>
          %parallel_loop3A_673 = tpu.dynamic_gather %parallel_loop3A_650[%parallel_loop3A_672] in [0] : vector<16xf32>, vector<16xi32> -> vector<16xf32>
          %parallel_loop3A_674 = vector.shape_cast %max3A_107 : vector<16xi32> to vector<16x1xi32>
          %parallel_loop3A_675 = vector.shape_cast %parallel_loop3A_674 : vector<16x1xi32> to vector<16xi32>
          %parallel_loop3A_676 = tpu.dynamic_gather %parallel_loop3A_654[%parallel_loop3A_675] in [0] : vector<16xf32>, vector<16xi32> -> vector<16xf32>
          %parallel_loop3A_677 = arith.select %lt3A_110, %parallel_loop3A_673, %parallel_loop3A_676 : vector<16xi1>, vector<16xf32>
          %parallel_loop3A_678 = vector.shape_cast %sub3A_116 : vector<16xi32> to vector<16x1xi32>
          %parallel_loop3A_679 = vector.shape_cast %parallel_loop3A_678 : vector<16x1xi32> to vector<16xi32>
          %parallel_loop3A_680 = tpu.dynamic_gather %parallel_loop3A_654[%parallel_loop3A_679] in [0] : vector<16xf32>, vector<16xi32> -> vector<16xf32>
          %parallel_loop3A_681 = arith.addf %parallel_loop3A_677, %parallel_loop3A_680 : vector<16xf32>
          %parallel_loop3A_682 = arith.constant 5 : i32
          %parallel_loop3A_683 = arith.index_cast %parallel_loop3A_682 : i32 to index
          %parallel_loop3A_684 = arith.index_cast %parallel_loop3A_250 : i32 to index
          %parallel_loop3A_685 = arith.constant 16 : index
          %parallel_loop3A_686 = tpu.vector_load %run_scoped3A_72[%parallel_loop3A_683, %parallel_loop3A_684, %parallel_loop3A_685] {strides = array<i32>} : memref<8x12x64xf32, #tpu.memory_space<vmem>>, vector<16xf32>,
          tpu.vector_store %run_scoped3A_72[%parallel_loop3A_683, %parallel_loop3A_684, %parallel_loop3A_685], %parallel_loop3A_681 {strides = array<i32>} : memref<8x12x64xf32, #tpu.memory_space<vmem>>, vector<16xf32>,
          %parallel_loop3A_687 = vector.shape_cast %get3A_120 : vector<16xi32> to vector<16x1xi32>
          %parallel_loop3A_688 = vector.shape_cast %parallel_loop3A_687 : vector<16x1xi32> to vector<16xi32>
          %parallel_loop3A_689 = tpu.dynamic_gather %parallel_loop3A_650[%parallel_loop3A_688] in [0] : vector<16xf32>, vector<16xi32> -> vector<16xf32>
          %parallel_loop3A_690 = vector.shape_cast %max3A_130 : vector<16xi32> to vector<16x1xi32>
          %parallel_loop3A_691 = vector.shape_cast %parallel_loop3A_690 : vector<16x1xi32> to vector<16xi32>
          %parallel_loop3A_692 = tpu.dynamic_gather %parallel_loop3A_654[%parallel_loop3A_691] in [0] : vector<16xf32>, vector<16xi32> -> vector<16xf32>
          %parallel_loop3A_693 = arith.select %lt3A_133, %parallel_loop3A_689, %parallel_loop3A_692 : vector<16xi1>, vector<16xf32>
          %parallel_loop3A_694 = vector.shape_cast %sub3A_139 : vector<16xi32> to vector<16x1xi32>
          %parallel_loop3A_695 = vector.shape_cast %parallel_loop3A_694 : vector<16x1xi32> to vector<16xi32>
          %parallel_loop3A_696 = tpu.dynamic_gather %parallel_loop3A_654[%parallel_loop3A_695] in [0] : vector<16xf32>, vector<16xi32> -> vector<16xf32>
          %parallel_loop3A_697 = arith.addf %parallel_loop3A_693, %parallel_loop3A_696 : vector<16xf32>
          %parallel_loop3A_698 = arith.constant 5 : i32
          %parallel_loop3A_699 = arith.index_cast %parallel_loop3A_698 : i32 to index
          %parallel_loop3A_700 = arith.index_cast %parallel_loop3A_250 : i32 to index
          %parallel_loop3A_701 = arith.constant 32 : index
          %parallel_loop3A_702 = tpu.vector_load %run_scoped3A_72[%parallel_loop3A_699, %parallel_loop3A_700, %parallel_loop3A_701] {strides = array<i32>} : memref<8x12x64xf32, #tpu.memory_space<vmem>>, vector<16xf32>,
          tpu.vector_store %run_scoped3A_72[%parallel_loop3A_699, %parallel_loop3A_700, %parallel_loop3A_701], %parallel_loop3A_697 {strides = array<i32>} : memref<8x12x64xf32, #tpu.memory_space<vmem>>, vector<16xf32>,
          %parallel_loop3A_703 = vector.shape_cast %get3A_143 : vector<16xi32> to vector<16x1xi32>
          %parallel_loop3A_704 = vector.shape_cast %parallel_loop3A_703 : vector<16x1xi32> to vector<16xi32>
          %parallel_loop3A_705 = tpu.dynamic_gather %parallel_loop3A_650[%parallel_loop3A_704] in [0] : vector<16xf32>, vector<16xi32> -> vector<16xf32>
          %parallel_loop3A_706 = vector.shape_cast %max3A_153 : vector<16xi32> to vector<16x1xi32>
          %parallel_loop3A_707 = vector.shape_cast %parallel_loop3A_706 : vector<16x1xi32> to vector<16xi32>
          %parallel_loop3A_708 = tpu.dynamic_gather %parallel_loop3A_654[%parallel_loop3A_707] in [0] : vector<16xf32>, vector<16xi32> -> vector<16xf32>
          %parallel_loop3A_709 = arith.select %lt3A_156, %parallel_loop3A_705, %parallel_loop3A_708 : vector<16xi1>, vector<16xf32>
          %parallel_loop3A_710 = vector.shape_cast %sub3A_162 : vector<16xi32> to vector<16x1xi32>
          %parallel_loop3A_711 = vector.shape_cast %parallel_loop3A_710 : vector<16x1xi32> to vector<16xi32>
          %parallel_loop3A_712 = tpu.dynamic_gather %parallel_loop3A_654[%parallel_loop3A_711] in [0] : vector<16xf32>, vector<16xi32> -> vector<16xf32>
          %parallel_loop3A_713 = arith.addf %parallel_loop3A_709, %parallel_loop3A_712 : vector<16xf32>
          %parallel_loop3A_714 = arith.constant 5 : i32
          %parallel_loop3A_715 = arith.index_cast %parallel_loop3A_714 : i32 to index
          %parallel_loop3A_716 = arith.index_cast %parallel_loop3A_250 : i32 to index
          %parallel_loop3A_717 = arith.constant 48 : index
          %parallel_loop3A_718 = tpu.vector_load %run_scoped3A_72[%parallel_loop3A_715, %parallel_loop3A_716, %parallel_loop3A_717] {strides = array<i32>} : memref<8x12x64xf32, #tpu.memory_space<vmem>>, vector<16xf32>,
          tpu.vector_store %run_scoped3A_72[%parallel_loop3A_715, %parallel_loop3A_716, %parallel_loop3A_717], %parallel_loop3A_713 {strides = array<i32>} : memref<8x12x64xf32, #tpu.memory_space<vmem>>, vector<16xf32>,
          %parallel_loop3A_719 = arith.constant 6 : i32
          %parallel_loop3A_720 = arith.addi %mul3A_237, %parallel_loop3A_719 : i32
          %parallel_loop3A_721 = arith.constant 12 : i32
          %parallel_loop3A_722 = arith.muli %parallel_loop3A_720, %parallel_loop3A_721 : i32
          %parallel_loop3A_723 = arith.addi %parallel_loop3A_722, %parallel_loop3A_250 : i32
          %parallel_loop3A_724 = arith.constant 48 : i32
          %parallel_loop3A_725 = arith.muli %parallel_loop3A_723, %parallel_loop3A_724 : i32
          %parallel_loop3A_726 = arith.addi %parallel_loop3A_725, %sub3A_69 : i32
          %parallel_loop3A_727 = arith.index_cast %parallel_loop3A_726 : i32 to index
          %parallel_loop3A_728 = tpu.vector_load %arg8[%parallel_loop3A_727] {strides = array<i32>} : memref<98304xf32, #tpu.memory_space<vmem>>, vector<16xf32>,
          %parallel_loop3A_729 = arith.constant 16 : i32
          %parallel_loop3A_730 = arith.addi %parallel_loop3A_726, %parallel_loop3A_729 : i32
          %parallel_loop3A_731 = arith.index_cast %parallel_loop3A_730 : i32 to index
          %parallel_loop3A_732 = tpu.vector_load %arg8[%parallel_loop3A_731] {strides = array<i32>} : memref<98304xf32, #tpu.memory_space<vmem>>, vector<16xf32>,
          %parallel_loop3A_733 = vector.shape_cast %get3A_75 : vector<16xi32> to vector<16x1xi32>
          %parallel_loop3A_734 = vector.shape_cast %parallel_loop3A_733 : vector<16x1xi32> to vector<16xi32>
          %parallel_loop3A_735 = tpu.dynamic_gather %parallel_loop3A_728[%parallel_loop3A_734] in [0] : vector<16xf32>, vector<16xi32> -> vector<16xf32>
          %parallel_loop3A_736 = vector.shape_cast %max3A_84 : vector<16xi32> to vector<16x1xi32>
          %parallel_loop3A_737 = vector.shape_cast %parallel_loop3A_736 : vector<16x1xi32> to vector<16xi32>
          %parallel_loop3A_738 = tpu.dynamic_gather %parallel_loop3A_732[%parallel_loop3A_737] in [0] : vector<16xf32>, vector<16xi32> -> vector<16xf32>
          %parallel_loop3A_739 = arith.select %lt3A_87, %parallel_loop3A_735, %parallel_loop3A_738 : vector<16xi1>, vector<16xf32>
          %parallel_loop3A_740 = vector.shape_cast %sub3A_93 : vector<16xi32> to vector<16x1xi32>
          %parallel_loop3A_741 = vector.shape_cast %parallel_loop3A_740 : vector<16x1xi32> to vector<16xi32>
          %parallel_loop3A_742 = tpu.dynamic_gather %parallel_loop3A_732[%parallel_loop3A_741] in [0] : vector<16xf32>, vector<16xi32> -> vector<16xf32>
          %parallel_loop3A_743 = arith.addf %parallel_loop3A_739, %parallel_loop3A_742 : vector<16xf32>
          %parallel_loop3A_744 = arith.constant 6 : i32
          %parallel_loop3A_745 = arith.index_cast %parallel_loop3A_744 : i32 to index
          %parallel_loop3A_746 = arith.index_cast %parallel_loop3A_250 : i32 to index
          %parallel_loop3A_747 = arith.constant 0 : index
          %parallel_loop3A_748 = tpu.vector_load %run_scoped3A_72[%parallel_loop3A_745, %parallel_loop3A_746, %parallel_loop3A_747] {strides = array<i32>} : memref<8x12x64xf32, #tpu.memory_space<vmem>>, vector<16xf32>,
          tpu.vector_store %run_scoped3A_72[%parallel_loop3A_745, %parallel_loop3A_746, %parallel_loop3A_747], %parallel_loop3A_743 {strides = array<i32>} : memref<8x12x64xf32, #tpu.memory_space<vmem>>, vector<16xf32>,
          %parallel_loop3A_749 = vector.shape_cast %get3A_97 : vector<16xi32> to vector<16x1xi32>
          %parallel_loop3A_750 = vector.shape_cast %parallel_loop3A_749 : vector<16x1xi32> to vector<16xi32>
          %parallel_loop3A_751 = tpu.dynamic_gather %parallel_loop3A_728[%parallel_loop3A_750] in [0] : vector<16xf32>, vector<16xi32> -> vector<16xf32>
          %parallel_loop3A_752 = vector.shape_cast %max3A_107 : vector<16xi32> to vector<16x1xi32>
          %parallel_loop3A_753 = vector.shape_cast %parallel_loop3A_752 : vector<16x1xi32> to vector<16xi32>
          %parallel_loop3A_754 = tpu.dynamic_gather %parallel_loop3A_732[%parallel_loop3A_753] in [0] : vector<16xf32>, vector<16xi32> -> vector<16xf32>
          %parallel_loop3A_755 = arith.select %lt3A_110, %parallel_loop3A_751, %parallel_loop3A_754 : vector<16xi1>, vector<16xf32>
          %parallel_loop3A_756 = vector.shape_cast %sub3A_116 : vector<16xi32> to vector<16x1xi32>
          %parallel_loop3A_757 = vector.shape_cast %parallel_loop3A_756 : vector<16x1xi32> to vector<16xi32>
          %parallel_loop3A_758 = tpu.dynamic_gather %parallel_loop3A_732[%parallel_loop3A_757] in [0] : vector<16xf32>, vector<16xi32> -> vector<16xf32>
          %parallel_loop3A_759 = arith.addf %parallel_loop3A_755, %parallel_loop3A_758 : vector<16xf32>
          %parallel_loop3A_760 = arith.constant 6 : i32
          %parallel_loop3A_761 = arith.index_cast %parallel_loop3A_760 : i32 to index
          %parallel_loop3A_762 = arith.index_cast %parallel_loop3A_250 : i32 to index
          %parallel_loop3A_763 = arith.constant 16 : index
          %parallel_loop3A_764 = tpu.vector_load %run_scoped3A_72[%parallel_loop3A_761, %parallel_loop3A_762, %parallel_loop3A_763] {strides = array<i32>} : memref<8x12x64xf32, #tpu.memory_space<vmem>>, vector<16xf32>,
          tpu.vector_store %run_scoped3A_72[%parallel_loop3A_761, %parallel_loop3A_762, %parallel_loop3A_763], %parallel_loop3A_759 {strides = array<i32>} : memref<8x12x64xf32, #tpu.memory_space<vmem>>, vector<16xf32>,
          %parallel_loop3A_765 = vector.shape_cast %get3A_120 : vector<16xi32> to vector<16x1xi32>
          %parallel_loop3A_766 = vector.shape_cast %parallel_loop3A_765 : vector<16x1xi32> to vector<16xi32>
          %parallel_loop3A_767 = tpu.dynamic_gather %parallel_loop3A_728[%parallel_loop3A_766] in [0] : vector<16xf32>, vector<16xi32> -> vector<16xf32>
          %parallel_loop3A_768 = vector.shape_cast %max3A_130 : vector<16xi32> to vector<16x1xi32>
          %parallel_loop3A_769 = vector.shape_cast %parallel_loop3A_768 : vector<16x1xi32> to vector<16xi32>
          %parallel_loop3A_770 = tpu.dynamic_gather %parallel_loop3A_732[%parallel_loop3A_769] in [0] : vector<16xf32>, vector<16xi32> -> vector<16xf32>
          %parallel_loop3A_771 = arith.select %lt3A_133, %parallel_loop3A_767, %parallel_loop3A_770 : vector<16xi1>, vector<16xf32>
          %parallel_loop3A_772 = vector.shape_cast %sub3A_139 : vector<16xi32> to vector<16x1xi32>
          %parallel_loop3A_773 = vector.shape_cast %parallel_loop3A_772 : vector<16x1xi32> to vector<16xi32>
          %parallel_loop3A_774 = tpu.dynamic_gather %parallel_loop3A_732[%parallel_loop3A_773] in [0] : vector<16xf32>, vector<16xi32> -> vector<16xf32>
          %parallel_loop3A_775 = arith.addf %parallel_loop3A_771, %parallel_loop3A_774 : vector<16xf32>
          %parallel_loop3A_776 = arith.constant 6 : i32
          %parallel_loop3A_777 = arith.index_cast %parallel_loop3A_776 : i32 to index
          %parallel_loop3A_778 = arith.index_cast %parallel_loop3A_250 : i32 to index
          %parallel_loop3A_779 = arith.constant 32 : index
          %parallel_loop3A_780 = tpu.vector_load %run_scoped3A_72[%parallel_loop3A_777, %parallel_loop3A_778, %parallel_loop3A_779] {strides = array<i32>} : memref<8x12x64xf32, #tpu.memory_space<vmem>>, vector<16xf32>,
          tpu.vector_store %run_scoped3A_72[%parallel_loop3A_777, %parallel_loop3A_778, %parallel_loop3A_779], %parallel_loop3A_775 {strides = array<i32>} : memref<8x12x64xf32, #tpu.memory_space<vmem>>, vector<16xf32>,
          %parallel_loop3A_781 = vector.shape_cast %get3A_143 : vector<16xi32> to vector<16x1xi32>
          %parallel_loop3A_782 = vector.shape_cast %parallel_loop3A_781 : vector<16x1xi32> to vector<16xi32>
          %parallel_loop3A_783 = tpu.dynamic_gather %parallel_loop3A_728[%parallel_loop3A_782] in [0] : vector<16xf32>, vector<16xi32> -> vector<16xf32>
          %parallel_loop3A_784 = vector.shape_cast %max3A_153 : vector<16xi32> to vector<16x1xi32>
          %parallel_loop3A_785 = vector.shape_cast %parallel_loop3A_784 : vector<16x1xi32> to vector<16xi32>
          %parallel_loop3A_786 = tpu.dynamic_gather %parallel_loop3A_732[%parallel_loop3A_785] in [0] : vector<16xf32>, vector<16xi32> -> vector<16xf32>
          %parallel_loop3A_787 = arith.select %lt3A_156, %parallel_loop3A_783, %parallel_loop3A_786 : vector<16xi1>, vector<16xf32>
          %parallel_loop3A_788 = vector.shape_cast %sub3A_162 : vector<16xi32> to vector<16x1xi32>
          %parallel_loop3A_789 = vector.shape_cast %parallel_loop3A_788 : vector<16x1xi32> to vector<16xi32>
          %parallel_loop3A_790 = tpu.dynamic_gather %parallel_loop3A_732[%parallel_loop3A_789] in [0] : vector<16xf32>, vector<16xi32> -> vector<16xf32>
          %parallel_loop3A_791 = arith.addf %parallel_loop3A_787, %parallel_loop3A_790 : vector<16xf32>
          %parallel_loop3A_792 = arith.constant 6 : i32
          %parallel_loop3A_793 = arith.index_cast %parallel_loop3A_792 : i32 to index
          %parallel_loop3A_794 = arith.index_cast %parallel_loop3A_250 : i32 to index
          %parallel_loop3A_795 = arith.constant 48 : index
          %parallel_loop3A_796 = tpu.vector_load %run_scoped3A_72[%parallel_loop3A_793, %parallel_loop3A_794, %parallel_loop3A_795] {strides = array<i32>} : memref<8x12x64xf32, #tpu.memory_space<vmem>>, vector<16xf32>,
          tpu.vector_store %run_scoped3A_72[%parallel_loop3A_793, %parallel_loop3A_794, %parallel_loop3A_795], %parallel_loop3A_791 {strides = array<i32>} : memref<8x12x64xf32, #tpu.memory_space<vmem>>, vector<16xf32>,
          %parallel_loop3A_797 = arith.constant 7 : i32
          %parallel_loop3A_798 = arith.addi %mul3A_237, %parallel_loop3A_797 : i32
          %parallel_loop3A_799 = arith.constant 12 : i32
          %parallel_loop3A_800 = arith.muli %parallel_loop3A_798, %parallel_loop3A_799 : i32
          %parallel_loop3A_801 = arith.addi %parallel_loop3A_800, %parallel_loop3A_250 : i32
          %parallel_loop3A_802 = arith.constant 48 : i32
          %parallel_loop3A_803 = arith.muli %parallel_loop3A_801, %parallel_loop3A_802 : i32
          %parallel_loop3A_804 = arith.addi %parallel_loop3A_803, %sub3A_69 : i32
          %parallel_loop3A_805 = arith.index_cast %parallel_loop3A_804 : i32 to index
          %parallel_loop3A_806 = tpu.vector_load %arg8[%parallel_loop3A_805] {strides = array<i32>} : memref<98304xf32, #tpu.memory_space<vmem>>, vector<16xf32>,
          %parallel_loop3A_807 = arith.constant 16 : i32
          %parallel_loop3A_808 = arith.addi %parallel_loop3A_804, %parallel_loop3A_807 : i32
          %parallel_loop3A_809 = arith.index_cast %parallel_loop3A_808 : i32 to index
          %parallel_loop3A_810 = tpu.vector_load %arg8[%parallel_loop3A_809] {strides = array<i32>} : memref<98304xf32, #tpu.memory_space<vmem>>, vector<16xf32>,
          %parallel_loop3A_811 = vector.shape_cast %get3A_75 : vector<16xi32> to vector<16x1xi32>
          %parallel_loop3A_812 = vector.shape_cast %parallel_loop3A_811 : vector<16x1xi32> to vector<16xi32>
          %parallel_loop3A_813 = tpu.dynamic_gather %parallel_loop3A_806[%parallel_loop3A_812] in [0] : vector<16xf32>, vector<16xi32> -> vector<16xf32>
          %parallel_loop3A_814 = vector.shape_cast %max3A_84 : vector<16xi32> to vector<16x1xi32>
          %parallel_loop3A_815 = vector.shape_cast %parallel_loop3A_814 : vector<16x1xi32> to vector<16xi32>
          %parallel_loop3A_816 = tpu.dynamic_gather %parallel_loop3A_810[%parallel_loop3A_815] in [0] : vector<16xf32>, vector<16xi32> -> vector<16xf32>
          %parallel_loop3A_817 = arith.select %lt3A_87, %parallel_loop3A_813, %parallel_loop3A_816 : vector<16xi1>, vector<16xf32>
          %parallel_loop3A_818 = vector.shape_cast %sub3A_93 : vector<16xi32> to vector<16x1xi32>
          %parallel_loop3A_819 = vector.shape_cast %parallel_loop3A_818 : vector<16x1xi32> to vector<16xi32>
          %parallel_loop3A_820 = tpu.dynamic_gather %parallel_loop3A_810[%parallel_loop3A_819] in [0] : vector<16xf32>, vector<16xi32> -> vector<16xf32>
          %parallel_loop3A_821 = arith.addf %parallel_loop3A_817, %parallel_loop3A_820 : vector<16xf32>
          %parallel_loop3A_822 = arith.constant 7 : i32
          %parallel_loop3A_823 = arith.index_cast %parallel_loop3A_822 : i32 to index
          %parallel_loop3A_824 = arith.index_cast %parallel_loop3A_250 : i32 to index
          %parallel_loop3A_825 = arith.constant 0 : index
          %parallel_loop3A_826 = tpu.vector_load %run_scoped3A_72[%parallel_loop3A_823, %parallel_loop3A_824, %parallel_loop3A_825] {strides = array<i32>} : memref<8x12x64xf32, #tpu.memory_space<vmem>>, vector<16xf32>,
          tpu.vector_store %run_scoped3A_72[%parallel_loop3A_823, %parallel_loop3A_824, %parallel_loop3A_825], %parallel_loop3A_821 {strides = array<i32>} : memref<8x12x64xf32, #tpu.memory_space<vmem>>, vector<16xf32>,
          %parallel_loop3A_827 = vector.shape_cast %get3A_97 : vector<16xi32> to vector<16x1xi32>
          %parallel_loop3A_828 = vector.shape_cast %parallel_loop3A_827 : vector<16x1xi32> to vector<16xi32>
          %parallel_loop3A_829 = tpu.dynamic_gather %parallel_loop3A_806[%parallel_loop3A_828] in [0] : vector<16xf32>, vector<16xi32> -> vector<16xf32>
          %parallel_loop3A_830 = vector.shape_cast %max3A_107 : vector<16xi32> to vector<16x1xi32>
          %parallel_loop3A_831 = vector.shape_cast %parallel_loop3A_830 : vector<16x1xi32> to vector<16xi32>
          %parallel_loop3A_832 = tpu.dynamic_gather %parallel_loop3A_810[%parallel_loop3A_831] in [0] : vector<16xf32>, vector<16xi32> -> vector<16xf32>
          %parallel_loop3A_833 = arith.select %lt3A_110, %parallel_loop3A_829, %parallel_loop3A_832 : vector<16xi1>, vector<16xf32>
          %parallel_loop3A_834 = vector.shape_cast %sub3A_116 : vector<16xi32> to vector<16x1xi32>
          %parallel_loop3A_835 = vector.shape_cast %parallel_loop3A_834 : vector<16x1xi32> to vector<16xi32>
          %parallel_loop3A_836 = tpu.dynamic_gather %parallel_loop3A_810[%parallel_loop3A_835] in [0] : vector<16xf32>, vector<16xi32> -> vector<16xf32>
          %parallel_loop3A_837 = arith.addf %parallel_loop3A_833, %parallel_loop3A_836 : vector<16xf32>
          %parallel_loop3A_838 = arith.constant 7 : i32
          %parallel_loop3A_839 = arith.index_cast %parallel_loop3A_838 : i32 to index
          %parallel_loop3A_840 = arith.index_cast %parallel_loop3A_250 : i32 to index
          %parallel_loop3A_841 = arith.constant 16 : index
          %parallel_loop3A_842 = tpu.vector_load %run_scoped3A_72[%parallel_loop3A_839, %parallel_loop3A_840, %parallel_loop3A_841] {strides = array<i32>} : memref<8x12x64xf32, #tpu.memory_space<vmem>>, vector<16xf32>,
          tpu.vector_store %run_scoped3A_72[%parallel_loop3A_839, %parallel_loop3A_840, %parallel_loop3A_841], %parallel_loop3A_837 {strides = array<i32>} : memref<8x12x64xf32, #tpu.memory_space<vmem>>, vector<16xf32>,
          %parallel_loop3A_843 = vector.shape_cast %get3A_120 : vector<16xi32> to vector<16x1xi32>
          %parallel_loop3A_844 = vector.shape_cast %parallel_loop3A_843 : vector<16x1xi32> to vector<16xi32>
          %parallel_loop3A_845 = tpu.dynamic_gather %parallel_loop3A_806[%parallel_loop3A_844] in [0] : vector<16xf32>, vector<16xi32> -> vector<16xf32>
          %parallel_loop3A_846 = vector.shape_cast %max3A_130 : vector<16xi32> to vector<16x1xi32>
          %parallel_loop3A_847 = vector.shape_cast %parallel_loop3A_846 : vector<16x1xi32> to vector<16xi32>
          %parallel_loop3A_848 = tpu.dynamic_gather %parallel_loop3A_810[%parallel_loop3A_847] in [0] : vector<16xf32>, vector<16xi32> -> vector<16xf32>
          %parallel_loop3A_849 = arith.select %lt3A_133, %parallel_loop3A_845, %parallel_loop3A_848 : vector<16xi1>, vector<16xf32>
          %parallel_loop3A_850 = vector.shape_cast %sub3A_139 : vector<16xi32> to vector<16x1xi32>
          %parallel_loop3A_851 = vector.shape_cast %parallel_loop3A_850 : vector<16x1xi32> to vector<16xi32>
          %parallel_loop3A_852 = tpu.dynamic_gather %parallel_loop3A_810[%parallel_loop3A_851] in [0] : vector<16xf32>, vector<16xi32> -> vector<16xf32>
          %parallel_loop3A_853 = arith.addf %parallel_loop3A_849, %parallel_loop3A_852 : vector<16xf32>
          %parallel_loop3A_854 = arith.constant 7 : i32
          %parallel_loop3A_855 = arith.index_cast %parallel_loop3A_854 : i32 to index
          %parallel_loop3A_856 = arith.index_cast %parallel_loop3A_250 : i32 to index
          %parallel_loop3A_857 = arith.constant 32 : index
          %parallel_loop3A_858 = tpu.vector_load %run_scoped3A_72[%parallel_loop3A_855, %parallel_loop3A_856, %parallel_loop3A_857] {strides = array<i32>} : memref<8x12x64xf32, #tpu.memory_space<vmem>>, vector<16xf32>,
          tpu.vector_store %run_scoped3A_72[%parallel_loop3A_855, %parallel_loop3A_856, %parallel_loop3A_857], %parallel_loop3A_853 {strides = array<i32>} : memref<8x12x64xf32, #tpu.memory_space<vmem>>, vector<16xf32>,
          %parallel_loop3A_859 = vector.shape_cast %get3A_143 : vector<16xi32> to vector<16x1xi32>
          %parallel_loop3A_860 = vector.shape_cast %parallel_loop3A_859 : vector<16x1xi32> to vector<16xi32>
          %parallel_loop3A_861 = tpu.dynamic_gather %parallel_loop3A_806[%parallel_loop3A_860] in [0] : vector<16xf32>, vector<16xi32> -> vector<16xf32>
          %parallel_loop3A_862 = vector.shape_cast %max3A_153 : vector<16xi32> to vector<16x1xi32>
          %parallel_loop3A_863 = vector.shape_cast %parallel_loop3A_862 : vector<16x1xi32> to vector<16xi32>
          %parallel_loop3A_864 = tpu.dynamic_gather %parallel_loop3A_810[%parallel_loop3A_863] in [0] : vector<16xf32>, vector<16xi32> -> vector<16xf32>
          %parallel_loop3A_865 = arith.select %lt3A_156, %parallel_loop3A_861, %parallel_loop3A_864 : vector<16xi1>, vector<16xf32>
          %parallel_loop3A_866 = vector.shape_cast %sub3A_162 : vector<16xi32> to vector<16x1xi32>
          %parallel_loop3A_867 = vector.shape_cast %parallel_loop3A_866 : vector<16x1xi32> to vector<16xi32>
          %parallel_loop3A_868 = tpu.dynamic_gather %parallel_loop3A_810[%parallel_loop3A_867] in [0] : vector<16xf32>, vector<16xi32> -> vector<16xf32>
          %parallel_loop3A_869 = arith.addf %parallel_loop3A_865, %parallel_loop3A_868 : vector<16xf32>
          %parallel_loop3A_870 = arith.constant 7 : i32
          %parallel_loop3A_871 = arith.index_cast %parallel_loop3A_870 : i32 to index
          %parallel_loop3A_872 = arith.index_cast %parallel_loop3A_250 : i32 to index
          %parallel_loop3A_873 = arith.constant 48 : index
          %parallel_loop3A_874 = tpu.vector_load %run_scoped3A_72[%parallel_loop3A_871, %parallel_loop3A_872, %parallel_loop3A_873] {strides = array<i32>} : memref<8x12x64xf32, #tpu.memory_space<vmem>>, vector<16xf32>,
          tpu.vector_store %run_scoped3A_72[%parallel_loop3A_871, %parallel_loop3A_872, %parallel_loop3A_873], %parallel_loop3A_869 {strides = array<i32>} : memref<8x12x64xf32, #tpu.memory_space<vmem>>, vector<16xf32>,
        } {sc.loop_unroll_factor = 2 : i64, sc.parallel_access}
        %add3A_241 = arith.addi %mul3A_32, %mul3A_237 : i32
        %dma_start3A_242 = arith.constant 0 : i32
        %dma_start3A_243 = arith.constant 0 : i32
        %dma_start3A_244 = tpu.memref_slice %arg5[%select_n3A, %add3A_241, %dma_start3A_242, %dma_start3A_243] : memref<16x325x12x64xf32, #tpu.memory_space<hbm>> -> memref<1x8x12x64xf32, #tpu.memory_space<hbm>>
        %dma_start3A_245 = tpu.memref_squeeze %dma_start3A_244 : memref<1x8x12x64xf32, #tpu.memory_space<hbm>> -> memref<8x12x64xf32, #tpu.memory_space<hbm>>
        %dma_start3A_246 = arith.constant 0 : i32
        %dma_start3A_247 = arith.constant 0 : i32
        %dma_start3A_248 = tpu.memref_slice %arg5[%select_n3A, %add3A_241, %dma_start3A_246, %dma_start3A_247] : memref<16x325x12x64xf32, #tpu.memory_space<hbm>> -> memref<1x8x12x64xf32, #tpu.memory_space<hbm>>
        %dma_start3A_249 = tpu.memref_squeeze %dma_start3A_248 : memref<1x8x12x64xf32, #tpu.memory_space<hbm>> -> memref<8x12x64xf32, #tpu.memory_space<hbm>>
        tpu.enqueue_dma source(%run_scoped3A_72 : memref<8x12x64xf32, #tpu.memory_space<vmem>>) target(%dma_start3A_249 : memref<8x12x64xf32, #tpu.memory_space<hbm>>) target_semaphore(%arg11 : memref<!tpu.dma_semaphore, #tpu.memory_space<semaphore_mem>>)
      }
      %scan3A_167 = arith.constant 10 : i32
      %dma_wait3A_168 = arith.constant 0 : i32
      %dma_wait3A_169 = arith.constant 0 : i32
      %dma_wait3A_170 = arith.constant 0 : i32
      %dma_wait3A_171 = tpu.memref_slice %arg5[%select_n3A, %dma_wait3A_168, %dma_wait3A_169, %dma_wait3A_170] : memref<16x325x12x64xf32, #tpu.memory_space<hbm>> -> memref<1x8x12x64xf32, #tpu.memory_space<hbm>>
      %dma_wait3A_172 = tpu.memref_squeeze %dma_wait3A_171 : memref<1x8x12x64xf32, #tpu.memory_space<hbm>> -> memref<8x12x64xf32, #tpu.memory_space<hbm>>
      %dma_wait3A_173 = arith.constant 0 : i32
      %dma_wait3A_174 = arith.constant 0 : i32
      %dma_wait3A_175 = arith.constant 0 : i32
      %dma_wait3A_176 = tpu.memref_slice %arg5[%select_n3A, %dma_wait3A_173, %dma_wait3A_174, %dma_wait3A_175] : memref<16x325x12x64xf32, #tpu.memory_space<hbm>> -> memref<1x8x12x64xf32, #tpu.memory_space<hbm>>
      %dma_wait3A_177 = tpu.memref_squeeze %dma_wait3A_176 : memref<1x8x12x64xf32, #tpu.memory_space<hbm>> -> memref<8x12x64xf32, #tpu.memory_space<hbm>>
      tpu.wait_dma2 semaphore(%arg10 : memref<!tpu.dma_semaphore, #tpu.memory_space<semaphore_mem>>) src(%run_scoped3A : memref<8x12x64xf32, #tpu.memory_space<vmem>>) dst(%dma_wait3A_177 : memref<8x12x64xf32, #tpu.memory_space<hbm>>)
      %parallel_loop3A = arith.constant 0 : i32
      %parallel_loop3A_178 = arith.constant 12 : i32
      %parallel_loop3A_179 = arith.constant 1 : i32
      scf.for %parallel_loop3A_210 = %parallel_loop3A to %parallel_loop3A_178 step %parallel_loop3A_179  : i32 {
        %parallel_loop3A_211 = arith.constant 1920 : i32
        %parallel_loop3A_212 = arith.addi %parallel_loop3A_211, %parallel_loop3A_210 : i32
        %parallel_loop3A_213 = arith.constant 48 : i32
        %parallel_loop3A_214 = arith.muli %parallel_loop3A_212, %parallel_loop3A_213 : i32
        %parallel_loop3A_215 = arith.addi %parallel_loop3A_214, %sub3A_69 : i32
        %parallel_loop3A_216 = arith.index_cast %parallel_loop3A_215 : i32 to index
        %parallel_loop3A_217 = tpu.vector_load %arg8[%parallel_loop3A_216] {strides = array<i32>} : memref<98304xf32, #tpu.memory_space<vmem>>, vector<16xf32>,
        %parallel_loop3A_218 = arith.constant 16 : i32
        %parallel_loop3A_219 = arith.addi %parallel_loop3A_215, %parallel_loop3A_218 : i32
        %parallel_loop3A_220 = arith.index_cast %parallel_loop3A_219 : i32 to index
        %parallel_loop3A_221 = tpu.vector_load %arg8[%parallel_loop3A_220] {strides = array<i32>} : memref<98304xf32, #tpu.memory_space<vmem>>, vector<16xf32>,
        %parallel_loop3A_222 = vector.shape_cast %get3A_75 : vector<16xi32> to vector<16x1xi32>
        %parallel_loop3A_223 = vector.shape_cast %parallel_loop3A_222 : vector<16x1xi32> to vector<16xi32>
        %parallel_loop3A_224 = tpu.dynamic_gather %parallel_loop3A_217[%parallel_loop3A_223] in [0] : vector<16xf32>, vector<16xi32> -> vector<16xf32>
        %parallel_loop3A_225 = vector.shape_cast %max3A_84 : vector<16xi32> to vector<16x1xi32>
        %parallel_loop3A_226 = vector.shape_cast %parallel_loop3A_225 : vector<16x1xi32> to vector<16xi32>
        %parallel_loop3A_227 = tpu.dynamic_gather %parallel_loop3A_221[%parallel_loop3A_226] in [0] : vector<16xf32>, vector<16xi32> -> vector<16xf32>
        %parallel_loop3A_228 = arith.select %lt3A_87, %parallel_loop3A_224, %parallel_loop3A_227 : vector<16xi1>, vector<16xf32>
        %parallel_loop3A_229 = vector.shape_cast %sub3A_93 : vector<16xi32> to vector<16x1xi32>
        %parallel_loop3A_230 = vector.shape_cast %parallel_loop3A_229 : vector<16x1xi32> to vector<16xi32>
        %parallel_loop3A_231 = tpu.dynamic_gather %parallel_loop3A_221[%parallel_loop3A_230] in [0] : vector<16xf32>, vector<16xi32> -> vector<16xf32>
        %parallel_loop3A_232 = arith.addf %parallel_loop3A_228, %parallel_loop3A_231 : vector<16xf32>
        %parallel_loop3A_233 = arith.constant 0 : i32
        %parallel_loop3A_234 = arith.index_cast %parallel_loop3A_233 : i32 to index
        %parallel_loop3A_235 = arith.index_cast %parallel_loop3A_210 : i32 to index
        %parallel_loop3A_236 = arith.constant 0 : index
        %parallel_loop3A_237 = tpu.vector_load %run_scoped3A[%parallel_loop3A_234, %parallel_loop3A_235, %parallel_loop3A_236] {strides = array<i32>} : memref<8x12x64xf32, #tpu.memory_space<vmem>>, vector<16xf32>,
        tpu.vector_store %run_scoped3A[%parallel_loop3A_234, %parallel_loop3A_235, %parallel_loop3A_236], %parallel_loop3A_232 {strides = array<i32>} : memref<8x12x64xf32, #tpu.memory_space<vmem>>, vector<16xf32>,
        %parallel_loop3A_238 = vector.shape_cast %get3A_97 : vector<16xi32> to vector<16x1xi32>
        %parallel_loop3A_239 = vector.shape_cast %parallel_loop3A_238 : vector<16x1xi32> to vector<16xi32>
        %parallel_loop3A_240 = tpu.dynamic_gather %parallel_loop3A_217[%parallel_loop3A_239] in [0] : vector<16xf32>, vector<16xi32> -> vector<16xf32>
        %parallel_loop3A_241 = vector.shape_cast %max3A_107 : vector<16xi32> to vector<16x1xi32>
        %parallel_loop3A_242 = vector.shape_cast %parallel_loop3A_241 : vector<16x1xi32> to vector<16xi32>
        %parallel_loop3A_243 = tpu.dynamic_gather %parallel_loop3A_221[%parallel_loop3A_242] in [0] : vector<16xf32>, vector<16xi32> -> vector<16xf32>
        %parallel_loop3A_244 = arith.select %lt3A_110, %parallel_loop3A_240, %parallel_loop3A_243 : vector<16xi1>, vector<16xf32>
        %parallel_loop3A_245 = vector.shape_cast %sub3A_116 : vector<16xi32> to vector<16x1xi32>
        %parallel_loop3A_246 = vector.shape_cast %parallel_loop3A_245 : vector<16x1xi32> to vector<16xi32>
        %parallel_loop3A_247 = tpu.dynamic_gather %parallel_loop3A_221[%parallel_loop3A_246] in [0] : vector<16xf32>, vector<16xi32> -> vector<16xf32>
        %parallel_loop3A_248 = arith.addf %parallel_loop3A_244, %parallel_loop3A_247 : vector<16xf32>
        %parallel_loop3A_249 = arith.constant 0 : i32
        %parallel_loop3A_250 = arith.index_cast %parallel_loop3A_249 : i32 to index
        %parallel_loop3A_251 = arith.index_cast %parallel_loop3A_210 : i32 to index
        %parallel_loop3A_252 = arith.constant 16 : index
        %parallel_loop3A_253 = tpu.vector_load %run_scoped3A[%parallel_loop3A_250, %parallel_loop3A_251, %parallel_loop3A_252] {strides = array<i32>} : memref<8x12x64xf32, #tpu.memory_space<vmem>>, vector<16xf32>,
        tpu.vector_store %run_scoped3A[%parallel_loop3A_250, %parallel_loop3A_251, %parallel_loop3A_252], %parallel_loop3A_248 {strides = array<i32>} : memref<8x12x64xf32, #tpu.memory_space<vmem>>, vector<16xf32>,
        %parallel_loop3A_254 = vector.shape_cast %get3A_120 : vector<16xi32> to vector<16x1xi32>
        %parallel_loop3A_255 = vector.shape_cast %parallel_loop3A_254 : vector<16x1xi32> to vector<16xi32>
        %parallel_loop3A_256 = tpu.dynamic_gather %parallel_loop3A_217[%parallel_loop3A_255] in [0] : vector<16xf32>, vector<16xi32> -> vector<16xf32>
        %parallel_loop3A_257 = vector.shape_cast %max3A_130 : vector<16xi32> to vector<16x1xi32>
        %parallel_loop3A_258 = vector.shape_cast %parallel_loop3A_257 : vector<16x1xi32> to vector<16xi32>
        %parallel_loop3A_259 = tpu.dynamic_gather %parallel_loop3A_221[%parallel_loop3A_258] in [0] : vector<16xf32>, vector<16xi32> -> vector<16xf32>
        %parallel_loop3A_260 = arith.select %lt3A_133, %parallel_loop3A_256, %parallel_loop3A_259 : vector<16xi1>, vector<16xf32>
        %parallel_loop3A_261 = vector.shape_cast %sub3A_139 : vector<16xi32> to vector<16x1xi32>
        %parallel_loop3A_262 = vector.shape_cast %parallel_loop3A_261 : vector<16x1xi32> to vector<16xi32>
        %parallel_loop3A_263 = tpu.dynamic_gather %parallel_loop3A_221[%parallel_loop3A_262] in [0] : vector<16xf32>, vector<16xi32> -> vector<16xf32>
        %parallel_loop3A_264 = arith.addf %parallel_loop3A_260, %parallel_loop3A_263 : vector<16xf32>
        %parallel_loop3A_265 = arith.constant 0 : i32
        %parallel_loop3A_266 = arith.index_cast %parallel_loop3A_265 : i32 to index
        %parallel_loop3A_267 = arith.index_cast %parallel_loop3A_210 : i32 to index
        %parallel_loop3A_268 = arith.constant 32 : index
        %parallel_loop3A_269 = tpu.vector_load %run_scoped3A[%parallel_loop3A_266, %parallel_loop3A_267, %parallel_loop3A_268] {strides = array<i32>} : memref<8x12x64xf32, #tpu.memory_space<vmem>>, vector<16xf32>,
        tpu.vector_store %run_scoped3A[%parallel_loop3A_266, %parallel_loop3A_267, %parallel_loop3A_268], %parallel_loop3A_264 {strides = array<i32>} : memref<8x12x64xf32, #tpu.memory_space<vmem>>, vector<16xf32>,
        %parallel_loop3A_270 = vector.shape_cast %get3A_143 : vector<16xi32> to vector<16x1xi32>
        %parallel_loop3A_271 = vector.shape_cast %parallel_loop3A_270 : vector<16x1xi32> to vector<16xi32>
        %parallel_loop3A_272 = tpu.dynamic_gather %parallel_loop3A_217[%parallel_loop3A_271] in [0] : vector<16xf32>, vector<16xi32> -> vector<16xf32>
        %parallel_loop3A_273 = vector.shape_cast %max3A_153 : vector<16xi32> to vector<16x1xi32>
        %parallel_loop3A_274 = vector.shape_cast %parallel_loop3A_273 : vector<16x1xi32> to vector<16xi32>
        %parallel_loop3A_275 = tpu.dynamic_gather %parallel_loop3A_221[%parallel_loop3A_274] in [0] : vector<16xf32>, vector<16xi32> -> vector<16xf32>
        %parallel_loop3A_276 = arith.select %lt3A_156, %parallel_loop3A_272, %parallel_loop3A_275 : vector<16xi1>, vector<16xf32>
        %parallel_loop3A_277 = vector.shape_cast %sub3A_162 : vector<16xi32> to vector<16x1xi32>
        %parallel_loop3A_278 = vector.shape_cast %parallel_loop3A_277 : vector<16x1xi32> to vector<16xi32>
        %parallel_loop3A_279 = tpu.dynamic_gather %parallel_loop3A_221[%parallel_loop3A_278] in [0] : vector<16xf32>, vector<16xi32> -> vector<16xf32>
        %parallel_loop3A_280 = arith.addf %parallel_loop3A_276, %parallel_loop3A_279 : vector<16xf32>
        %parallel_loop3A_281 = arith.constant 0 : i32
        %parallel_loop3A_282 = arith.index_cast %parallel_loop3A_281 : i32 to index
        %parallel_loop3A_283 = arith.index_cast %parallel_loop3A_210 : i32 to index
        %parallel_loop3A_284 = arith.constant 48 : index
        %parallel_loop3A_285 = tpu.vector_load %run_scoped3A[%parallel_loop3A_282, %parallel_loop3A_283, %parallel_loop3A_284] {strides = array<i32>} : memref<8x12x64xf32, #tpu.memory_space<vmem>>, vector<16xf32>,
        tpu.vector_store %run_scoped3A[%parallel_loop3A_282, %parallel_loop3A_283, %parallel_loop3A_284], %parallel_loop3A_280 {strides = array<i32>} : memref<8x12x64xf32, #tpu.memory_space<vmem>>, vector<16xf32>,
        %parallel_loop3A_286 = arith.constant 1932 : i32
        %parallel_loop3A_287 = arith.addi %parallel_loop3A_286, %parallel_loop3A_210 : i32
        %parallel_loop3A_288 = arith.constant 48 : i32
        %parallel_loop3A_289 = arith.muli %parallel_loop3A_287, %parallel_loop3A_288 : i32
        %parallel_loop3A_290 = arith.addi %parallel_loop3A_289, %sub3A_69 : i32
        %parallel_loop3A_291 = arith.index_cast %parallel_loop3A_290 : i32 to index
        %parallel_loop3A_292 = tpu.vector_load %arg8[%parallel_loop3A_291] {strides = array<i32>} : memref<98304xf32, #tpu.memory_space<vmem>>, vector<16xf32>,
        %parallel_loop3A_293 = arith.constant 16 : i32
        %parallel_loop3A_294 = arith.addi %parallel_loop3A_290, %parallel_loop3A_293 : i32
        %parallel_loop3A_295 = arith.index_cast %parallel_loop3A_294 : i32 to index
        %parallel_loop3A_296 = tpu.vector_load %arg8[%parallel_loop3A_295] {strides = array<i32>} : memref<98304xf32, #tpu.memory_space<vmem>>, vector<16xf32>,
        %parallel_loop3A_297 = vector.shape_cast %get3A_75 : vector<16xi32> to vector<16x1xi32>
        %parallel_loop3A_298 = vector.shape_cast %parallel_loop3A_297 : vector<16x1xi32> to vector<16xi32>
        %parallel_loop3A_299 = tpu.dynamic_gather %parallel_loop3A_292[%parallel_loop3A_298] in [0] : vector<16xf32>, vector<16xi32> -> vector<16xf32>
        %parallel_loop3A_300 = vector.shape_cast %max3A_84 : vector<16xi32> to vector<16x1xi32>
        %parallel_loop3A_301 = vector.shape_cast %parallel_loop3A_300 : vector<16x1xi32> to vector<16xi32>
        %parallel_loop3A_302 = tpu.dynamic_gather %parallel_loop3A_296[%parallel_loop3A_301] in [0] : vector<16xf32>, vector<16xi32> -> vector<16xf32>
        %parallel_loop3A_303 = arith.select %lt3A_87, %parallel_loop3A_299, %parallel_loop3A_302 : vector<16xi1>, vector<16xf32>
        %parallel_loop3A_304 = vector.shape_cast %sub3A_93 : vector<16xi32> to vector<16x1xi32>
        %parallel_loop3A_305 = vector.shape_cast %parallel_loop3A_304 : vector<16x1xi32> to vector<16xi32>
        %parallel_loop3A_306 = tpu.dynamic_gather %parallel_loop3A_296[%parallel_loop3A_305] in [0] : vector<16xf32>, vector<16xi32> -> vector<16xf32>
        %parallel_loop3A_307 = arith.addf %parallel_loop3A_303, %parallel_loop3A_306 : vector<16xf32>
        %parallel_loop3A_308 = arith.constant 1 : i32
        %parallel_loop3A_309 = arith.index_cast %parallel_loop3A_308 : i32 to index
        %parallel_loop3A_310 = arith.index_cast %parallel_loop3A_210 : i32 to index
        %parallel_loop3A_311 = arith.constant 0 : index
        %parallel_loop3A_312 = tpu.vector_load %run_scoped3A[%parallel_loop3A_309, %parallel_loop3A_310, %parallel_loop3A_311] {strides = array<i32>} : memref<8x12x64xf32, #tpu.memory_space<vmem>>, vector<16xf32>,
        tpu.vector_store %run_scoped3A[%parallel_loop3A_309, %parallel_loop3A_310, %parallel_loop3A_311], %parallel_loop3A_307 {strides = array<i32>} : memref<8x12x64xf32, #tpu.memory_space<vmem>>, vector<16xf32>,
        %parallel_loop3A_313 = vector.shape_cast %get3A_97 : vector<16xi32> to vector<16x1xi32>
        %parallel_loop3A_314 = vector.shape_cast %parallel_loop3A_313 : vector<16x1xi32> to vector<16xi32>
        %parallel_loop3A_315 = tpu.dynamic_gather %parallel_loop3A_292[%parallel_loop3A_314] in [0] : vector<16xf32>, vector<16xi32> -> vector<16xf32>
        %parallel_loop3A_316 = vector.shape_cast %max3A_107 : vector<16xi32> to vector<16x1xi32>
        %parallel_loop3A_317 = vector.shape_cast %parallel_loop3A_316 : vector<16x1xi32> to vector<16xi32>
        %parallel_loop3A_318 = tpu.dynamic_gather %parallel_loop3A_296[%parallel_loop3A_317] in [0] : vector<16xf32>, vector<16xi32> -> vector<16xf32>
        %parallel_loop3A_319 = arith.select %lt3A_110, %parallel_loop3A_315, %parallel_loop3A_318 : vector<16xi1>, vector<16xf32>
        %parallel_loop3A_320 = vector.shape_cast %sub3A_116 : vector<16xi32> to vector<16x1xi32>
        %parallel_loop3A_321 = vector.shape_cast %parallel_loop3A_320 : vector<16x1xi32> to vector<16xi32>
        %parallel_loop3A_322 = tpu.dynamic_gather %parallel_loop3A_296[%parallel_loop3A_321] in [0] : vector<16xf32>, vector<16xi32> -> vector<16xf32>
        %parallel_loop3A_323 = arith.addf %parallel_loop3A_319, %parallel_loop3A_322 : vector<16xf32>
        %parallel_loop3A_324 = arith.constant 1 : i32
        %parallel_loop3A_325 = arith.index_cast %parallel_loop3A_324 : i32 to index
        %parallel_loop3A_326 = arith.index_cast %parallel_loop3A_210 : i32 to index
        %parallel_loop3A_327 = arith.constant 16 : index
        %parallel_loop3A_328 = tpu.vector_load %run_scoped3A[%parallel_loop3A_325, %parallel_loop3A_326, %parallel_loop3A_327] {strides = array<i32>} : memref<8x12x64xf32, #tpu.memory_space<vmem>>, vector<16xf32>,
        tpu.vector_store %run_scoped3A[%parallel_loop3A_325, %parallel_loop3A_326, %parallel_loop3A_327], %parallel_loop3A_323 {strides = array<i32>} : memref<8x12x64xf32, #tpu.memory_space<vmem>>, vector<16xf32>,
        %parallel_loop3A_329 = vector.shape_cast %get3A_120 : vector<16xi32> to vector<16x1xi32>
        %parallel_loop3A_330 = vector.shape_cast %parallel_loop3A_329 : vector<16x1xi32> to vector<16xi32>
        %parallel_loop3A_331 = tpu.dynamic_gather %parallel_loop3A_292[%parallel_loop3A_330] in [0] : vector<16xf32>, vector<16xi32> -> vector<16xf32>
        %parallel_loop3A_332 = vector.shape_cast %max3A_130 : vector<16xi32> to vector<16x1xi32>
        %parallel_loop3A_333 = vector.shape_cast %parallel_loop3A_332 : vector<16x1xi32> to vector<16xi32>
        %parallel_loop3A_334 = tpu.dynamic_gather %parallel_loop3A_296[%parallel_loop3A_333] in [0] : vector<16xf32>, vector<16xi32> -> vector<16xf32>
        %parallel_loop3A_335 = arith.select %lt3A_133, %parallel_loop3A_331, %parallel_loop3A_334 : vector<16xi1>, vector<16xf32>
        %parallel_loop3A_336 = vector.shape_cast %sub3A_139 : vector<16xi32> to vector<16x1xi32>
        %parallel_loop3A_337 = vector.shape_cast %parallel_loop3A_336 : vector<16x1xi32> to vector<16xi32>
        %parallel_loop3A_338 = tpu.dynamic_gather %parallel_loop3A_296[%parallel_loop3A_337] in [0] : vector<16xf32>, vector<16xi32> -> vector<16xf32>
        %parallel_loop3A_339 = arith.addf %parallel_loop3A_335, %parallel_loop3A_338 : vector<16xf32>
        %parallel_loop3A_340 = arith.constant 1 : i32
        %parallel_loop3A_341 = arith.index_cast %parallel_loop3A_340 : i32 to index
        %parallel_loop3A_342 = arith.index_cast %parallel_loop3A_210 : i32 to index
        %parallel_loop3A_343 = arith.constant 32 : index
        %parallel_loop3A_344 = tpu.vector_load %run_scoped3A[%parallel_loop3A_341, %parallel_loop3A_342, %parallel_loop3A_343] {strides = array<i32>} : memref<8x12x64xf32, #tpu.memory_space<vmem>>, vector<16xf32>,
        tpu.vector_store %run_scoped3A[%parallel_loop3A_341, %parallel_loop3A_342, %parallel_loop3A_343], %parallel_loop3A_339 {strides = array<i32>} : memref<8x12x64xf32, #tpu.memory_space<vmem>>, vector<16xf32>,
        %parallel_loop3A_345 = vector.shape_cast %get3A_143 : vector<16xi32> to vector<16x1xi32>
        %parallel_loop3A_346 = vector.shape_cast %parallel_loop3A_345 : vector<16x1xi32> to vector<16xi32>
        %parallel_loop3A_347 = tpu.dynamic_gather %parallel_loop3A_292[%parallel_loop3A_346] in [0] : vector<16xf32>, vector<16xi32> -> vector<16xf32>
        %parallel_loop3A_348 = vector.shape_cast %max3A_153 : vector<16xi32> to vector<16x1xi32>
        %parallel_loop3A_349 = vector.shape_cast %parallel_loop3A_348 : vector<16x1xi32> to vector<16xi32>
        %parallel_loop3A_350 = tpu.dynamic_gather %parallel_loop3A_296[%parallel_loop3A_349] in [0] : vector<16xf32>, vector<16xi32> -> vector<16xf32>
        %parallel_loop3A_351 = arith.select %lt3A_156, %parallel_loop3A_347, %parallel_loop3A_350 : vector<16xi1>, vector<16xf32>
        %parallel_loop3A_352 = vector.shape_cast %sub3A_162 : vector<16xi32> to vector<16x1xi32>
        %parallel_loop3A_353 = vector.shape_cast %parallel_loop3A_352 : vector<16x1xi32> to vector<16xi32>
        %parallel_loop3A_354 = tpu.dynamic_gather %parallel_loop3A_296[%parallel_loop3A_353] in [0] : vector<16xf32>, vector<16xi32> -> vector<16xf32>
        %parallel_loop3A_355 = arith.addf %parallel_loop3A_351, %parallel_loop3A_354 : vector<16xf32>
        %parallel_loop3A_356 = arith.constant 1 : i32
        %parallel_loop3A_357 = arith.index_cast %parallel_loop3A_356 : i32 to index
        %parallel_loop3A_358 = arith.index_cast %parallel_loop3A_210 : i32 to index
        %parallel_loop3A_359 = arith.constant 48 : index
        %parallel_loop3A_360 = tpu.vector_load %run_scoped3A[%parallel_loop3A_357, %parallel_loop3A_358, %parallel_loop3A_359] {strides = array<i32>} : memref<8x12x64xf32, #tpu.memory_space<vmem>>, vector<16xf32>,
        tpu.vector_store %run_scoped3A[%parallel_loop3A_357, %parallel_loop3A_358, %parallel_loop3A_359], %parallel_loop3A_355 {strides = array<i32>} : memref<8x12x64xf32, #tpu.memory_space<vmem>>, vector<16xf32>,
        %parallel_loop3A_361 = arith.constant 1944 : i32
        %parallel_loop3A_362 = arith.addi %parallel_loop3A_361, %parallel_loop3A_210 : i32
        %parallel_loop3A_363 = arith.constant 48 : i32
        %parallel_loop3A_364 = arith.muli %parallel_loop3A_362, %parallel_loop3A_363 : i32
        %parallel_loop3A_365 = arith.addi %parallel_loop3A_364, %sub3A_69 : i32
        %parallel_loop3A_366 = arith.index_cast %parallel_loop3A_365 : i32 to index
        %parallel_loop3A_367 = tpu.vector_load %arg8[%parallel_loop3A_366] {strides = array<i32>} : memref<98304xf32, #tpu.memory_space<vmem>>, vector<16xf32>,
        %parallel_loop3A_368 = arith.constant 16 : i32
        %parallel_loop3A_369 = arith.addi %parallel_loop3A_365, %parallel_loop3A_368 : i32
        %parallel_loop3A_370 = arith.index_cast %parallel_loop3A_369 : i32 to index
        %parallel_loop3A_371 = tpu.vector_load %arg8[%parallel_loop3A_370] {strides = array<i32>} : memref<98304xf32, #tpu.memory_space<vmem>>, vector<16xf32>,
        %parallel_loop3A_372 = vector.shape_cast %get3A_75 : vector<16xi32> to vector<16x1xi32>
        %parallel_loop3A_373 = vector.shape_cast %parallel_loop3A_372 : vector<16x1xi32> to vector<16xi32>
        %parallel_loop3A_374 = tpu.dynamic_gather %parallel_loop3A_367[%parallel_loop3A_373] in [0] : vector<16xf32>, vector<16xi32> -> vector<16xf32>
        %parallel_loop3A_375 = vector.shape_cast %max3A_84 : vector<16xi32> to vector<16x1xi32>
        %parallel_loop3A_376 = vector.shape_cast %parallel_loop3A_375 : vector<16x1xi32> to vector<16xi32>
        %parallel_loop3A_377 = tpu.dynamic_gather %parallel_loop3A_371[%parallel_loop3A_376] in [0] : vector<16xf32>, vector<16xi32> -> vector<16xf32>
        %parallel_loop3A_378 = arith.select %lt3A_87, %parallel_loop3A_374, %parallel_loop3A_377 : vector<16xi1>, vector<16xf32>
        %parallel_loop3A_379 = vector.shape_cast %sub3A_93 : vector<16xi32> to vector<16x1xi32>
        %parallel_loop3A_380 = vector.shape_cast %parallel_loop3A_379 : vector<16x1xi32> to vector<16xi32>
        %parallel_loop3A_381 = tpu.dynamic_gather %parallel_loop3A_371[%parallel_loop3A_380] in [0] : vector<16xf32>, vector<16xi32> -> vector<16xf32>
        %parallel_loop3A_382 = arith.addf %parallel_loop3A_378, %parallel_loop3A_381 : vector<16xf32>
        %parallel_loop3A_383 = arith.constant 2 : i32
        %parallel_loop3A_384 = arith.index_cast %parallel_loop3A_383 : i32 to index
        %parallel_loop3A_385 = arith.index_cast %parallel_loop3A_210 : i32 to index
        %parallel_loop3A_386 = arith.constant 0 : index
        %parallel_loop3A_387 = tpu.vector_load %run_scoped3A[%parallel_loop3A_384, %parallel_loop3A_385, %parallel_loop3A_386] {strides = array<i32>} : memref<8x12x64xf32, #tpu.memory_space<vmem>>, vector<16xf32>,
        tpu.vector_store %run_scoped3A[%parallel_loop3A_384, %parallel_loop3A_385, %parallel_loop3A_386], %parallel_loop3A_382 {strides = array<i32>} : memref<8x12x64xf32, #tpu.memory_space<vmem>>, vector<16xf32>,
        %parallel_loop3A_388 = vector.shape_cast %get3A_97 : vector<16xi32> to vector<16x1xi32>
        %parallel_loop3A_389 = vector.shape_cast %parallel_loop3A_388 : vector<16x1xi32> to vector<16xi32>
        %parallel_loop3A_390 = tpu.dynamic_gather %parallel_loop3A_367[%parallel_loop3A_389] in [0] : vector<16xf32>, vector<16xi32> -> vector<16xf32>
        %parallel_loop3A_391 = vector.shape_cast %max3A_107 : vector<16xi32> to vector<16x1xi32>
        %parallel_loop3A_392 = vector.shape_cast %parallel_loop3A_391 : vector<16x1xi32> to vector<16xi32>
        %parallel_loop3A_393 = tpu.dynamic_gather %parallel_loop3A_371[%parallel_loop3A_392] in [0] : vector<16xf32>, vector<16xi32> -> vector<16xf32>
        %parallel_loop3A_394 = arith.select %lt3A_110, %parallel_loop3A_390, %parallel_loop3A_393 : vector<16xi1>, vector<16xf32>
        %parallel_loop3A_395 = vector.shape_cast %sub3A_116 : vector<16xi32> to vector<16x1xi32>
        %parallel_loop3A_396 = vector.shape_cast %parallel_loop3A_395 : vector<16x1xi32> to vector<16xi32>
        %parallel_loop3A_397 = tpu.dynamic_gather %parallel_loop3A_371[%parallel_loop3A_396] in [0] : vector<16xf32>, vector<16xi32> -> vector<16xf32>
        %parallel_loop3A_398 = arith.addf %parallel_loop3A_394, %parallel_loop3A_397 : vector<16xf32>
        %parallel_loop3A_399 = arith.constant 2 : i32
        %parallel_loop3A_400 = arith.index_cast %parallel_loop3A_399 : i32 to index
        %parallel_loop3A_401 = arith.index_cast %parallel_loop3A_210 : i32 to index
        %parallel_loop3A_402 = arith.constant 16 : index
        %parallel_loop3A_403 = tpu.vector_load %run_scoped3A[%parallel_loop3A_400, %parallel_loop3A_401, %parallel_loop3A_402] {strides = array<i32>} : memref<8x12x64xf32, #tpu.memory_space<vmem>>, vector<16xf32>,
        tpu.vector_store %run_scoped3A[%parallel_loop3A_400, %parallel_loop3A_401, %parallel_loop3A_402], %parallel_loop3A_398 {strides = array<i32>} : memref<8x12x64xf32, #tpu.memory_space<vmem>>, vector<16xf32>,
        %parallel_loop3A_404 = vector.shape_cast %get3A_120 : vector<16xi32> to vector<16x1xi32>
        %parallel_loop3A_405 = vector.shape_cast %parallel_loop3A_404 : vector<16x1xi32> to vector<16xi32>
        %parallel_loop3A_406 = tpu.dynamic_gather %parallel_loop3A_367[%parallel_loop3A_405] in [0] : vector<16xf32>, vector<16xi32> -> vector<16xf32>
        %parallel_loop3A_407 = vector.shape_cast %max3A_130 : vector<16xi32> to vector<16x1xi32>
        %parallel_loop3A_408 = vector.shape_cast %parallel_loop3A_407 : vector<16x1xi32> to vector<16xi32>
        %parallel_loop3A_409 = tpu.dynamic_gather %parallel_loop3A_371[%parallel_loop3A_408] in [0] : vector<16xf32>, vector<16xi32> -> vector<16xf32>
        %parallel_loop3A_410 = arith.select %lt3A_133, %parallel_loop3A_406, %parallel_loop3A_409 : vector<16xi1>, vector<16xf32>
        %parallel_loop3A_411 = vector.shape_cast %sub3A_139 : vector<16xi32> to vector<16x1xi32>
        %parallel_loop3A_412 = vector.shape_cast %parallel_loop3A_411 : vector<16x1xi32> to vector<16xi32>
        %parallel_loop3A_413 = tpu.dynamic_gather %parallel_loop3A_371[%parallel_loop3A_412] in [0] : vector<16xf32>, vector<16xi32> -> vector<16xf32>
        %parallel_loop3A_414 = arith.addf %parallel_loop3A_410, %parallel_loop3A_413 : vector<16xf32>
        %parallel_loop3A_415 = arith.constant 2 : i32
        %parallel_loop3A_416 = arith.index_cast %parallel_loop3A_415 : i32 to index
        %parallel_loop3A_417 = arith.index_cast %parallel_loop3A_210 : i32 to index
        %parallel_loop3A_418 = arith.constant 32 : index
        %parallel_loop3A_419 = tpu.vector_load %run_scoped3A[%parallel_loop3A_416, %parallel_loop3A_417, %parallel_loop3A_418] {strides = array<i32>} : memref<8x12x64xf32, #tpu.memory_space<vmem>>, vector<16xf32>,
        tpu.vector_store %run_scoped3A[%parallel_loop3A_416, %parallel_loop3A_417, %parallel_loop3A_418], %parallel_loop3A_414 {strides = array<i32>} : memref<8x12x64xf32, #tpu.memory_space<vmem>>, vector<16xf32>,
        %parallel_loop3A_420 = vector.shape_cast %get3A_143 : vector<16xi32> to vector<16x1xi32>
        %parallel_loop3A_421 = vector.shape_cast %parallel_loop3A_420 : vector<16x1xi32> to vector<16xi32>
        %parallel_loop3A_422 = tpu.dynamic_gather %parallel_loop3A_367[%parallel_loop3A_421] in [0] : vector<16xf32>, vector<16xi32> -> vector<16xf32>
        %parallel_loop3A_423 = vector.shape_cast %max3A_153 : vector<16xi32> to vector<16x1xi32>
        %parallel_loop3A_424 = vector.shape_cast %parallel_loop3A_423 : vector<16x1xi32> to vector<16xi32>
        %parallel_loop3A_425 = tpu.dynamic_gather %parallel_loop3A_371[%parallel_loop3A_424] in [0] : vector<16xf32>, vector<16xi32> -> vector<16xf32>
        %parallel_loop3A_426 = arith.select %lt3A_156, %parallel_loop3A_422, %parallel_loop3A_425 : vector<16xi1>, vector<16xf32>
        %parallel_loop3A_427 = vector.shape_cast %sub3A_162 : vector<16xi32> to vector<16x1xi32>
        %parallel_loop3A_428 = vector.shape_cast %parallel_loop3A_427 : vector<16x1xi32> to vector<16xi32>
        %parallel_loop3A_429 = tpu.dynamic_gather %parallel_loop3A_371[%parallel_loop3A_428] in [0] : vector<16xf32>, vector<16xi32> -> vector<16xf32>
        %parallel_loop3A_430 = arith.addf %parallel_loop3A_426, %parallel_loop3A_429 : vector<16xf32>
        %parallel_loop3A_431 = arith.constant 2 : i32
        %parallel_loop3A_432 = arith.index_cast %parallel_loop3A_431 : i32 to index
        %parallel_loop3A_433 = arith.index_cast %parallel_loop3A_210 : i32 to index
        %parallel_loop3A_434 = arith.constant 48 : index
        %parallel_loop3A_435 = tpu.vector_load %run_scoped3A[%parallel_loop3A_432, %parallel_loop3A_433, %parallel_loop3A_434] {strides = array<i32>} : memref<8x12x64xf32, #tpu.memory_space<vmem>>, vector<16xf32>,
        tpu.vector_store %run_scoped3A[%parallel_loop3A_432, %parallel_loop3A_433, %parallel_loop3A_434], %parallel_loop3A_430 {strides = array<i32>} : memref<8x12x64xf32, #tpu.memory_space<vmem>>, vector<16xf32>,
        %parallel_loop3A_436 = arith.constant 1956 : i32
        %parallel_loop3A_437 = arith.addi %parallel_loop3A_436, %parallel_loop3A_210 : i32
        %parallel_loop3A_438 = arith.constant 48 : i32
        %parallel_loop3A_439 = arith.muli %parallel_loop3A_437, %parallel_loop3A_438 : i32
        %parallel_loop3A_440 = arith.addi %parallel_loop3A_439, %sub3A_69 : i32
        %parallel_loop3A_441 = arith.index_cast %parallel_loop3A_440 : i32 to index
        %parallel_loop3A_442 = tpu.vector_load %arg8[%parallel_loop3A_441] {strides = array<i32>} : memref<98304xf32, #tpu.memory_space<vmem>>, vector<16xf32>,
        %parallel_loop3A_443 = arith.constant 16 : i32
        %parallel_loop3A_444 = arith.addi %parallel_loop3A_440, %parallel_loop3A_443 : i32
        %parallel_loop3A_445 = arith.index_cast %parallel_loop3A_444 : i32 to index
        %parallel_loop3A_446 = tpu.vector_load %arg8[%parallel_loop3A_445] {strides = array<i32>} : memref<98304xf32, #tpu.memory_space<vmem>>, vector<16xf32>,
        %parallel_loop3A_447 = vector.shape_cast %get3A_75 : vector<16xi32> to vector<16x1xi32>
        %parallel_loop3A_448 = vector.shape_cast %parallel_loop3A_447 : vector<16x1xi32> to vector<16xi32>
        %parallel_loop3A_449 = tpu.dynamic_gather %parallel_loop3A_442[%parallel_loop3A_448] in [0] : vector<16xf32>, vector<16xi32> -> vector<16xf32>
        %parallel_loop3A_450 = vector.shape_cast %max3A_84 : vector<16xi32> to vector<16x1xi32>
        %parallel_loop3A_451 = vector.shape_cast %parallel_loop3A_450 : vector<16x1xi32> to vector<16xi32>
        %parallel_loop3A_452 = tpu.dynamic_gather %parallel_loop3A_446[%parallel_loop3A_451] in [0] : vector<16xf32>, vector<16xi32> -> vector<16xf32>
        %parallel_loop3A_453 = arith.select %lt3A_87, %parallel_loop3A_449, %parallel_loop3A_452 : vector<16xi1>, vector<16xf32>
        %parallel_loop3A_454 = vector.shape_cast %sub3A_93 : vector<16xi32> to vector<16x1xi32>
        %parallel_loop3A_455 = vector.shape_cast %parallel_loop3A_454 : vector<16x1xi32> to vector<16xi32>
        %parallel_loop3A_456 = tpu.dynamic_gather %parallel_loop3A_446[%parallel_loop3A_455] in [0] : vector<16xf32>, vector<16xi32> -> vector<16xf32>
        %parallel_loop3A_457 = arith.addf %parallel_loop3A_453, %parallel_loop3A_456 : vector<16xf32>
        %parallel_loop3A_458 = arith.constant 3 : i32
        %parallel_loop3A_459 = arith.index_cast %parallel_loop3A_458 : i32 to index
        %parallel_loop3A_460 = arith.index_cast %parallel_loop3A_210 : i32 to index
        %parallel_loop3A_461 = arith.constant 0 : index
        %parallel_loop3A_462 = tpu.vector_load %run_scoped3A[%parallel_loop3A_459, %parallel_loop3A_460, %parallel_loop3A_461] {strides = array<i32>} : memref<8x12x64xf32, #tpu.memory_space<vmem>>, vector<16xf32>,
        tpu.vector_store %run_scoped3A[%parallel_loop3A_459, %parallel_loop3A_460, %parallel_loop3A_461], %parallel_loop3A_457 {strides = array<i32>} : memref<8x12x64xf32, #tpu.memory_space<vmem>>, vector<16xf32>,
        %parallel_loop3A_463 = vector.shape_cast %get3A_97 : vector<16xi32> to vector<16x1xi32>
        %parallel_loop3A_464 = vector.shape_cast %parallel_loop3A_463 : vector<16x1xi32> to vector<16xi32>
        %parallel_loop3A_465 = tpu.dynamic_gather %parallel_loop3A_442[%parallel_loop3A_464] in [0] : vector<16xf32>, vector<16xi32> -> vector<16xf32>
        %parallel_loop3A_466 = vector.shape_cast %max3A_107 : vector<16xi32> to vector<16x1xi32>
        %parallel_loop3A_467 = vector.shape_cast %parallel_loop3A_466 : vector<16x1xi32> to vector<16xi32>
        %parallel_loop3A_468 = tpu.dynamic_gather %parallel_loop3A_446[%parallel_loop3A_467] in [0] : vector<16xf32>, vector<16xi32> -> vector<16xf32>
        %parallel_loop3A_469 = arith.select %lt3A_110, %parallel_loop3A_465, %parallel_loop3A_468 : vector<16xi1>, vector<16xf32>
        %parallel_loop3A_470 = vector.shape_cast %sub3A_116 : vector<16xi32> to vector<16x1xi32>
        %parallel_loop3A_471 = vector.shape_cast %parallel_loop3A_470 : vector<16x1xi32> to vector<16xi32>
        %parallel_loop3A_472 = tpu.dynamic_gather %parallel_loop3A_446[%parallel_loop3A_471] in [0] : vector<16xf32>, vector<16xi32> -> vector<16xf32>
        %parallel_loop3A_473 = arith.addf %parallel_loop3A_469, %parallel_loop3A_472 : vector<16xf32>
        %parallel_loop3A_474 = arith.constant 3 : i32
        %parallel_loop3A_475 = arith.index_cast %parallel_loop3A_474 : i32 to index
        %parallel_loop3A_476 = arith.index_cast %parallel_loop3A_210 : i32 to index
        %parallel_loop3A_477 = arith.constant 16 : index
        %parallel_loop3A_478 = tpu.vector_load %run_scoped3A[%parallel_loop3A_475, %parallel_loop3A_476, %parallel_loop3A_477] {strides = array<i32>} : memref<8x12x64xf32, #tpu.memory_space<vmem>>, vector<16xf32>,
        tpu.vector_store %run_scoped3A[%parallel_loop3A_475, %parallel_loop3A_476, %parallel_loop3A_477], %parallel_loop3A_473 {strides = array<i32>} : memref<8x12x64xf32, #tpu.memory_space<vmem>>, vector<16xf32>,
        %parallel_loop3A_479 = vector.shape_cast %get3A_120 : vector<16xi32> to vector<16x1xi32>
        %parallel_loop3A_480 = vector.shape_cast %parallel_loop3A_479 : vector<16x1xi32> to vector<16xi32>
        %parallel_loop3A_481 = tpu.dynamic_gather %parallel_loop3A_442[%parallel_loop3A_480] in [0] : vector<16xf32>, vector<16xi32> -> vector<16xf32>
        %parallel_loop3A_482 = vector.shape_cast %max3A_130 : vector<16xi32> to vector<16x1xi32>
        %parallel_loop3A_483 = vector.shape_cast %parallel_loop3A_482 : vector<16x1xi32> to vector<16xi32>
        %parallel_loop3A_484 = tpu.dynamic_gather %parallel_loop3A_446[%parallel_loop3A_483] in [0] : vector<16xf32>, vector<16xi32> -> vector<16xf32>
        %parallel_loop3A_485 = arith.select %lt3A_133, %parallel_loop3A_481, %parallel_loop3A_484 : vector<16xi1>, vector<16xf32>
        %parallel_loop3A_486 = vector.shape_cast %sub3A_139 : vector<16xi32> to vector<16x1xi32>
        %parallel_loop3A_487 = vector.shape_cast %parallel_loop3A_486 : vector<16x1xi32> to vector<16xi32>
        %parallel_loop3A_488 = tpu.dynamic_gather %parallel_loop3A_446[%parallel_loop3A_487] in [0] : vector<16xf32>, vector<16xi32> -> vector<16xf32>
        %parallel_loop3A_489 = arith.addf %parallel_loop3A_485, %parallel_loop3A_488 : vector<16xf32>
        %parallel_loop3A_490 = arith.constant 3 : i32
        %parallel_loop3A_491 = arith.index_cast %parallel_loop3A_490 : i32 to index
        %parallel_loop3A_492 = arith.index_cast %parallel_loop3A_210 : i32 to index
        %parallel_loop3A_493 = arith.constant 32 : index
        %parallel_loop3A_494 = tpu.vector_load %run_scoped3A[%parallel_loop3A_491, %parallel_loop3A_492, %parallel_loop3A_493] {strides = array<i32>} : memref<8x12x64xf32, #tpu.memory_space<vmem>>, vector<16xf32>,
        tpu.vector_store %run_scoped3A[%parallel_loop3A_491, %parallel_loop3A_492, %parallel_loop3A_493], %parallel_loop3A_489 {strides = array<i32>} : memref<8x12x64xf32, #tpu.memory_space<vmem>>, vector<16xf32>,
        %parallel_loop3A_495 = vector.shape_cast %get3A_143 : vector<16xi32> to vector<16x1xi32>
        %parallel_loop3A_496 = vector.shape_cast %parallel_loop3A_495 : vector<16x1xi32> to vector<16xi32>
        %parallel_loop3A_497 = tpu.dynamic_gather %parallel_loop3A_442[%parallel_loop3A_496] in [0] : vector<16xf32>, vector<16xi32> -> vector<16xf32>
        %parallel_loop3A_498 = vector.shape_cast %max3A_153 : vector<16xi32> to vector<16x1xi32>
        %parallel_loop3A_499 = vector.shape_cast %parallel_loop3A_498 : vector<16x1xi32> to vector<16xi32>
        %parallel_loop3A_500 = tpu.dynamic_gather %parallel_loop3A_446[%parallel_loop3A_499] in [0] : vector<16xf32>, vector<16xi32> -> vector<16xf32>
        %parallel_loop3A_501 = arith.select %lt3A_156, %parallel_loop3A_497, %parallel_loop3A_500 : vector<16xi1>, vector<16xf32>
        %parallel_loop3A_502 = vector.shape_cast %sub3A_162 : vector<16xi32> to vector<16x1xi32>
        %parallel_loop3A_503 = vector.shape_cast %parallel_loop3A_502 : vector<16x1xi32> to vector<16xi32>
        %parallel_loop3A_504 = tpu.dynamic_gather %parallel_loop3A_446[%parallel_loop3A_503] in [0] : vector<16xf32>, vector<16xi32> -> vector<16xf32>
        %parallel_loop3A_505 = arith.addf %parallel_loop3A_501, %parallel_loop3A_504 : vector<16xf32>
        %parallel_loop3A_506 = arith.constant 3 : i32
        %parallel_loop3A_507 = arith.index_cast %parallel_loop3A_506 : i32 to index
        %parallel_loop3A_508 = arith.index_cast %parallel_loop3A_210 : i32 to index
        %parallel_loop3A_509 = arith.constant 48 : index
        %parallel_loop3A_510 = tpu.vector_load %run_scoped3A[%parallel_loop3A_507, %parallel_loop3A_508, %parallel_loop3A_509] {strides = array<i32>} : memref<8x12x64xf32, #tpu.memory_space<vmem>>, vector<16xf32>,
        tpu.vector_store %run_scoped3A[%parallel_loop3A_507, %parallel_loop3A_508, %parallel_loop3A_509], %parallel_loop3A_505 {strides = array<i32>} : memref<8x12x64xf32, #tpu.memory_space<vmem>>, vector<16xf32>,
        %parallel_loop3A_511 = arith.constant 1968 : i32
        %parallel_loop3A_512 = arith.addi %parallel_loop3A_511, %parallel_loop3A_210 : i32
        %parallel_loop3A_513 = arith.constant 48 : i32
        %parallel_loop3A_514 = arith.muli %parallel_loop3A_512, %parallel_loop3A_513 : i32
        %parallel_loop3A_515 = arith.addi %parallel_loop3A_514, %sub3A_69 : i32
        %parallel_loop3A_516 = arith.index_cast %parallel_loop3A_515 : i32 to index
        %parallel_loop3A_517 = tpu.vector_load %arg8[%parallel_loop3A_516] {strides = array<i32>} : memref<98304xf32, #tpu.memory_space<vmem>>, vector<16xf32>,
        %parallel_loop3A_518 = arith.constant 16 : i32
        %parallel_loop3A_519 = arith.addi %parallel_loop3A_515, %parallel_loop3A_518 : i32
        %parallel_loop3A_520 = arith.index_cast %parallel_loop3A_519 : i32 to index
        %parallel_loop3A_521 = tpu.vector_load %arg8[%parallel_loop3A_520] {strides = array<i32>} : memref<98304xf32, #tpu.memory_space<vmem>>, vector<16xf32>,
        %parallel_loop3A_522 = vector.shape_cast %get3A_75 : vector<16xi32> to vector<16x1xi32>
        %parallel_loop3A_523 = vector.shape_cast %parallel_loop3A_522 : vector<16x1xi32> to vector<16xi32>
        %parallel_loop3A_524 = tpu.dynamic_gather %parallel_loop3A_517[%parallel_loop3A_523] in [0] : vector<16xf32>, vector<16xi32> -> vector<16xf32>
        %parallel_loop3A_525 = vector.shape_cast %max3A_84 : vector<16xi32> to vector<16x1xi32>
        %parallel_loop3A_526 = vector.shape_cast %parallel_loop3A_525 : vector<16x1xi32> to vector<16xi32>
        %parallel_loop3A_527 = tpu.dynamic_gather %parallel_loop3A_521[%parallel_loop3A_526] in [0] : vector<16xf32>, vector<16xi32> -> vector<16xf32>
        %parallel_loop3A_528 = arith.select %lt3A_87, %parallel_loop3A_524, %parallel_loop3A_527 : vector<16xi1>, vector<16xf32>
        %parallel_loop3A_529 = vector.shape_cast %sub3A_93 : vector<16xi32> to vector<16x1xi32>
        %parallel_loop3A_530 = vector.shape_cast %parallel_loop3A_529 : vector<16x1xi32> to vector<16xi32>
        %parallel_loop3A_531 = tpu.dynamic_gather %parallel_loop3A_521[%parallel_loop3A_530] in [0] : vector<16xf32>, vector<16xi32> -> vector<16xf32>
        %parallel_loop3A_532 = arith.addf %parallel_loop3A_528, %parallel_loop3A_531 : vector<16xf32>
        %parallel_loop3A_533 = arith.constant 4 : i32
        %parallel_loop3A_534 = arith.index_cast %parallel_loop3A_533 : i32 to index
        %parallel_loop3A_535 = arith.index_cast %parallel_loop3A_210 : i32 to index
        %parallel_loop3A_536 = arith.constant 0 : index
        %parallel_loop3A_537 = tpu.vector_load %run_scoped3A[%parallel_loop3A_534, %parallel_loop3A_535, %parallel_loop3A_536] {strides = array<i32>} : memref<8x12x64xf32, #tpu.memory_space<vmem>>, vector<16xf32>,
        tpu.vector_store %run_scoped3A[%parallel_loop3A_534, %parallel_loop3A_535, %parallel_loop3A_536], %parallel_loop3A_532 {strides = array<i32>} : memref<8x12x64xf32, #tpu.memory_space<vmem>>, vector<16xf32>,
        %parallel_loop3A_538 = vector.shape_cast %get3A_97 : vector<16xi32> to vector<16x1xi32>
        %parallel_loop3A_539 = vector.shape_cast %parallel_loop3A_538 : vector<16x1xi32> to vector<16xi32>
        %parallel_loop3A_540 = tpu.dynamic_gather %parallel_loop3A_517[%parallel_loop3A_539] in [0] : vector<16xf32>, vector<16xi32> -> vector<16xf32>
        %parallel_loop3A_541 = vector.shape_cast %max3A_107 : vector<16xi32> to vector<16x1xi32>
        %parallel_loop3A_542 = vector.shape_cast %parallel_loop3A_541 : vector<16x1xi32> to vector<16xi32>
        %parallel_loop3A_543 = tpu.dynamic_gather %parallel_loop3A_521[%parallel_loop3A_542] in [0] : vector<16xf32>, vector<16xi32> -> vector<16xf32>
        %parallel_loop3A_544 = arith.select %lt3A_110, %parallel_loop3A_540, %parallel_loop3A_543 : vector<16xi1>, vector<16xf32>
        %parallel_loop3A_545 = vector.shape_cast %sub3A_116 : vector<16xi32> to vector<16x1xi32>
        %parallel_loop3A_546 = vector.shape_cast %parallel_loop3A_545 : vector<16x1xi32> to vector<16xi32>
        %parallel_loop3A_547 = tpu.dynamic_gather %parallel_loop3A_521[%parallel_loop3A_546] in [0] : vector<16xf32>, vector<16xi32> -> vector<16xf32>
        %parallel_loop3A_548 = arith.addf %parallel_loop3A_544, %parallel_loop3A_547 : vector<16xf32>
        %parallel_loop3A_549 = arith.constant 4 : i32
        %parallel_loop3A_550 = arith.index_cast %parallel_loop3A_549 : i32 to index
        %parallel_loop3A_551 = arith.index_cast %parallel_loop3A_210 : i32 to index
        %parallel_loop3A_552 = arith.constant 16 : index
        %parallel_loop3A_553 = tpu.vector_load %run_scoped3A[%parallel_loop3A_550, %parallel_loop3A_551, %parallel_loop3A_552] {strides = array<i32>} : memref<8x12x64xf32, #tpu.memory_space<vmem>>, vector<16xf32>,
        tpu.vector_store %run_scoped3A[%parallel_loop3A_550, %parallel_loop3A_551, %parallel_loop3A_552], %parallel_loop3A_548 {strides = array<i32>} : memref<8x12x64xf32, #tpu.memory_space<vmem>>, vector<16xf32>,
        %parallel_loop3A_554 = vector.shape_cast %get3A_120 : vector<16xi32> to vector<16x1xi32>
        %parallel_loop3A_555 = vector.shape_cast %parallel_loop3A_554 : vector<16x1xi32> to vector<16xi32>
        %parallel_loop3A_556 = tpu.dynamic_gather %parallel_loop3A_517[%parallel_loop3A_555] in [0] : vector<16xf32>, vector<16xi32> -> vector<16xf32>
        %parallel_loop3A_557 = vector.shape_cast %max3A_130 : vector<16xi32> to vector<16x1xi32>
        %parallel_loop3A_558 = vector.shape_cast %parallel_loop3A_557 : vector<16x1xi32> to vector<16xi32>
        %parallel_loop3A_559 = tpu.dynamic_gather %parallel_loop3A_521[%parallel_loop3A_558] in [0] : vector<16xf32>, vector<16xi32> -> vector<16xf32>
        %parallel_loop3A_560 = arith.select %lt3A_133, %parallel_loop3A_556, %parallel_loop3A_559 : vector<16xi1>, vector<16xf32>
        %parallel_loop3A_561 = vector.shape_cast %sub3A_139 : vector<16xi32> to vector<16x1xi32>
        %parallel_loop3A_562 = vector.shape_cast %parallel_loop3A_561 : vector<16x1xi32> to vector<16xi32>
        %parallel_loop3A_563 = tpu.dynamic_gather %parallel_loop3A_521[%parallel_loop3A_562] in [0] : vector<16xf32>, vector<16xi32> -> vector<16xf32>
        %parallel_loop3A_564 = arith.addf %parallel_loop3A_560, %parallel_loop3A_563 : vector<16xf32>
        %parallel_loop3A_565 = arith.constant 4 : i32
        %parallel_loop3A_566 = arith.index_cast %parallel_loop3A_565 : i32 to index
        %parallel_loop3A_567 = arith.index_cast %parallel_loop3A_210 : i32 to index
        %parallel_loop3A_568 = arith.constant 32 : index
        %parallel_loop3A_569 = tpu.vector_load %run_scoped3A[%parallel_loop3A_566, %parallel_loop3A_567, %parallel_loop3A_568] {strides = array<i32>} : memref<8x12x64xf32, #tpu.memory_space<vmem>>, vector<16xf32>,
        tpu.vector_store %run_scoped3A[%parallel_loop3A_566, %parallel_loop3A_567, %parallel_loop3A_568], %parallel_loop3A_564 {strides = array<i32>} : memref<8x12x64xf32, #tpu.memory_space<vmem>>, vector<16xf32>,
        %parallel_loop3A_570 = vector.shape_cast %get3A_143 : vector<16xi32> to vector<16x1xi32>
        %parallel_loop3A_571 = vector.shape_cast %parallel_loop3A_570 : vector<16x1xi32> to vector<16xi32>
        %parallel_loop3A_572 = tpu.dynamic_gather %parallel_loop3A_517[%parallel_loop3A_571] in [0] : vector<16xf32>, vector<16xi32> -> vector<16xf32>
        %parallel_loop3A_573 = vector.shape_cast %max3A_153 : vector<16xi32> to vector<16x1xi32>
        %parallel_loop3A_574 = vector.shape_cast %parallel_loop3A_573 : vector<16x1xi32> to vector<16xi32>
        %parallel_loop3A_575 = tpu.dynamic_gather %parallel_loop3A_521[%parallel_loop3A_574] in [0] : vector<16xf32>, vector<16xi32> -> vector<16xf32>
        %parallel_loop3A_576 = arith.select %lt3A_156, %parallel_loop3A_572, %parallel_loop3A_575 : vector<16xi1>, vector<16xf32>
        %parallel_loop3A_577 = vector.shape_cast %sub3A_162 : vector<16xi32> to vector<16x1xi32>
        %parallel_loop3A_578 = vector.shape_cast %parallel_loop3A_577 : vector<16x1xi32> to vector<16xi32>
        %parallel_loop3A_579 = tpu.dynamic_gather %parallel_loop3A_521[%parallel_loop3A_578] in [0] : vector<16xf32>, vector<16xi32> -> vector<16xf32>
        %parallel_loop3A_580 = arith.addf %parallel_loop3A_576, %parallel_loop3A_579 : vector<16xf32>
        %parallel_loop3A_581 = arith.constant 4 : i32
        %parallel_loop3A_582 = arith.index_cast %parallel_loop3A_581 : i32 to index
        %parallel_loop3A_583 = arith.index_cast %parallel_loop3A_210 : i32 to index
        %parallel_loop3A_584 = arith.constant 48 : index
        %parallel_loop3A_585 = tpu.vector_load %run_scoped3A[%parallel_loop3A_582, %parallel_loop3A_583, %parallel_loop3A_584] {strides = array<i32>} : memref<8x12x64xf32, #tpu.memory_space<vmem>>, vector<16xf32>,
        tpu.vector_store %run_scoped3A[%parallel_loop3A_582, %parallel_loop3A_583, %parallel_loop3A_584], %parallel_loop3A_580 {strides = array<i32>} : memref<8x12x64xf32, #tpu.memory_space<vmem>>, vector<16xf32>,
        %parallel_loop3A_586 = arith.constant 1980 : i32
        %parallel_loop3A_587 = arith.addi %parallel_loop3A_586, %parallel_loop3A_210 : i32
        %parallel_loop3A_588 = arith.constant 48 : i32
        %parallel_loop3A_589 = arith.muli %parallel_loop3A_587, %parallel_loop3A_588 : i32
        %parallel_loop3A_590 = arith.addi %parallel_loop3A_589, %sub3A_69 : i32
        %parallel_loop3A_591 = arith.index_cast %parallel_loop3A_590 : i32 to index
        %parallel_loop3A_592 = tpu.vector_load %arg8[%parallel_loop3A_591] {strides = array<i32>} : memref<98304xf32, #tpu.memory_space<vmem>>, vector<16xf32>,
        %parallel_loop3A_593 = arith.constant 16 : i32
        %parallel_loop3A_594 = arith.addi %parallel_loop3A_590, %parallel_loop3A_593 : i32
        %parallel_loop3A_595 = arith.index_cast %parallel_loop3A_594 : i32 to index
        %parallel_loop3A_596 = tpu.vector_load %arg8[%parallel_loop3A_595] {strides = array<i32>} : memref<98304xf32, #tpu.memory_space<vmem>>, vector<16xf32>,
        %parallel_loop3A_597 = vector.shape_cast %get3A_75 : vector<16xi32> to vector<16x1xi32>
        %parallel_loop3A_598 = vector.shape_cast %parallel_loop3A_597 : vector<16x1xi32> to vector<16xi32>
        %parallel_loop3A_599 = tpu.dynamic_gather %parallel_loop3A_592[%parallel_loop3A_598] in [0] : vector<16xf32>, vector<16xi32> -> vector<16xf32>
        %parallel_loop3A_600 = vector.shape_cast %max3A_84 : vector<16xi32> to vector<16x1xi32>
        %parallel_loop3A_601 = vector.shape_cast %parallel_loop3A_600 : vector<16x1xi32> to vector<16xi32>
        %parallel_loop3A_602 = tpu.dynamic_gather %parallel_loop3A_596[%parallel_loop3A_601] in [0] : vector<16xf32>, vector<16xi32> -> vector<16xf32>
        %parallel_loop3A_603 = arith.select %lt3A_87, %parallel_loop3A_599, %parallel_loop3A_602 : vector<16xi1>, vector<16xf32>
        %parallel_loop3A_604 = vector.shape_cast %sub3A_93 : vector<16xi32> to vector<16x1xi32>
        %parallel_loop3A_605 = vector.shape_cast %parallel_loop3A_604 : vector<16x1xi32> to vector<16xi32>
        %parallel_loop3A_606 = tpu.dynamic_gather %parallel_loop3A_596[%parallel_loop3A_605] in [0] : vector<16xf32>, vector<16xi32> -> vector<16xf32>
        %parallel_loop3A_607 = arith.addf %parallel_loop3A_603, %parallel_loop3A_606 : vector<16xf32>
        %parallel_loop3A_608 = arith.constant 5 : i32
        %parallel_loop3A_609 = arith.index_cast %parallel_loop3A_608 : i32 to index
        %parallel_loop3A_610 = arith.index_cast %parallel_loop3A_210 : i32 to index
        %parallel_loop3A_611 = arith.constant 0 : index
        %parallel_loop3A_612 = tpu.vector_load %run_scoped3A[%parallel_loop3A_609, %parallel_loop3A_610, %parallel_loop3A_611] {strides = array<i32>} : memref<8x12x64xf32, #tpu.memory_space<vmem>>, vector<16xf32>,
        tpu.vector_store %run_scoped3A[%parallel_loop3A_609, %parallel_loop3A_610, %parallel_loop3A_611], %parallel_loop3A_607 {strides = array<i32>} : memref<8x12x64xf32, #tpu.memory_space<vmem>>, vector<16xf32>,
        %parallel_loop3A_613 = vector.shape_cast %get3A_97 : vector<16xi32> to vector<16x1xi32>
        %parallel_loop3A_614 = vector.shape_cast %parallel_loop3A_613 : vector<16x1xi32> to vector<16xi32>
        %parallel_loop3A_615 = tpu.dynamic_gather %parallel_loop3A_592[%parallel_loop3A_614] in [0] : vector<16xf32>, vector<16xi32> -> vector<16xf32>
        %parallel_loop3A_616 = vector.shape_cast %max3A_107 : vector<16xi32> to vector<16x1xi32>
        %parallel_loop3A_617 = vector.shape_cast %parallel_loop3A_616 : vector<16x1xi32> to vector<16xi32>
        %parallel_loop3A_618 = tpu.dynamic_gather %parallel_loop3A_596[%parallel_loop3A_617] in [0] : vector<16xf32>, vector<16xi32> -> vector<16xf32>
        %parallel_loop3A_619 = arith.select %lt3A_110, %parallel_loop3A_615, %parallel_loop3A_618 : vector<16xi1>, vector<16xf32>
        %parallel_loop3A_620 = vector.shape_cast %sub3A_116 : vector<16xi32> to vector<16x1xi32>
        %parallel_loop3A_621 = vector.shape_cast %parallel_loop3A_620 : vector<16x1xi32> to vector<16xi32>
        %parallel_loop3A_622 = tpu.dynamic_gather %parallel_loop3A_596[%parallel_loop3A_621] in [0] : vector<16xf32>, vector<16xi32> -> vector<16xf32>
        %parallel_loop3A_623 = arith.addf %parallel_loop3A_619, %parallel_loop3A_622 : vector<16xf32>
        %parallel_loop3A_624 = arith.constant 5 : i32
        %parallel_loop3A_625 = arith.index_cast %parallel_loop3A_624 : i32 to index
        %parallel_loop3A_626 = arith.index_cast %parallel_loop3A_210 : i32 to index
        %parallel_loop3A_627 = arith.constant 16 : index
        %parallel_loop3A_628 = tpu.vector_load %run_scoped3A[%parallel_loop3A_625, %parallel_loop3A_626, %parallel_loop3A_627] {strides = array<i32>} : memref<8x12x64xf32, #tpu.memory_space<vmem>>, vector<16xf32>,
        tpu.vector_store %run_scoped3A[%parallel_loop3A_625, %parallel_loop3A_626, %parallel_loop3A_627], %parallel_loop3A_623 {strides = array<i32>} : memref<8x12x64xf32, #tpu.memory_space<vmem>>, vector<16xf32>,
        %parallel_loop3A_629 = vector.shape_cast %get3A_120 : vector<16xi32> to vector<16x1xi32>
        %parallel_loop3A_630 = vector.shape_cast %parallel_loop3A_629 : vector<16x1xi32> to vector<16xi32>
        %parallel_loop3A_631 = tpu.dynamic_gather %parallel_loop3A_592[%parallel_loop3A_630] in [0] : vector<16xf32>, vector<16xi32> -> vector<16xf32>
        %parallel_loop3A_632 = vector.shape_cast %max3A_130 : vector<16xi32> to vector<16x1xi32>
        %parallel_loop3A_633 = vector.shape_cast %parallel_loop3A_632 : vector<16x1xi32> to vector<16xi32>
        %parallel_loop3A_634 = tpu.dynamic_gather %parallel_loop3A_596[%parallel_loop3A_633] in [0] : vector<16xf32>, vector<16xi32> -> vector<16xf32>
        %parallel_loop3A_635 = arith.select %lt3A_133, %parallel_loop3A_631, %parallel_loop3A_634 : vector<16xi1>, vector<16xf32>
        %parallel_loop3A_636 = vector.shape_cast %sub3A_139 : vector<16xi32> to vector<16x1xi32>
        %parallel_loop3A_637 = vector.shape_cast %parallel_loop3A_636 : vector<16x1xi32> to vector<16xi32>
        %parallel_loop3A_638 = tpu.dynamic_gather %parallel_loop3A_596[%parallel_loop3A_637] in [0] : vector<16xf32>, vector<16xi32> -> vector<16xf32>
        %parallel_loop3A_639 = arith.addf %parallel_loop3A_635, %parallel_loop3A_638 : vector<16xf32>
        %parallel_loop3A_640 = arith.constant 5 : i32
        %parallel_loop3A_641 = arith.index_cast %parallel_loop3A_640 : i32 to index
        %parallel_loop3A_642 = arith.index_cast %parallel_loop3A_210 : i32 to index
        %parallel_loop3A_643 = arith.constant 32 : index
        %parallel_loop3A_644 = tpu.vector_load %run_scoped3A[%parallel_loop3A_641, %parallel_loop3A_642, %parallel_loop3A_643] {strides = array<i32>} : memref<8x12x64xf32, #tpu.memory_space<vmem>>, vector<16xf32>,
        tpu.vector_store %run_scoped3A[%parallel_loop3A_641, %parallel_loop3A_642, %parallel_loop3A_643], %parallel_loop3A_639 {strides = array<i32>} : memref<8x12x64xf32, #tpu.memory_space<vmem>>, vector<16xf32>,
        %parallel_loop3A_645 = vector.shape_cast %get3A_143 : vector<16xi32> to vector<16x1xi32>
        %parallel_loop3A_646 = vector.shape_cast %parallel_loop3A_645 : vector<16x1xi32> to vector<16xi32>
        %parallel_loop3A_647 = tpu.dynamic_gather %parallel_loop3A_592[%parallel_loop3A_646] in [0] : vector<16xf32>, vector<16xi32> -> vector<16xf32>
        %parallel_loop3A_648 = vector.shape_cast %max3A_153 : vector<16xi32> to vector<16x1xi32>
        %parallel_loop3A_649 = vector.shape_cast %parallel_loop3A_648 : vector<16x1xi32> to vector<16xi32>
        %parallel_loop3A_650 = tpu.dynamic_gather %parallel_loop3A_596[%parallel_loop3A_649] in [0] : vector<16xf32>, vector<16xi32> -> vector<16xf32>
        %parallel_loop3A_651 = arith.select %lt3A_156, %parallel_loop3A_647, %parallel_loop3A_650 : vector<16xi1>, vector<16xf32>
        %parallel_loop3A_652 = vector.shape_cast %sub3A_162 : vector<16xi32> to vector<16x1xi32>
        %parallel_loop3A_653 = vector.shape_cast %parallel_loop3A_652 : vector<16x1xi32> to vector<16xi32>
        %parallel_loop3A_654 = tpu.dynamic_gather %parallel_loop3A_596[%parallel_loop3A_653] in [0] : vector<16xf32>, vector<16xi32> -> vector<16xf32>
        %parallel_loop3A_655 = arith.addf %parallel_loop3A_651, %parallel_loop3A_654 : vector<16xf32>
        %parallel_loop3A_656 = arith.constant 5 : i32
        %parallel_loop3A_657 = arith.index_cast %parallel_loop3A_656 : i32 to index
        %parallel_loop3A_658 = arith.index_cast %parallel_loop3A_210 : i32 to index
        %parallel_loop3A_659 = arith.constant 48 : index
        %parallel_loop3A_660 = tpu.vector_load %run_scoped3A[%parallel_loop3A_657, %parallel_loop3A_658, %parallel_loop3A_659] {strides = array<i32>} : memref<8x12x64xf32, #tpu.memory_space<vmem>>, vector<16xf32>,
        tpu.vector_store %run_scoped3A[%parallel_loop3A_657, %parallel_loop3A_658, %parallel_loop3A_659], %parallel_loop3A_655 {strides = array<i32>} : memref<8x12x64xf32, #tpu.memory_space<vmem>>, vector<16xf32>,
        %parallel_loop3A_661 = arith.constant 1992 : i32
        %parallel_loop3A_662 = arith.addi %parallel_loop3A_661, %parallel_loop3A_210 : i32
        %parallel_loop3A_663 = arith.constant 48 : i32
        %parallel_loop3A_664 = arith.muli %parallel_loop3A_662, %parallel_loop3A_663 : i32
        %parallel_loop3A_665 = arith.addi %parallel_loop3A_664, %sub3A_69 : i32
        %parallel_loop3A_666 = arith.index_cast %parallel_loop3A_665 : i32 to index
        %parallel_loop3A_667 = tpu.vector_load %arg8[%parallel_loop3A_666] {strides = array<i32>} : memref<98304xf32, #tpu.memory_space<vmem>>, vector<16xf32>,
        %parallel_loop3A_668 = arith.constant 16 : i32
        %parallel_loop3A_669 = arith.addi %parallel_loop3A_665, %parallel_loop3A_668 : i32
        %parallel_loop3A_670 = arith.index_cast %parallel_loop3A_669 : i32 to index
        %parallel_loop3A_671 = tpu.vector_load %arg8[%parallel_loop3A_670] {strides = array<i32>} : memref<98304xf32, #tpu.memory_space<vmem>>, vector<16xf32>,
        %parallel_loop3A_672 = vector.shape_cast %get3A_75 : vector<16xi32> to vector<16x1xi32>
        %parallel_loop3A_673 = vector.shape_cast %parallel_loop3A_672 : vector<16x1xi32> to vector<16xi32>
        %parallel_loop3A_674 = tpu.dynamic_gather %parallel_loop3A_667[%parallel_loop3A_673] in [0] : vector<16xf32>, vector<16xi32> -> vector<16xf32>
        %parallel_loop3A_675 = vector.shape_cast %max3A_84 : vector<16xi32> to vector<16x1xi32>
        %parallel_loop3A_676 = vector.shape_cast %parallel_loop3A_675 : vector<16x1xi32> to vector<16xi32>
        %parallel_loop3A_677 = tpu.dynamic_gather %parallel_loop3A_671[%parallel_loop3A_676] in [0] : vector<16xf32>, vector<16xi32> -> vector<16xf32>
        %parallel_loop3A_678 = arith.select %lt3A_87, %parallel_loop3A_674, %parallel_loop3A_677 : vector<16xi1>, vector<16xf32>
        %parallel_loop3A_679 = vector.shape_cast %sub3A_93 : vector<16xi32> to vector<16x1xi32>
        %parallel_loop3A_680 = vector.shape_cast %parallel_loop3A_679 : vector<16x1xi32> to vector<16xi32>
        %parallel_loop3A_681 = tpu.dynamic_gather %parallel_loop3A_671[%parallel_loop3A_680] in [0] : vector<16xf32>, vector<16xi32> -> vector<16xf32>
        %parallel_loop3A_682 = arith.addf %parallel_loop3A_678, %parallel_loop3A_681 : vector<16xf32>
        %parallel_loop3A_683 = arith.constant 6 : i32
        %parallel_loop3A_684 = arith.index_cast %parallel_loop3A_683 : i32 to index
        %parallel_loop3A_685 = arith.index_cast %parallel_loop3A_210 : i32 to index
        %parallel_loop3A_686 = arith.constant 0 : index
        %parallel_loop3A_687 = tpu.vector_load %run_scoped3A[%parallel_loop3A_684, %parallel_loop3A_685, %parallel_loop3A_686] {strides = array<i32>} : memref<8x12x64xf32, #tpu.memory_space<vmem>>, vector<16xf32>,
        tpu.vector_store %run_scoped3A[%parallel_loop3A_684, %parallel_loop3A_685, %parallel_loop3A_686], %parallel_loop3A_682 {strides = array<i32>} : memref<8x12x64xf32, #tpu.memory_space<vmem>>, vector<16xf32>,
        %parallel_loop3A_688 = vector.shape_cast %get3A_97 : vector<16xi32> to vector<16x1xi32>
        %parallel_loop3A_689 = vector.shape_cast %parallel_loop3A_688 : vector<16x1xi32> to vector<16xi32>
        %parallel_loop3A_690 = tpu.dynamic_gather %parallel_loop3A_667[%parallel_loop3A_689] in [0] : vector<16xf32>, vector<16xi32> -> vector<16xf32>
        %parallel_loop3A_691 = vector.shape_cast %max3A_107 : vector<16xi32> to vector<16x1xi32>
        %parallel_loop3A_692 = vector.shape_cast %parallel_loop3A_691 : vector<16x1xi32> to vector<16xi32>
        %parallel_loop3A_693 = tpu.dynamic_gather %parallel_loop3A_671[%parallel_loop3A_692] in [0] : vector<16xf32>, vector<16xi32> -> vector<16xf32>
        %parallel_loop3A_694 = arith.select %lt3A_110, %parallel_loop3A_690, %parallel_loop3A_693 : vector<16xi1>, vector<16xf32>
        %parallel_loop3A_695 = vector.shape_cast %sub3A_116 : vector<16xi32> to vector<16x1xi32>
        %parallel_loop3A_696 = vector.shape_cast %parallel_loop3A_695 : vector<16x1xi32> to vector<16xi32>
        %parallel_loop3A_697 = tpu.dynamic_gather %parallel_loop3A_671[%parallel_loop3A_696] in [0] : vector<16xf32>, vector<16xi32> -> vector<16xf32>
        %parallel_loop3A_698 = arith.addf %parallel_loop3A_694, %parallel_loop3A_697 : vector<16xf32>
        %parallel_loop3A_699 = arith.constant 6 : i32
        %parallel_loop3A_700 = arith.index_cast %parallel_loop3A_699 : i32 to index
        %parallel_loop3A_701 = arith.index_cast %parallel_loop3A_210 : i32 to index
        %parallel_loop3A_702 = arith.constant 16 : index
        %parallel_loop3A_703 = tpu.vector_load %run_scoped3A[%parallel_loop3A_700, %parallel_loop3A_701, %parallel_loop3A_702] {strides = array<i32>} : memref<8x12x64xf32, #tpu.memory_space<vmem>>, vector<16xf32>,
        tpu.vector_store %run_scoped3A[%parallel_loop3A_700, %parallel_loop3A_701, %parallel_loop3A_702], %parallel_loop3A_698 {strides = array<i32>} : memref<8x12x64xf32, #tpu.memory_space<vmem>>, vector<16xf32>,
        %parallel_loop3A_704 = vector.shape_cast %get3A_120 : vector<16xi32> to vector<16x1xi32>
        %parallel_loop3A_705 = vector.shape_cast %parallel_loop3A_704 : vector<16x1xi32> to vector<16xi32>
        %parallel_loop3A_706 = tpu.dynamic_gather %parallel_loop3A_667[%parallel_loop3A_705] in [0] : vector<16xf32>, vector<16xi32> -> vector<16xf32>
        %parallel_loop3A_707 = vector.shape_cast %max3A_130 : vector<16xi32> to vector<16x1xi32>
        %parallel_loop3A_708 = vector.shape_cast %parallel_loop3A_707 : vector<16x1xi32> to vector<16xi32>
        %parallel_loop3A_709 = tpu.dynamic_gather %parallel_loop3A_671[%parallel_loop3A_708] in [0] : vector<16xf32>, vector<16xi32> -> vector<16xf32>
        %parallel_loop3A_710 = arith.select %lt3A_133, %parallel_loop3A_706, %parallel_loop3A_709 : vector<16xi1>, vector<16xf32>
        %parallel_loop3A_711 = vector.shape_cast %sub3A_139 : vector<16xi32> to vector<16x1xi32>
        %parallel_loop3A_712 = vector.shape_cast %parallel_loop3A_711 : vector<16x1xi32> to vector<16xi32>
        %parallel_loop3A_713 = tpu.dynamic_gather %parallel_loop3A_671[%parallel_loop3A_712] in [0] : vector<16xf32>, vector<16xi32> -> vector<16xf32>
        %parallel_loop3A_714 = arith.addf %parallel_loop3A_710, %parallel_loop3A_713 : vector<16xf32>
        %parallel_loop3A_715 = arith.constant 6 : i32
        %parallel_loop3A_716 = arith.index_cast %parallel_loop3A_715 : i32 to index
        %parallel_loop3A_717 = arith.index_cast %parallel_loop3A_210 : i32 to index
        %parallel_loop3A_718 = arith.constant 32 : index
        %parallel_loop3A_719 = tpu.vector_load %run_scoped3A[%parallel_loop3A_716, %parallel_loop3A_717, %parallel_loop3A_718] {strides = array<i32>} : memref<8x12x64xf32, #tpu.memory_space<vmem>>, vector<16xf32>,
        tpu.vector_store %run_scoped3A[%parallel_loop3A_716, %parallel_loop3A_717, %parallel_loop3A_718], %parallel_loop3A_714 {strides = array<i32>} : memref<8x12x64xf32, #tpu.memory_space<vmem>>, vector<16xf32>,
        %parallel_loop3A_720 = vector.shape_cast %get3A_143 : vector<16xi32> to vector<16x1xi32>
        %parallel_loop3A_721 = vector.shape_cast %parallel_loop3A_720 : vector<16x1xi32> to vector<16xi32>
        %parallel_loop3A_722 = tpu.dynamic_gather %parallel_loop3A_667[%parallel_loop3A_721] in [0] : vector<16xf32>, vector<16xi32> -> vector<16xf32>
        %parallel_loop3A_723 = vector.shape_cast %max3A_153 : vector<16xi32> to vector<16x1xi32>
        %parallel_loop3A_724 = vector.shape_cast %parallel_loop3A_723 : vector<16x1xi32> to vector<16xi32>
        %parallel_loop3A_725 = tpu.dynamic_gather %parallel_loop3A_671[%parallel_loop3A_724] in [0] : vector<16xf32>, vector<16xi32> -> vector<16xf32>
        %parallel_loop3A_726 = arith.select %lt3A_156, %parallel_loop3A_722, %parallel_loop3A_725 : vector<16xi1>, vector<16xf32>
        %parallel_loop3A_727 = vector.shape_cast %sub3A_162 : vector<16xi32> to vector<16x1xi32>
        %parallel_loop3A_728 = vector.shape_cast %parallel_loop3A_727 : vector<16x1xi32> to vector<16xi32>
        %parallel_loop3A_729 = tpu.dynamic_gather %parallel_loop3A_671[%parallel_loop3A_728] in [0] : vector<16xf32>, vector<16xi32> -> vector<16xf32>
        %parallel_loop3A_730 = arith.addf %parallel_loop3A_726, %parallel_loop3A_729 : vector<16xf32>
        %parallel_loop3A_731 = arith.constant 6 : i32
        %parallel_loop3A_732 = arith.index_cast %parallel_loop3A_731 : i32 to index
        %parallel_loop3A_733 = arith.index_cast %parallel_loop3A_210 : i32 to index
        %parallel_loop3A_734 = arith.constant 48 : index
        %parallel_loop3A_735 = tpu.vector_load %run_scoped3A[%parallel_loop3A_732, %parallel_loop3A_733, %parallel_loop3A_734] {strides = array<i32>} : memref<8x12x64xf32, #tpu.memory_space<vmem>>, vector<16xf32>,
        tpu.vector_store %run_scoped3A[%parallel_loop3A_732, %parallel_loop3A_733, %parallel_loop3A_734], %parallel_loop3A_730 {strides = array<i32>} : memref<8x12x64xf32, #tpu.memory_space<vmem>>, vector<16xf32>,
        %parallel_loop3A_736 = arith.constant 2004 : i32
        %parallel_loop3A_737 = arith.addi %parallel_loop3A_736, %parallel_loop3A_210 : i32
        %parallel_loop3A_738 = arith.constant 48 : i32
        %parallel_loop3A_739 = arith.muli %parallel_loop3A_737, %parallel_loop3A_738 : i32
        %parallel_loop3A_740 = arith.addi %parallel_loop3A_739, %sub3A_69 : i32
        %parallel_loop3A_741 = arith.index_cast %parallel_loop3A_740 : i32 to index
        %parallel_loop3A_742 = tpu.vector_load %arg8[%parallel_loop3A_741] {strides = array<i32>} : memref<98304xf32, #tpu.memory_space<vmem>>, vector<16xf32>,
        %parallel_loop3A_743 = arith.constant 16 : i32
        %parallel_loop3A_744 = arith.addi %parallel_loop3A_740, %parallel_loop3A_743 : i32
        %parallel_loop3A_745 = arith.index_cast %parallel_loop3A_744 : i32 to index
        %parallel_loop3A_746 = tpu.vector_load %arg8[%parallel_loop3A_745] {strides = array<i32>} : memref<98304xf32, #tpu.memory_space<vmem>>, vector<16xf32>,
        %parallel_loop3A_747 = vector.shape_cast %get3A_75 : vector<16xi32> to vector<16x1xi32>
        %parallel_loop3A_748 = vector.shape_cast %parallel_loop3A_747 : vector<16x1xi32> to vector<16xi32>
        %parallel_loop3A_749 = tpu.dynamic_gather %parallel_loop3A_742[%parallel_loop3A_748] in [0] : vector<16xf32>, vector<16xi32> -> vector<16xf32>
        %parallel_loop3A_750 = vector.shape_cast %max3A_84 : vector<16xi32> to vector<16x1xi32>
        %parallel_loop3A_751 = vector.shape_cast %parallel_loop3A_750 : vector<16x1xi32> to vector<16xi32>
        %parallel_loop3A_752 = tpu.dynamic_gather %parallel_loop3A_746[%parallel_loop3A_751] in [0] : vector<16xf32>, vector<16xi32> -> vector<16xf32>
        %parallel_loop3A_753 = arith.select %lt3A_87, %parallel_loop3A_749, %parallel_loop3A_752 : vector<16xi1>, vector<16xf32>
        %parallel_loop3A_754 = vector.shape_cast %sub3A_93 : vector<16xi32> to vector<16x1xi32>
        %parallel_loop3A_755 = vector.shape_cast %parallel_loop3A_754 : vector<16x1xi32> to vector<16xi32>
        %parallel_loop3A_756 = tpu.dynamic_gather %parallel_loop3A_746[%parallel_loop3A_755] in [0] : vector<16xf32>, vector<16xi32> -> vector<16xf32>
        %parallel_loop3A_757 = arith.addf %parallel_loop3A_753, %parallel_loop3A_756 : vector<16xf32>
        %parallel_loop3A_758 = arith.constant 7 : i32
        %parallel_loop3A_759 = arith.index_cast %parallel_loop3A_758 : i32 to index
        %parallel_loop3A_760 = arith.index_cast %parallel_loop3A_210 : i32 to index
        %parallel_loop3A_761 = arith.constant 0 : index
        %parallel_loop3A_762 = tpu.vector_load %run_scoped3A[%parallel_loop3A_759, %parallel_loop3A_760, %parallel_loop3A_761] {strides = array<i32>} : memref<8x12x64xf32, #tpu.memory_space<vmem>>, vector<16xf32>,
        tpu.vector_store %run_scoped3A[%parallel_loop3A_759, %parallel_loop3A_760, %parallel_loop3A_761], %parallel_loop3A_757 {strides = array<i32>} : memref<8x12x64xf32, #tpu.memory_space<vmem>>, vector<16xf32>,
        %parallel_loop3A_763 = vector.shape_cast %get3A_97 : vector<16xi32> to vector<16x1xi32>
        %parallel_loop3A_764 = vector.shape_cast %parallel_loop3A_763 : vector<16x1xi32> to vector<16xi32>
        %parallel_loop3A_765 = tpu.dynamic_gather %parallel_loop3A_742[%parallel_loop3A_764] in [0] : vector<16xf32>, vector<16xi32> -> vector<16xf32>
        %parallel_loop3A_766 = vector.shape_cast %max3A_107 : vector<16xi32> to vector<16x1xi32>
        %parallel_loop3A_767 = vector.shape_cast %parallel_loop3A_766 : vector<16x1xi32> to vector<16xi32>
        %parallel_loop3A_768 = tpu.dynamic_gather %parallel_loop3A_746[%parallel_loop3A_767] in [0] : vector<16xf32>, vector<16xi32> -> vector<16xf32>
        %parallel_loop3A_769 = arith.select %lt3A_110, %parallel_loop3A_765, %parallel_loop3A_768 : vector<16xi1>, vector<16xf32>
        %parallel_loop3A_770 = vector.shape_cast %sub3A_116 : vector<16xi32> to vector<16x1xi32>
        %parallel_loop3A_771 = vector.shape_cast %parallel_loop3A_770 : vector<16x1xi32> to vector<16xi32>
        %parallel_loop3A_772 = tpu.dynamic_gather %parallel_loop3A_746[%parallel_loop3A_771] in [0] : vector<16xf32>, vector<16xi32> -> vector<16xf32>
        %parallel_loop3A_773 = arith.addf %parallel_loop3A_769, %parallel_loop3A_772 : vector<16xf32>
        %parallel_loop3A_774 = arith.constant 7 : i32
        %parallel_loop3A_775 = arith.index_cast %parallel_loop3A_774 : i32 to index
        %parallel_loop3A_776 = arith.index_cast %parallel_loop3A_210 : i32 to index
        %parallel_loop3A_777 = arith.constant 16 : index
        %parallel_loop3A_778 = tpu.vector_load %run_scoped3A[%parallel_loop3A_775, %parallel_loop3A_776, %parallel_loop3A_777] {strides = array<i32>} : memref<8x12x64xf32, #tpu.memory_space<vmem>>, vector<16xf32>,
        tpu.vector_store %run_scoped3A[%parallel_loop3A_775, %parallel_loop3A_776, %parallel_loop3A_777], %parallel_loop3A_773 {strides = array<i32>} : memref<8x12x64xf32, #tpu.memory_space<vmem>>, vector<16xf32>,
        %parallel_loop3A_779 = vector.shape_cast %get3A_120 : vector<16xi32> to vector<16x1xi32>
        %parallel_loop3A_780 = vector.shape_cast %parallel_loop3A_779 : vector<16x1xi32> to vector<16xi32>
        %parallel_loop3A_781 = tpu.dynamic_gather %parallel_loop3A_742[%parallel_loop3A_780] in [0] : vector<16xf32>, vector<16xi32> -> vector<16xf32>
        %parallel_loop3A_782 = vector.shape_cast %max3A_130 : vector<16xi32> to vector<16x1xi32>
        %parallel_loop3A_783 = vector.shape_cast %parallel_loop3A_782 : vector<16x1xi32> to vector<16xi32>
        %parallel_loop3A_784 = tpu.dynamic_gather %parallel_loop3A_746[%parallel_loop3A_783] in [0] : vector<16xf32>, vector<16xi32> -> vector<16xf32>
        %parallel_loop3A_785 = arith.select %lt3A_133, %parallel_loop3A_781, %parallel_loop3A_784 : vector<16xi1>, vector<16xf32>
        %parallel_loop3A_786 = vector.shape_cast %sub3A_139 : vector<16xi32> to vector<16x1xi32>
        %parallel_loop3A_787 = vector.shape_cast %parallel_loop3A_786 : vector<16x1xi32> to vector<16xi32>
        %parallel_loop3A_788 = tpu.dynamic_gather %parallel_loop3A_746[%parallel_loop3A_787] in [0] : vector<16xf32>, vector<16xi32> -> vector<16xf32>
        %parallel_loop3A_789 = arith.addf %parallel_loop3A_785, %parallel_loop3A_788 : vector<16xf32>
        %parallel_loop3A_790 = arith.constant 7 : i32
        %parallel_loop3A_791 = arith.index_cast %parallel_loop3A_790 : i32 to index
        %parallel_loop3A_792 = arith.index_cast %parallel_loop3A_210 : i32 to index
        %parallel_loop3A_793 = arith.constant 32 : index
        %parallel_loop3A_794 = tpu.vector_load %run_scoped3A[%parallel_loop3A_791, %parallel_loop3A_792, %parallel_loop3A_793] {strides = array<i32>} : memref<8x12x64xf32, #tpu.memory_space<vmem>>, vector<16xf32>,
        tpu.vector_store %run_scoped3A[%parallel_loop3A_791, %parallel_loop3A_792, %parallel_loop3A_793], %parallel_loop3A_789 {strides = array<i32>} : memref<8x12x64xf32, #tpu.memory_space<vmem>>, vector<16xf32>,
        %parallel_loop3A_795 = vector.shape_cast %get3A_143 : vector<16xi32> to vector<16x1xi32>
        %parallel_loop3A_796 = vector.shape_cast %parallel_loop3A_795 : vector<16x1xi32> to vector<16xi32>
        %parallel_loop3A_797 = tpu.dynamic_gather %parallel_loop3A_742[%parallel_loop3A_796] in [0] : vector<16xf32>, vector<16xi32> -> vector<16xf32>
        %parallel_loop3A_798 = vector.shape_cast %max3A_153 : vector<16xi32> to vector<16x1xi32>
        %parallel_loop3A_799 = vector.shape_cast %parallel_loop3A_798 : vector<16x1xi32> to vector<16xi32>
        %parallel_loop3A_800 = tpu.dynamic_gather %parallel_loop3A_746[%parallel_loop3A_799] in [0] : vector<16xf32>, vector<16xi32> -> vector<16xf32>
        %parallel_loop3A_801 = arith.select %lt3A_156, %parallel_loop3A_797, %parallel_loop3A_800 : vector<16xi1>, vector<16xf32>
        %parallel_loop3A_802 = vector.shape_cast %sub3A_162 : vector<16xi32> to vector<16x1xi32>
        %parallel_loop3A_803 = vector.shape_cast %parallel_loop3A_802 : vector<16x1xi32> to vector<16xi32>
        %parallel_loop3A_804 = tpu.dynamic_gather %parallel_loop3A_746[%parallel_loop3A_803] in [0] : vector<16xf32>, vector<16xi32> -> vector<16xf32>
        %parallel_loop3A_805 = arith.addf %parallel_loop3A_801, %parallel_loop3A_804 : vector<16xf32>
        %parallel_loop3A_806 = arith.constant 7 : i32
        %parallel_loop3A_807 = arith.index_cast %parallel_loop3A_806 : i32 to index
        %parallel_loop3A_808 = arith.index_cast %parallel_loop3A_210 : i32 to index
        %parallel_loop3A_809 = arith.constant 48 : index
        %parallel_loop3A_810 = tpu.vector_load %run_scoped3A[%parallel_loop3A_807, %parallel_loop3A_808, %parallel_loop3A_809] {strides = array<i32>} : memref<8x12x64xf32, #tpu.memory_space<vmem>>, vector<16xf32>,
        tpu.vector_store %run_scoped3A[%parallel_loop3A_807, %parallel_loop3A_808, %parallel_loop3A_809], %parallel_loop3A_805 {strides = array<i32>} : memref<8x12x64xf32, #tpu.memory_space<vmem>>, vector<16xf32>,
      } {sc.loop_unroll_factor = 2 : i64, sc.parallel_access}
      %add3A_180 = arith.constant 160 : i32
      %add3A_181 = arith.addi %mul3A_32, %add3A_180 : i32
      %dma_start3A_182 = arith.constant 0 : i32
      %dma_start3A_183 = arith.constant 0 : i32
      %dma_start3A_184 = tpu.memref_slice %arg5[%select_n3A, %add3A_181, %dma_start3A_182, %dma_start3A_183] : memref<16x325x12x64xf32, #tpu.memory_space<hbm>> -> memref<1x8x12x64xf32, #tpu.memory_space<hbm>>
      %dma_start3A_185 = tpu.memref_squeeze %dma_start3A_184 : memref<1x8x12x64xf32, #tpu.memory_space<hbm>> -> memref<8x12x64xf32, #tpu.memory_space<hbm>>
      %dma_start3A_186 = arith.constant 0 : i32
      %dma_start3A_187 = arith.constant 0 : i32
      %dma_start3A_188 = tpu.memref_slice %arg5[%select_n3A, %add3A_181, %dma_start3A_186, %dma_start3A_187] : memref<16x325x12x64xf32, #tpu.memory_space<hbm>> -> memref<1x8x12x64xf32, #tpu.memory_space<hbm>>
      %dma_start3A_189 = tpu.memref_squeeze %dma_start3A_188 : memref<1x8x12x64xf32, #tpu.memory_space<hbm>> -> memref<8x12x64xf32, #tpu.memory_space<hbm>>
      tpu.enqueue_dma source(%run_scoped3A : memref<8x12x64xf32, #tpu.memory_space<vmem>>) target(%dma_start3A_189 : memref<8x12x64xf32, #tpu.memory_space<hbm>>) target_semaphore(%arg10 : memref<!tpu.dma_semaphore, #tpu.memory_space<semaphore_mem>>)
      %dma_wait3A_190 = arith.constant 0 : i32
      %dma_wait3A_191 = arith.constant 0 : i32
      %dma_wait3A_192 = arith.constant 0 : i32
      %dma_wait3A_193 = tpu.memref_slice %arg5[%select_n3A, %dma_wait3A_190, %dma_wait3A_191, %dma_wait3A_192] : memref<16x325x12x64xf32, #tpu.memory_space<hbm>> -> memref<1x8x12x64xf32, #tpu.memory_space<hbm>>
      %dma_wait3A_194 = tpu.memref_squeeze %dma_wait3A_193 : memref<1x8x12x64xf32, #tpu.memory_space<hbm>> -> memref<8x12x64xf32, #tpu.memory_space<hbm>>
      %dma_wait3A_195 = arith.constant 0 : i32
      %dma_wait3A_196 = arith.constant 0 : i32
      %dma_wait3A_197 = arith.constant 0 : i32
      %dma_wait3A_198 = tpu.memref_slice %arg5[%select_n3A, %dma_wait3A_195, %dma_wait3A_196, %dma_wait3A_197] : memref<16x325x12x64xf32, #tpu.memory_space<hbm>> -> memref<1x8x12x64xf32, #tpu.memory_space<hbm>>
      %dma_wait3A_199 = tpu.memref_squeeze %dma_wait3A_198 : memref<1x8x12x64xf32, #tpu.memory_space<hbm>> -> memref<8x12x64xf32, #tpu.memory_space<hbm>>
      tpu.wait_dma2 semaphore(%arg10 : memref<!tpu.dma_semaphore, #tpu.memory_space<semaphore_mem>>) src(%run_scoped3A : memref<8x12x64xf32, #tpu.memory_space<vmem>>) dst(%dma_wait3A_199 : memref<8x12x64xf32, #tpu.memory_space<hbm>>)
      %dma_wait3A_200 = arith.constant 0 : i32
      %dma_wait3A_201 = arith.constant 0 : i32
      %dma_wait3A_202 = arith.constant 0 : i32
      %dma_wait3A_203 = tpu.memref_slice %arg5[%select_n3A, %dma_wait3A_200, %dma_wait3A_201, %dma_wait3A_202] : memref<16x325x12x64xf32, #tpu.memory_space<hbm>> -> memref<1x8x12x64xf32, #tpu.memory_space<hbm>>
      %dma_wait3A_204 = tpu.memref_squeeze %dma_wait3A_203 : memref<1x8x12x64xf32, #tpu.memory_space<hbm>> -> memref<8x12x64xf32, #tpu.memory_space<hbm>>
      %dma_wait3A_205 = arith.constant 0 : i32
      %dma_wait3A_206 = arith.constant 0 : i32
      %dma_wait3A_207 = arith.constant 0 : i32
      %dma_wait3A_208 = tpu.memref_slice %arg5[%select_n3A, %dma_wait3A_205, %dma_wait3A_206, %dma_wait3A_207] : memref<16x325x12x64xf32, #tpu.memory_space<hbm>> -> memref<1x8x12x64xf32, #tpu.memory_space<hbm>>
      %dma_wait3A_209 = tpu.memref_squeeze %dma_wait3A_208 : memref<1x8x12x64xf32, #tpu.memory_space<hbm>> -> memref<8x12x64xf32, #tpu.memory_space<hbm>>
      tpu.wait_dma2 semaphore(%arg11 : memref<!tpu.dma_semaphore, #tpu.memory_space<semaphore_mem>>) src(%run_scoped3A_72 : memref<8x12x64xf32, #tpu.memory_space<vmem>>) dst(%dma_wait3A_209 : memref<8x12x64xf32, #tpu.memory_space<hbm>>)
      tpu.yield
    }) : () -> ()
    return
  }
}

</mosaic_0001>

<sc_bundles>
// kernel: _run.3.cloned.1.call-start
scs
__scs_entry_jumppad:
0x0: {  	(pc) =	sbr.rel $0x88, $3  }
0x1: {  	(tag) =	ssettag $0x0;
	lr =	simm.s32 $0x1  }
0x2: {  	[smem:$0x3F9D] =	sst lr;
	_ =	strace $0xD0000000  }
0x3: {  	_ = 	snop  }
0x4: {  	_ = 	snop  }
0x5: {  	_ = 	snop  }
0x6: {  	_ = 	snop  }
0x7: {  	_ = 	snop  }
__scs_overlays_trampoline_lowered:
0x8: {  	[smem:$0x3FAC] =	sst s0  }
0x9: {  	[smem:$0x3FAD] =	sst s1  }
0xa: {  	[smem:$0x3FAE] =	sst s2  }
0xb: {  	[smem:$0x3FAF] =	sst s3  }
0xc: {  	[smem:$0x3FB0] =	sst s4  }
0xd: {  	[smem:$0x3FB1] =	sst s5  }
0xe: {  	[smem:$0x3FB2] =	sst s6  }
0xf: {  	[smem:$0x3FB3] =	sst s7  }
0x10: {  	[smem:$0x3FB4] =	sst s8  }
0x11: {  	[smem:$0x3FB5] =	sst s9;
	s0 =	simm.s32 @!p0 $0x0  }
0x12: {  	s1 =	sld [smem:$0x3F9B];
	s0 =	simm.s32 @p0 $0x1  }
0x13: {  	[smem:$0x3FB6] =	sst s0;
	s0 =	simm.s32 @!p1 $0x0  }
0x14: {  	s2 =	sld [smem:$0x3F9A];
	s0 =	simm.s32 @p1 $0x1  }
0x15: {  	[smem:$0x3FB7] =	sst s0;
	s0 =	simm.s32 @!p2 $0x0  }
0x16: {  	s3 =	sld [smem:$0x3FDB];
	s0 =	simm.s32 @p2 $0x1  }
0x17: {  	s4 =	simm.s32 $0x1BF5;
	[smem:$0x3FB9] =	sst s0  }
0x18: {  	s0 =	sld [smem:$0x3F9C];
	_ =	swait.ge [sflag:s4], $0x0  }
0x19: {  	s7 =	sld [smem:$0x3F9D]  }
0x1a: {  	s8 =	sadd.s32 $0xFFFFE003, lr  }
0x1b: {  	s9 =	sadd.s32 $0xFFFFFEF7, lr;
	s5 =	simm.s32 $0xFFFFFFFF;
	p2 =	slt.u32 s8, $0xFFFFF086  }
0x1c: {  	p1 =	slt.u32 s9, $0xF7A;
	s5 =	simm.s32 @!p2 $0x0  }
0x1d: {  	s5 =	simm.s32 @p1 $0x1;
	p0 =	seq.s32 s7, s2  }
0x1e: {  	s7 =	smul.u32 @!p0 $0xF7A, s2;
	p2 =	seq.s32 @!p0 s5, $0x0  }
0x1f: {  	s9 =	smul.u32 $0xF7A, s1;
	s8 =	simm.s32 @!p0 $0x1BF5;
	p2 =	por !p2, p0  }
0x20: {  	[sflag:s8] =	ssyncset.s32 @!p0 $0xFFFFF086;
	s6 =	sadd.s32 @!p0 s3, s7;
	s7 =	simm.s32 @!p0 $0x108  }
0x21: {  	s3 =	sadd.s32 s3, s9;
	s6 =	sadd.s32 @!p0 $0x88, s6;
	s7 =	simm.s32 @p2 $0x1082  }
0x22: {  	[simem:s7], [sflag:s8] =	dma.local @!p0 [hbm:s6], $0xF7A  }
0x23: {  	s9 =	sor.u32 $0xD0000000, s2;
	s6 =	simm.s32 $0x108;
	_ =	swait.ge @!p0 [sflag:s8], $0x0  }
0x24: {  	s3 =	sadd.s32 $0x88, s3;
	s6 =	simm.s32 @!p1 $0x1082;
	[sflag:s4] =	ssyncset.s32 $0xFFFFF086  }
0x25: {  	[simem:s6], [sflag:s4] =	dma.local [hbm:s3], $0xF7A  }
0x26: {  	[smem:$0x3F9D] =	sst s1;
	(tag) =	ssettag s2;
	_ =	strace s9  }
0x27: {  	s1 =	sld [smem:$0x3FAD]  }
0x28: {  	s2 =	sld [smem:$0x3FAE]  }
0x29: {  	s4 =	sld [smem:$0x3FB0]  }
0x2a: {  	p0 =	seq.s32 s5, $0x0;
	s5 =	sld [smem:$0x3FB1]  }
0x2b: {  	s6 =	sld [smem:$0x3FB2]  }
0x2c: {  	s7 =	sld [smem:$0x3FB3]  }
0x2d: {  	s3 =	simm.s32 $0x108;
	s8 =	sld [smem:$0x3FB4]  }
0x2e: {  	s3 =	simm.s32 @!p0 $0x1082;
	s9 =	sld [smem:$0x3FB5]  }
0x2f: {  	lr =	sadd.s32 s0, s3;
	s0 =	sld [smem:$0x3FAC]  }
0x30: {  	s3 =	sld [smem:$0x3FAF]  }
0x31: {  	[smem:$0x3FB8] =	sst s10  }
0x32: {  	s10 =	sld [smem:$0x3FB6];
	_ =	sdelay $0x3  }
0x33: {  	p0 =	seq.s32 s10, $0x1;
	s10 =	sld [smem:$0x3FB8];
	_ =	sdelay $0x3  }
0x34: {  	[smem:$0x3FB8] =	sst s10  }
0x35: {  	s10 =	sld [smem:$0x3FB7];
	_ =	sdelay $0x3  }
0x36: {  	p1 =	seq.s32 s10, $0x1;
	s10 =	sld [smem:$0x3FB8];
	_ =	sdelay $0x3  }
0x37: {  	[smem:$0x3FB8] =	sst s10  }
0x38: {  	s10 =	sld [smem:$0x3FB9]  }
0x39: {  	_ = 	snop;
	(pc) =	sbr.ind lr, $3  }
0x3a: {  	_ = 	snop  }
0x3b: {  	_ = 	snop  }
0x3c: {  	p2 =	seq.s32 s10, $0x1;
	s10 =	sld [smem:$0x3FB8]  }
0x3d: {  	_ =	shalt  }
0x3e: {  	_ =	shalt  }
0x3f: {  	_ =	shalt  }
0x40: {  	_ =	shalt  }
0x41: {  	_ =	shalt  }
0x42: {  	_ =	shalt  }
0x43: {  	_ =	shalt  }
0x44: {  	_ =	shalt  }
0x45: {  	_ =	shalt  }
0x46: {  	_ =	shalt  }
0x47: {  	_ =	shalt  }
0x48: {  	_ =	shalt  }
0x49: {  	_ =	shalt  }
0x4a: {  	_ =	shalt  }
0x4b: {  	_ =	shalt  }
0x4c: {  	_ =	shalt  }
0x4d: {  	_ =	shalt  }
0x4e: {  	_ =	shalt  }
0x4f: {  	_ =	shalt  }
0x50: {  	_ =	shalt  }
0x51: {  	_ =	shalt  }
0x52: {  	_ =	shalt  }
0x53: {  	_ =	shalt  }
0x54: {  	_ =	shalt  }
0x55: {  	_ =	shalt  }
0x56: {  	_ =	shalt  }
0x57: {  	_ =	shalt  }
0x58: {  	_ =	shalt  }
0x59: {  	_ =	shalt  }
0x5a: {  	_ =	shalt  }
0x5b: {  	_ =	shalt  }
0x5c: {  	_ =	shalt  }
0x5d: {  	_ =	shalt  }
0x5e: {  	_ =	shalt  }
0x5f: {  	_ =	shalt  }
0x60: {  	_ =	shalt  }
0x61: {  	_ =	shalt  }
0x62: {  	_ =	shalt  }
0x63: {  	_ =	shalt  }
0x64: {  	_ =	shalt  }
0x65: {  	_ =	shalt  }
0x66: {  	_ =	shalt  }
0x67: {  	_ =	shalt  }
0x68: {  	_ =	shalt  }
0x69: {  	_ =	shalt  }
0x6a: {  	_ =	shalt  }
0x6b: {  	_ =	shalt  }
0x6c: {  	_ =	shalt  }
0x6d: {  	_ =	shalt  }
0x6e: {  	_ =	shalt  }
0x6f: {  	_ =	shalt  }
0x70: {  	_ =	shalt  }
0x71: {  	_ =	shalt  }
0x72: {  	_ =	shalt  }
0x73: {  	_ =	shalt  }
0x74: {  	_ =	shalt  }
0x75: {  	_ =	shalt  }
0x76: {  	_ =	shalt  }
0x77: {  	_ =	shalt  }
0x78: {  	_ =	shalt  }
0x79: {  	_ =	shalt  }
0x7a: {  	_ =	shalt  }
0x7b: {  	_ =	shalt  }
0x7c: {  	_ =	shalt  }
0x7d: {  	_ =	shalt  }
0x7e: {  	_ =	shalt  }
0x7f: {  	_ =	shalt  }
0x80: {  	_ =	shalt  }
0x81: {  	_ =	shalt  }
0x82: {  	_ =	shalt  }
0x83: {  	_ =	shalt  }
0x84: {  	_ =	shalt  }
0x85: {  	_ =	shalt  }
0x86: {  	_ =	shalt  }
0x87: {  	_ =	shalt  }
.Lfunc_end0:
.L_simem_size_0:
called_computation_lowered:
.L_overlay_start_0:
0x88: {  	s2 =	sld [smem:$0x3FD9]  }
0x89: {  	s3 =	sld [smem:$0x3FFE];
	_ =	sdelay $0x1  }
0x8a: {  	s1 =	srdreg.scid  }
0x8b: {  	s0 =	sand.u32 $0x1, s1  }
0x8c: {  	s17 =	sshll.u32 s0, $0xA;
	s2 =	sadd.s32 s3, s2  }
0x8d: {  	s2 =	sadd.s32 s2, s17  }
0x8e: {  	[smem:$0x3FC4] =	sst s2  }
0x8f: {  	_ = 	snop  }
0x90: {  	s2 =	sld [smem:$0x3FD0];
	(tm) =	ssettm $0x1  }
0x91: {  	s18 =	sld [smem:$0x3FFB];
	_ =	sdelay $0x3  }
0x92: {  	_ =	strace s18  }
0x93: {  	s3 =	sld [smem:$0x3FFC];
	_ =	sdelay $0x3  }
0x94: {  	_ =	strace s3  }
0x95: {  	s3 =	sld [smem:$0x3FFD];
	_ =	sdelay $0x3  }
0x96: {  	_ =	strace s3  }
0x97: {  	_ =	strace $0x8FFFFFFF  }
0x98: {  	s19 =	sld [smem:$0x3FDB];
	_ =	sdelay $0x1  }
0x99: {  	s4 =	simm.s32 $_scs_section_size  }
0x9a: {  	s5 =	simm.s32 $_size__tile_overlayer_lowered;
	s6 =	simm.s32 $_tile_overlayer_lowered  }
0x9b: {  	s22 =	simm.s32 $0x1BFF;
	s21 =	sshll.u32 s6, $0x1;
	s3 =	sadd.s32 s4, s19  }
0x9c: {  	s7 =	simm.s32 $0x0;
	s20 =	sshll.u32 s5, $0x1;
	s5 =	sadd.s32 s21, s3  }
0x9d: {  	[timem:s7], [sflag:s22] =	dma.local [hbm:s5], s20  }
0x9e: {  	_ =	swait.ge [sflag:s22], s20  }
0x9f: {  	s4 =	ssub.s32 $0x0, s20;
	[sflag:s22] =	ssyncset.done $0x0  }
0xa0: {  	[sflag:s22] =	ssyncadd.s32 s4;
	_ =	sdelay $0x1  }
0xa1: {  	s23 =	simm.s32 $0x1B8B  }
0xa2: {  	_ =	swait.ge [sflag:s23], $0x1  }
0xa3: {  	[sflag:s23] =	ssyncset.done $0x0  }
0xa4: {  	s25 =	simm.s32 $0x1B8E;
	s24 =	sld [smem:$0x3FFE];
	[sflag:s23] =	ssyncadd.s32 $0xFFFFFFFF  }
0xa5: {  	s26 =	simm.s32 $execute0_lowered;
	[smem:$0x3FD2] =	sst s25  }
0xa6: {  	s5 =	sshll.u32 s26, $0x1;
	_ =	strace $0x80000046;
	[dreg:$0x1] =	wrdreg $0xFFFFFFFF  }
0xa7: {  	s28 =	simm.s32 $_size_execute0_lowered;
	s3 =	sadd.s32 s3, s5;
	[dreg:$0x0] =	wrdreg $0x0  }
0xa8: {  	s5 =	sshll.u32 s28, $0x1;
	[dreg:$0x2] =	wrdreg s3  }
0xa9: {  	[dreg:$0x3] =	wrdreg s5  }
0xaa: {  	[dreg:$0x4] =	wrdreg $0xC0  }
0xab: {  	_ =	task [dreg:s7], $0x5FFFF  }
0xac: {  	[dreg:$0x1] =	wrdreg $0xFFFFFFFF  }
0xad: {  	[dreg:$0x0] =	wrdreg $0x60  }
0xae: {  	[dreg:$0x2] =	wrdreg s24  }
0xaf: {  	[dreg:$0x3] =	wrdreg s2  }
0xb0: {  	[dreg:$0x4] =	wrdreg $0x9  }
0xb1: {  	_ =	task.clear_ibuf [dreg:s7], $0x5FFFF;
	_ =	strace $0x90000046  }
0xb2: {  	s29 =	simm.s32 $0x9;
	_ =	strace $0x80000048  }
0xb3: {  	_ =	swait.ge [sflag:s29], $0x1  }
0xb4: {  	[sflag:s29] =	ssyncadd.s32 $0xFFFFFFFF  }
0xb5: {  	_ =	strace $0x90000048  }
0xb6: {  	_ =	sfence  }
0xb7: {  	s30 =	sld [smem:$0x0];
	_ =	sdelay $0x2  }
0xb8: {  	s31 =	sshll.u32 s1, $0xD;
	s1 =	sshrl.u32 s1, $0x2  }
0xb9: {  	s3 =	sand.u32 $0x4000, s31;
	s1 =	sadd.s32 s1, s30  }
0xba: {  	s0 =	sor.u32 s3, s0;
	s1 =	sshll.u32 s1, $0x11  }
0xbb: {  	s0 =	sor.u32 s1, s0  }
0xbc: {  	s0 =	sadd.s32 $0x8F2B, s0  }
0xbd: {  	[sflag:s0] =	ssyncadd.remote.s32 $0x1  }
0xbe: {  	_ =	sfence.sel $0xFFFF  }
0xbf: {  	[dreg:$0x0] =	wrdreg $0xFFFFFFFF;
	(pc) =	sbr.abs _section_cstart, $3  }
0xc0: {  	[dreg:$0x1] =	wrdreg $0xFFFFFFFF  }
0xc1: {  	_ =	task.clear_ibuf [dreg:s7], $0x2FFFF;
	_ =	strace $0x9FFFFFFF  }
0xc2: {  	(tm) =	ssettm $0x7FFFFFFF  }
0xc3: {  	_ =	shalt  }
tec
execute0_lowered:
.L_overlay_start_1:
0x0: {  	(tag) =	ssettag $0x1  }
0x1: {  	s0 =	srdreg.scid  }
0x2: {  	s2 =	stileid.u32;
	s0 =	sand.u32 $0x1, s0  }
0x3: {  	s1 =	sor.u32 s0, s2  }
0x4: {  	p1 =	seq.s32 s0, $0x1;
	p0 =	seq.s32 s1, $0x0  }
0x5: {  	s6 =	simm.s32 $0x9D;
	p0 =	por !p0, !p1  }
0x6: {  	s5 =	rddreg [dreg:$0x0];
	s1 =	simm.s32 $0x1;
	p0 =	por !p0, !p0  }
0x7: {  	s8 =	rddreg [dreg:$0x1];
	s14 =	simm.s32 $0x4;
	s1 =	simm.s32 @!p0 $0x0  }
0x8: {  	s15 =	simm.s32 $0x200;
	s16 =	simm.s32 $0x400;
	s1 =	ssub.s32 s2, s1  }
0x9: {  	s17 =	simm.s32 $0x600;
	s18 =	simm.s32 $0x800;
	s2 =	smul.u32 $0x145, s1  }
0xa: {  	s19 =	simm.s32 $0x18400;
	s20 =	simm.s32 $0x1B400;
	s6 =	simm.s32 @!p1 $0x0  }
0xb: {  	s21 =	simm.s32 $0x2;
	s0 =	ssub.s32 $0x2, s0;
	s4 =	sadd.s32 s6, s2  }
0xc: {  	s22 =	simm.s32 $0x3;
	s25 =	sshrl.u32 s0, $0x1;
	s7 =	smul.u32 $0x240, s4  }
0xd: {  	s3 =	sadd.s32 $0x400, s5;
	s26 =	smul.u32 $0x240, s6;
	s0 =	ssub.s32 s0, s25  }
0xe: {  	s28 =	sshll.u32 s6, $0xB;
	s24 =	smul.u32 $0x2DB40, s1;
	s9 =	sand.u32 $0x3C0, s7  }
0xf: {  	p5 =	slt.s32 s4, $0x1;
	s10 =	sshra.s32 s7, $0x1F;
	p6 =	sne.s32 s9, $0x0  }
0x10: {  	s1 =	smul.u32 $0xA2800, s1;
	s23 =	sshrl.u32 s10, $0x16;
	p0 =	por !p5, !p6  }
0x11: {  	s9 =	simm.s32 $0x1;
	s7 =	sadd.s32 s23, s7;
	p0 =	por !p0, !p0  }
0x12: {  	s2 =	simm.s32 $0x0;
	s7 =	sshrl.u32 s7, $0xA;
	s9 =	simm.s32 @!p0 $0x0  }
0x13: {  	s6 =	simm.s32 $0x1;
	[smem:$0x7FF] =	sst s2;
	s7 =	ssub.s32 s7, s9  }
0x14: {  	s4 =	sadd.s32 $0x600, s5;
	s5 =	sadd.s32 $0x800, s5;
	s11 =	sshll.u32 s7, $0xA  }
0x15: {  	_ =	strace $0x80000047;
	s7 =	sadd.s32 s28, s1;
	p0 =	slt.s32 s11, $0x2C3400  }
0x16: {  	s9 =	sadd.s32 s26, s24;
	s10 =	sadd.s32 $0x50000, s7;
	s11 =	simm.s32 @!p0 $0x2C3400  }
0x17: {  	s23 =	simm.s32 $0x0;
	s31 =	sshrl.u32 s10, $0x3;
	s29 =	ssub.s32 s9, s11  }
0x18: {  	s10 =	smax.u32 s0, $0x1;
	s30 =	sshrl.u32 s11, $0x3;
	s1 =	sshll.u32 s29, $0x2  }
0x19: {  	s9 =	sadd.s32 s5, s31;
	s8 =	sadd.s32 s8, s30;
	s1 =	sshra.s32 s1, $0x2  }
0x1a: {  	s11 =	sadd.s32 $0xD00, s1;
	s12 =	sadd.s32 $0x2600, s1;
	s13 =	sadd.s32 $0x17500, s1  }
.LBB2_1:
0x1b: {  	[tilespmem:s2], [sflag:$0x4] =	stream.linear.gather [hbm4b:s3+s2], $0x200, $0x38;
	[tilespmem:$0x1E400] =	vst v63  }
0x1c: {  	_ =	swait.ge [sflag:s14], $0x200  }
0x1d: {  	[sflag:s14] =	ssyncset.done $0x0  }
0x1e: {  	[sflag:s14] =	ssyncadd.s32 $0xFFFFFE00  }
0x1f: {  	[tilespmem:s15], [sflag:$0x4] =	stream.linear.gather [hbm4b:s4+s2], $0x200, $0x38;
	[tilespmem:$0x1E400] =	vst v63  }
0x20: {  	_ =	swait.ge [sflag:s14], $0x200  }
0x21: {  	[sflag:s14] =	ssyncset.done $0x0  }
0x22: {  	[sflag:s14] =	ssyncadd.s32 $0xFFFFFE00  }
0x23: {  	[tilespmem:s16], [sflag:$0x1] =	stream.linear.gather [hbm4b:s8+s2], $0x18000, $0x38;
	[tilespmem:$0x1E400] =	vst v63  }
0x24: {  	_ =	swait.ge [sflag:s6], $0x18000  }
0x25: {  	[sflag:s6] =	ssyncset.done $0x0  }
0x26: {  	[sflag:s6] =	ssyncadd.s32 $0xFFFE8000  }
0x27: {  	v10 =	vld [tilespmem:$0x0]  }
0x28: {  	v4 =	vld [tilespmem:$0x80]  }
0x29: {  	v3 =	vld [tilespmem:$0x280]  }
0x2a: {  	v7 =	vld [tilespmem:$0x180]  }
0x2b: {  	v1 =	vld [tilespmem:$0x200]  }
0x2c: {  	v0 =	vld [tilespmem:$0x100];
	_ =	sdelay $0x1  }
0x2d: {  	v9 =	vld [tilespmem:$0x300];
	v2 =	vadd.s32 $0xFFFFFFF0, v10;
	v5 =	vadd.s32 $0xFFFFFFF0, v4  }
0x2e: {  	v12 =	vld [tilespmem:$0x380];
	v3 =	vadd.s32 $0x8, v3;
	v11 =	vadd.s32 $0xFFFFFFF0, v7;
	vm0 =	vgt.s32 v2, $0x0  }
0x2f: {  	vm3 =	vlt.s32 v7, $0x10;
	vm1 =	vlt.s32 v4, $0x10;
	v8 =	vnsel vm0, $0x0, v2  }
0x30: {  	vm0 =	vgt.s32 v5, $0x0;
	v2 =	vadd.s32 $0x8, v1;
	v1 =	vadd.s32 $0xFFFFFFF0, v0  }
0x31: {  	vm2 =	vlt.s32 v10, $0x10;
	v6 =	vnsel vm0, $0x0, v5;
	vm0 =	vgt.s32 v1, $0x0  }
0x32: {  	v5 =	vnsel vm0, $0x0, v1;
	v1 =	vadd.s32 $0x8, v9;
	vm0 =	vgt.s32 v11, $0x0  }
0x33: {  	s24 =	smov.u32 s12;
	s25 =	smov.u32 s11;
	s26 =	simm.s32 $0x0;
	v9 =	vadd.s32 $0x8, v12;
	v11 =	vnsel vm0, $0x0, v11;
	vm0 =	vlt.s32 v0, $0x10  }
.LBB2_2:
0x34: {  	p0 =	seq.s32 s26, $0x0  }
0x35: {  	s0 =	simm.s32 @!p0 $0x2  }
0x36: {  	_ =	swait.ge @!p0 [sflag:s0], $0x3000  }
0x37: {  	[sflag:s0] =	ssyncset.done @!p0 $0x0  }
0x38: {  	[sflag:s0] =	ssyncadd.s32 @!p0 $0xFFFFD000  }
0x39: {  	v12 =	vld [tilespmem:s25+$0xFFFFF740]  }
0x3a: {  	v13 =	vld [tilespmem:s25+$0xFFFFF730];
	_ =	sdelay $0x3  }
0x3b: {  	v14 =	vperm.xlane v12, v2;
	v15 =	vperm.xlane v12, v3  }
0x3c: {  	v16 =	vperm.xlane v13, v10;
	v17 =	vperm.xlane v12, v1  }
0x3d: {  	v18 =	vperm.xlane v12, v8;
	v19 =	vperm.xlane v13, v4  }
0x3e: {  	v21 =	vperm.xlane v12, v6;
	v22 =	vperm.xlane v13, v0  }
0x3f: {  	v20 =	vld [tilespmem:s25+$0xFFFFF710];
	v24 =	vperm.xlane v12, v5;
	v13 =	vperm.xlane v13, v7;
	v16 =	vsel vm2, v16, v18  }
0x40: {  	v23 =	vld [tilespmem:s25+$0xFFFFF700];
	v18 =	vperm.xlane v12, v11;
	v14 =	vadd.f32 v14, v16;
	v16 =	vsel vm1, v19, v21  }
0x41: {  	s29 =	simm.s32 $0x19C00;
	v12 =	vperm.xlane v12, v9;
	v15 =	vadd.f32 v15, v16;
	v16 =	vsel vm0, v22, v24  }
0x42: {  	v13 =	vsel vm3, v13, v18;
	[tilespmem:s29+$0xFFFFE880] =	vst v14;
	v14 =	vadd.f32 v17, v16  }
0x43: {  	v12 =	vadd.f32 v12, v13;
	[tilespmem:s29+$0xFFFFE890] =	vst v15  }
0x44: {  	v25 =	vperm.xlane v20, v3;
	v19 =	vperm.xlane v20, v2;
	[tilespmem:s29+$0xFFFFE8A0] =	vst v14  }
0x45: {  	v13 =	vperm.xlane v23, v10;
	v15 =	vperm.xlane v20, v8;
	[tilespmem:s29+$0xFFFFE8B0] =	vst v12  }
0x46: {  	v16 =	vperm.xlane v20, v6;
	v14 =	vperm.xlane v23, v4;
	v18 =	vld [tilespmem:s25+$0xFFFFF980]  }
0x47: {  	v17 =	vperm.xlane v20, v5;
	v12 =	vperm.xlane v23, v0;
	v13 =	vsel vm2, v13, v15;
	v24 =	vld [tilespmem:s25+$0xFFFFF970]  }
0x48: {  	v15 =	vperm.xlane v23, v7;
	v14 =	vsel vm1, v14, v16;
	v16 =	vperm.xlane v20, v11  }
0x49: {  	v12 =	vsel vm0, v12, v17;
	v17 =	vperm.xlane v20, v1;
	v13 =	vadd.f32 v19, v13  }
0x4a: {  	v14 =	vadd.f32 v25, v14;
	v15 =	vsel vm3, v15, v16;
	v16 =	vperm.xlane v20, v9  }
0x4b: {  	v12 =	vadd.f32 v17, v12;
	[tilespmem:s29+$0xFFFFE800] =	vst v13;
	v13 =	vperm.xlane v18, v2;
	v17 =	vperm.xlane v18, v3  }
0x4c: {  	[tilespmem:s29+$0xFFFFE810] =	vst v14;
	v15 =	vadd.f32 v16, v15;
	v14 =	vperm.xlane v24, v10;
	v16 =	vperm.xlane v18, v1  }
0x4d: {  	[tilespmem:s29+$0xFFFFE820] =	vst v12;
	v12 =	vperm.xlane v18, v8;
	v19 =	vperm.xlane v24, v4  }
0x4e: {  	v20 =	vperm.xlane v24, v0;
	[tilespmem:s29+$0xFFFFE830] =	vst v15;
	v15 =	vperm.xlane v18, v6  }
0x4f: {  	v21 =	vperm.xlane v24, v7;
	v12 =	vsel vm2, v14, v12;
	v14 =	vperm.xlane v18, v5;
	v26 =	vld [tilespmem:s25+$0xFFFFF940]  }
0x50: {  	v27 =	vld [tilespmem:s25+$0xFFFFF950];
	v12 =	vadd.f32 v13, v12;
	v13 =	vsel vm1, v19, v15;
	v15 =	vperm.xlane v18, v11  }
0x51: {  	v14 =	vsel vm0, v20, v14;
	v13 =	vadd.f32 v17, v13;
	v17 =	vperm.xlane v18, v9  }
0x52: {  	[tilespmem:s29+$0xFFFFEE80] =	vst v12;
	v12 =	vadd.f32 v16, v14;
	v14 =	vsel vm3, v21, v15  }
0x53: {  	[tilespmem:s29+$0xFFFFEE90] =	vst v13;
	v13 =	vadd.f32 v17, v14  }
0x54: {  	[tilespmem:s29+$0xFFFFEEA0] =	vst v12;
	v14 =	vperm.xlane v26, v10;
	v15 =	vperm.xlane v26, v4  }
0x55: {  	v12 =	vperm.xlane v27, v8;
	v16 =	vperm.xlane v27, v6;
	[tilespmem:s29+$0xFFFFEEB0] =	vst v13  }
0x56: {  	v17 =	vperm.xlane v27, v5;
	v19 =	vperm.xlane v27, v2;
	v18 =	vld [tilespmem:s25+$0xFFFFFBC0]  }
0x57: {  	v28 =	vperm.xlane v27, v11;
	v13 =	vperm.xlane v26, v0;
	v12 =	vsel vm2, v14, v12;
	v20 =	vld [tilespmem:s25+$0xFFFFFBB0]  }
0x58: {  	v14 =	vperm.xlane v26, v7;
	v15 =	vsel vm1, v15, v16;
	v16 =	vperm.xlane v27, v3  }
0x59: {  	v13 =	vsel vm0, v13, v17;
	v17 =	vperm.xlane v27, v1;
	v12 =	vadd.f32 v19, v12  }
0x5a: {  	v19 =	vperm.xlane v27, v9;
	v15 =	vadd.f32 v16, v15;
	v14 =	vsel vm3, v14, v28  }
0x5b: {  	v13 =	vadd.f32 v17, v13;
	[tilespmem:s29+$0xFFFFEE00] =	vst v12;
	v12 =	vperm.xlane v18, v2;
	v16 =	vperm.xlane v18, v3  }
0x5c: {  	v14 =	vadd.f32 v19, v14;
	[tilespmem:s29+$0xFFFFEE10] =	vst v15;
	v15 =	vperm.xlane v20, v10;
	v17 =	vperm.xlane v18, v1  }
0x5d: {  	[tilespmem:s29+$0xFFFFEE20] =	vst v13;
	v13 =	vperm.xlane v18, v8;
	v19 =	vperm.xlane v20, v4  }
0x5e: {  	[tilespmem:s29+$0xFFFFEE30] =	vst v14;
	v14 =	vperm.xlane v18, v6;
	v29 =	vperm.xlane v20, v0  }
0x5f: {  	v20 =	vperm.xlane v20, v7;
	v30 =	vld [tilespmem:s25+$0xFFFFFB80];
	v13 =	vsel vm2, v15, v13;
	v15 =	vperm.xlane v18, v5  }
0x60: {  	v31 =	vld [tilespmem:s25+$0xFFFFFB90];
	v12 =	vadd.f32 v12, v13;
	v13 =	vsel vm1, v19, v14;
	v14 =	vperm.xlane v18, v11  }
0x61: {  	v13 =	vadd.f32 v16, v13;
	v15 =	vsel vm0, v29, v15;
	v16 =	vperm.xlane v18, v9  }
0x62: {  	[tilespmem:s29+$0xFFFFF480] =	vst v12;
	v12 =	vadd.f32 v17, v15;
	v14 =	vsel vm3, v20, v14  }
0x63: {  	[tilespmem:s29+$0xFFFFF490] =	vst v13;
	v13 =	vadd.f32 v16, v14  }
0x64: {  	v14 =	vperm.xlane v30, v10;
	[tilespmem:s29+$0xFFFFF4A0] =	vst v12  }
0x65: {  	v15 =	vperm.xlane v31, v8;
	v16 =	vperm.xlane v30, v0;
	[tilespmem:s29+$0xFFFFF4B0] =	vst v13  }
0x66: {  	v18 =	vperm.xlane v31, v5;
	v19 =	vperm.xlane v30, v7;
	v17 =	vld [tilespmem:s25+$0xFFFFFE00]  }
0x67: {  	v12 =	vperm.xlane v30, v4;
	v13 =	vperm.xlane v31, v6;
	v20 =	vld [tilespmem:s25+$0xFFFFFDF0]  }
0x68: {  	v32 =	vperm.xlane v31, v2;
	v33 =	vperm.xlane v31, v9;
	v14 =	vsel vm2, v14, v15  }
0x69: {  	v15 =	vperm.xlane v31, v11;
	v12 =	vsel vm1, v12, v13;
	v13 =	vperm.xlane v31, v3  }
0x6a: {  	v16 =	vsel vm0, v16, v18;
	v18 =	vperm.xlane v31, v1;
	v14 =	vadd.f32 v32, v14  }
0x6b: {  	v12 =	vadd.f32 v13, v12;
	v13 =	vperm.xlane v17, v2;
	v34 =	vperm.xlane v17, v3  }
0x6c: {  	v15 =	vsel vm3, v19, v15;
	v19 =	vperm.xlane v20, v10;
	v35 =	vperm.xlane v17, v1  }
0x6d: {  	v16 =	vadd.f32 v18, v16;
	v18 =	vperm.xlane v17, v8;
	v36 =	vperm.xlane v20, v4  }
0x6e: {  	[tilespmem:s29+$0xFFFFF400] =	vst v14;
	v14 =	vadd.f32 v33, v15;
	v15 =	vperm.xlane v17, v6;
	v37 =	vperm.xlane v20, v0  }
0x6f: {  	[tilespmem:s29+$0xFFFFF410] =	vst v12;
	v12 =	vsel vm2, v19, v18;
	v18 =	vperm.xlane v17, v5;
	v19 =	vperm.xlane v20, v7  }
0x70: {  	[tilespmem:s29+$0xFFFFF420] =	vst v16;
	v12 =	vadd.f32 v13, v12;
	v13 =	vsel vm1, v36, v15;
	v15 =	vperm.xlane v17, v11  }
0x71: {  	[tilespmem:s29+$0xFFFFF430] =	vst v14;
	v16 =	vperm.xlane v17, v9;
	v13 =	vadd.f32 v34, v13;
	v14 =	vsel vm0, v37, v18  }
0x72: {  	[tilespmem:s29+$0xFFFFFA80] =	vst v12;
	v12 =	vadd.f32 v35, v14;
	v14 =	vsel vm3, v19, v15  }
0x73: {  	[tilespmem:s29+$0xFFFFFA90] =	vst v13;
	v13 =	vadd.f32 v16, v14  }
0x74: {  	[tilespmem:s29+$0xFFFFFAA0] =	vst v12  }
0x75: {  	[tilespmem:s29+$0xFFFFFAB0] =	vst v13  }
0x76: {  	v13 =	vld [tilespmem:s25+$0x40]  }
0x77: {  	v14 =	vld [tilespmem:s25+$0x30];
	_ =	sdelay $0x3  }
0x78: {  	v16 =	vperm.xlane v13, v2  }
0x79: {  	v17 =	vperm.xlane v13, v3;
	v18 =	vperm.xlane v14, v10  }
0x7a: {  	v12 =	vld [tilespmem:s25+$0xFFFFFDC0];
	v19 =	vperm.xlane v13, v1;
	v20 =	vperm.xlane v13, v8  }
0x7b: {  	v38 =	vperm.xlane v14, v4;
	v40 =	vperm.xlane v13, v6  }
0x7c: {  	v41 =	vperm.xlane v14, v0;
	v14 =	vperm.xlane v14, v7  }
0x7d: {  	v39 =	vld [tilespmem:s25+$0xFFFFFDD0];
	v42 =	vperm.xlane v13, v11;
	v18 =	vsel vm2, v18, v20;
	v20 =	vperm.xlane v13, v5  }
0x7e: {  	v13 =	vperm.xlane v13, v9;
	v16 =	vadd.f32 v16, v18;
	v18 =	vsel vm1, v38, v40  }
0x7f: {  	v15 =	vperm.xlane v12, v10;
	v14 =	vsel vm3, v14, v42;
	v17 =	vadd.f32 v17, v18  }
0x80: {  	v18 =	vsel vm0, v41, v20;
	v20 =	vperm.xlane v12, v4;
	v13 =	vadd.f32 v13, v14;
	[tilespmem:s29+$0x80] =	vst v16  }
0x81: {  	v14 =	vperm.xlane v12, v0;
	v12 =	vperm.xlane v12, v7;
	v16 =	vadd.f32 v19, v18;
	[tilespmem:s29+$0x90] =	vst v17  }
0x82: {  	v18 =	vperm.xlane v39, v8;
	v19 =	vperm.xlane v39, v6;
	[tilespmem:s29+$0xB0] =	vst v13  }
0x83: {  	v17 =	vperm.xlane v39, v5;
	[tilespmem:s29+$0xA0] =	vst v16;
	v16 =	vperm.xlane v39, v2  }
0x84: {  	v13 =	vsel vm2, v15, v18;
	v15 =	vperm.xlane v39, v11;
	v18 =	vperm.xlane v39, v3;
	v43 =	vld [tilespmem:s25+$0x280]  }
0x85: {  	v19 =	vsel vm1, v20, v19;
	v20 =	vperm.xlane v39, v1;
	v13 =	vadd.f32 v16, v13  }
0x86: {  	v14 =	vsel vm0, v14, v17;
	v17 =	vperm.xlane v39, v9;
	v16 =	vld [tilespmem:s25+$0x270];
	v18 =	vadd.f32 v18, v19  }
0x87: {  	v12 =	vsel vm3, v12, v15;
	[tilespmem:s29+$0xFFFFFA00] =	vst v13;
	v13 =	vadd.f32 v20, v14  }
0x88: {  	v12 =	vadd.f32 v17, v12;
	[tilespmem:s29+$0xFFFFFA10] =	vst v18  }
0x89: {  	[tilespmem:s29+$0xFFFFFA20] =	vst v13;
	v13 =	vperm.xlane v43, v2  }
0x8a: {  	[tilespmem:s29+$0xFFFFFA30] =	vst v12;
	v12 =	vperm.xlane v43, v3;
	v17 =	vperm.xlane v43, v1  }
0x8b: {  	v18 =	vperm.xlane v43, v8;
	v14 =	vperm.xlane v16, v10;
	v15 =	vld [tilespmem:s25+$0x0]  }
0x8c: {  	v44 =	vperm.xlane v43, v6;
	v19 =	vld [tilespmem:s25+$0x10];
	v20 =	vperm.xlane v16, v4  }
0x8d: {  	v45 =	vperm.xlane v16, v0;
	v14 =	vsel vm2, v14, v18;
	v18 =	vperm.xlane v43, v5  }
0x8e: {  	v16 =	vperm.xlane v16, v7;
	v13 =	vadd.f32 v13, v14;
	v14 =	vsel vm1, v20, v44  }
0x8f: {  	v20 =	vperm.xlane v43, v11;
	v12 =	vadd.f32 v12, v14;
	v14 =	vsel vm0, v45, v18  }
0x90: {  	v18 =	vperm.xlane v43, v9;
	v46 =	vperm.xlane v15, v10;
	v14 =	vadd.f32 v17, v14  }
0x91: {  	[tilespmem:s29+$0x680] =	vst v13;
	v13 =	vsel vm3, v16, v20;
	v16 =	vperm.xlane v19, v8;
	v17 =	vperm.xlane v15, v4  }
0x92: {  	s31 =	sadd.s32 $0x60, s25;
	v20 =	vperm.xlane v19, v2;
	[tilespmem:s29+$0x690] =	vst v12;
	v12 =	vadd.f32 v18, v13;
	v13 =	vperm.xlane v19, v6  }
0x93: {  	v53 =	vld [tilespmem:s31+$0xFFFFF730];
	v48 =	vperm.xlane v19, v1;
	v18 =	vperm.xlane v15, v0;
	[tilespmem:s29+$0x6A0] =	vst v14;
	v14 =	vsel vm2, v46, v16  }
0x94: {  	v16 =	vperm.xlane v19, v5;
	[tilespmem:s29+$0x6B0] =	vst v12;
	v12 =	vsel vm1, v17, v13;
	v13 =	vperm.xlane v19, v3  }
0x95: {  	v15 =	vperm.xlane v15, v7;
	v17 =	vperm.xlane v19, v11;
	v14 =	vadd.f32 v20, v14;
	v47 =	vld [tilespmem:s25+$0x4C0]  }
0x96: {  	v19 =	vperm.xlane v19, v9;
	v16 =	vsel vm0, v18, v16;
	v18 =	vld [tilespmem:s25+$0x4B0];
	v12 =	vadd.f32 v13, v12  }
0x97: {  	v13 =	vsel vm3, v15, v17;
	v15 =	vadd.f32 v48, v16;
	[tilespmem:s29+$0x0] =	vst v14  }
0x98: {  	v55 =	vperm.xlane v53, v10;
	v13 =	vadd.f32 v19, v13;
	[tilespmem:s29+$0x10] =	vst v12  }
0x99: {  	v23 =	vperm.xlane v53, v7;
	v30 =	vperm.xlane v53, v4;
	[tilespmem:s29+$0x20] =	vst v15  }
0x9a: {  	[tilespmem:s29+$0x30] =	vst v13;
	v12 =	vperm.xlane v47, v2;
	v14 =	vperm.xlane v47, v3  }
0x9b: {  	v13 =	vperm.xlane v18, v10;
	v15 =	vperm.xlane v47, v1;
	v16 =	vld [tilespmem:s25+$0x240]  }
0x9c: {  	v17 =	vperm.xlane v47, v8;
	v19 =	vperm.xlane v18, v4;
	v20 =	vld [tilespmem:s25+$0x250]  }
0x9d: {  	v49 =	vperm.xlane v47, v6;
	v50 =	vperm.xlane v18, v0  }
0x9e: {  	v18 =	vperm.xlane v18, v7;
	v21 =	vperm.xlane v47, v9  }
0x9f: {  	v13 =	vsel vm2, v13, v17;
	v17 =	vperm.xlane v47, v5;
	v19 =	vsel vm1, v19, v49  }
0xa0: {  	v12 =	vadd.f32 v12, v13;
	v13 =	vperm.xlane v47, v11;
	v51 =	vperm.xlane v16, v10  }
0xa1: {  	v14 =	vadd.f32 v14, v19;
	v52 =	vperm.xlane v16, v4;
	v25 =	vperm.xlane v20, v8  }
0xa2: {  	v19 =	vld [tilespmem:s31+$0xFFFFF740];
	v17 =	vsel vm0, v50, v17;
	v26 =	vperm.xlane v20, v6;
	v27 =	vperm.xlane v16, v0  }
0xa3: {  	v28 =	vperm.xlane v20, v5;
	v15 =	vadd.f32 v15, v17;
	v16 =	vperm.xlane v16, v7  }
0xa4: {  	v17 =	vperm.xlane v20, v11;
	[tilespmem:s29+$0xC80] =	vst v12;
	v12 =	vsel vm3, v18, v13;
	v18 =	vperm.xlane v20, v2  }
0xa5: {  	v29 =	vperm.xlane v20, v3;
	[tilespmem:s29+$0xC90] =	vst v14;
	v14 =	vperm.xlane v20, v1;
	v12 =	vadd.f32 v21, v12  }
0xa6: {  	v20 =	vperm.xlane v20, v9;
	[tilespmem:s29+$0xCA0] =	vst v15;
	v27 =	vsel vm0, v27, v28;
	v16 =	vsel vm3, v16, v17  }
0xa7: {  	v15 =	vperm.xlane v19, v2;
	v54 =	vperm.xlane v19, v3;
	[tilespmem:s29+$0xCB0] =	vst v12;
	v12 =	vsel vm2, v51, v25  }
0xa8: {  	v56 =	vperm.xlane v19, v1;
	v57 =	vperm.xlane v19, v8;
	v14 =	vadd.f32 v14, v27  }
0xa9: {  	v33 =	vld [tilespmem:s31+$0xFFFFF700];
	v58 =	vperm.xlane v19, v6;
	v59 =	vperm.xlane v19, v5;
	v16 =	vadd.f32 v20, v16  }
0xaa: {  	v31 =	vld [tilespmem:s31+$0xFFFFF710];
	v61 =	vperm.xlane v19, v11;
	v12 =	vadd.f32 v18, v12;
	v22 =	vsel vm2, v55, v57;
	[tilespmem:s29+$0x620] =	vst v14  }
0xab: {  	v19 =	vperm.xlane v19, v9;
	v60 =	vsel vm1, v30, v58;
	[tilespmem:s29+$0x630] =	vst v16;
	v15 =	vadd.f32 v15, v22  }
0xac: {  	s30 =	simm.s32 $0x19D00;
	v32 =	vperm.xlane v53, v0;
	v17 =	vsel vm3, v23, v61;
	v21 =	vadd.f32 v54, v60;
	[tilespmem:s29+$0x600] =	vst v12  }
0xad: {  	v24 =	vsel vm1, v52, v26;
	v13 =	vld [tilespmem:s25+$0x6F0];
	v17 =	vadd.f32 v19, v17;
	[tilespmem:s30+$0xFFFFE880] =	vst v15  }
0xae: {  	v63 =	vperm.xlane v33, v10;
	v62 =	vsel vm0, v32, v59;
	v19 =	vadd.f32 v29, v24;
	[tilespmem:s30+$0xFFFFE890] =	vst v21  }
0xaf: {  	v35 =	vperm.xlane v31, v3;
	v28 =	vperm.xlane v31, v8;
	v15 =	vadd.f32 v56, v62;
	[tilespmem:s30+$0xFFFFE8B0] =	vst v17  }
0xb0: {  	v20 =	vperm.xlane v31, v5;
	v32 =	vperm.xlane v33, v7;
	[tilespmem:s29+$0x610] =	vst v19  }
0xb1: {  	v29 =	vperm.xlane v31, v6;
	v17 =	vperm.xlane v33, v0;
	v26 =	vld [tilespmem:s25+$0x490];
	[tilespmem:s30+$0xFFFFE8A0] =	vst v15  }
0xb2: {  	v19 =	vperm.xlane v31, v11;
	v18 =	vperm.xlane v13, v7;
	v30 =	vld [tilespmem:s31+$0xFFFFF980]  }
0xb3: {  	v12 =	vsel vm2, v63, v28;
	v15 =	vperm.xlane v33, v4;
	v33 =	vperm.xlane v31, v2;
	v34 =	vld [tilespmem:s31+$0xFFFFF970]  }
0xb4: {  	v14 =	vsel vm0, v17, v20;
	v17 =	vperm.xlane v31, v1;
	v16 =	vsel vm3, v32, v19  }
0xb5: {  	v19 =	vperm.xlane v31, v9;
	v15 =	vsel vm1, v15, v29;
	v12 =	vadd.f32 v33, v12  }
0xb6: {  	v14 =	vadd.f32 v17, v14;
	v59 =	vperm.xlane v26, v8;
	v60 =	vperm.xlane v26, v6  }
0xb7: {  	v16 =	vadd.f32 v19, v16;
	[tilespmem:s30+$0xFFFFE800] =	vst v12;
	v17 =	vperm.xlane v30, v2;
	v20 =	vperm.xlane v30, v3  }
0xb8: {  	v15 =	vadd.f32 v35, v15;
	[tilespmem:s30+$0xFFFFE820] =	vst v14;
	v19 =	vperm.xlane v34, v10;
	v36 =	vperm.xlane v30, v1  }
0xb9: {  	v12 =	vld [tilespmem:s25+$0x700];
	[tilespmem:s30+$0xFFFFE830] =	vst v16;
	v14 =	vperm.xlane v30, v8;
	v37 =	vperm.xlane v34, v4  }
0xba: {  	[tilespmem:s30+$0xFFFFE810] =	vst v15;
	v15 =	vld [tilespmem:s25+$0x480];
	v16 =	vperm.xlane v30, v6;
	v38 =	vperm.xlane v34, v0  }
0xbb: {  	v25 =	vperm.xlane v34, v7;
	v40 =	vld [tilespmem:s31+$0xFFFFF950];
	v14 =	vsel vm2, v19, v14;
	v19 =	vperm.xlane v30, v5  }
0xbc: {  	v16 =	vsel vm1, v37, v16;
	v14 =	vadd.f32 v17, v14;
	v17 =	vperm.xlane v30, v11  }
0xbd: {  	v39 =	vld [tilespmem:s31+$0xFFFFF940];
	v16 =	vadd.f32 v20, v16;
	v20 =	vperm.xlane v30, v9;
	v19 =	vsel vm0, v38, v19  }
0xbe: {  	v41 =	vperm.xlane v12, v11;
	[tilespmem:s30+$0xFFFFEE80] =	vst v14;
	v14 =	vadd.f32 v36, v19;
	v17 =	vsel vm3, v25, v17  }
0xbf: {  	v42 =	vperm.xlane v15, v10;
	v19 =	vperm.xlane v12, v9;
	[tilespmem:s30+$0xFFFFEE90] =	vst v16;
	v16 =	vadd.f32 v20, v17  }
0xc0: {  	v43 =	vperm.xlane v40, v6;
	v44 =	vperm.xlane v40, v5;
	[tilespmem:s30+$0xFFFFEEA0] =	vst v14  }
0xc1: {  	v46 =	vperm.xlane v40, v2;
	v48 =	vperm.xlane v40, v11;
	[tilespmem:s30+$0xFFFFEEB0] =	vst v16  }
0xc2: {  	v17 =	vperm.xlane v39, v10;
	v14 =	vperm.xlane v40, v8;
	v45 =	vld [tilespmem:s31+$0xFFFFFBC0]  }
0xc3: {  	v49 =	vperm.xlane v40, v3;
	v20 =	vperm.xlane v39, v4;
	v47 =	vld [tilespmem:s31+$0xFFFFFBB0]  }
0xc4: {  	v50 =	vperm.xlane v40, v1;
	v16 =	vperm.xlane v39, v0;
	v14 =	vsel vm2, v17, v14  }
0xc5: {  	v20 =	vsel vm1, v20, v43;
	v17 =	vperm.xlane v39, v7;
	v14 =	vadd.f32 v46, v14  }
0xc6: {  	v51 =	vperm.xlane v40, v9;
	v20 =	vadd.f32 v49, v20;
	v16 =	vsel vm0, v16, v44  }
0xc7: {  	v17 =	vsel vm3, v17, v48;
	v16 =	vadd.f32 v50, v16;
	[tilespmem:s30+$0xFFFFEE00] =	vst v14;
	v14 =	vperm.xlane v45, v2  }
0xc8: {  	[tilespmem:s30+$0xFFFFEE10] =	vst v20;
	v17 =	vadd.f32 v51, v17;
	v52 =	vperm.xlane v45, v3;
	v20 =	vperm.xlane v47, v10  }
0xc9: {  	[tilespmem:s30+$0xFFFFEE20] =	vst v16;
	v53 =	vperm.xlane v45, v1;
	v16 =	vperm.xlane v45, v8  }
0xca: {  	v54 =	vperm.xlane v47, v4;
	[tilespmem:s30+$0xFFFFEE30] =	vst v17;
	v17 =	vperm.xlane v45, v6  }
0xcb: {  	v55 =	vperm.xlane v47, v0;
	v28 =	vperm.xlane v47, v7;
	v56 =	vld [tilespmem:s31+$0xFFFFFB80];
	v16 =	vsel vm2, v20, v16  }
0xcc: {  	v58 =	vperm.xlane v45, v9;
	v57 =	vld [tilespmem:s31+$0xFFFFFB90];
	v20 =	vperm.xlane v45, v5;
	v14 =	vadd.f32 v14, v16  }
0xcd: {  	v16 =	vsel vm1, v54, v17;
	v17 =	vperm.xlane v45, v11;
	v54 =	vperm.xlane v26, v11  }
0xce: {  	v16 =	vadd.f32 v52, v16;
	v20 =	vsel vm0, v55, v20;
	v52 =	vperm.xlane v26, v5  }
0xcf: {  	[tilespmem:s30+$0xFFFFF480] =	vst v14;
	v14 =	vadd.f32 v53, v20;
	v17 =	vsel vm3, v28, v17;
	v20 =	vperm.xlane v15, v4  }
0xd0: {  	[tilespmem:s30+$0xFFFFF490] =	vst v16;
	v16 =	vadd.f32 v58, v17;
	v17 =	vperm.xlane v15, v0;
	v61 =	vperm.xlane v56, v10  }
0xd1: {  	v62 =	vperm.xlane v57, v8;
	v34 =	vperm.xlane v57, v5  }
0xd2: {  	v35 =	vperm.xlane v56, v7;
	v37 =	vperm.xlane v57, v11;
	[tilespmem:s30+$0xFFFFF4A0] =	vst v14  }
0xd3: {  	v38 =	vperm.xlane v57, v2;
	v39 =	vperm.xlane v57, v1;
	[tilespmem:s30+$0xFFFFF4B0] =	vst v16  }
0xd4: {  	v31 =	vperm.xlane v57, v9;
	v15 =	vperm.xlane v15, v7;
	v14 =	vsel vm3, v18, v41;
	v63 =	vld [tilespmem:s31+$0xFFFFFE00]  }
0xd5: {  	v18 =	vperm.xlane v56, v4;
	v14 =	vadd.f32 v19, v14;
	v16 =	vperm.xlane v57, v6;
	v36 =	vld [tilespmem:s31+$0xFFFFFDF0]  }
0xd6: {  	v19 =	vperm.xlane v56, v0;
	v22 =	vsel vm2, v61, v62;
	v23 =	vsel vm3, v35, v37  }
0xd7: {  	v22 =	vadd.f32 v38, v22;
	v16 =	vsel vm1, v18, v16;
	v18 =	vperm.xlane v57, v3  }
0xd8: {  	v56 =	vperm.xlane v26, v1;
	v45 =	vadd.f32 v31, v23;
	v19 =	vsel vm0, v19, v34  }
0xd9: {  	v19 =	vadd.f32 v39, v19;
	[tilespmem:s30+$0xFFFFF400] =	vst v22;
	v16 =	vadd.f32 v18, v16;
	v18 =	vperm.xlane v63, v2  }
0xda: {  	[tilespmem:s30+$0xFFFFF430] =	vst v45;
	v40 =	vperm.xlane v63, v3;
	v41 =	vperm.xlane v36, v10  }
0xdb: {  	v21 =	vsel vm2, v42, v59;
	[tilespmem:s30+$0xFFFFF420] =	vst v19;
	v43 =	vperm.xlane v63, v8;
	v44 =	vperm.xlane v36, v4  }
0xdc: {  	v15 =	vsel vm3, v15, v54;
	v46 =	vperm.xlane v63, v6;
	v47 =	vperm.xlane v36, v0;
	[tilespmem:s30+$0xFFFFF410] =	vst v16  }
0xdd: {  	v48 =	vperm.xlane v63, v5;
	v49 =	vperm.xlane v36, v7;
	v53 =	vld [tilespmem:s31+$0xFFFFFDC0];
	v16 =	vsel vm2, v41, v43  }
0xde: {  	v19 =	vperm.xlane v63, v11;
	v55 =	vld [tilespmem:s31+$0xFFFFFDD0];
	v16 =	vadd.f32 v18, v16;
	v18 =	vsel vm1, v44, v46  }
0xdf: {  	v42 =	vperm.xlane v63, v1;
	v51 =	vperm.xlane v63, v9;
	v18 =	vadd.f32 v40, v18  }
0xe0: {  	v54 =	vperm.xlane v12, v8;
	v50 =	vsel vm0, v47, v48;
	v19 =	vsel vm3, v49, v19;
	[tilespmem:s30+$0xFFFFFA80] =	vst v16  }
0xe1: {  	v57 =	vperm.xlane v13, v10;
	v16 =	vadd.f32 v42, v50;
	[tilespmem:s30+$0xFFFFFA90] =	vst v18;
	v18 =	vadd.f32 v51, v19  }
0xe2: {  	v19 =	vsel vm1, v20, v60;
	v20 =	vperm.xlane v26, v2;
	v59 =	vperm.xlane v53, v10  }
0xe3: {  	v60 =	vperm.xlane v53, v4;
	v61 =	vperm.xlane v55, v8;
	[tilespmem:s30+$0xFFFFFAA0] =	vst v16  }
0xe4: {  	v62 =	vperm.xlane v55, v6;
	v16 =	vperm.xlane v26, v3;
	[tilespmem:s30+$0xFFFFFAB0] =	vst v18  }
0xe5: {  	v17 =	vsel vm0, v17, v52;
	v63 =	vperm.xlane v53, v0;
	v33 =	vperm.xlane v55, v5;
	v58 =	vld [tilespmem:s31+$0x40]  }
0xe6: {  	v34 =	vperm.xlane v53, v7;
	v35 =	vperm.xlane v55, v11;
	v16 =	vadd.f32 v16, v19;
	v19 =	vld [tilespmem:s31+$0x30]  }
0xe7: {  	v17 =	vadd.f32 v56, v17;
	v36 =	vperm.xlane v55, v3;
	v28 =	vperm.xlane v55, v9  }
0xe8: {  	v18 =	vadd.f32 v20, v21;
	v20 =	vperm.xlane v26, v9;
	v25 =	vsel vm1, v60, v62  }
0xe9: {  	[tilespmem:s29+$0xC20] =	vst v17;
	v17 =	vperm.xlane v55, v1;
	v24 =	vsel vm3, v34, v35;
	v47 =	vadd.f32 v36, v25  }
0xea: {  	v48 =	vadd.f32 v28, v24;
	v15 =	vadd.f32 v20, v15;
	[tilespmem:s29+$0xC00] =	vst v18;
	v18 =	vperm.xlane v55, v2  }
0xeb: {  	v20 =	vsel vm2, v59, v61;
	[tilespmem:s29+$0xC10] =	vst v16;
	v37 =	vperm.xlane v19, v10;
	v38 =	vperm.xlane v58, v8  }
0xec: {  	v16 =	vsel vm0, v63, v33;
	[tilespmem:s29+$0xC30] =	vst v15;
	v39 =	vperm.xlane v58, v2;
	v15 =	vperm.xlane v19, v4  }
0xed: {  	v18 =	vadd.f32 v18, v20;
	v40 =	vperm.xlane v58, v6;
	v42 =	vperm.xlane v58, v3  }
0xee: {  	[tilespmem:s30+$0xFFFFFA10] =	vst v47;
	v16 =	vadd.f32 v17, v16;
	v43 =	vperm.xlane v58, v1;
	v44 =	vperm.xlane v19, v0  }
0xef: {  	[tilespmem:s30+$0xFFFFFA30] =	vst v48;
	v26 =	vld [tilespmem:s25+$0x6D0];
	v45 =	vperm.xlane v58, v5;
	v19 =	vperm.xlane v19, v7;
	v22 =	vsel vm2, v37, v38  }
0xf0: {  	v41 =	vld [tilespmem:s25+$0x6C0];
	v46 =	vperm.xlane v58, v11;
	[tilespmem:s30+$0xFFFFFA00] =	vst v18;
	v15 =	vsel vm1, v15, v40;
	v22 =	vadd.f32 v39, v22  }
0xf1: {  	v23 =	vperm.xlane v58, v9;
	[tilespmem:s30+$0xFFFFFA20] =	vst v16;
	v30 =	vsel vm0, v44, v45;
	v15 =	vadd.f32 v42, v15  }
0xf2: {  	v21 =	vsel vm2, v57, v54;
	v19 =	vsel vm3, v19, v46;
	v20 =	vadd.f32 v43, v30;
	[tilespmem:s30+$0x80] =	vst v22  }
0xf3: {  	v57 =	vperm.xlane v12, v5;
	v55 =	vperm.xlane v12, v6;
	[tilespmem:s30+$0x90] =	vst v15;
	v15 =	vadd.f32 v23, v19  }
0xf4: {  	v17 =	vperm.xlane v26, v8;
	v49 =	vperm.xlane v26, v6;
	[tilespmem:s30+$0xA0] =	vst v20  }
0xf5: {  	v62 =	vld [tilespmem:s31+$0x0];
	v51 =	vperm.xlane v41, v7;
	v19 =	vperm.xlane v41, v10;
	[tilespmem:s30+$0xB0] =	vst v15  }
0xf6: {  	v52 =	vperm.xlane v26, v11;
	v56 =	vperm.xlane v26, v2;
	v50 =	vld [tilespmem:s31+$0x280]  }
0xf7: {  	v15 =	vperm.xlane v41, v0;
	v17 =	vsel vm2, v19, v17;
	v19 =	vperm.xlane v26, v5;
	v53 =	vld [tilespmem:s31+$0x270]  }
0xf8: {  	v58 =	vperm.xlane v26, v3;
	v42 =	vperm.xlane v26, v1  }
0xf9: {  	v20 =	vperm.xlane v41, v4;
	v15 =	vsel vm0, v15, v19;
	v19 =	vperm.xlane v13, v4  }
0xfa: {  	v43 =	vperm.xlane v62, v10;
	v45 =	vperm.xlane v62, v4  }
0xfb: {  	v16 =	vsel vm1, v19, v55;
	v19 =	vperm.xlane v50, v2;
	v59 =	vperm.xlane v50, v3  }
0xfc: {  	v60 =	vperm.xlane v53, v10;
	v61 =	vperm.xlane v50, v8  }
0xfd: {  	v63 =	vperm.xlane v53, v4;
	v36 =	vperm.xlane v50, v6  }
0xfe: {  	v37 =	vld [tilespmem:s31+$0x10];
	v18 =	vsel vm3, v51, v52;
	v39 =	vperm.xlane v53, v0;
	v40 =	vperm.xlane v50, v5  }
0xff: {  	v28 =	vperm.xlane v53, v7;
	v41 =	vperm.xlane v50, v11;
	v22 =	vsel vm2, v60, v61  }
0x100: {  	v25 =	vperm.xlane v50, v9;
	v24 =	vsel vm1, v63, v36;
	v19 =	vadd.f32 v19, v22  }
0x101: {  	v38 =	vperm.xlane v50, v1;
	v24 =	vadd.f32 v59, v24;
	v22 =	vsel vm3, v28, v41  }
0x102: {  	v47 =	vperm.xlane v62, v0;
	v23 =	vsel vm0, v39, v40;
	v22 =	vadd.f32 v25, v22;
	[tilespmem:s30+$0x680] =	vst v19  }
0x103: {  	v48 =	vperm.xlane v62, v7;
	v44 =	vperm.xlane v37, v8;
	v19 =	vadd.f32 v38, v23;
	[tilespmem:s30+$0x690] =	vst v24  }
0x104: {  	v20 =	vsel vm1, v20, v49;
	v46 =	vperm.xlane v37, v6;
	v51 =	vperm.xlane v37, v11;
	[tilespmem:s30+$0x6B0] =	vst v22  }
0x105: {  	v17 =	vadd.f32 v56, v17;
	v20 =	vadd.f32 v58, v20;
	v56 =	vperm.xlane v26, v9;
	[tilespmem:s30+$0x6A0] =	vst v19  }
0x106: {  	[tilespmem:s29+$0x12B0] =	vst v14;
	v13 =	vperm.xlane v13, v0;
	v49 =	vsel vm2, v43, v44;
	v14 =	vsel vm1, v45, v46;
	v52 =	vld [tilespmem:s31+$0x4C0]  }
0x107: {  	v15 =	vadd.f32 v42, v15;
	[tilespmem:s29+$0x1200] =	vst v17;
	v17 =	vperm.xlane v37, v1;
	v19 =	vperm.xlane v37, v5;
	v54 =	vld [tilespmem:s31+$0x4B0]  }
0x108: {  	[tilespmem:s29+$0x1210] =	vst v20;
	v20 =	vperm.xlane v37, v9;
	v18 =	vadd.f32 v56, v18;
	v13 =	vsel vm0, v13, v57  }
0x109: {  	v55 =	vsel vm3, v48, v51;
	v57 =	vperm.xlane v12, v3;
	v19 =	vsel vm0, v47, v19  }
0x10a: {  	v20 =	vadd.f32 v20, v55;
	[tilespmem:s29+$0x1220] =	vst v15;
	v53 =	vperm.xlane v37, v3;
	v17 =	vadd.f32 v17, v19  }
0x10b: {  	[tilespmem:s29+$0x1230] =	vst v18;
	v50 =	vperm.xlane v37, v2;
	v15 =	vadd.f32 v57, v16;
	v19 =	vperm.xlane v12, v2  }
0x10c: {  	v14 =	vadd.f32 v53, v14;
	[tilespmem:s30+$0x20] =	vst v17;
	v59 =	vperm.xlane v52, v3;
	v17 =	vperm.xlane v54, v10  }
0x10d: {  	[tilespmem:s30+$0x30] =	vst v20;
	v22 =	vadd.f32 v50, v49;
	v61 =	vperm.xlane v54, v4;
	v16 =	vperm.xlane v52, v6  }
0x10e: {  	[tilespmem:s30+$0x10] =	vst v14;
	v62 =	vperm.xlane v54, v0;
	v18 =	vperm.xlane v52, v5  }
0x10f: {  	[tilespmem:s30+$0x0] =	vst v22;
	v19 =	vadd.f32 v19, v21;
	v60 =	vperm.xlane v52, v1;
	v20 =	vperm.xlane v52, v8  }
0x110: {  	[tilespmem:s29+$0x1290] =	vst v15;
	v58 =	vperm.xlane v52, v2;
	v14 =	vld [tilespmem:s31+$0x240];
	v16 =	vsel vm1, v61, v16;
	v15 =	vsel vm0, v62, v18  }
0x111: {  	v17 =	vsel vm2, v17, v20;
	v21 =	vadd.f32 v59, v16;
	v16 =	vadd.f32 v60, v15;
	v15 =	vld [tilespmem:s31+$0x250]  }
0x112: {  	[tilespmem:s29+$0x1280] =	vst v19;
	v19 =	vperm.xlane v52, v11;
	v20 =	vperm.xlane v54, v7;
	v17 =	vadd.f32 v58, v17  }
0x113: {  	v63 =	vperm.xlane v52, v9  }
0x114: {  	v12 =	vperm.xlane v12, v1;
	[tilespmem:s30+$0xC80] =	vst v17;
	v17 =	vsel vm3, v20, v19  }
0x115: {  	s28 =	sshll.u32 s26, $0x1;
	s1 =	simm.s32 $0x2;
	s0 =	sadd.s32 $0x60, s31;
	v19 =	vperm.xlane v14, v10;
	v18 =	vperm.xlane v14, v4;
	[tilespmem:s30+$0xC90] =	vst v21;
	v17 =	vadd.f32 v63, v17  }
.LBB2_3:
0x116: {  	v20 =	vld [tilespmem:s0+$0xFFFFF740];
	v21 =	vperm.xlane v15, v8;
	v22 =	vperm.xlane v15, v6;
	[tilespmem:s30+$0xCA0] =	vst v16;
	v12 =	vadd.f32 v12, v13  }
0x117: {  	v23 =	vperm.xlane v14, v0;
	v24 =	vperm.xlane v15, v5;
	v16 =	vld [tilespmem:s0+$0xFFFFF730];
	[tilespmem:s30+$0xCB0] =	vst v17  }
0x118: {  	v14 =	vperm.xlane v14, v7;
	v17 =	vsel vm2, v19, v21;
	v19 =	vperm.xlane v15, v11;
	v13 =	vld [tilespmem:s31+$0x6F0];
	[tilespmem:s29+$0x12A0] =	vst v12;
	s29 =	smov.u32 s30  }
0x119: {  	v21 =	vperm.xlane v15, v2;
	v18 =	vsel vm1, v18, v22;
	v22 =	vperm.xlane v15, v3;
	v12 =	vld [tilespmem:s31+$0x700]  }
0x11a: {  	v23 =	vsel vm0, v23, v24;
	v24 =	vperm.xlane v15, v1;
	v15 =	vperm.xlane v15, v9;
	v25 =	vld [tilespmem:s0+$0xFFFFF710]  }
0x11b: {  	v14 =	vsel vm3, v14, v19;
	v26 =	vld [tilespmem:s0+$0xFFFFF700];
	v27 =	vperm.xlane v20, v2;
	v28 =	vperm.xlane v20, v3  }
0x11c: {  	v17 =	vadd.f32 v21, v17;
	v29 =	vperm.xlane v20, v1;
	v19 =	vperm.xlane v16, v10  }
0x11d: {  	v18 =	vadd.f32 v22, v18;
	v21 =	vperm.xlane v20, v8;
	v30 =	vperm.xlane v16, v4  }
0x11e: {  	v22 =	vperm.xlane v13, v7;
	[tilespmem:s30+$0x600] =	vst v17;
	v17 =	vadd.f32 v24, v23;
	v23 =	vperm.xlane v12, v11  }
0x11f: {  	v14 =	vadd.f32 v15, v14;
	v24 =	vperm.xlane v20, v6;
	v15 =	vperm.xlane v12, v9;
	[tilespmem:s30+$0x610] =	vst v18  }
0x120: {  	v31 =	vperm.xlane v20, v5;
	v18 =	vperm.xlane v16, v0;
	[tilespmem:s30+$0x620] =	vst v17;
	v17 =	vsel vm3, v22, v23  }
0x121: {  	v19 =	vsel vm2, v19, v21;
	v21 =	vperm.xlane v16, v7;
	[tilespmem:s30+$0x630] =	vst v14;
	v15 =	vadd.f32 v15, v17  }
0x122: {  	v17 =	vadd.f32 v27, v19;
	v14 =	vsel vm1, v30, v24;
	v19 =	vperm.xlane v20, v11;
	v16 =	vld [tilespmem:s31+$0x480]  }
0x123: {  	v18 =	vsel vm0, v18, v31;
	v20 =	vperm.xlane v20, v9;
	s30 =	sadd.s32 $0x100, s30;
	v22 =	vadd.f32 v28, v14;
	v14 =	vld [tilespmem:s31+$0x490];
	[tilespmem:s29+$0x12B0] =	vst v15  }
0x124: {  	v15 =	vperm.xlane v26, v10;
	[tilespmem:s30+$0xFFFFE880] =	vst v17;
	v17 =	vadd.f32 v29, v18;
	v18 =	vsel vm3, v21, v19  }
0x125: {  	v19 =	vperm.xlane v25, v8;
	v21 =	vperm.xlane v26, v4;
	[tilespmem:s30+$0xFFFFE890] =	vst v22;
	v18 =	vadd.f32 v20, v18  }
0x126: {  	v20 =	vperm.xlane v25, v6;
	v22 =	vperm.xlane v26, v0;
	[tilespmem:s30+$0xFFFFE8A0] =	vst v17  }
0x127: {  	v15 =	vsel vm2, v15, v19;
	v17 =	vperm.xlane v25, v5;
	v19 =	vperm.xlane v26, v7;
	[tilespmem:s30+$0xFFFFE8B0] =	vst v18  }
0x128: {  	v18 =	vperm.xlane v25, v2;
	v20 =	vsel vm1, v21, v20;
	v21 =	vperm.xlane v25, v11;
	v23 =	vld [tilespmem:s0+$0xFFFFF980]  }
0x129: {  	v24 =	vperm.xlane v25, v3;
	v17 =	vsel vm0, v22, v17;
	v22 =	vperm.xlane v25, v1;
	v26 =	vld [tilespmem:s0+$0xFFFFF970]  }
0x12a: {  	v15 =	vadd.f32 v18, v15;
	v18 =	vsel vm3, v19, v21;
	v19 =	vperm.xlane v25, v9  }
0x12b: {  	v20 =	vadd.f32 v24, v20;
	v21 =	vperm.xlane v16, v10;
	v17 =	vadd.f32 v22, v17  }
0x12c: {  	v18 =	vadd.f32 v19, v18;
	v19 =	vperm.xlane v16, v4;
	[tilespmem:s30+$0xFFFFE800] =	vst v15;
	v15 =	vperm.xlane v14, v8  }
0x12d: {  	[tilespmem:s30+$0xFFFFE810] =	vst v20;
	v20 =	vperm.xlane v23, v2;
	v22 =	vperm.xlane v23, v3  }
0x12e: {  	v24 =	vperm.xlane v23, v1;
	[tilespmem:s30+$0xFFFFE820] =	vst v17;
	v17 =	vperm.xlane v26, v10;
	v15 =	vsel vm2, v21, v15  }
0x12f: {  	v21 =	vperm.xlane v26, v4;
	[tilespmem:s30+$0xFFFFE830] =	vst v18;
	v18 =	vperm.xlane v23, v8  }
0x130: {  	v27 =	vperm.xlane v23, v6;
	v28 =	vperm.xlane v26, v0;
	v25 =	vld [tilespmem:s0+$0xFFFFF940]  }
0x131: {  	v26 =	vperm.xlane v26, v7;
	v29 =	vld [tilespmem:s0+$0xFFFFF950];
	v17 =	vsel vm2, v17, v18;
	v18 =	vperm.xlane v23, v5  }
0x132: {  	v17 =	vadd.f32 v20, v17;
	v20 =	vsel vm1, v21, v27;
	v21 =	vperm.xlane v23, v11  }
0x133: {  	v20 =	vadd.f32 v22, v20;
	v18 =	vsel vm0, v28, v18;
	v22 =	vperm.xlane v23, v9  }
0x134: {  	[tilespmem:s30+$0xFFFFEE80] =	vst v17;
	v17 =	vadd.f32 v24, v18;
	v18 =	vsel vm3, v26, v21;
	v21 =	vperm.xlane v14, v6  }
0x135: {  	v23 =	vperm.xlane v25, v10;
	v24 =	vperm.xlane v25, v4;
	[tilespmem:s30+$0xFFFFEE90] =	vst v20;
	v18 =	vadd.f32 v22, v18  }
0x136: {  	v20 =	vperm.xlane v29, v8;
	v22 =	vperm.xlane v29, v6;
	[tilespmem:s30+$0xFFFFEEA0] =	vst v17;
	v17 =	vsel vm1, v19, v21  }
0x137: {  	v19 =	vperm.xlane v25, v0;
	v21 =	vperm.xlane v29, v5;
	[tilespmem:s30+$0xFFFFEEB0] =	vst v18  }
0x138: {  	v18 =	vsel vm2, v23, v20;
	v20 =	vperm.xlane v25, v7;
	v23 =	vperm.xlane v29, v11;
	v25 =	vld [tilespmem:s0+$0xFFFFFBC0]  }
0x139: {  	v26 =	vperm.xlane v29, v2;
	v22 =	vsel vm1, v24, v22;
	v24 =	vperm.xlane v29, v3;
	v27 =	vld [tilespmem:s0+$0xFFFFFBB0]  }
0x13a: {  	v28 =	vperm.xlane v29, v9;
	v19 =	vsel vm0, v19, v21;
	v21 =	vperm.xlane v29, v1  }
0x13b: {  	v18 =	vadd.f32 v26, v18;
	v22 =	vadd.f32 v24, v22;
	v20 =	vsel vm3, v20, v23  }
0x13c: {  	s1 =	sadd.s32 $0x2, s1;
	v19 =	vadd.f32 v21, v19;
	v21 =	vperm.xlane v16, v0;
	v20 =	vadd.f32 v28, v20  }
0x13d: {  	p1 =	slt.u32 s1, $0xA;
	[tilespmem:s30+$0xFFFFEE00] =	vst v18;
	v18 =	vperm.xlane v25, v2;
	v23 =	vperm.xlane v25, v3  }
0x13e: {  	v24 =	vperm.xlane v25, v1;
	[tilespmem:s30+$0xFFFFEE10] =	vst v22;
	v22 =	vperm.xlane v27, v10  }
0x13f: {  	v26 =	vperm.xlane v27, v4;
	[tilespmem:s30+$0xFFFFEE20] =	vst v19;
	v19 =	vperm.xlane v25, v8  }
0x140: {  	v28 =	vperm.xlane v27, v0;
	[tilespmem:s30+$0xFFFFEE30] =	vst v20;
	v20 =	vperm.xlane v25, v6  }
0x141: {  	v27 =	vperm.xlane v27, v7;
	v29 =	vld [tilespmem:s0+$0xFFFFFB80];
	v19 =	vsel vm2, v22, v19;
	v22 =	vperm.xlane v25, v5  }
0x142: {  	v30 =	vld [tilespmem:s0+$0xFFFFFB90];
	v18 =	vadd.f32 v18, v19;
	v19 =	vsel vm1, v26, v20;
	v20 =	vperm.xlane v25, v11  }
0x143: {  	v19 =	vadd.f32 v23, v19;
	v22 =	vsel vm0, v28, v22;
	v23 =	vperm.xlane v25, v9  }
0x144: {  	[tilespmem:s30+$0xFFFFF480] =	vst v18;
	v18 =	vadd.f32 v24, v22;
	v20 =	vsel vm3, v27, v20;
	v22 =	vperm.xlane v14, v5  }
0x145: {  	v16 =	vperm.xlane v16, v7;
	[tilespmem:s30+$0xFFFFF490] =	vst v19;
	v19 =	vadd.f32 v23, v20;
	v20 =	vperm.xlane v14, v11  }
0x146: {  	v23 =	vperm.xlane v29, v10;
	v24 =	vperm.xlane v29, v4;
	[tilespmem:s30+$0xFFFFF4A0] =	vst v18;
	v18 =	vsel vm0, v21, v22  }
0x147: {  	v21 =	vperm.xlane v30, v8;
	v22 =	vperm.xlane v30, v6;
	[tilespmem:s30+$0xFFFFF4B0] =	vst v19;
	v16 =	vsel vm3, v16, v20  }
0x148: {  	v19 =	vperm.xlane v29, v0;
	v20 =	vperm.xlane v30, v5;
	v25 =	vld [tilespmem:s0+$0xFFFFFE00]  }
0x149: {  	v26 =	vperm.xlane v30, v11;
	v21 =	vsel vm2, v23, v21;
	v23 =	vperm.xlane v29, v7;
	v27 =	vld [tilespmem:s0+$0xFFFFFDF0]  }
0x14a: {  	v28 =	vperm.xlane v30, v2;
	v22 =	vsel vm1, v24, v22;
	v24 =	vperm.xlane v30, v3  }
0x14b: {  	v19 =	vsel vm0, v19, v20;
	v20 =	vperm.xlane v30, v1;
	v29 =	vperm.xlane v30, v9  }
0x14c: {  	v21 =	vadd.f32 v28, v21;
	v22 =	vadd.f32 v24, v22;
	v23 =	vsel vm3, v23, v26  }
0x14d: {  	v19 =	vadd.f32 v20, v19;
	v20 =	vperm.xlane v25, v2;
	v24 =	vperm.xlane v25, v3  }
0x14e: {  	v26 =	vperm.xlane v25, v1;
	[tilespmem:s30+$0xFFFFF400] =	vst v21;
	v21 =	vadd.f32 v29, v23;
	v23 =	vperm.xlane v27, v10  }
0x14f: {  	v28 =	vperm.xlane v27, v4;
	[tilespmem:s30+$0xFFFFF410] =	vst v22;
	v22 =	vperm.xlane v25, v8  }
0x150: {  	v29 =	vperm.xlane v27, v0;
	[tilespmem:s30+$0xFFFFF420] =	vst v19;
	v19 =	vperm.xlane v25, v6  }
0x151: {  	[tilespmem:s30+$0xFFFFF430] =	vst v21;
	v21 =	vsel vm2, v23, v22;
	v22 =	vperm.xlane v25, v5;
	v23 =	vperm.xlane v27, v7  }
0x152: {  	v27 =	vld [tilespmem:s0+$0xFFFFFDC0];
	v20 =	vadd.f32 v20, v21;
	v19 =	vsel vm1, v28, v19;
	v21 =	vperm.xlane v25, v11  }
0x153: {  	v28 =	vld [tilespmem:s0+$0xFFFFFDD0];
	v19 =	vadd.f32 v24, v19;
	v22 =	vsel vm0, v29, v22;
	v24 =	vperm.xlane v25, v9  }
0x154: {  	[tilespmem:s30+$0xFFFFFA80] =	vst v20;
	v20 =	vadd.f32 v26, v22;
	v21 =	vsel vm3, v23, v21;
	v22 =	vperm.xlane v14, v2  }
0x155: {  	v23 =	vperm.xlane v14, v1;
	[tilespmem:s30+$0xFFFFFA90] =	vst v19;
	v19 =	vadd.f32 v24, v21;
	v21 =	vperm.xlane v14, v3  }
0x156: {  	v14 =	vperm.xlane v14, v9;
	[tilespmem:s30+$0xFFFFFAA0] =	vst v20;
	v15 =	vadd.f32 v22, v15;
	v20 =	vperm.xlane v13, v10  }
0x157: {  	v22 =	vperm.xlane v27, v10;
	v24 =	vperm.xlane v27, v4;
	[tilespmem:s30+$0xFFFFFAB0] =	vst v19;
	v17 =	vadd.f32 v21, v17  }
0x158: {  	v19 =	vperm.xlane v28, v8;
	v21 =	vperm.xlane v28, v6;
	v25 =	vld [tilespmem:s0+$0x40];
	[tilespmem:s29+$0xC00] =	vst v15;
	v15 =	vadd.f32 v23, v18  }
0x159: {  	v14 =	vadd.f32 v14, v16;
	v18 =	vperm.xlane v27, v0;
	v23 =	vperm.xlane v28, v5;
	v26 =	vld [tilespmem:s0+$0x30];
	[tilespmem:s29+$0xC10] =	vst v17  }
0x15a: {  	v17 =	vperm.xlane v27, v7;
	v16 =	vsel vm2, v22, v19;
	v19 =	vperm.xlane v28, v11;
	[tilespmem:s29+$0xC20] =	vst v15  }
0x15b: {  	v15 =	vperm.xlane v28, v2;
	v21 =	vsel vm1, v24, v21;
	v22 =	vperm.xlane v28, v3;
	[tilespmem:s29+$0xC30] =	vst v14  }
0x15c: {  	v18 =	vsel vm0, v18, v23;
	v23 =	vperm.xlane v28, v1;
	v24 =	vperm.xlane v28, v9;
	v27 =	vld [tilespmem:s31+$0x6C0]  }
0x15d: {  	v17 =	vsel vm3, v17, v19;
	v19 =	vperm.xlane v25, v2;
	v28 =	vperm.xlane v25, v3;
	v14 =	vld [tilespmem:s31+$0x6D0];
	s31 =	smov.u32 s0  }
0x15e: {  	v15 =	vadd.f32 v15, v16;
	v29 =	vperm.xlane v25, v1;
	v16 =	vperm.xlane v26, v10  }
0x15f: {  	v21 =	vadd.f32 v22, v21;
	v22 =	vperm.xlane v25, v8;
	v30 =	vperm.xlane v26, v4  }
0x160: {  	[tilespmem:s30+$0xFFFFFA00] =	vst v15;
	v15 =	vadd.f32 v23, v18;
	v18 =	vperm.xlane v25, v6;
	v23 =	vperm.xlane v26, v0  }
0x161: {  	v16 =	vsel vm2, v16, v22;
	v22 =	vperm.xlane v26, v7;
	[tilespmem:s30+$0xFFFFFA10] =	vst v21;
	v21 =	vperm.xlane v25, v5  }
0x162: {  	[tilespmem:s30+$0xFFFFFA20] =	vst v15;
	v15 =	vadd.f32 v19, v16;
	v16 =	vsel vm1, v30, v18;
	v18 =	vperm.xlane v25, v11  }
0x163: {  	v16 =	vadd.f32 v28, v16;
	v19 =	vsel vm0, v23, v21;
	v21 =	vperm.xlane v25, v9  }
0x164: {  	v17 =	vadd.f32 v24, v17;
	[tilespmem:s30+$0x80] =	vst v15;
	v15 =	vadd.f32 v29, v19;
	v18 =	vsel vm3, v22, v18  }
0x165: {  	v19 =	vperm.xlane v14, v8;
	[tilespmem:s30+$0x90] =	vst v16;
	v16 =	vadd.f32 v21, v18;
	v18 =	vperm.xlane v27, v10  }
0x166: {  	v21 =	vperm.xlane v14, v6;
	[tilespmem:s30+$0xA0] =	vst v15;
	v15 =	vperm.xlane v27, v4  }
0x167: {  	[tilespmem:s30+$0xB0] =	vst v16;
	v16 =	vsel vm2, v18, v19;
	v18 =	vperm.xlane v27, v0;
	v19 =	vperm.xlane v14, v5  }
0x168: {  	v22 =	vperm.xlane v14, v11;
	[tilespmem:s30+$0xFFFFFA30] =	vst v17;
	v17 =	vld [tilespmem:s0+$0x280];
	v15 =	vsel vm1, v15, v21;
	v21 =	vperm.xlane v27, v7  }
0x169: {  	v24 =	vperm.xlane v13, v4;
	v23 =	vld [tilespmem:s0+$0x270];
	v18 =	vsel vm0, v18, v19;
	v19 =	vperm.xlane v12, v8  }
0x16a: {  	v13 =	vperm.xlane v13, v0;
	v25 =	vld [tilespmem:s0+$0x0];
	v21 =	vsel vm3, v21, v22;
	v22 =	vperm.xlane v12, v6  }
0x16b: {  	v27 =	vperm.xlane v14, v2;
	v26 =	vld [tilespmem:s0+$0x10];
	v19 =	vsel vm2, v20, v19;
	v20 =	vperm.xlane v12, v5  }
0x16c: {  	v28 =	vperm.xlane v14, v3;
	v29 =	vperm.xlane v14, v1;
	v22 =	vsel vm1, v24, v22  }
0x16d: {  	v24 =	vperm.xlane v17, v2;
	v30 =	vperm.xlane v17, v3;
	v13 =	vsel vm0, v13, v20  }
0x16e: {  	v16 =	vadd.f32 v27, v16;
	v31 =	vperm.xlane v17, v1;
	v20 =	vperm.xlane v23, v10  }
0x16f: {  	v15 =	vadd.f32 v28, v15;
	v27 =	vperm.xlane v17, v8;
	v32 =	vperm.xlane v23, v4  }
0x170: {  	v28 =	vperm.xlane v17, v6;
	v33 =	vperm.xlane v23, v0;
	[tilespmem:s29+$0x1200] =	vst v16;
	v16 =	vadd.f32 v29, v18  }
0x171: {  	v23 =	vperm.xlane v23, v7;
	v18 =	vsel vm2, v20, v27;
	v20 =	vperm.xlane v17, v5;
	[tilespmem:s29+$0x1210] =	vst v15  }
0x172: {  	v15 =	vadd.f32 v24, v18;
	v18 =	vsel vm1, v32, v28;
	v24 =	vperm.xlane v17, v11;
	[tilespmem:s29+$0x1220] =	vst v16  }
0x173: {  	v17 =	vperm.xlane v17, v9;
	v16 =	vadd.f32 v30, v18;
	v18 =	vsel vm0, v33, v20  }
0x174: {  	v20 =	vperm.xlane v25, v10;
	[tilespmem:s30+$0x680] =	vst v15;
	v15 =	vadd.f32 v31, v18;
	v18 =	vsel vm3, v23, v24  }
0x175: {  	v23 =	vperm.xlane v26, v8;
	v24 =	vperm.xlane v25, v4;
	[tilespmem:s30+$0x690] =	vst v16;
	v16 =	vadd.f32 v17, v18  }
0x176: {  	v17 =	vperm.xlane v26, v6;
	v18 =	vperm.xlane v25, v0;
	[tilespmem:s30+$0x6A0] =	vst v15  }
0x177: {  	v15 =	vsel vm2, v20, v23;
	v20 =	vperm.xlane v26, v5;
	v23 =	vperm.xlane v25, v7;
	[tilespmem:s30+$0x6B0] =	vst v16  }
0x178: {  	v16 =	vperm.xlane v26, v2;
	v17 =	vsel vm1, v24, v17;
	v24 =	vperm.xlane v26, v11;
	v25 =	vld [tilespmem:s0+$0x4C0]  }
0x179: {  	v27 =	vperm.xlane v26, v3;
	v18 =	vsel vm0, v18, v20;
	v20 =	vperm.xlane v26, v1;
	v28 =	vld [tilespmem:s0+$0x4B0]  }
0x17a: {  	v15 =	vadd.f32 v16, v15;
	v16 =	vsel vm3, v23, v24;
	v23 =	vperm.xlane v26, v9  }
0x17b: {  	v14 =	vperm.xlane v14, v9;
	v17 =	vadd.f32 v27, v17;
	v18 =	vadd.f32 v20, v18  }
0x17c: {  	v20 =	vperm.xlane v12, v3;
	[tilespmem:s30+$0x0] =	vst v15;
	v15 =	vadd.f32 v23, v16;
	v16 =	vperm.xlane v12, v2  }
0x17d: {  	v21 =	vadd.f32 v14, v21;
	[tilespmem:s30+$0x10] =	vst v17;
	v17 =	vperm.xlane v25, v2;
	v23 =	vperm.xlane v25, v3  }
0x17e: {  	v24 =	vperm.xlane v25, v1;
	[tilespmem:s30+$0x20] =	vst v18;
	v18 =	vperm.xlane v28, v10;
	v16 =	vadd.f32 v16, v19  }
0x17f: {  	v20 =	vadd.f32 v20, v22;
	v19 =	vperm.xlane v25, v8;
	v26 =	vperm.xlane v28, v4;
	[tilespmem:s30+$0x30] =	vst v15  }
0x180: {  	v22 =	vperm.xlane v25, v6;
	v27 =	vperm.xlane v28, v0;
	v14 =	vld [tilespmem:s0+$0x240];
	[tilespmem:s29+$0x1230] =	vst v21  }
.Ltmp0:
0x181: {  	v18 =	vsel vm2, v18, v19;
	v19 =	vperm.xlane v25, v5;
	v21 =	vperm.xlane v28, v7;
	v15 =	vld [tilespmem:s0+$0x250];
	[tilespmem:s29+$0x1280] =	vst v16;
	(pc) =	sbr.rel @p1 .LBB2_3-.Ltmp0, $4  }
0x182: {  	v16 =	vadd.f32 v17, v18;
	v17 =	vsel vm1, v26, v22;
	v18 =	vperm.xlane v25, v11;
	[tilespmem:s29+$0x1290] =	vst v20  }
0x183: {  	v17 =	vadd.f32 v23, v17;
	v19 =	vsel vm0, v27, v19;
	v20 =	vperm.xlane v25, v9  }
0x184: {  	v12 =	vperm.xlane v12, v1;
	v21 =	vsel vm3, v21, v18;
	[tilespmem:s30+$0xC80] =	vst v16;
	v16 =	vadd.f32 v24, v19  }
0x185: {  	s0 =	sadd.s32 $0x60, s0;
	v19 =	vperm.xlane v14, v10;
	v18 =	vperm.xlane v14, v4;
	[tilespmem:s30+$0xC90] =	vst v17;
	v17 =	vadd.f32 v20, v21  }
0x186: {  	v20 =	vperm.xlane v15, v8;
	v21 =	vperm.xlane v15, v6  }
0x187: {  	v22 =	vperm.xlane v14, v0;
	v23 =	vperm.xlane v15, v5  }
0x188: {  	v14 =	vperm.xlane v14, v7;
	v24 =	vperm.xlane v15, v2  }
0x189: {  	v25 =	vperm.xlane v15, v3;
	v42 =	vperm.xlane v15, v1;
	v19 =	vsel vm2, v19, v20  }
0x18a: {  	v20 =	vperm.xlane v15, v11;
	v18 =	vsel vm1, v18, v21;
	v19 =	vadd.f32 v24, v19  }
0x18b: {  	v22 =	vsel vm0, v22, v23;
	v15 =	vperm.xlane v15, v9;
	v18 =	vadd.f32 v25, v18  }
0x18c: {  	v14 =	vsel vm3, v14, v20;
	[tilespmem:s30+$0x600] =	vst v19;
	v19 =	vadd.f32 v42, v22  }
0x18d: {  	[tilespmem:s30+$0x610] =	vst v18;
	v14 =	vadd.f32 v15, v14  }
0x18e: {  	[tilespmem:s30+$0x620] =	vst v19  }
0x18f: {  	[tilespmem:s30+$0x630] =	vst v14  }
0x190: {  	v14 =	vld [tilespmem:s31+$0x480]  }
0x191: {  	v15 =	vld [tilespmem:s31+$0x490];
	_ =	sdelay $0x3  }
0x192: {  	v18 =	vperm.xlane v14, v10  }
0x193: {  	v19 =	vperm.xlane v15, v8;
	v20 =	vperm.xlane v14, v4  }
0x194: {  	v43 =	vperm.xlane v15, v6;
	v44 =	vperm.xlane v14, v0  }
0x195: {  	v45 =	vperm.xlane v15, v2;
	v14 =	vperm.xlane v14, v7  }
0x196: {  	[tilespmem:s30+$0xCA0] =	vst v16;
	v46 =	vperm.xlane v15, v3;
	v16 =	vperm.xlane v15, v11  }
0x197: {  	v47 =	vperm.xlane v15, v1;
	v18 =	vsel vm2, v18, v19;
	v19 =	vperm.xlane v15, v5  }
0x198: {  	v20 =	vsel vm1, v20, v43;
	v15 =	vperm.xlane v15, v9;
	v18 =	vadd.f32 v45, v18  }
0x199: {  	[tilespmem:s30+$0xCB0] =	vst v17;
	v14 =	vsel vm3, v14, v16;
	v17 =	vsel vm0, v44, v19;
	v19 =	vadd.f32 v46, v20  }
0x19a: {  	v14 =	vadd.f32 v15, v14;
	v15 =	vld [tilespmem:s31+$0x6F0];
	[tilespmem:s30+$0xC00] =	vst v18;
	v16 =	vadd.f32 v47, v17  }
0x19b: {  	[tilespmem:s30+$0xC10] =	vst v19  }
0x19c: {  	[tilespmem:s30+$0xC20] =	vst v16;
	v16 =	vld [tilespmem:s31+$0x700]  }
0x19d: {  	[tilespmem:s30+$0xC30] =	vst v14  }
0x19e: {  	v17 =	vld [tilespmem:s31+$0x6D0]  }
0x19f: {  	v14 =	vld [tilespmem:s31+$0x6C0];
	v18 =	vperm.xlane v15, v7  }
0x1a0: {  	v12 =	vadd.f32 v12, v13;
	v20 =	vperm.xlane v15, v10;
	v55 =	vperm.xlane v15, v4  }
0x1a1: {  	v19 =	vperm.xlane v16, v11;
	v13 =	vperm.xlane v16, v9  }
0x1a2: {  	[tilespmem:s29+$0x12A0] =	vst v12;
	v53 =	vperm.xlane v16, v8;
	v12 =	vperm.xlane v16, v6  }
0x1a3: {  	v48 =	vperm.xlane v17, v8;
	v49 =	vperm.xlane v17, v6  }
0x1a4: {  	v50 =	vperm.xlane v14, v0;
	v51 =	vperm.xlane v17, v5  }
0x1a5: {  	v52 =	vperm.xlane v17, v11;
	v54 =	vperm.xlane v17, v2  }
0x1a6: {  	v56 =	vperm.xlane v17, v3;
	v18 =	vsel vm3, v18, v19;
	v19 =	vperm.xlane v14, v10  }
0x1a7: {  	v26 =	vperm.xlane v17, v1;
	v13 =	vadd.f32 v13, v18;
	v18 =	vperm.xlane v14, v4  }
0x1a8: {  	v17 =	vperm.xlane v17, v9;
	v14 =	vperm.xlane v14, v7;
	v19 =	vsel vm2, v19, v48  }
0x1a9: {  	v21 =	vsel vm0, v50, v51;
	v18 =	vsel vm1, v18, v49;
	v19 =	vadd.f32 v54, v19  }
0x1aa: {  	v14 =	vsel vm3, v14, v52;
	[tilespmem:s30+$0x12B0] =	vst v13;
	v13 =	vperm.xlane v15, v0;
	v15 =	vadd.f32 v56, v18  }
0x1ab: {  	v18 =	vsel vm2, v20, v53;
	v20 =	vperm.xlane v16, v2;
	v14 =	vadd.f32 v17, v14;
	[tilespmem:s30+$0x1200] =	vst v19  }
0x1ac: {  	v57 =	vperm.xlane v16, v5;
	v19 =	vadd.f32 v26, v21;
	[tilespmem:s30+$0x1210] =	vst v15;
	v15 =	vperm.xlane v16, v3  }
0x1ad: {  	v12 =	vsel vm1, v55, v12;
	v17 =	vadd.f32 v20, v18;
	v16 =	vperm.xlane v16, v1;
	[tilespmem:s30+$0x1230] =	vst v14  }
0x1ae: {  	s0 =	sshll.u32 s26, $0xF;
	v13 =	vsel vm0, v13, v57;
	[tilespmem:s30+$0x1220] =	vst v19;
	v12 =	vadd.f32 v15, v12  }
0x1af: {  	s0 =	sadd.s32 s0, s7;
	[tilespmem:s30+$0x1280] =	vst v17;
	v13 =	vadd.f32 v16, v13  }
0x1b0: {  	s0 =	sshrl.u32 s0, $0x3;
	[tilespmem:s30+$0x1290] =	vst v12  }
0x1b1: {  	s0 =	sadd.s32 s5, s0;
	[tilespmem:s30+$0x12A0] =	vst v13  }
0x1b2: {  	[hbm4b:s0+s17] =	stream.strided.scatter [tilespmem:s19], [sflag:$0x2], $0x3000, s18, s17, $0x38;
	[tilespmem:$0x1E400] =	vst v63  }
0x1b3: {  	s0 =	simm.s32 @!p0 $0x3  }
0x1b4: {  	_ =	swait.ge @!p0 [sflag:s0], $0x3000  }
0x1b5: {  	[sflag:s0] =	ssyncset.done @!p0 $0x0  }
0x1b6: {  	[sflag:s0] =	ssyncadd.s32 @!p0 $0xFFFFD000  }
0x1b7: {  	v12 =	vld [tilespmem:s24+$0xFFFFF040]  }
0x1b8: {  	v13 =	vld [tilespmem:s24+$0xFFFFF030];
	_ =	sdelay $0x3  }
0x1b9: {  	v14 =	vperm.xlane v12, v2;
	v15 =	vperm.xlane v12, v3  }
0x1ba: {  	v16 =	vperm.xlane v13, v10;
	v17 =	vperm.xlane v12, v1  }
0x1bb: {  	v18 =	vperm.xlane v12, v8;
	v19 =	vperm.xlane v13, v4  }
0x1bc: {  	v58 =	vperm.xlane v12, v6;
	v59 =	vperm.xlane v13, v0  }
0x1bd: {  	v20 =	vld [tilespmem:s24+$0xFFFFF010];
	v61 =	vperm.xlane v12, v5;
	v13 =	vperm.xlane v13, v7;
	v16 =	vsel vm2, v16, v18  }
0x1be: {  	v60 =	vld [tilespmem:s24+$0xFFFFF000];
	v18 =	vperm.xlane v12, v11;
	v14 =	vadd.f32 v14, v16;
	v16 =	vsel vm1, v19, v58  }
0x1bf: {  	s29 =	simm.s32 $0x1CC00;
	v12 =	vperm.xlane v12, v9;
	v15 =	vadd.f32 v15, v16;
	v16 =	vsel vm0, v59, v61  }
0x1c0: {  	v13 =	vsel vm3, v13, v18;
	[tilespmem:s29+$0xFFFFE880] =	vst v14;
	v14 =	vadd.f32 v17, v16  }
0x1c1: {  	v12 =	vadd.f32 v12, v13;
	[tilespmem:s29+$0xFFFFE890] =	vst v15  }
0x1c2: {  	v63 =	vperm.xlane v20, v3;
	v19 =	vperm.xlane v20, v2;
	[tilespmem:s29+$0xFFFFE8A0] =	vst v14  }
0x1c3: {  	v13 =	vperm.xlane v60, v10;
	v15 =	vperm.xlane v20, v8;
	[tilespmem:s29+$0xFFFFE8B0] =	vst v12  }
0x1c4: {  	v16 =	vperm.xlane v20, v6;
	v14 =	vperm.xlane v60, v4;
	v18 =	vld [tilespmem:s24+$0xFFFFF280]  }
0x1c5: {  	v17 =	vperm.xlane v20, v5;
	v12 =	vperm.xlane v60, v0;
	v13 =	vsel vm2, v13, v15;
	v62 =	vld [tilespmem:s24+$0xFFFFF270]  }
0x1c6: {  	v15 =	vperm.xlane v60, v7;
	v14 =	vsel vm1, v14, v16;
	v16 =	vperm.xlane v20, v11  }
0x1c7: {  	v12 =	vsel vm0, v12, v17;
	v17 =	vperm.xlane v20, v1;
	v13 =	vadd.f32 v19, v13  }
0x1c8: {  	v14 =	vadd.f32 v63, v14;
	v15 =	vsel vm3, v15, v16;
	v16 =	vperm.xlane v20, v9  }
0x1c9: {  	v12 =	vadd.f32 v17, v12;
	[tilespmem:s29+$0xFFFFE800] =	vst v13;
	v13 =	vperm.xlane v18, v2;
	v17 =	vperm.xlane v18, v3  }
0x1ca: {  	[tilespmem:s29+$0xFFFFE810] =	vst v14;
	v15 =	vadd.f32 v16, v15;
	v14 =	vperm.xlane v62, v10;
	v16 =	vperm.xlane v18, v1  }
0x1cb: {  	[tilespmem:s29+$0xFFFFE820] =	vst v12;
	v12 =	vperm.xlane v18, v8;
	v19 =	vperm.xlane v62, v4  }
0x1cc: {  	v20 =	vperm.xlane v62, v0;
	[tilespmem:s29+$0xFFFFE830] =	vst v15;
	v15 =	vperm.xlane v18, v6  }
0x1cd: {  	v21 =	vperm.xlane v62, v7;
	v12 =	vsel vm2, v14, v12;
	v14 =	vperm.xlane v18, v5;
	v24 =	vld [tilespmem:s24+$0xFFFFF240]  }
0x1ce: {  	v25 =	vld [tilespmem:s24+$0xFFFFF250];
	v12 =	vadd.f32 v13, v12;
	v13 =	vsel vm1, v19, v15;
	v15 =	vperm.xlane v18, v11  }
0x1cf: {  	v14 =	vsel vm0, v20, v14;
	v13 =	vadd.f32 v17, v13;
	v17 =	vperm.xlane v18, v9  }
0x1d0: {  	[tilespmem:s29+$0xFFFFEE80] =	vst v12;
	v12 =	vadd.f32 v16, v14;
	v14 =	vsel vm3, v21, v15  }
0x1d1: {  	[tilespmem:s29+$0xFFFFEE90] =	vst v13;
	v13 =	vadd.f32 v17, v14  }
0x1d2: {  	[tilespmem:s29+$0xFFFFEEA0] =	vst v12;
	v14 =	vperm.xlane v24, v10;
	v15 =	vperm.xlane v24, v4  }
0x1d3: {  	v12 =	vperm.xlane v25, v8;
	v16 =	vperm.xlane v25, v6;
	[tilespmem:s29+$0xFFFFEEB0] =	vst v13  }
0x1d4: {  	v17 =	vperm.xlane v25, v5;
	v19 =	vperm.xlane v25, v2;
	v18 =	vld [tilespmem:s24+$0xFFFFF4C0]  }
0x1d5: {  	v26 =	vperm.xlane v25, v11;
	v13 =	vperm.xlane v24, v0;
	v12 =	vsel vm2, v14, v12;
	v20 =	vld [tilespmem:s24+$0xFFFFF4B0]  }
0x1d6: {  	v14 =	vperm.xlane v24, v7;
	v15 =	vsel vm1, v15, v16;
	v16 =	vperm.xlane v25, v3  }
0x1d7: {  	v13 =	vsel vm0, v13, v17;
	v17 =	vperm.xlane v25, v1;
	v12 =	vadd.f32 v19, v12  }
0x1d8: {  	v19 =	vperm.xlane v25, v9;
	v15 =	vadd.f32 v16, v15;
	v14 =	vsel vm3, v14, v26  }
0x1d9: {  	v13 =	vadd.f32 v17, v13;
	[tilespmem:s29+$0xFFFFEE00] =	vst v12;
	v12 =	vperm.xlane v18, v2;
	v16 =	vperm.xlane v18, v3  }
0x1da: {  	v14 =	vadd.f32 v19, v14;
	[tilespmem:s29+$0xFFFFEE10] =	vst v15;
	v15 =	vperm.xlane v20, v10;
	v17 =	vperm.xlane v18, v1  }
0x1db: {  	[tilespmem:s29+$0xFFFFEE20] =	vst v13;
	v13 =	vperm.xlane v18, v8;
	v19 =	vperm.xlane v20, v4  }
0x1dc: {  	[tilespmem:s29+$0xFFFFEE30] =	vst v14;
	v14 =	vperm.xlane v18, v6;
	v27 =	vperm.xlane v20, v0  }
0x1dd: {  	v20 =	vperm.xlane v20, v7;
	v28 =	vld [tilespmem:s24+$0xFFFFF480];
	v13 =	vsel vm2, v15, v13;
	v15 =	vperm.xlane v18, v5  }
0x1de: {  	v29 =	vld [tilespmem:s24+$0xFFFFF490];
	v12 =	vadd.f32 v12, v13;
	v13 =	vsel vm1, v19, v14;
	v14 =	vperm.xlane v18, v11  }
0x1df: {  	v13 =	vadd.f32 v16, v13;
	v15 =	vsel vm0, v27, v15;
	v16 =	vperm.xlane v18, v9  }
0x1e0: {  	[tilespmem:s29+$0xFFFFF480] =	vst v12;
	v12 =	vadd.f32 v17, v15;
	v14 =	vsel vm3, v20, v14  }
0x1e1: {  	[tilespmem:s29+$0xFFFFF490] =	vst v13;
	v13 =	vadd.f32 v16, v14  }
0x1e2: {  	v14 =	vperm.xlane v28, v10;
	[tilespmem:s29+$0xFFFFF4A0] =	vst v12  }
0x1e3: {  	v15 =	vperm.xlane v29, v8;
	v16 =	vperm.xlane v28, v0;
	[tilespmem:s29+$0xFFFFF4B0] =	vst v13  }
0x1e4: {  	v18 =	vperm.xlane v29, v5;
	v19 =	vperm.xlane v28, v7;
	v17 =	vld [tilespmem:s24+$0xFFFFF700]  }
0x1e5: {  	v12 =	vperm.xlane v28, v4;
	v13 =	vperm.xlane v29, v6;
	v20 =	vld [tilespmem:s24+$0xFFFFF6F0]  }
0x1e6: {  	v30 =	vperm.xlane v29, v2;
	v31 =	vperm.xlane v29, v9;
	v14 =	vsel vm2, v14, v15  }
0x1e7: {  	v15 =	vperm.xlane v29, v11;
	v12 =	vsel vm1, v12, v13;
	v13 =	vperm.xlane v29, v3  }
0x1e8: {  	v16 =	vsel vm0, v16, v18;
	v18 =	vperm.xlane v29, v1;
	v14 =	vadd.f32 v30, v14  }
0x1e9: {  	v12 =	vadd.f32 v13, v12;
	v13 =	vperm.xlane v17, v2;
	v32 =	vperm.xlane v17, v3  }
0x1ea: {  	v15 =	vsel vm3, v19, v15;
	v19 =	vperm.xlane v20, v10;
	v33 =	vperm.xlane v17, v1  }
0x1eb: {  	v16 =	vadd.f32 v18, v16;
	v18 =	vperm.xlane v17, v8;
	v34 =	vperm.xlane v20, v4  }
0x1ec: {  	[tilespmem:s29+$0xFFFFF400] =	vst v14;
	v14 =	vadd.f32 v31, v15;
	v15 =	vperm.xlane v17, v6;
	v35 =	vperm.xlane v20, v0  }
0x1ed: {  	[tilespmem:s29+$0xFFFFF410] =	vst v12;
	v12 =	vsel vm2, v19, v18;
	v18 =	vperm.xlane v17, v5;
	v19 =	vperm.xlane v20, v7  }
0x1ee: {  	[tilespmem:s29+$0xFFFFF420] =	vst v16;
	v12 =	vadd.f32 v13, v12;
	v13 =	vsel vm1, v34, v15;
	v15 =	vperm.xlane v17, v11  }
0x1ef: {  	[tilespmem:s29+$0xFFFFF430] =	vst v14;
	v16 =	vperm.xlane v17, v9;
	v13 =	vadd.f32 v32, v13;
	v14 =	vsel vm0, v35, v18  }
0x1f0: {  	[tilespmem:s29+$0xFFFFFA80] =	vst v12;
	v12 =	vadd.f32 v33, v14;
	v14 =	vsel vm3, v19, v15  }
0x1f1: {  	[tilespmem:s29+$0xFFFFFA90] =	vst v13;
	v13 =	vadd.f32 v16, v14  }
0x1f2: {  	[tilespmem:s29+$0xFFFFFAA0] =	vst v12  }
0x1f3: {  	[tilespmem:s29+$0xFFFFFAB0] =	vst v13  }
0x1f4: {  	v13 =	vld [tilespmem:s24+$0xFFFFF940]  }
0x1f5: {  	v14 =	vld [tilespmem:s24+$0xFFFFF930];
	_ =	sdelay $0x3  }
0x1f6: {  	v16 =	vperm.xlane v13, v2  }
0x1f7: {  	v17 =	vperm.xlane v13, v3;
	v18 =	vperm.xlane v14, v10  }
0x1f8: {  	v12 =	vld [tilespmem:s24+$0xFFFFF6C0];
	v19 =	vperm.xlane v13, v1;
	v20 =	vperm.xlane v13, v8  }
0x1f9: {  	v36 =	vperm.xlane v14, v4;
	v38 =	vperm.xlane v13, v6  }
0x1fa: {  	v39 =	vperm.xlane v14, v0;
	v14 =	vperm.xlane v14, v7  }
0x1fb: {  	v37 =	vld [tilespmem:s24+$0xFFFFF6D0];
	v40 =	vperm.xlane v13, v11;
	v18 =	vsel vm2, v18, v20;
	v20 =	vperm.xlane v13, v5  }
0x1fc: {  	v13 =	vperm.xlane v13, v9;
	v16 =	vadd.f32 v16, v18;
	v18 =	vsel vm1, v36, v38  }
0x1fd: {  	v15 =	vperm.xlane v12, v10;
	v14 =	vsel vm3, v14, v40;
	v17 =	vadd.f32 v17, v18  }
0x1fe: {  	v18 =	vsel vm0, v39, v20;
	v20 =	vperm.xlane v12, v4;
	v13 =	vadd.f32 v13, v14;
	[tilespmem:s29+$0x80] =	vst v16  }
0x1ff: {  	v14 =	vperm.xlane v12, v0;
	v12 =	vperm.xlane v12, v7;
	v16 =	vadd.f32 v19, v18;
	[tilespmem:s29+$0x90] =	vst v17  }
0x200: {  	v18 =	vperm.xlane v37, v8;
	v19 =	vperm.xlane v37, v6;
	[tilespmem:s29+$0xB0] =	vst v13  }
0x201: {  	v17 =	vperm.xlane v37, v5;
	[tilespmem:s29+$0xA0] =	vst v16;
	v16 =	vperm.xlane v37, v2  }
0x202: {  	v13 =	vsel vm2, v15, v18;
	v15 =	vperm.xlane v37, v11;
	v18 =	vperm.xlane v37, v3;
	v41 =	vld [tilespmem:s24+$0xFFFFFB80]  }
0x203: {  	v19 =	vsel vm1, v20, v19;
	v20 =	vperm.xlane v37, v1;
	v13 =	vadd.f32 v16, v13  }
0x204: {  	v14 =	vsel vm0, v14, v17;
	v17 =	vperm.xlane v37, v9;
	v16 =	vld [tilespmem:s24+$0xFFFFFB70];
	v18 =	vadd.f32 v18, v19  }
0x205: {  	v12 =	vsel vm3, v12, v15;
	[tilespmem:s29+$0xFFFFFA00] =	vst v13;
	v13 =	vadd.f32 v20, v14  }
0x206: {  	v12 =	vadd.f32 v17, v12;
	[tilespmem:s29+$0xFFFFFA10] =	vst v18  }
0x207: {  	[tilespmem:s29+$0xFFFFFA20] =	vst v13;
	v13 =	vperm.xlane v41, v2  }
0x208: {  	[tilespmem:s29+$0xFFFFFA30] =	vst v12;
	v12 =	vperm.xlane v41, v3;
	v17 =	vperm.xlane v41, v1  }
0x209: {  	v18 =	vperm.xlane v41, v8;
	v14 =	vperm.xlane v16, v10;
	v15 =	vld [tilespmem:s24+$0xFFFFF900]  }
0x20a: {  	v42 =	vperm.xlane v41, v6;
	v19 =	vld [tilespmem:s24+$0xFFFFF910];
	v20 =	vperm.xlane v16, v4  }
0x20b: {  	v43 =	vperm.xlane v16, v0;
	v14 =	vsel vm2, v14, v18;
	v18 =	vperm.xlane v41, v5  }
0x20c: {  	v16 =	vperm.xlane v16, v7;
	v13 =	vadd.f32 v13, v14;
	v14 =	vsel vm1, v20, v42  }
0x20d: {  	v20 =	vperm.xlane v41, v11;
	v12 =	vadd.f32 v12, v14;
	v14 =	vsel vm0, v43, v18  }
0x20e: {  	v18 =	vperm.xlane v41, v9;
	v44 =	vperm.xlane v15, v10;
	v14 =	vadd.f32 v17, v14  }
0x20f: {  	[tilespmem:s29+$0x680] =	vst v13;
	v13 =	vsel vm3, v16, v20;
	v16 =	vperm.xlane v19, v8;
	v17 =	vperm.xlane v15, v4  }
0x210: {  	s31 =	sadd.s32 $0x60, s24;
	v20 =	vperm.xlane v19, v2;
	[tilespmem:s29+$0x690] =	vst v12;
	v12 =	vadd.f32 v18, v13;
	v13 =	vperm.xlane v19, v6  }
0x211: {  	v53 =	vld [tilespmem:s31+$0xFFFFF030];
	v46 =	vperm.xlane v19, v1;
	v18 =	vperm.xlane v15, v0;
	[tilespmem:s29+$0x6A0] =	vst v14;
	v14 =	vsel vm2, v44, v16  }
0x212: {  	v16 =	vperm.xlane v19, v5;
	[tilespmem:s29+$0x6B0] =	vst v12;
	v12 =	vsel vm1, v17, v13;
	v13 =	vperm.xlane v19, v3  }
0x213: {  	v15 =	vperm.xlane v15, v7;
	v17 =	vperm.xlane v19, v11;
	v14 =	vadd.f32 v20, v14;
	v45 =	vld [tilespmem:s24+$0xFFFFFDC0]  }
0x214: {  	v19 =	vperm.xlane v19, v9;
	v16 =	vsel vm0, v18, v16;
	v18 =	vld [tilespmem:s24+$0xFFFFFDB0];
	v12 =	vadd.f32 v13, v12  }
0x215: {  	v13 =	vsel vm3, v15, v17;
	v15 =	vadd.f32 v46, v16;
	[tilespmem:s29+$0x0] =	vst v14  }
0x216: {  	v55 =	vperm.xlane v53, v10;
	v13 =	vadd.f32 v19, v13;
	[tilespmem:s29+$0x10] =	vst v12  }
0x217: {  	v23 =	vperm.xlane v53, v7;
	v30 =	vperm.xlane v53, v4;
	[tilespmem:s29+$0x20] =	vst v15  }
0x218: {  	[tilespmem:s29+$0x30] =	vst v13;
	v12 =	vperm.xlane v45, v2;
	v14 =	vperm.xlane v45, v3  }
0x219: {  	v13 =	vperm.xlane v18, v10;
	v15 =	vperm.xlane v45, v1;
	v16 =	vld [tilespmem:s24+$0xFFFFFB40]  }
0x21a: {  	v17 =	vperm.xlane v45, v8;
	v19 =	vperm.xlane v18, v4;
	v20 =	vld [tilespmem:s24+$0xFFFFFB50]  }
0x21b: {  	v47 =	vperm.xlane v45, v6;
	v48 =	vperm.xlane v18, v0  }
0x21c: {  	v18 =	vperm.xlane v18, v7;
	v21 =	vperm.xlane v45, v9  }
0x21d: {  	v13 =	vsel vm2, v13, v17;
	v17 =	vperm.xlane v45, v5;
	v19 =	vsel vm1, v19, v47  }
0x21e: {  	v12 =	vadd.f32 v12, v13;
	v13 =	vperm.xlane v45, v11;
	v49 =	vperm.xlane v16, v10  }
0x21f: {  	v14 =	vadd.f32 v14, v19;
	v50 =	vperm.xlane v16, v4;
	v51 =	vperm.xlane v20, v8  }
0x220: {  	v19 =	vld [tilespmem:s31+$0xFFFFF040];
	v17 =	vsel vm0, v48, v17;
	v52 =	vperm.xlane v20, v6;
	v27 =	vperm.xlane v16, v0  }
0x221: {  	v28 =	vperm.xlane v20, v5;
	v15 =	vadd.f32 v15, v17;
	v16 =	vperm.xlane v16, v7  }
0x222: {  	v17 =	vperm.xlane v20, v11;
	[tilespmem:s29+$0xC80] =	vst v12;
	v12 =	vsel vm3, v18, v13;
	v18 =	vperm.xlane v20, v2  }
0x223: {  	v29 =	vperm.xlane v20, v3;
	[tilespmem:s29+$0xC90] =	vst v14;
	v14 =	vperm.xlane v20, v1;
	v12 =	vadd.f32 v21, v12  }
0x224: {  	v20 =	vperm.xlane v20, v9;
	[tilespmem:s29+$0xCA0] =	vst v15;
	v27 =	vsel vm0, v27, v28;
	v16 =	vsel vm3, v16, v17  }
0x225: {  	v15 =	vperm.xlane v19, v2;
	v54 =	vperm.xlane v19, v3;
	[tilespmem:s29+$0xCB0] =	vst v12;
	v12 =	vsel vm2, v49, v51  }
0x226: {  	v56 =	vperm.xlane v19, v1;
	v57 =	vperm.xlane v19, v8;
	v14 =	vadd.f32 v14, v27  }
0x227: {  	v31 =	vld [tilespmem:s31+$0xFFFFF010];
	v58 =	vperm.xlane v19, v6;
	v59 =	vperm.xlane v19, v5;
	v16 =	vadd.f32 v20, v16  }
0x228: {  	v33 =	vld [tilespmem:s31+$0xFFFFF000];
	v61 =	vperm.xlane v19, v11;
	v12 =	vadd.f32 v18, v12;
	v22 =	vsel vm2, v55, v57;
	[tilespmem:s29+$0x620] =	vst v14  }
0x229: {  	v19 =	vperm.xlane v19, v9;
	v60 =	vsel vm1, v30, v58;
	[tilespmem:s29+$0x630] =	vst v16;
	v15 =	vadd.f32 v15, v22  }
0x22a: {  	s30 =	simm.s32 $0x1CD00;
	v32 =	vperm.xlane v53, v0;
	v17 =	vsel vm3, v23, v61;
	v21 =	vadd.f32 v54, v60;
	[tilespmem:s29+$0x600] =	vst v12  }
0x22b: {  	v24 =	vsel vm1, v50, v52;
	v13 =	vld [tilespmem:s24+$0xFFFFFFF0];
	v17 =	vadd.f32 v19, v17;
	[tilespmem:s30+$0xFFFFE880] =	vst v15  }
0x22c: {  	v35 =	vperm.xlane v31, v3;
	v62 =	vsel vm0, v32, v59;
	v19 =	vadd.f32 v29, v24;
	[tilespmem:s30+$0xFFFFE890] =	vst v21  }
0x22d: {  	v63 =	vperm.xlane v33, v10;
	v28 =	vperm.xlane v31, v8;
	v15 =	vadd.f32 v56, v62;
	[tilespmem:s30+$0xFFFFE8B0] =	vst v17  }
0x22e: {  	v20 =	vperm.xlane v31, v5;
	v32 =	vperm.xlane v33, v7;
	[tilespmem:s29+$0x610] =	vst v19  }
0x22f: {  	v29 =	vperm.xlane v31, v6;
	v17 =	vperm.xlane v33, v0;
	v26 =	vld [tilespmem:s24+$0xFFFFFD90];
	[tilespmem:s30+$0xFFFFE8A0] =	vst v15  }
0x230: {  	v19 =	vperm.xlane v31, v11;
	v18 =	vperm.xlane v13, v7;
	v30 =	vld [tilespmem:s31+$0xFFFFF280]  }
0x231: {  	v12 =	vsel vm2, v63, v28;
	v15 =	vperm.xlane v33, v4;
	v33 =	vperm.xlane v31, v2;
	v34 =	vld [tilespmem:s31+$0xFFFFF270]  }
0x232: {  	v14 =	vsel vm0, v17, v20;
	v17 =	vperm.xlane v31, v1;
	v16 =	vsel vm3, v32, v19  }
0x233: {  	v19 =	vperm.xlane v31, v9;
	v15 =	vsel vm1, v15, v29;
	v12 =	vadd.f32 v33, v12  }
0x234: {  	v14 =	vadd.f32 v17, v14;
	v59 =	vperm.xlane v26, v8;
	v60 =	vperm.xlane v26, v6  }
0x235: {  	v16 =	vadd.f32 v19, v16;
	[tilespmem:s30+$0xFFFFE800] =	vst v12;
	v17 =	vperm.xlane v30, v2;
	v20 =	vperm.xlane v30, v3  }
0x236: {  	v15 =	vadd.f32 v35, v15;
	[tilespmem:s30+$0xFFFFE820] =	vst v14;
	v19 =	vperm.xlane v34, v10;
	v36 =	vperm.xlane v30, v1  }
0x237: {  	v12 =	vld [tilespmem:s24+$0x0];
	[tilespmem:s30+$0xFFFFE830] =	vst v16;
	v14 =	vperm.xlane v30, v8;
	v37 =	vperm.xlane v34, v4  }
0x238: {  	[tilespmem:s30+$0xFFFFE810] =	vst v15;
	v15 =	vld [tilespmem:s24+$0xFFFFFD80];
	v16 =	vperm.xlane v30, v6;
	v38 =	vperm.xlane v34, v0  }
0x239: {  	v25 =	vperm.xlane v34, v7;
	v40 =	vld [tilespmem:s31+$0xFFFFF250];
	v14 =	vsel vm2, v19, v14;
	v19 =	vperm.xlane v30, v5  }
0x23a: {  	v16 =	vsel vm1, v37, v16;
	v14 =	vadd.f32 v17, v14;
	v17 =	vperm.xlane v30, v11  }
0x23b: {  	v39 =	vld [tilespmem:s31+$0xFFFFF240];
	v16 =	vadd.f32 v20, v16;
	v20 =	vperm.xlane v30, v9;
	v19 =	vsel vm0, v38, v19  }
0x23c: {  	v41 =	vperm.xlane v12, v11;
	[tilespmem:s30+$0xFFFFEE80] =	vst v14;
	v14 =	vadd.f32 v36, v19;
	v17 =	vsel vm3, v25, v17  }
0x23d: {  	v42 =	vperm.xlane v15, v10;
	v19 =	vperm.xlane v12, v9;
	[tilespmem:s30+$0xFFFFEE90] =	vst v16;
	v16 =	vadd.f32 v20, v17  }
0x23e: {  	v43 =	vperm.xlane v40, v6;
	v44 =	vperm.xlane v40, v5;
	[tilespmem:s30+$0xFFFFEEA0] =	vst v14  }
0x23f: {  	v46 =	vperm.xlane v40, v2;
	v48 =	vperm.xlane v40, v11;
	[tilespmem:s30+$0xFFFFEEB0] =	vst v16  }
0x240: {  	v17 =	vperm.xlane v39, v10;
	v14 =	vperm.xlane v40, v8;
	v45 =	vld [tilespmem:s31+$0xFFFFF4C0]  }
0x241: {  	v49 =	vperm.xlane v40, v3;
	v20 =	vperm.xlane v39, v4;
	v47 =	vld [tilespmem:s31+$0xFFFFF4B0]  }
0x242: {  	v50 =	vperm.xlane v40, v1;
	v16 =	vperm.xlane v39, v0;
	v14 =	vsel vm2, v17, v14  }
0x243: {  	v20 =	vsel vm1, v20, v43;
	v17 =	vperm.xlane v39, v7;
	v14 =	vadd.f32 v46, v14  }
0x244: {  	v51 =	vperm.xlane v40, v9;
	v20 =	vadd.f32 v49, v20;
	v16 =	vsel vm0, v16, v44  }
0x245: {  	v17 =	vsel vm3, v17, v48;
	v16 =	vadd.f32 v50, v16;
	[tilespmem:s30+$0xFFFFEE00] =	vst v14;
	v14 =	vperm.xlane v45, v2  }
0x246: {  	[tilespmem:s30+$0xFFFFEE10] =	vst v20;
	v17 =	vadd.f32 v51, v17;
	v52 =	vperm.xlane v45, v3;
	v20 =	vperm.xlane v47, v10  }
0x247: {  	[tilespmem:s30+$0xFFFFEE20] =	vst v16;
	v53 =	vperm.xlane v45, v1;
	v16 =	vperm.xlane v45, v8  }
0x248: {  	v54 =	vperm.xlane v47, v4;
	[tilespmem:s30+$0xFFFFEE30] =	vst v17;
	v17 =	vperm.xlane v45, v6  }
0x249: {  	v55 =	vperm.xlane v47, v0;
	v28 =	vperm.xlane v47, v7;
	v56 =	vld [tilespmem:s31+$0xFFFFF480];
	v16 =	vsel vm2, v20, v16  }
0x24a: {  	v58 =	vperm.xlane v45, v9;
	v57 =	vld [tilespmem:s31+$0xFFFFF490];
	v20 =	vperm.xlane v45, v5;
	v14 =	vadd.f32 v14, v16  }
0x24b: {  	v16 =	vsel vm1, v54, v17;
	v17 =	vperm.xlane v45, v11;
	v54 =	vperm.xlane v26, v11  }
0x24c: {  	v16 =	vadd.f32 v52, v16;
	v20 =	vsel vm0, v55, v20;
	v52 =	vperm.xlane v26, v5  }
0x24d: {  	[tilespmem:s30+$0xFFFFF480] =	vst v14;
	v14 =	vadd.f32 v53, v20;
	v17 =	vsel vm3, v28, v17;
	v20 =	vperm.xlane v15, v4  }
0x24e: {  	[tilespmem:s30+$0xFFFFF490] =	vst v16;
	v16 =	vadd.f32 v58, v17;
	v17 =	vperm.xlane v15, v0;
	v61 =	vperm.xlane v56, v10  }
0x24f: {  	v62 =	vperm.xlane v57, v8;
	v34 =	vperm.xlane v57, v5  }
0x250: {  	v35 =	vperm.xlane v56, v7;
	v37 =	vperm.xlane v57, v11;
	[tilespmem:s30+$0xFFFFF4A0] =	vst v14  }
0x251: {  	v38 =	vperm.xlane v57, v2;
	v39 =	vperm.xlane v57, v1;
	[tilespmem:s30+$0xFFFFF4B0] =	vst v16  }
0x252: {  	v31 =	vperm.xlane v57, v9;
	v15 =	vperm.xlane v15, v7;
	v14 =	vsel vm3, v18, v41;
	v63 =	vld [tilespmem:s31+$0xFFFFF700]  }
0x253: {  	v18 =	vperm.xlane v56, v4;
	v14 =	vadd.f32 v19, v14;
	v16 =	vperm.xlane v57, v6;
	v36 =	vld [tilespmem:s31+$0xFFFFF6F0]  }
0x254: {  	v19 =	vperm.xlane v56, v0;
	v22 =	vsel vm2, v61, v62;
	v23 =	vsel vm3, v35, v37  }
0x255: {  	v22 =	vadd.f32 v38, v22;
	v16 =	vsel vm1, v18, v16;
	v18 =	vperm.xlane v57, v3  }
0x256: {  	v56 =	vperm.xlane v26, v1;
	v45 =	vadd.f32 v31, v23;
	v19 =	vsel vm0, v19, v34  }
0x257: {  	v19 =	vadd.f32 v39, v19;
	[tilespmem:s30+$0xFFFFF400] =	vst v22;
	v16 =	vadd.f32 v18, v16;
	v18 =	vperm.xlane v63, v2  }
0x258: {  	[tilespmem:s30+$0xFFFFF430] =	vst v45;
	v40 =	vperm.xlane v63, v3;
	v41 =	vperm.xlane v36, v10  }
0x259: {  	v21 =	vsel vm2, v42, v59;
	[tilespmem:s30+$0xFFFFF420] =	vst v19;
	v43 =	vperm.xlane v63, v8;
	v44 =	vperm.xlane v36, v4  }
0x25a: {  	v15 =	vsel vm3, v15, v54;
	v46 =	vperm.xlane v63, v6;
	v47 =	vperm.xlane v36, v0;
	[tilespmem:s30+$0xFFFFF410] =	vst v16  }
0x25b: {  	v48 =	vperm.xlane v63, v5;
	v49 =	vperm.xlane v36, v7;
	v53 =	vld [tilespmem:s31+$0xFFFFF6C0];
	v16 =	vsel vm2, v41, v43  }
0x25c: {  	v19 =	vperm.xlane v63, v11;
	v55 =	vld [tilespmem:s31+$0xFFFFF6D0];
	v16 =	vadd.f32 v18, v16;
	v18 =	vsel vm1, v44, v46  }
0x25d: {  	v42 =	vperm.xlane v63, v1;
	v51 =	vperm.xlane v63, v9;
	v18 =	vadd.f32 v40, v18  }
0x25e: {  	v54 =	vperm.xlane v12, v8;
	v50 =	vsel vm0, v47, v48;
	v19 =	vsel vm3, v49, v19;
	[tilespmem:s30+$0xFFFFFA80] =	vst v16  }
0x25f: {  	v57 =	vperm.xlane v13, v10;
	v16 =	vadd.f32 v42, v50;
	[tilespmem:s30+$0xFFFFFA90] =	vst v18;
	v18 =	vadd.f32 v51, v19  }
0x260: {  	v19 =	vsel vm1, v20, v60;
	v20 =	vperm.xlane v26, v2;
	v59 =	vperm.xlane v53, v10  }
0x261: {  	v60 =	vperm.xlane v53, v4;
	v61 =	vperm.xlane v55, v8;
	[tilespmem:s30+$0xFFFFFAA0] =	vst v16  }
0x262: {  	v62 =	vperm.xlane v55, v6;
	v16 =	vperm.xlane v26, v3;
	[tilespmem:s30+$0xFFFFFAB0] =	vst v18  }
0x263: {  	v17 =	vsel vm0, v17, v52;
	v63 =	vperm.xlane v53, v0;
	v33 =	vperm.xlane v55, v5;
	v58 =	vld [tilespmem:s31+$0xFFFFF940]  }
0x264: {  	v34 =	vperm.xlane v53, v7;
	v35 =	vperm.xlane v55, v11;
	v16 =	vadd.f32 v16, v19;
	v19 =	vld [tilespmem:s31+$0xFFFFF930]  }
0x265: {  	v17 =	vadd.f32 v56, v17;
	v36 =	vperm.xlane v55, v3;
	v28 =	vperm.xlane v55, v9  }
0x266: {  	v18 =	vadd.f32 v20, v21;
	v20 =	vperm.xlane v26, v9;
	v25 =	vsel vm1, v60, v62  }
0x267: {  	[tilespmem:s29+$0xC20] =	vst v17;
	v17 =	vperm.xlane v55, v1;
	v24 =	vsel vm3, v34, v35;
	v47 =	vadd.f32 v36, v25  }
0x268: {  	v48 =	vadd.f32 v28, v24;
	v15 =	vadd.f32 v20, v15;
	[tilespmem:s29+$0xC00] =	vst v18;
	v18 =	vperm.xlane v55, v2  }
0x269: {  	v20 =	vsel vm2, v59, v61;
	[tilespmem:s29+$0xC10] =	vst v16;
	v37 =	vperm.xlane v19, v10;
	v38 =	vperm.xlane v58, v8  }
0x26a: {  	v16 =	vsel vm0, v63, v33;
	[tilespmem:s29+$0xC30] =	vst v15;
	v39 =	vperm.xlane v58, v2;
	v15 =	vperm.xlane v19, v4  }
0x26b: {  	v18 =	vadd.f32 v18, v20;
	v40 =	vperm.xlane v58, v6;
	v42 =	vperm.xlane v58, v3  }
0x26c: {  	[tilespmem:s30+$0xFFFFFA10] =	vst v47;
	v16 =	vadd.f32 v17, v16;
	v43 =	vperm.xlane v58, v1;
	v44 =	vperm.xlane v19, v0  }
0x26d: {  	[tilespmem:s30+$0xFFFFFA30] =	vst v48;
	v26 =	vld [tilespmem:s24+$0xFFFFFFD0];
	v45 =	vperm.xlane v58, v5;
	v19 =	vperm.xlane v19, v7;
	v22 =	vsel vm2, v37, v38  }
0x26e: {  	v41 =	vld [tilespmem:s24+$0xFFFFFFC0];
	v46 =	vperm.xlane v58, v11;
	[tilespmem:s30+$0xFFFFFA00] =	vst v18;
	v15 =	vsel vm1, v15, v40;
	v22 =	vadd.f32 v39, v22  }
0x26f: {  	v23 =	vperm.xlane v58, v9;
	[tilespmem:s30+$0xFFFFFA20] =	vst v16;
	v30 =	vsel vm0, v44, v45;
	v15 =	vadd.f32 v42, v15  }
0x270: {  	v21 =	vsel vm2, v57, v54;
	v19 =	vsel vm3, v19, v46;
	v20 =	vadd.f32 v43, v30;
	[tilespmem:s30+$0x80] =	vst v22  }
0x271: {  	v57 =	vperm.xlane v12, v5;
	v55 =	vperm.xlane v12, v6;
	[tilespmem:s30+$0x90] =	vst v15;
	v15 =	vadd.f32 v23, v19  }
0x272: {  	v17 =	vperm.xlane v26, v8;
	v49 =	vperm.xlane v26, v6;
	[tilespmem:s30+$0xA0] =	vst v20  }
0x273: {  	v62 =	vld [tilespmem:s31+$0xFFFFF900];
	v51 =	vperm.xlane v41, v7;
	v19 =	vperm.xlane v41, v10;
	[tilespmem:s30+$0xB0] =	vst v15  }
0x274: {  	v52 =	vperm.xlane v26, v11;
	v56 =	vperm.xlane v26, v2;
	v50 =	vld [tilespmem:s31+$0xFFFFFB80]  }
0x275: {  	v15 =	vperm.xlane v41, v0;
	v17 =	vsel vm2, v19, v17;
	v19 =	vperm.xlane v26, v5;
	v53 =	vld [tilespmem:s31+$0xFFFFFB70]  }
0x276: {  	v58 =	vperm.xlane v26, v3;
	v42 =	vperm.xlane v26, v1  }
0x277: {  	v20 =	vperm.xlane v41, v4;
	v15 =	vsel vm0, v15, v19;
	v19 =	vperm.xlane v13, v4  }
0x278: {  	v43 =	vperm.xlane v62, v10;
	v45 =	vperm.xlane v62, v4  }
0x279: {  	v16 =	vsel vm1, v19, v55;
	v19 =	vperm.xlane v50, v2;
	v59 =	vperm.xlane v50, v3  }
0x27a: {  	v60 =	vperm.xlane v53, v10;
	v61 =	vperm.xlane v50, v8  }
0x27b: {  	v63 =	vperm.xlane v53, v4;
	v36 =	vperm.xlane v50, v6  }
0x27c: {  	v37 =	vld [tilespmem:s31+$0xFFFFF910];
	v18 =	vsel vm3, v51, v52;
	v39 =	vperm.xlane v53, v0;
	v40 =	vperm.xlane v50, v5  }
0x27d: {  	v28 =	vperm.xlane v53, v7;
	v41 =	vperm.xlane v50, v11;
	v22 =	vsel vm2, v60, v61  }
0x27e: {  	v25 =	vperm.xlane v50, v9;
	v24 =	vsel vm1, v63, v36;
	v19 =	vadd.f32 v19, v22  }
0x27f: {  	v38 =	vperm.xlane v50, v1;
	v24 =	vadd.f32 v59, v24;
	v22 =	vsel vm3, v28, v41  }
0x280: {  	v47 =	vperm.xlane v62, v0;
	v23 =	vsel vm0, v39, v40;
	v22 =	vadd.f32 v25, v22;
	[tilespmem:s30+$0x680] =	vst v19  }
0x281: {  	v48 =	vperm.xlane v62, v7;
	v44 =	vperm.xlane v37, v8;
	v19 =	vadd.f32 v38, v23;
	[tilespmem:s30+$0x690] =	vst v24  }
0x282: {  	v20 =	vsel vm1, v20, v49;
	v46 =	vperm.xlane v37, v6;
	v51 =	vperm.xlane v37, v11;
	[tilespmem:s30+$0x6B0] =	vst v22  }
0x283: {  	v17 =	vadd.f32 v56, v17;
	v20 =	vadd.f32 v58, v20;
	v56 =	vperm.xlane v26, v9;
	[tilespmem:s30+$0x6A0] =	vst v19  }
0x284: {  	[tilespmem:s29+$0x12B0] =	vst v14;
	v13 =	vperm.xlane v13, v0;
	v49 =	vsel vm2, v43, v44;
	v14 =	vsel vm1, v45, v46;
	v52 =	vld [tilespmem:s31+$0xFFFFFDC0]  }
0x285: {  	v15 =	vadd.f32 v42, v15;
	[tilespmem:s29+$0x1200] =	vst v17;
	v17 =	vperm.xlane v37, v1;
	v19 =	vperm.xlane v37, v5;
	v54 =	vld [tilespmem:s31+$0xFFFFFDB0]  }
0x286: {  	[tilespmem:s29+$0x1210] =	vst v20;
	v20 =	vperm.xlane v37, v9;
	v18 =	vadd.f32 v56, v18;
	v13 =	vsel vm0, v13, v57  }
0x287: {  	v55 =	vsel vm3, v48, v51;
	v57 =	vperm.xlane v12, v3;
	v19 =	vsel vm0, v47, v19  }
0x288: {  	v20 =	vadd.f32 v20, v55;
	[tilespmem:s29+$0x1220] =	vst v15;
	v53 =	vperm.xlane v37, v3;
	v17 =	vadd.f32 v17, v19  }
0x289: {  	[tilespmem:s29+$0x1230] =	vst v18;
	v50 =	vperm.xlane v37, v2;
	v15 =	vadd.f32 v57, v16;
	v19 =	vperm.xlane v12, v2  }
0x28a: {  	v14 =	vadd.f32 v53, v14;
	[tilespmem:s30+$0x20] =	vst v17;
	v59 =	vperm.xlane v52, v3;
	v17 =	vperm.xlane v54, v10  }
0x28b: {  	[tilespmem:s30+$0x30] =	vst v20;
	v22 =	vadd.f32 v50, v49;
	v61 =	vperm.xlane v54, v4;
	v16 =	vperm.xlane v52, v6  }
0x28c: {  	[tilespmem:s30+$0x10] =	vst v14;
	v62 =	vperm.xlane v54, v0;
	v18 =	vperm.xlane v52, v5  }
0x28d: {  	[tilespmem:s30+$0x0] =	vst v22;
	v19 =	vadd.f32 v19, v21;
	v60 =	vperm.xlane v52, v1;
	v20 =	vperm.xlane v52, v8  }
0x28e: {  	[tilespmem:s29+$0x1290] =	vst v15;
	v58 =	vperm.xlane v52, v2;
	v14 =	vld [tilespmem:s31+$0xFFFFFB40];
	v16 =	vsel vm1, v61, v16;
	v15 =	vsel vm0, v62, v18  }
0x28f: {  	v17 =	vsel vm2, v17, v20;
	v21 =	vadd.f32 v59, v16;
	v16 =	vadd.f32 v60, v15;
	v15 =	vld [tilespmem:s31+$0xFFFFFB50]  }
0x290: {  	[tilespmem:s29+$0x1280] =	vst v19;
	v19 =	vperm.xlane v52, v11;
	v20 =	vperm.xlane v54, v7;
	v17 =	vadd.f32 v58, v17  }
0x291: {  	v63 =	vperm.xlane v52, v9  }
0x292: {  	v12 =	vperm.xlane v12, v1;
	[tilespmem:s30+$0xC80] =	vst v17;
	v17 =	vsel vm3, v20, v19  }
0x293: {  	s28 =	sor.u32 $0x1, s28;
	s1 =	simm.s32 $0x2;
	s0 =	sadd.s32 $0x60, s31;
	v19 =	vperm.xlane v14, v10;
	v18 =	vperm.xlane v14, v4;
	[tilespmem:s30+$0xC90] =	vst v21;
	v17 =	vadd.f32 v63, v17  }
.LBB2_5:
0x294: {  	v20 =	vld [tilespmem:s0+$0xFFFFF040];
	v21 =	vperm.xlane v15, v8;
	v22 =	vperm.xlane v15, v6;
	[tilespmem:s30+$0xCA0] =	vst v16;
	v12 =	vadd.f32 v12, v13  }
0x295: {  	v23 =	vperm.xlane v14, v0;
	v24 =	vperm.xlane v15, v5;
	v16 =	vld [tilespmem:s0+$0xFFFFF030];
	[tilespmem:s30+$0xCB0] =	vst v17  }
0x296: {  	v14 =	vperm.xlane v14, v7;
	v17 =	vsel vm2, v19, v21;
	v19 =	vperm.xlane v15, v11;
	v13 =	vld [tilespmem:s31+$0xFFFFFFF0];
	[tilespmem:s29+$0x12A0] =	vst v12;
	s29 =	smov.u32 s30  }
0x297: {  	v21 =	vperm.xlane v15, v2;
	v18 =	vsel vm1, v18, v22;
	v22 =	vperm.xlane v15, v3;
	v12 =	vld [tilespmem:s31+$0x0]  }
0x298: {  	v23 =	vsel vm0, v23, v24;
	v24 =	vperm.xlane v15, v1;
	v15 =	vperm.xlane v15, v9;
	v25 =	vld [tilespmem:s0+$0xFFFFF010]  }
0x299: {  	v14 =	vsel vm3, v14, v19;
	v26 =	vld [tilespmem:s0+$0xFFFFF000];
	v27 =	vperm.xlane v20, v2;
	v28 =	vperm.xlane v20, v3  }
0x29a: {  	v17 =	vadd.f32 v21, v17;
	v29 =	vperm.xlane v20, v1;
	v19 =	vperm.xlane v16, v10  }
0x29b: {  	v18 =	vadd.f32 v22, v18;
	v21 =	vperm.xlane v20, v8;
	v30 =	vperm.xlane v16, v4  }
0x29c: {  	v22 =	vperm.xlane v13, v7;
	[tilespmem:s30+$0x600] =	vst v17;
	v17 =	vadd.f32 v24, v23;
	v23 =	vperm.xlane v12, v11  }
0x29d: {  	v14 =	vadd.f32 v15, v14;
	v24 =	vperm.xlane v20, v6;
	v15 =	vperm.xlane v12, v9;
	[tilespmem:s30+$0x610] =	vst v18  }
0x29e: {  	v31 =	vperm.xlane v20, v5;
	v18 =	vperm.xlane v16, v0;
	[tilespmem:s30+$0x620] =	vst v17;
	v17 =	vsel vm3, v22, v23  }
0x29f: {  	v19 =	vsel vm2, v19, v21;
	v21 =	vperm.xlane v16, v7;
	[tilespmem:s30+$0x630] =	vst v14;
	v15 =	vadd.f32 v15, v17  }
0x2a0: {  	v17 =	vadd.f32 v27, v19;
	v14 =	vsel vm1, v30, v24;
	v19 =	vperm.xlane v20, v11;
	v16 =	vld [tilespmem:s31+$0xFFFFFD80]  }
0x2a1: {  	v18 =	vsel vm0, v18, v31;
	v20 =	vperm.xlane v20, v9;
	s30 =	sadd.s32 $0x100, s30;
	v22 =	vadd.f32 v28, v14;
	v14 =	vld [tilespmem:s31+$0xFFFFFD90];
	[tilespmem:s29+$0x12B0] =	vst v15  }
0x2a2: {  	v15 =	vperm.xlane v26, v10;
	[tilespmem:s30+$0xFFFFE880] =	vst v17;
	v17 =	vadd.f32 v29, v18;
	v18 =	vsel vm3, v21, v19  }
0x2a3: {  	v19 =	vperm.xlane v25, v8;
	v21 =	vperm.xlane v26, v4;
	[tilespmem:s30+$0xFFFFE890] =	vst v22;
	v18 =	vadd.f32 v20, v18  }
0x2a4: {  	v20 =	vperm.xlane v25, v6;
	v22 =	vperm.xlane v26, v0;
	[tilespmem:s30+$0xFFFFE8A0] =	vst v17  }
0x2a5: {  	v15 =	vsel vm2, v15, v19;
	v17 =	vperm.xlane v25, v5;
	v19 =	vperm.xlane v26, v7;
	[tilespmem:s30+$0xFFFFE8B0] =	vst v18  }
0x2a6: {  	v18 =	vperm.xlane v25, v2;
	v20 =	vsel vm1, v21, v20;
	v21 =	vperm.xlane v25, v11;
	v23 =	vld [tilespmem:s0+$0xFFFFF280]  }
0x2a7: {  	v24 =	vperm.xlane v25, v3;
	v17 =	vsel vm0, v22, v17;
	v22 =	vperm.xlane v25, v1;
	v26 =	vld [tilespmem:s0+$0xFFFFF270]  }
0x2a8: {  	v15 =	vadd.f32 v18, v15;
	v18 =	vsel vm3, v19, v21;
	v19 =	vperm.xlane v25, v9  }
0x2a9: {  	v20 =	vadd.f32 v24, v20;
	v21 =	vperm.xlane v16, v10;
	v17 =	vadd.f32 v22, v17  }
0x2aa: {  	v18 =	vadd.f32 v19, v18;
	v19 =	vperm.xlane v16, v4;
	[tilespmem:s30+$0xFFFFE800] =	vst v15;
	v15 =	vperm.xlane v14, v8  }
0x2ab: {  	[tilespmem:s30+$0xFFFFE810] =	vst v20;
	v20 =	vperm.xlane v23, v2;
	v22 =	vperm.xlane v23, v3  }
0x2ac: {  	v24 =	vperm.xlane v23, v1;
	[tilespmem:s30+$0xFFFFE820] =	vst v17;
	v17 =	vperm.xlane v26, v10;
	v15 =	vsel vm2, v21, v15  }
0x2ad: {  	v21 =	vperm.xlane v26, v4;
	[tilespmem:s30+$0xFFFFE830] =	vst v18;
	v18 =	vperm.xlane v23, v8  }
0x2ae: {  	v27 =	vperm.xlane v23, v6;
	v28 =	vperm.xlane v26, v0;
	v25 =	vld [tilespmem:s0+$0xFFFFF240]  }
0x2af: {  	v26 =	vperm.xlane v26, v7;
	v29 =	vld [tilespmem:s0+$0xFFFFF250];
	v17 =	vsel vm2, v17, v18;
	v18 =	vperm.xlane v23, v5  }
0x2b0: {  	v17 =	vadd.f32 v20, v17;
	v20 =	vsel vm1, v21, v27;
	v21 =	vperm.xlane v23, v11  }
0x2b1: {  	v20 =	vadd.f32 v22, v20;
	v18 =	vsel vm0, v28, v18;
	v22 =	vperm.xlane v23, v9  }
0x2b2: {  	[tilespmem:s30+$0xFFFFEE80] =	vst v17;
	v17 =	vadd.f32 v24, v18;
	v18 =	vsel vm3, v26, v21;
	v21 =	vperm.xlane v14, v6  }
0x2b3: {  	v23 =	vperm.xlane v25, v10;
	v24 =	vperm.xlane v25, v4;
	[tilespmem:s30+$0xFFFFEE90] =	vst v20;
	v18 =	vadd.f32 v22, v18  }
0x2b4: {  	v20 =	vperm.xlane v29, v8;
	v22 =	vperm.xlane v29, v6;
	[tilespmem:s30+$0xFFFFEEA0] =	vst v17;
	v17 =	vsel vm1, v19, v21  }
0x2b5: {  	v19 =	vperm.xlane v25, v0;
	v21 =	vperm.xlane v29, v5;
	[tilespmem:s30+$0xFFFFEEB0] =	vst v18  }
0x2b6: {  	v18 =	vsel vm2, v23, v20;
	v20 =	vperm.xlane v25, v7;
	v23 =	vperm.xlane v29, v11;
	v25 =	vld [tilespmem:s0+$0xFFFFF4C0]  }
0x2b7: {  	v26 =	vperm.xlane v29, v2;
	v22 =	vsel vm1, v24, v22;
	v24 =	vperm.xlane v29, v3;
	v27 =	vld [tilespmem:s0+$0xFFFFF4B0]  }
0x2b8: {  	v28 =	vperm.xlane v29, v9;
	v19 =	vsel vm0, v19, v21;
	v21 =	vperm.xlane v29, v1  }
0x2b9: {  	v18 =	vadd.f32 v26, v18;
	v22 =	vadd.f32 v24, v22;
	v20 =	vsel vm3, v20, v23  }
0x2ba: {  	s1 =	sadd.s32 $0x2, s1;
	v19 =	vadd.f32 v21, v19;
	v21 =	vperm.xlane v16, v0;
	v20 =	vadd.f32 v28, v20  }
0x2bb: {  	p0 =	slt.u32 s1, $0xA;
	[tilespmem:s30+$0xFFFFEE00] =	vst v18;
	v18 =	vperm.xlane v25, v2;
	v23 =	vperm.xlane v25, v3  }
0x2bc: {  	v24 =	vperm.xlane v25, v1;
	[tilespmem:s30+$0xFFFFEE10] =	vst v22;
	v22 =	vperm.xlane v27, v10  }
0x2bd: {  	v26 =	vperm.xlane v27, v4;
	[tilespmem:s30+$0xFFFFEE20] =	vst v19;
	v19 =	vperm.xlane v25, v8  }
0x2be: {  	v28 =	vperm.xlane v27, v0;
	[tilespmem:s30+$0xFFFFEE30] =	vst v20;
	v20 =	vperm.xlane v25, v6  }
0x2bf: {  	v27 =	vperm.xlane v27, v7;
	v29 =	vld [tilespmem:s0+$0xFFFFF480];
	v19 =	vsel vm2, v22, v19;
	v22 =	vperm.xlane v25, v5  }
0x2c0: {  	v30 =	vld [tilespmem:s0+$0xFFFFF490];
	v18 =	vadd.f32 v18, v19;
	v19 =	vsel vm1, v26, v20;
	v20 =	vperm.xlane v25, v11  }
0x2c1: {  	v19 =	vadd.f32 v23, v19;
	v22 =	vsel vm0, v28, v22;
	v23 =	vperm.xlane v25, v9  }
0x2c2: {  	[tilespmem:s30+$0xFFFFF480] =	vst v18;
	v18 =	vadd.f32 v24, v22;
	v20 =	vsel vm3, v27, v20;
	v22 =	vperm.xlane v14, v5  }
0x2c3: {  	v16 =	vperm.xlane v16, v7;
	[tilespmem:s30+$0xFFFFF490] =	vst v19;
	v19 =	vadd.f32 v23, v20;
	v20 =	vperm.xlane v14, v11  }
0x2c4: {  	v23 =	vperm.xlane v29, v10;
	v24 =	vperm.xlane v29, v4;
	[tilespmem:s30+$0xFFFFF4A0] =	vst v18;
	v18 =	vsel vm0, v21, v22  }
0x2c5: {  	v21 =	vperm.xlane v30, v8;
	v22 =	vperm.xlane v30, v6;
	[tilespmem:s30+$0xFFFFF4B0] =	vst v19;
	v16 =	vsel vm3, v16, v20  }
0x2c6: {  	v19 =	vperm.xlane v29, v0;
	v20 =	vperm.xlane v30, v5;
	v25 =	vld [tilespmem:s0+$0xFFFFF700]  }
0x2c7: {  	v26 =	vperm.xlane v30, v11;
	v21 =	vsel vm2, v23, v21;
	v23 =	vperm.xlane v29, v7;
	v27 =	vld [tilespmem:s0+$0xFFFFF6F0]  }
0x2c8: {  	v28 =	vperm.xlane v30, v2;
	v22 =	vsel vm1, v24, v22;
	v24 =	vperm.xlane v30, v3  }
0x2c9: {  	v19 =	vsel vm0, v19, v20;
	v20 =	vperm.xlane v30, v1;
	v29 =	vperm.xlane v30, v9  }
0x2ca: {  	v21 =	vadd.f32 v28, v21;
	v22 =	vadd.f32 v24, v22;
	v23 =	vsel vm3, v23, v26  }
0x2cb: {  	v19 =	vadd.f32 v20, v19;
	v20 =	vperm.xlane v25, v2;
	v24 =	vperm.xlane v25, v3  }
0x2cc: {  	v26 =	vperm.xlane v25, v1;
	[tilespmem:s30+$0xFFFFF400] =	vst v21;
	v21 =	vadd.f32 v29, v23;
	v23 =	vperm.xlane v27, v10  }
0x2cd: {  	v28 =	vperm.xlane v27, v4;
	[tilespmem:s30+$0xFFFFF410] =	vst v22;
	v22 =	vperm.xlane v25, v8  }
0x2ce: {  	v29 =	vperm.xlane v27, v0;
	[tilespmem:s30+$0xFFFFF420] =	vst v19;
	v19 =	vperm.xlane v25, v6  }
0x2cf: {  	[tilespmem:s30+$0xFFFFF430] =	vst v21;
	v21 =	vsel vm2, v23, v22;
	v22 =	vperm.xlane v25, v5;
	v23 =	vperm.xlane v27, v7  }
0x2d0: {  	v27 =	vld [tilespmem:s0+$0xFFFFF6C0];
	v20 =	vadd.f32 v20, v21;
	v19 =	vsel vm1, v28, v19;
	v21 =	vperm.xlane v25, v11  }
0x2d1: {  	v28 =	vld [tilespmem:s0+$0xFFFFF6D0];
	v19 =	vadd.f32 v24, v19;
	v22 =	vsel vm0, v29, v22;
	v24 =	vperm.xlane v25, v9  }
0x2d2: {  	[tilespmem:s30+$0xFFFFFA80] =	vst v20;
	v20 =	vadd.f32 v26, v22;
	v21 =	vsel vm3, v23, v21;
	v22 =	vperm.xlane v14, v2  }
0x2d3: {  	v23 =	vperm.xlane v14, v1;
	[tilespmem:s30+$0xFFFFFA90] =	vst v19;
	v19 =	vadd.f32 v24, v21;
	v21 =	vperm.xlane v14, v3  }
0x2d4: {  	v14 =	vperm.xlane v14, v9;
	[tilespmem:s30+$0xFFFFFAA0] =	vst v20;
	v15 =	vadd.f32 v22, v15;
	v20 =	vperm.xlane v13, v10  }
0x2d5: {  	v22 =	vperm.xlane v27, v10;
	v24 =	vperm.xlane v27, v4;
	[tilespmem:s30+$0xFFFFFAB0] =	vst v19;
	v17 =	vadd.f32 v21, v17  }
0x2d6: {  	v19 =	vperm.xlane v28, v8;
	v21 =	vperm.xlane v28, v6;
	v25 =	vld [tilespmem:s0+$0xFFFFF940];
	[tilespmem:s29+$0xC00] =	vst v15;
	v15 =	vadd.f32 v23, v18  }
0x2d7: {  	v14 =	vadd.f32 v14, v16;
	v18 =	vperm.xlane v27, v0;
	v23 =	vperm.xlane v28, v5;
	v26 =	vld [tilespmem:s0+$0xFFFFF930];
	[tilespmem:s29+$0xC10] =	vst v17  }
0x2d8: {  	v17 =	vperm.xlane v27, v7;
	v16 =	vsel vm2, v22, v19;
	v19 =	vperm.xlane v28, v11;
	[tilespmem:s29+$0xC20] =	vst v15  }
0x2d9: {  	v15 =	vperm.xlane v28, v2;
	v21 =	vsel vm1, v24, v21;
	v22 =	vperm.xlane v28, v3;
	[tilespmem:s29+$0xC30] =	vst v14  }
0x2da: {  	v18 =	vsel vm0, v18, v23;
	v23 =	vperm.xlane v28, v1;
	v24 =	vperm.xlane v28, v9;
	v27 =	vld [tilespmem:s31+$0xFFFFFFC0]  }
0x2db: {  	v17 =	vsel vm3, v17, v19;
	v19 =	vperm.xlane v25, v2;
	v28 =	vperm.xlane v25, v3;
	v14 =	vld [tilespmem:s31+$0xFFFFFFD0];
	s31 =	smov.u32 s0  }
0x2dc: {  	v15 =	vadd.f32 v15, v16;
	v29 =	vperm.xlane v25, v1;
	v16 =	vperm.xlane v26, v10  }
0x2dd: {  	v21 =	vadd.f32 v22, v21;
	v22 =	vperm.xlane v25, v8;
	v30 =	vperm.xlane v26, v4  }
0x2de: {  	[tilespmem:s30+$0xFFFFFA00] =	vst v15;
	v15 =	vadd.f32 v23, v18;
	v18 =	vperm.xlane v25, v6;
	v23 =	vperm.xlane v26, v0  }
0x2df: {  	v16 =	vsel vm2, v16, v22;
	v22 =	vperm.xlane v26, v7;
	[tilespmem:s30+$0xFFFFFA10] =	vst v21;
	v21 =	vperm.xlane v25, v5  }
0x2e0: {  	[tilespmem:s30+$0xFFFFFA20] =	vst v15;
	v15 =	vadd.f32 v19, v16;
	v16 =	vsel vm1, v30, v18;
	v18 =	vperm.xlane v25, v11  }
0x2e1: {  	v16 =	vadd.f32 v28, v16;
	v19 =	vsel vm0, v23, v21;
	v21 =	vperm.xlane v25, v9  }
0x2e2: {  	v17 =	vadd.f32 v24, v17;
	[tilespmem:s30+$0x80] =	vst v15;
	v15 =	vadd.f32 v29, v19;
	v18 =	vsel vm3, v22, v18  }
0x2e3: {  	v19 =	vperm.xlane v14, v8;
	[tilespmem:s30+$0x90] =	vst v16;
	v16 =	vadd.f32 v21, v18;
	v18 =	vperm.xlane v27, v10  }
0x2e4: {  	v21 =	vperm.xlane v14, v6;
	[tilespmem:s30+$0xA0] =	vst v15;
	v15 =	vperm.xlane v27, v4  }
0x2e5: {  	[tilespmem:s30+$0xB0] =	vst v16;
	v16 =	vsel vm2, v18, v19;
	v18 =	vperm.xlane v27, v0;
	v19 =	vperm.xlane v14, v5  }
0x2e6: {  	v22 =	vperm.xlane v14, v11;
	[tilespmem:s30+$0xFFFFFA30] =	vst v17;
	v17 =	vld [tilespmem:s0+$0xFFFFFB80];
	v15 =	vsel vm1, v15, v21;
	v21 =	vperm.xlane v27, v7  }
0x2e7: {  	v24 =	vperm.xlane v13, v4;
	v23 =	vld [tilespmem:s0+$0xFFFFFB70];
	v18 =	vsel vm0, v18, v19;
	v19 =	vperm.xlane v12, v8  }
0x2e8: {  	v13 =	vperm.xlane v13, v0;
	v25 =	vld [tilespmem:s0+$0xFFFFF900];
	v21 =	vsel vm3, v21, v22;
	v22 =	vperm.xlane v12, v6  }
0x2e9: {  	v27 =	vperm.xlane v14, v2;
	v26 =	vld [tilespmem:s0+$0xFFFFF910];
	v19 =	vsel vm2, v20, v19;
	v20 =	vperm.xlane v12, v5  }
0x2ea: {  	v28 =	vperm.xlane v14, v3;
	v29 =	vperm.xlane v14, v1;
	v22 =	vsel vm1, v24, v22  }
0x2eb: {  	v24 =	vperm.xlane v17, v2;
	v30 =	vperm.xlane v17, v3;
	v13 =	vsel vm0, v13, v20  }
0x2ec: {  	v16 =	vadd.f32 v27, v16;
	v31 =	vperm.xlane v17, v1;
	v20 =	vperm.xlane v23, v10  }
0x2ed: {  	v15 =	vadd.f32 v28, v15;
	v27 =	vperm.xlane v17, v8;
	v32 =	vperm.xlane v23, v4  }
0x2ee: {  	v28 =	vperm.xlane v17, v6;
	v33 =	vperm.xlane v23, v0;
	[tilespmem:s29+$0x1200] =	vst v16;
	v16 =	vadd.f32 v29, v18  }
0x2ef: {  	v23 =	vperm.xlane v23, v7;
	v18 =	vsel vm2, v20, v27;
	v20 =	vperm.xlane v17, v5;
	[tilespmem:s29+$0x1210] =	vst v15  }
0x2f0: {  	v15 =	vadd.f32 v24, v18;
	v18 =	vsel vm1, v32, v28;
	v24 =	vperm.xlane v17, v11;
	[tilespmem:s29+$0x1220] =	vst v16  }
0x2f1: {  	v17 =	vperm.xlane v17, v9;
	v16 =	vadd.f32 v30, v18;
	v18 =	vsel vm0, v33, v20  }
0x2f2: {  	v20 =	vperm.xlane v25, v10;
	[tilespmem:s30+$0x680] =	vst v15;
	v15 =	vadd.f32 v31, v18;
	v18 =	vsel vm3, v23, v24  }
0x2f3: {  	v23 =	vperm.xlane v26, v8;
	v24 =	vperm.xlane v25, v4;
	[tilespmem:s30+$0x690] =	vst v16;
	v16 =	vadd.f32 v17, v18  }
0x2f4: {  	v17 =	vperm.xlane v26, v6;
	v18 =	vperm.xlane v25, v0;
	[tilespmem:s30+$0x6A0] =	vst v15  }
0x2f5: {  	v15 =	vsel vm2, v20, v23;
	v20 =	vperm.xlane v26, v5;
	v23 =	vperm.xlane v25, v7;
	[tilespmem:s30+$0x6B0] =	vst v16  }
0x2f6: {  	v16 =	vperm.xlane v26, v2;
	v17 =	vsel vm1, v24, v17;
	v24 =	vperm.xlane v26, v11;
	v25 =	vld [tilespmem:s0+$0xFFFFFDC0]  }
0x2f7: {  	v27 =	vperm.xlane v26, v3;
	v18 =	vsel vm0, v18, v20;
	v20 =	vperm.xlane v26, v1;
	v28 =	vld [tilespmem:s0+$0xFFFFFDB0]  }
0x2f8: {  	v15 =	vadd.f32 v16, v15;
	v16 =	vsel vm3, v23, v24;
	v23 =	vperm.xlane v26, v9  }
0x2f9: {  	v14 =	vperm.xlane v14, v9;
	v17 =	vadd.f32 v27, v17;
	v18 =	vadd.f32 v20, v18  }
0x2fa: {  	v20 =	vperm.xlane v12, v3;
	[tilespmem:s30+$0x0] =	vst v15;
	v15 =	vadd.f32 v23, v16;
	v16 =	vperm.xlane v12, v2  }
0x2fb: {  	v21 =	vadd.f32 v14, v21;
	[tilespmem:s30+$0x10] =	vst v17;
	v17 =	vperm.xlane v25, v2;
	v23 =	vperm.xlane v25, v3  }
0x2fc: {  	v24 =	vperm.xlane v25, v1;
	[tilespmem:s30+$0x20] =	vst v18;
	v18 =	vperm.xlane v28, v10;
	v16 =	vadd.f32 v16, v19  }
0x2fd: {  	v20 =	vadd.f32 v20, v22;
	v19 =	vperm.xlane v25, v8;
	v26 =	vperm.xlane v28, v4;
	[tilespmem:s30+$0x30] =	vst v15  }
0x2fe: {  	v22 =	vperm.xlane v25, v6;
	v27 =	vperm.xlane v28, v0;
	v14 =	vld [tilespmem:s0+$0xFFFFFB40];
	[tilespmem:s29+$0x1230] =	vst v21  }
.Ltmp1:
0x2ff: {  	v18 =	vsel vm2, v18, v19;
	v19 =	vperm.xlane v25, v5;
	v21 =	vperm.xlane v28, v7;
	v15 =	vld [tilespmem:s0+$0xFFFFFB50];
	[tilespmem:s29+$0x1280] =	vst v16;
	(pc) =	sbr.rel @p0 .LBB2_5-.Ltmp1, $4  }
0x300: {  	v16 =	vadd.f32 v17, v18;
	v17 =	vsel vm1, v26, v22;
	v18 =	vperm.xlane v25, v11;
	[tilespmem:s29+$0x1290] =	vst v20  }
0x301: {  	v17 =	vadd.f32 v23, v17;
	v19 =	vsel vm0, v27, v19;
	v20 =	vperm.xlane v25, v9  }
0x302: {  	v12 =	vperm.xlane v12, v1;
	v21 =	vsel vm3, v21, v18;
	[tilespmem:s30+$0xC80] =	vst v16;
	v16 =	vadd.f32 v24, v19  }
0x303: {  	s0 =	sadd.s32 $0x60, s0;
	v19 =	vperm.xlane v14, v10;
	v18 =	vperm.xlane v14, v4;
	[tilespmem:s30+$0xC90] =	vst v17;
	v17 =	vadd.f32 v20, v21  }
0x304: {  	v20 =	vperm.xlane v15, v8;
	v21 =	vperm.xlane v15, v6  }
0x305: {  	v22 =	vperm.xlane v14, v0;
	v23 =	vperm.xlane v15, v5  }
0x306: {  	v53 =	vperm.xlane v14, v7;
	v24 =	vperm.xlane v15, v2  }
0x307: {  	v54 =	vperm.xlane v15, v11;
	v25 =	vperm.xlane v15, v3;
	v19 =	vsel vm2, v19, v20  }
0x308: {  	v55 =	vperm.xlane v15, v1;
	v18 =	vsel vm1, v18, v21;
	v19 =	vadd.f32 v24, v19  }
0x309: {  	v56 =	vperm.xlane v15, v9;
	v22 =	vsel vm0, v22, v23;
	v18 =	vadd.f32 v25, v18  }
0x30a: {  	v14 =	vsel vm3, v53, v54;
	v57 =	vadd.f32 v55, v22;
	[tilespmem:s30+$0x600] =	vst v19  }
0x30b: {  	v14 =	vadd.f32 v56, v14;
	[tilespmem:s30+$0x610] =	vst v18  }
0x30c: {  	[tilespmem:s30+$0x620] =	vst v57  }
0x30d: {  	[tilespmem:s30+$0x630] =	vst v14  }
0x30e: {  	v14 =	vld [tilespmem:s31+$0xFFFFFD80]  }
0x30f: {  	v58 =	vld [tilespmem:s31+$0xFFFFFD90];
	_ =	sdelay $0x4  }
0x310: {  	v59 =	vperm.xlane v14, v10;
	v60 =	vperm.xlane v58, v8  }
0x311: {  	v61 =	vperm.xlane v14, v4;
	v62 =	vperm.xlane v58, v6  }
0x312: {  	[tilespmem:s30+$0xCA0] =	vst v16;
	v63 =	vperm.xlane v14, v0;
	v28 =	vperm.xlane v58, v5  }
0x313: {  	[tilespmem:s30+$0xCB0] =	vst v17;
	v29 =	vperm.xlane v58, v2;
	v14 =	vperm.xlane v14, v7  }
0x314: {  	v36 =	vld [tilespmem:s31+$0xFFFFFFF0];
	v30 =	vperm.xlane v58, v3;
	v31 =	vperm.xlane v58, v11;
	v18 =	vsel vm2, v59, v60  }
0x315: {  	v37 =	vld [tilespmem:s31+$0x0];
	v32 =	vperm.xlane v58, v1;
	v20 =	vsel vm1, v61, v62;
	v18 =	vadd.f32 v29, v18  }
0x316: {  	v15 =	vperm.xlane v58, v9;
	v33 =	vsel vm0, v63, v28;
	v34 =	vadd.f32 v30, v20  }
0x317: {  	v14 =	vsel vm3, v14, v31;
	v35 =	vadd.f32 v32, v33;
	[tilespmem:s30+$0xC00] =	vst v18  }
0x318: {  	v14 =	vadd.f32 v15, v14;
	[tilespmem:s30+$0xC10] =	vst v34  }
0x319: {  	[tilespmem:s30+$0xC20] =	vst v35  }
0x31a: {  	v39 =	vperm.xlane v36, v7;
	v40 =	vperm.xlane v37, v11;
	[tilespmem:s30+$0xC30] =	vst v14  }
0x31b: {  	v41 =	vperm.xlane v37, v9;
	v42 =	vperm.xlane v36, v10;
	v14 =	vld [tilespmem:s31+$0xFFFFFFC0]  }
0x31c: {  	v50 =	vperm.xlane v37, v8;
	v52 =	vperm.xlane v36, v4;
	v38 =	vld [tilespmem:s31+$0xFFFFFFD0]  }
0x31d: {  	v12 =	vadd.f32 v12, v13;
	v54 =	vperm.xlane v37, v6;
	v56 =	vperm.xlane v36, v0  }
0x31e: {  	v16 =	vperm.xlane v37, v1;
	v60 =	vperm.xlane v37, v2  }
0x31f: {  	[tilespmem:s29+$0x12A0] =	vst v12;
	v12 =	vsel vm1, v52, v54;
	v58 =	vsel vm2, v42, v50;
	v61 =	vperm.xlane v37, v5  }
0x320: {  	v62 =	vperm.xlane v37, v3;
	v63 =	vadd.f32 v60, v58;
	v18 =	vsel vm3, v39, v40  }
0x321: {  	v13 =	vadd.f32 v41, v18;
	v43 =	vperm.xlane v14, v10;
	v44 =	vperm.xlane v38, v8  }
0x322: {  	v12 =	vadd.f32 v62, v12;
	v45 =	vperm.xlane v14, v4;
	v46 =	vperm.xlane v38, v6  }
0x323: {  	[tilespmem:s30+$0x12B0] =	vst v13;
	v13 =	vsel vm0, v56, v61;
	v47 =	vperm.xlane v14, v0;
	v48 =	vperm.xlane v38, v5  }
0x324: {  	v13 =	vadd.f32 v16, v13;
	v14 =	vperm.xlane v14, v7;
	v51 =	vperm.xlane v38, v2  }
0x325: {  	[tilespmem:s30+$0x1280] =	vst v63;
	v49 =	vperm.xlane v38, v11;
	v53 =	vperm.xlane v38, v3;
	v19 =	vsel vm2, v43, v44  }
0x326: {  	s26 =	sadd.s32 $0x1, s26;
	[tilespmem:s30+$0x1290] =	vst v12;
	v55 =	vperm.xlane v38, v1;
	v18 =	vsel vm1, v45, v46;
	v19 =	vadd.f32 v51, v19  }
0x327: {  	p0 =	sne.s32 s26, $0xA;
	v17 =	vperm.xlane v38, v9;
	[tilespmem:s30+$0x12A0] =	vst v13;
	v21 =	vsel vm0, v47, v48;
	v57 =	vadd.f32 v53, v18  }
.Ltmp2:
0x328: {  	s0 =	sshll.u32 s28, $0xE;
	v14 =	vsel vm3, v14, v49;
	v59 =	vadd.f32 v55, v21;
	[tilespmem:s30+$0x1200] =	vst v19;
	(pc) =	sbr.rel @p0 .LBB2_2-.Ltmp2, $4  }
0x329: {  	s0 =	sadd.s32 s0, s7;
	v14 =	vadd.f32 v17, v14;
	[tilespmem:s30+$0x1210] =	vst v57  }
0x32a: {  	s0 =	sshrl.u32 s0, $0x3;
	[tilespmem:s30+$0x1220] =	vst v59  }
0x32b: {  	s25 =	sadd.s32 $0x2400, s25;
	s24 =	sadd.s32 $0x2400, s24;
	s0 =	sadd.s32 s5, s0;
	[tilespmem:s30+$0x1230] =	vst v14  }
0x32c: {  	[hbm4b:s0+s17] =	stream.strided.scatter [tilespmem:s20], [sflag:$0x3], $0x3000, s18, s17, $0x38;
	[tilespmem:$0x1E400] =	vst v63  }
0x32d: {  	_ =	swait.ge [sflag:s21], $0x3000  }
0x32e: {  	[sflag:s21] =	ssyncset.done $0x0  }
0x32f: {  	[sflag:s21] =	ssyncadd.s32 $0xFFFFD000  }
0x330: {  	v12 =	vld [tilespmem:s13+$0xFFFFF740]  }
0x331: {  	v13 =	vld [tilespmem:s13+$0xFFFFF730];
	_ =	sdelay $0x3  }
0x332: {  	v14 =	vperm.xlane v12, v2;
	v15 =	vperm.xlane v12, v3  }
0x333: {  	v16 =	vperm.xlane v13, v10;
	v17 =	vperm.xlane v12, v1  }
0x334: {  	v18 =	vperm.xlane v12, v8;
	v19 =	vperm.xlane v13, v4  }
0x335: {  	v21 =	vperm.xlane v12, v6;
	v22 =	vperm.xlane v13, v0  }
0x336: {  	v20 =	vld [tilespmem:s13+$0xFFFFF710];
	v24 =	vperm.xlane v12, v5;
	v13 =	vperm.xlane v13, v7;
	v16 =	vsel vm2, v16, v18  }
0x337: {  	v23 =	vld [tilespmem:s13+$0xFFFFF700];
	v18 =	vperm.xlane v12, v11;
	v14 =	vadd.f32 v14, v16;
	v16 =	vsel vm1, v19, v21  }
0x338: {  	s24 =	simm.s32 $0x19C00;
	v12 =	vperm.xlane v12, v9;
	v15 =	vadd.f32 v15, v16;
	v16 =	vsel vm0, v22, v24  }
0x339: {  	v13 =	vsel vm3, v13, v18;
	[tilespmem:s24+$0xFFFFE880] =	vst v14;
	v14 =	vadd.f32 v17, v16  }
0x33a: {  	v12 =	vadd.f32 v12, v13;
	[tilespmem:s24+$0xFFFFE890] =	vst v15  }
0x33b: {  	v25 =	vperm.xlane v20, v3;
	v19 =	vperm.xlane v20, v2;
	[tilespmem:s24+$0xFFFFE8A0] =	vst v14  }
0x33c: {  	v13 =	vperm.xlane v23, v10;
	v15 =	vperm.xlane v20, v8;
	[tilespmem:s24+$0xFFFFE8B0] =	vst v12  }
0x33d: {  	v16 =	vperm.xlane v20, v6;
	v14 =	vperm.xlane v23, v4;
	v18 =	vld [tilespmem:s13+$0xFFFFF980]  }
0x33e: {  	v17 =	vperm.xlane v20, v5;
	v12 =	vperm.xlane v23, v0;
	v13 =	vsel vm2, v13, v15;
	v24 =	vld [tilespmem:s13+$0xFFFFF970]  }
0x33f: {  	v15 =	vperm.xlane v23, v7;
	v14 =	vsel vm1, v14, v16;
	v16 =	vperm.xlane v20, v11  }
0x340: {  	v12 =	vsel vm0, v12, v17;
	v17 =	vperm.xlane v20, v1;
	v13 =	vadd.f32 v19, v13  }
0x341: {  	v14 =	vadd.f32 v25, v14;
	v15 =	vsel vm3, v15, v16;
	v16 =	vperm.xlane v20, v9  }
0x342: {  	v12 =	vadd.f32 v17, v12;
	[tilespmem:s24+$0xFFFFE800] =	vst v13;
	v13 =	vperm.xlane v18, v2;
	v17 =	vperm.xlane v18, v3  }
0x343: {  	[tilespmem:s24+$0xFFFFE810] =	vst v14;
	v15 =	vadd.f32 v16, v15;
	v14 =	vperm.xlane v24, v10;
	v16 =	vperm.xlane v18, v1  }
0x344: {  	[tilespmem:s24+$0xFFFFE820] =	vst v12;
	v12 =	vperm.xlane v18, v8;
	v19 =	vperm.xlane v24, v4  }
0x345: {  	v20 =	vperm.xlane v24, v0;
	[tilespmem:s24+$0xFFFFE830] =	vst v15;
	v15 =	vperm.xlane v18, v6  }
0x346: {  	v21 =	vperm.xlane v24, v7;
	v12 =	vsel vm2, v14, v12;
	v14 =	vperm.xlane v18, v5;
	v26 =	vld [tilespmem:s13+$0xFFFFF940]  }
0x347: {  	v27 =	vld [tilespmem:s13+$0xFFFFF950];
	v12 =	vadd.f32 v13, v12;
	v13 =	vsel vm1, v19, v15;
	v15 =	vperm.xlane v18, v11  }
0x348: {  	v14 =	vsel vm0, v20, v14;
	v13 =	vadd.f32 v17, v13;
	v17 =	vperm.xlane v18, v9  }
0x349: {  	[tilespmem:s24+$0xFFFFEE80] =	vst v12;
	v12 =	vadd.f32 v16, v14;
	v14 =	vsel vm3, v21, v15  }
0x34a: {  	[tilespmem:s24+$0xFFFFEE90] =	vst v13;
	v13 =	vadd.f32 v17, v14  }
0x34b: {  	[tilespmem:s24+$0xFFFFEEA0] =	vst v12;
	v14 =	vperm.xlane v26, v10;
	v15 =	vperm.xlane v26, v4  }
0x34c: {  	v12 =	vperm.xlane v27, v8;
	v16 =	vperm.xlane v27, v6;
	[tilespmem:s24+$0xFFFFEEB0] =	vst v13  }
0x34d: {  	v17 =	vperm.xlane v27, v5;
	v19 =	vperm.xlane v27, v2;
	v18 =	vld [tilespmem:s13+$0xFFFFFBC0]  }
0x34e: {  	v28 =	vperm.xlane v27, v11;
	v13 =	vperm.xlane v26, v0;
	v12 =	vsel vm2, v14, v12;
	v20 =	vld [tilespmem:s13+$0xFFFFFBB0]  }
0x34f: {  	v14 =	vperm.xlane v26, v7;
	v15 =	vsel vm1, v15, v16;
	v16 =	vperm.xlane v27, v3  }
0x350: {  	v13 =	vsel vm0, v13, v17;
	v17 =	vperm.xlane v27, v1;
	v12 =	vadd.f32 v19, v12  }
0x351: {  	v19 =	vperm.xlane v27, v9;
	v15 =	vadd.f32 v16, v15;
	v14 =	vsel vm3, v14, v28  }
0x352: {  	v13 =	vadd.f32 v17, v13;
	[tilespmem:s24+$0xFFFFEE00] =	vst v12;
	v12 =	vperm.xlane v18, v2;
	v16 =	vperm.xlane v18, v3  }
0x353: {  	v14 =	vadd.f32 v19, v14;
	[tilespmem:s24+$0xFFFFEE10] =	vst v15;
	v15 =	vperm.xlane v20, v10;
	v17 =	vperm.xlane v18, v1  }
0x354: {  	[tilespmem:s24+$0xFFFFEE20] =	vst v13;
	v13 =	vperm.xlane v18, v8;
	v19 =	vperm.xlane v20, v4  }
0x355: {  	[tilespmem:s24+$0xFFFFEE30] =	vst v14;
	v14 =	vperm.xlane v18, v6;
	v29 =	vperm.xlane v20, v0  }
0x356: {  	v20 =	vperm.xlane v20, v7;
	v30 =	vld [tilespmem:s13+$0xFFFFFB80];
	v13 =	vsel vm2, v15, v13;
	v15 =	vperm.xlane v18, v5  }
0x357: {  	v31 =	vld [tilespmem:s13+$0xFFFFFB90];
	v12 =	vadd.f32 v12, v13;
	v13 =	vsel vm1, v19, v14;
	v14 =	vperm.xlane v18, v11  }
0x358: {  	v13 =	vadd.f32 v16, v13;
	v15 =	vsel vm0, v29, v15;
	v16 =	vperm.xlane v18, v9  }
0x359: {  	[tilespmem:s24+$0xFFFFF480] =	vst v12;
	v12 =	vadd.f32 v17, v15;
	v14 =	vsel vm3, v20, v14  }
0x35a: {  	[tilespmem:s24+$0xFFFFF490] =	vst v13;
	v13 =	vadd.f32 v16, v14  }
0x35b: {  	v14 =	vperm.xlane v30, v10;
	[tilespmem:s24+$0xFFFFF4A0] =	vst v12  }
0x35c: {  	v15 =	vperm.xlane v31, v8;
	v16 =	vperm.xlane v30, v0;
	[tilespmem:s24+$0xFFFFF4B0] =	vst v13  }
0x35d: {  	v18 =	vperm.xlane v31, v5;
	v19 =	vperm.xlane v30, v7;
	v17 =	vld [tilespmem:s13+$0xFFFFFE00]  }
0x35e: {  	v12 =	vperm.xlane v30, v4;
	v13 =	vperm.xlane v31, v6;
	v20 =	vld [tilespmem:s13+$0xFFFFFDF0]  }
0x35f: {  	v32 =	vperm.xlane v31, v2;
	v33 =	vperm.xlane v31, v9;
	v14 =	vsel vm2, v14, v15  }
0x360: {  	v15 =	vperm.xlane v31, v11;
	v12 =	vsel vm1, v12, v13;
	v13 =	vperm.xlane v31, v3  }
0x361: {  	v16 =	vsel vm0, v16, v18;
	v18 =	vperm.xlane v31, v1;
	v14 =	vadd.f32 v32, v14  }
0x362: {  	v12 =	vadd.f32 v13, v12;
	v13 =	vperm.xlane v17, v2;
	v34 =	vperm.xlane v17, v3  }
0x363: {  	v15 =	vsel vm3, v19, v15;
	v19 =	vperm.xlane v20, v10;
	v35 =	vperm.xlane v17, v1  }
0x364: {  	v16 =	vadd.f32 v18, v16;
	v18 =	vperm.xlane v17, v8;
	v36 =	vperm.xlane v20, v4  }
0x365: {  	[tilespmem:s24+$0xFFFFF400] =	vst v14;
	v14 =	vadd.f32 v33, v15;
	v15 =	vperm.xlane v17, v6;
	v37 =	vperm.xlane v20, v0  }
0x366: {  	[tilespmem:s24+$0xFFFFF410] =	vst v12;
	v12 =	vsel vm2, v19, v18;
	v18 =	vperm.xlane v17, v5;
	v19 =	vperm.xlane v20, v7  }
0x367: {  	[tilespmem:s24+$0xFFFFF420] =	vst v16;
	v12 =	vadd.f32 v13, v12;
	v13 =	vsel vm1, v36, v15;
	v15 =	vperm.xlane v17, v11  }
0x368: {  	[tilespmem:s24+$0xFFFFF430] =	vst v14;
	v16 =	vperm.xlane v17, v9;
	v13 =	vadd.f32 v34, v13;
	v14 =	vsel vm0, v37, v18  }
0x369: {  	[tilespmem:s24+$0xFFFFFA80] =	vst v12;
	v12 =	vadd.f32 v35, v14;
	v14 =	vsel vm3, v19, v15  }
0x36a: {  	[tilespmem:s24+$0xFFFFFA90] =	vst v13;
	v13 =	vadd.f32 v16, v14  }
0x36b: {  	[tilespmem:s24+$0xFFFFFAA0] =	vst v12  }
0x36c: {  	[tilespmem:s24+$0xFFFFFAB0] =	vst v13  }
0x36d: {  	v13 =	vld [tilespmem:s13+$0x40]  }
0x36e: {  	v14 =	vld [tilespmem:s13+$0x30];
	_ =	sdelay $0x3  }
0x36f: {  	v16 =	vperm.xlane v13, v2  }
0x370: {  	v17 =	vperm.xlane v13, v3;
	v18 =	vperm.xlane v14, v10  }
0x371: {  	v12 =	vld [tilespmem:s13+$0xFFFFFDC0];
	v19 =	vperm.xlane v13, v1;
	v20 =	vperm.xlane v13, v8  }
0x372: {  	v38 =	vperm.xlane v14, v4;
	v40 =	vperm.xlane v13, v6  }
0x373: {  	v41 =	vperm.xlane v14, v0;
	v14 =	vperm.xlane v14, v7  }
0x374: {  	v39 =	vld [tilespmem:s13+$0xFFFFFDD0];
	v42 =	vperm.xlane v13, v11;
	v18 =	vsel vm2, v18, v20;
	v20 =	vperm.xlane v13, v5  }
0x375: {  	v13 =	vperm.xlane v13, v9;
	v16 =	vadd.f32 v16, v18;
	v18 =	vsel vm1, v38, v40  }
0x376: {  	v15 =	vperm.xlane v12, v10;
	v14 =	vsel vm3, v14, v42;
	v17 =	vadd.f32 v17, v18  }
0x377: {  	v18 =	vsel vm0, v41, v20;
	v20 =	vperm.xlane v12, v4;
	v13 =	vadd.f32 v13, v14;
	[tilespmem:s24+$0x80] =	vst v16  }
0x378: {  	v14 =	vperm.xlane v12, v0;
	v12 =	vperm.xlane v12, v7;
	v16 =	vadd.f32 v19, v18;
	[tilespmem:s24+$0x90] =	vst v17  }
0x379: {  	v18 =	vperm.xlane v39, v8;
	v19 =	vperm.xlane v39, v6;
	[tilespmem:s24+$0xB0] =	vst v13  }
0x37a: {  	v17 =	vperm.xlane v39, v5;
	[tilespmem:s24+$0xA0] =	vst v16;
	v16 =	vperm.xlane v39, v2  }
0x37b: {  	v13 =	vsel vm2, v15, v18;
	v15 =	vperm.xlane v39, v11;
	v18 =	vperm.xlane v39, v3;
	v43 =	vld [tilespmem:s13+$0x280]  }
0x37c: {  	v19 =	vsel vm1, v20, v19;
	v20 =	vperm.xlane v39, v1;
	v13 =	vadd.f32 v16, v13  }
0x37d: {  	v14 =	vsel vm0, v14, v17;
	v17 =	vperm.xlane v39, v9;
	v16 =	vld [tilespmem:s13+$0x270];
	v18 =	vadd.f32 v18, v19  }
0x37e: {  	v12 =	vsel vm3, v12, v15;
	[tilespmem:s24+$0xFFFFFA00] =	vst v13;
	v13 =	vadd.f32 v20, v14  }
0x37f: {  	v12 =	vadd.f32 v17, v12;
	[tilespmem:s24+$0xFFFFFA10] =	vst v18  }
0x380: {  	[tilespmem:s24+$0xFFFFFA20] =	vst v13;
	v13 =	vperm.xlane v43, v2  }
0x381: {  	[tilespmem:s24+$0xFFFFFA30] =	vst v12;
	v12 =	vperm.xlane v43, v3;
	v17 =	vperm.xlane v43, v1  }
0x382: {  	v18 =	vperm.xlane v43, v8;
	v14 =	vperm.xlane v16, v10;
	v15 =	vld [tilespmem:s13+$0x0]  }
0x383: {  	v44 =	vperm.xlane v43, v6;
	v19 =	vld [tilespmem:s13+$0x10];
	v20 =	vperm.xlane v16, v4  }
0x384: {  	v45 =	vperm.xlane v16, v0;
	v14 =	vsel vm2, v14, v18;
	v18 =	vperm.xlane v43, v5  }
0x385: {  	v16 =	vperm.xlane v16, v7;
	v13 =	vadd.f32 v13, v14;
	v14 =	vsel vm1, v20, v44  }
0x386: {  	v20 =	vperm.xlane v43, v11;
	v12 =	vadd.f32 v12, v14;
	v14 =	vsel vm0, v45, v18  }
0x387: {  	v18 =	vperm.xlane v43, v9;
	v46 =	vperm.xlane v15, v10;
	v14 =	vadd.f32 v17, v14  }
0x388: {  	[tilespmem:s24+$0x680] =	vst v13;
	v13 =	vsel vm3, v16, v20;
	v16 =	vperm.xlane v19, v8;
	v17 =	vperm.xlane v15, v4  }
0x389: {  	s26 =	sadd.s32 $0x60, s13;
	v20 =	vperm.xlane v19, v2;
	[tilespmem:s24+$0x690] =	vst v12;
	v12 =	vadd.f32 v18, v13;
	v13 =	vperm.xlane v19, v6  }
0x38a: {  	v53 =	vld [tilespmem:s26+$0xFFFFF730];
	v48 =	vperm.xlane v19, v1;
	v18 =	vperm.xlane v15, v0;
	[tilespmem:s24+$0x6A0] =	vst v14;
	v14 =	vsel vm2, v46, v16  }
0x38b: {  	v16 =	vperm.xlane v19, v5;
	[tilespmem:s24+$0x6B0] =	vst v12;
	v12 =	vsel vm1, v17, v13;
	v13 =	vperm.xlane v19, v3  }
0x38c: {  	v15 =	vperm.xlane v15, v7;
	v17 =	vperm.xlane v19, v11;
	v14 =	vadd.f32 v20, v14;
	v47 =	vld [tilespmem:s13+$0x4C0]  }
0x38d: {  	v19 =	vperm.xlane v19, v9;
	v16 =	vsel vm0, v18, v16;
	v18 =	vld [tilespmem:s13+$0x4B0];
	v12 =	vadd.f32 v13, v12  }
0x38e: {  	v13 =	vsel vm3, v15, v17;
	v15 =	vadd.f32 v48, v16;
	[tilespmem:s24+$0x0] =	vst v14  }
0x38f: {  	v55 =	vperm.xlane v53, v10;
	v13 =	vadd.f32 v19, v13;
	[tilespmem:s24+$0x10] =	vst v12  }
0x390: {  	v23 =	vperm.xlane v53, v7;
	v30 =	vperm.xlane v53, v4;
	[tilespmem:s24+$0x20] =	vst v15  }
0x391: {  	[tilespmem:s24+$0x30] =	vst v13;
	v12 =	vperm.xlane v47, v2;
	v14 =	vperm.xlane v47, v3  }
0x392: {  	v13 =	vperm.xlane v18, v10;
	v15 =	vperm.xlane v47, v1;
	v16 =	vld [tilespmem:s13+$0x240]  }
0x393: {  	v17 =	vperm.xlane v47, v8;
	v19 =	vperm.xlane v18, v4;
	v20 =	vld [tilespmem:s13+$0x250]  }
0x394: {  	v49 =	vperm.xlane v47, v6;
	v50 =	vperm.xlane v18, v0  }
0x395: {  	v18 =	vperm.xlane v18, v7;
	v21 =	vperm.xlane v47, v9  }
0x396: {  	v13 =	vsel vm2, v13, v17;
	v17 =	vperm.xlane v47, v5;
	v19 =	vsel vm1, v19, v49  }
0x397: {  	v12 =	vadd.f32 v12, v13;
	v13 =	vperm.xlane v47, v11;
	v51 =	vperm.xlane v16, v10  }
0x398: {  	v14 =	vadd.f32 v14, v19;
	v52 =	vperm.xlane v16, v4;
	v25 =	vperm.xlane v20, v8  }
0x399: {  	v19 =	vld [tilespmem:s26+$0xFFFFF740];
	v17 =	vsel vm0, v50, v17;
	v26 =	vperm.xlane v20, v6;
	v27 =	vperm.xlane v16, v0  }
0x39a: {  	v28 =	vperm.xlane v20, v5;
	v15 =	vadd.f32 v15, v17;
	v16 =	vperm.xlane v16, v7  }
0x39b: {  	v17 =	vperm.xlane v20, v11;
	[tilespmem:s24+$0xC80] =	vst v12;
	v12 =	vsel vm3, v18, v13;
	v18 =	vperm.xlane v20, v2  }
0x39c: {  	v29 =	vperm.xlane v20, v3;
	[tilespmem:s24+$0xC90] =	vst v14;
	v14 =	vperm.xlane v20, v1;
	v12 =	vadd.f32 v21, v12  }
0x39d: {  	v20 =	vperm.xlane v20, v9;
	[tilespmem:s24+$0xCA0] =	vst v15;
	v27 =	vsel vm0, v27, v28;
	v16 =	vsel vm3, v16, v17  }
0x39e: {  	v15 =	vperm.xlane v19, v2;
	v54 =	vperm.xlane v19, v3;
	[tilespmem:s24+$0xCB0] =	vst v12;
	v12 =	vsel vm2, v51, v25  }
0x39f: {  	v56 =	vperm.xlane v19, v1;
	v57 =	vperm.xlane v19, v8;
	v14 =	vadd.f32 v14, v27  }
0x3a0: {  	v33 =	vld [tilespmem:s26+$0xFFFFF700];
	v58 =	vperm.xlane v19, v6;
	v59 =	vperm.xlane v19, v5;
	v16 =	vadd.f32 v20, v16  }
0x3a1: {  	v31 =	vld [tilespmem:s26+$0xFFFFF710];
	v61 =	vperm.xlane v19, v11;
	v12 =	vadd.f32 v18, v12;
	v22 =	vsel vm2, v55, v57;
	[tilespmem:s24+$0x620] =	vst v14  }
0x3a2: {  	v19 =	vperm.xlane v19, v9;
	v60 =	vsel vm1, v30, v58;
	[tilespmem:s24+$0x630] =	vst v16;
	v15 =	vadd.f32 v15, v22  }
0x3a3: {  	s25 =	simm.s32 $0x19D00;
	v32 =	vperm.xlane v53, v0;
	v17 =	vsel vm3, v23, v61;
	v21 =	vadd.f32 v54, v60;
	[tilespmem:s24+$0x600] =	vst v12  }
0x3a4: {  	v24 =	vsel vm1, v52, v26;
	v13 =	vld [tilespmem:s13+$0x6F0];
	v17 =	vadd.f32 v19, v17;
	[tilespmem:s25+$0xFFFFE880] =	vst v15  }
0x3a5: {  	v63 =	vperm.xlane v33, v10;
	v62 =	vsel vm0, v32, v59;
	v19 =	vadd.f32 v29, v24;
	[tilespmem:s25+$0xFFFFE890] =	vst v21  }
0x3a6: {  	v35 =	vperm.xlane v31, v3;
	v28 =	vperm.xlane v31, v8;
	v15 =	vadd.f32 v56, v62;
	[tilespmem:s25+$0xFFFFE8B0] =	vst v17  }
0x3a7: {  	v20 =	vperm.xlane v31, v5;
	v32 =	vperm.xlane v33, v7;
	[tilespmem:s24+$0x610] =	vst v19  }
0x3a8: {  	v29 =	vperm.xlane v31, v6;
	v17 =	vperm.xlane v33, v0;
	v26 =	vld [tilespmem:s13+$0x490];
	[tilespmem:s25+$0xFFFFE8A0] =	vst v15  }
0x3a9: {  	v19 =	vperm.xlane v31, v11;
	v18 =	vperm.xlane v13, v7;
	v30 =	vld [tilespmem:s26+$0xFFFFF980]  }
0x3aa: {  	v12 =	vsel vm2, v63, v28;
	v15 =	vperm.xlane v33, v4;
	v33 =	vperm.xlane v31, v2;
	v34 =	vld [tilespmem:s26+$0xFFFFF970]  }
0x3ab: {  	v14 =	vsel vm0, v17, v20;
	v17 =	vperm.xlane v31, v1;
	v16 =	vsel vm3, v32, v19  }
0x3ac: {  	v19 =	vperm.xlane v31, v9;
	v15 =	vsel vm1, v15, v29;
	v12 =	vadd.f32 v33, v12  }
0x3ad: {  	v14 =	vadd.f32 v17, v14;
	v59 =	vperm.xlane v26, v8;
	v60 =	vperm.xlane v26, v6  }
0x3ae: {  	v16 =	vadd.f32 v19, v16;
	[tilespmem:s25+$0xFFFFE800] =	vst v12;
	v17 =	vperm.xlane v30, v2;
	v20 =	vperm.xlane v30, v3  }
0x3af: {  	v15 =	vadd.f32 v35, v15;
	[tilespmem:s25+$0xFFFFE820] =	vst v14;
	v19 =	vperm.xlane v34, v10;
	v36 =	vperm.xlane v30, v1  }
0x3b0: {  	v12 =	vld [tilespmem:s13+$0x700];
	[tilespmem:s25+$0xFFFFE830] =	vst v16;
	v14 =	vperm.xlane v30, v8;
	v37 =	vperm.xlane v34, v4  }
0x3b1: {  	[tilespmem:s25+$0xFFFFE810] =	vst v15;
	v15 =	vld [tilespmem:s13+$0x480];
	v16 =	vperm.xlane v30, v6;
	v38 =	vperm.xlane v34, v0  }
0x3b2: {  	v25 =	vperm.xlane v34, v7;
	v40 =	vld [tilespmem:s26+$0xFFFFF950];
	v14 =	vsel vm2, v19, v14;
	v19 =	vperm.xlane v30, v5  }
0x3b3: {  	v16 =	vsel vm1, v37, v16;
	v14 =	vadd.f32 v17, v14;
	v17 =	vperm.xlane v30, v11  }
0x3b4: {  	v39 =	vld [tilespmem:s26+$0xFFFFF940];
	v16 =	vadd.f32 v20, v16;
	v20 =	vperm.xlane v30, v9;
	v19 =	vsel vm0, v38, v19  }
0x3b5: {  	v41 =	vperm.xlane v12, v11;
	[tilespmem:s25+$0xFFFFEE80] =	vst v14;
	v14 =	vadd.f32 v36, v19;
	v17 =	vsel vm3, v25, v17  }
0x3b6: {  	v42 =	vperm.xlane v15, v10;
	v19 =	vperm.xlane v12, v9;
	[tilespmem:s25+$0xFFFFEE90] =	vst v16;
	v16 =	vadd.f32 v20, v17  }
0x3b7: {  	v43 =	vperm.xlane v40, v6;
	v44 =	vperm.xlane v40, v5;
	[tilespmem:s25+$0xFFFFEEA0] =	vst v14  }
0x3b8: {  	v46 =	vperm.xlane v40, v2;
	v48 =	vperm.xlane v40, v11;
	[tilespmem:s25+$0xFFFFEEB0] =	vst v16  }
0x3b9: {  	v17 =	vperm.xlane v39, v10;
	v14 =	vperm.xlane v40, v8;
	v45 =	vld [tilespmem:s26+$0xFFFFFBC0]  }
0x3ba: {  	v49 =	vperm.xlane v40, v3;
	v20 =	vperm.xlane v39, v4;
	v47 =	vld [tilespmem:s26+$0xFFFFFBB0]  }
0x3bb: {  	v50 =	vperm.xlane v40, v1;
	v16 =	vperm.xlane v39, v0;
	v14 =	vsel vm2, v17, v14  }
0x3bc: {  	v20 =	vsel vm1, v20, v43;
	v17 =	vperm.xlane v39, v7;
	v14 =	vadd.f32 v46, v14  }
0x3bd: {  	v51 =	vperm.xlane v40, v9;
	v20 =	vadd.f32 v49, v20;
	v16 =	vsel vm0, v16, v44  }
0x3be: {  	v17 =	vsel vm3, v17, v48;
	v16 =	vadd.f32 v50, v16;
	[tilespmem:s25+$0xFFFFEE00] =	vst v14;
	v14 =	vperm.xlane v45, v2  }
0x3bf: {  	[tilespmem:s25+$0xFFFFEE10] =	vst v20;
	v17 =	vadd.f32 v51, v17;
	v52 =	vperm.xlane v45, v3;
	v20 =	vperm.xlane v47, v10  }
0x3c0: {  	[tilespmem:s25+$0xFFFFEE20] =	vst v16;
	v53 =	vperm.xlane v45, v1;
	v16 =	vperm.xlane v45, v8  }
0x3c1: {  	v54 =	vperm.xlane v47, v4;
	[tilespmem:s25+$0xFFFFEE30] =	vst v17;
	v17 =	vperm.xlane v45, v6  }
0x3c2: {  	v55 =	vperm.xlane v47, v0;
	v28 =	vperm.xlane v47, v7;
	v56 =	vld [tilespmem:s26+$0xFFFFFB80];
	v16 =	vsel vm2, v20, v16  }
0x3c3: {  	v58 =	vperm.xlane v45, v9;
	v57 =	vld [tilespmem:s26+$0xFFFFFB90];
	v20 =	vperm.xlane v45, v5;
	v14 =	vadd.f32 v14, v16  }
0x3c4: {  	v16 =	vsel vm1, v54, v17;
	v17 =	vperm.xlane v45, v11;
	v54 =	vperm.xlane v26, v11  }
0x3c5: {  	v16 =	vadd.f32 v52, v16;
	v20 =	vsel vm0, v55, v20;
	v52 =	vperm.xlane v26, v5  }
0x3c6: {  	[tilespmem:s25+$0xFFFFF480] =	vst v14;
	v14 =	vadd.f32 v53, v20;
	v17 =	vsel vm3, v28, v17;
	v20 =	vperm.xlane v15, v4  }
0x3c7: {  	[tilespmem:s25+$0xFFFFF490] =	vst v16;
	v16 =	vadd.f32 v58, v17;
	v17 =	vperm.xlane v15, v0;
	v61 =	vperm.xlane v56, v10  }
0x3c8: {  	v62 =	vperm.xlane v57, v8;
	v34 =	vperm.xlane v57, v5  }
0x3c9: {  	v35 =	vperm.xlane v56, v7;
	v37 =	vperm.xlane v57, v11;
	[tilespmem:s25+$0xFFFFF4A0] =	vst v14  }
0x3ca: {  	v38 =	vperm.xlane v57, v2;
	v39 =	vperm.xlane v57, v1;
	[tilespmem:s25+$0xFFFFF4B0] =	vst v16  }
0x3cb: {  	v31 =	vperm.xlane v57, v9;
	v15 =	vperm.xlane v15, v7;
	v14 =	vsel vm3, v18, v41;
	v63 =	vld [tilespmem:s26+$0xFFFFFE00]  }
0x3cc: {  	v18 =	vperm.xlane v56, v4;
	v14 =	vadd.f32 v19, v14;
	v16 =	vperm.xlane v57, v6;
	v36 =	vld [tilespmem:s26+$0xFFFFFDF0]  }
0x3cd: {  	v19 =	vperm.xlane v56, v0;
	v22 =	vsel vm2, v61, v62;
	v23 =	vsel vm3, v35, v37  }
0x3ce: {  	v22 =	vadd.f32 v38, v22;
	v16 =	vsel vm1, v18, v16;
	v18 =	vperm.xlane v57, v3  }
0x3cf: {  	v56 =	vperm.xlane v26, v1;
	v45 =	vadd.f32 v31, v23;
	v19 =	vsel vm0, v19, v34  }
0x3d0: {  	v19 =	vadd.f32 v39, v19;
	[tilespmem:s25+$0xFFFFF400] =	vst v22;
	v16 =	vadd.f32 v18, v16;
	v18 =	vperm.xlane v63, v2  }
0x3d1: {  	[tilespmem:s25+$0xFFFFF430] =	vst v45;
	v40 =	vperm.xlane v63, v3;
	v41 =	vperm.xlane v36, v10  }
0x3d2: {  	v21 =	vsel vm2, v42, v59;
	[tilespmem:s25+$0xFFFFF420] =	vst v19;
	v43 =	vperm.xlane v63, v8;
	v44 =	vperm.xlane v36, v4  }
0x3d3: {  	v15 =	vsel vm3, v15, v54;
	v46 =	vperm.xlane v63, v6;
	v47 =	vperm.xlane v36, v0;
	[tilespmem:s25+$0xFFFFF410] =	vst v16  }
0x3d4: {  	v48 =	vperm.xlane v63, v5;
	v49 =	vperm.xlane v36, v7;
	v53 =	vld [tilespmem:s26+$0xFFFFFDC0];
	v16 =	vsel vm2, v41, v43  }
0x3d5: {  	v19 =	vperm.xlane v63, v11;
	v55 =	vld [tilespmem:s26+$0xFFFFFDD0];
	v16 =	vadd.f32 v18, v16;
	v18 =	vsel vm1, v44, v46  }
0x3d6: {  	v42 =	vperm.xlane v63, v1;
	v51 =	vperm.xlane v63, v9;
	v18 =	vadd.f32 v40, v18  }
0x3d7: {  	v54 =	vperm.xlane v12, v8;
	v50 =	vsel vm0, v47, v48;
	v19 =	vsel vm3, v49, v19;
	[tilespmem:s25+$0xFFFFFA80] =	vst v16  }
0x3d8: {  	v57 =	vperm.xlane v13, v10;
	v16 =	vadd.f32 v42, v50;
	[tilespmem:s25+$0xFFFFFA90] =	vst v18;
	v18 =	vadd.f32 v51, v19  }
0x3d9: {  	v19 =	vsel vm1, v20, v60;
	v20 =	vperm.xlane v26, v2;
	v59 =	vperm.xlane v53, v10  }
0x3da: {  	v60 =	vperm.xlane v53, v4;
	v61 =	vperm.xlane v55, v8;
	[tilespmem:s25+$0xFFFFFAA0] =	vst v16  }
0x3db: {  	v62 =	vperm.xlane v55, v6;
	v16 =	vperm.xlane v26, v3;
	[tilespmem:s25+$0xFFFFFAB0] =	vst v18  }
0x3dc: {  	v17 =	vsel vm0, v17, v52;
	v63 =	vperm.xlane v53, v0;
	v33 =	vperm.xlane v55, v5;
	v58 =	vld [tilespmem:s26+$0x40]  }
0x3dd: {  	v34 =	vperm.xlane v53, v7;
	v35 =	vperm.xlane v55, v11;
	v16 =	vadd.f32 v16, v19;
	v19 =	vld [tilespmem:s26+$0x30]  }
0x3de: {  	v17 =	vadd.f32 v56, v17;
	v36 =	vperm.xlane v55, v3;
	v28 =	vperm.xlane v55, v9  }
0x3df: {  	v18 =	vadd.f32 v20, v21;
	v20 =	vperm.xlane v26, v9;
	v25 =	vsel vm1, v60, v62  }
0x3e0: {  	[tilespmem:s24+$0xC20] =	vst v17;
	v17 =	vperm.xlane v55, v1;
	v24 =	vsel vm3, v34, v35;
	v47 =	vadd.f32 v36, v25  }
0x3e1: {  	v48 =	vadd.f32 v28, v24;
	v15 =	vadd.f32 v20, v15;
	[tilespmem:s24+$0xC00] =	vst v18;
	v18 =	vperm.xlane v55, v2  }
0x3e2: {  	v20 =	vsel vm2, v59, v61;
	[tilespmem:s24+$0xC10] =	vst v16;
	v37 =	vperm.xlane v19, v10;
	v38 =	vperm.xlane v58, v8  }
0x3e3: {  	v16 =	vsel vm0, v63, v33;
	[tilespmem:s24+$0xC30] =	vst v15;
	v39 =	vperm.xlane v58, v2;
	v15 =	vperm.xlane v19, v4  }
0x3e4: {  	v18 =	vadd.f32 v18, v20;
	v40 =	vperm.xlane v58, v6;
	v42 =	vperm.xlane v58, v3  }
0x3e5: {  	[tilespmem:s25+$0xFFFFFA10] =	vst v47;
	v16 =	vadd.f32 v17, v16;
	v43 =	vperm.xlane v58, v1;
	v44 =	vperm.xlane v19, v0  }
0x3e6: {  	[tilespmem:s25+$0xFFFFFA30] =	vst v48;
	v26 =	vld [tilespmem:s13+$0x6D0];
	v45 =	vperm.xlane v58, v5;
	v19 =	vperm.xlane v19, v7;
	v22 =	vsel vm2, v37, v38  }
0x3e7: {  	v41 =	vld [tilespmem:s13+$0x6C0];
	v46 =	vperm.xlane v58, v11;
	[tilespmem:s25+$0xFFFFFA00] =	vst v18;
	v15 =	vsel vm1, v15, v40;
	v22 =	vadd.f32 v39, v22  }
0x3e8: {  	v23 =	vperm.xlane v58, v9;
	[tilespmem:s25+$0xFFFFFA20] =	vst v16;
	v30 =	vsel vm0, v44, v45;
	v15 =	vadd.f32 v42, v15  }
0x3e9: {  	v21 =	vsel vm2, v57, v54;
	v19 =	vsel vm3, v19, v46;
	v20 =	vadd.f32 v43, v30;
	[tilespmem:s25+$0x80] =	vst v22  }
0x3ea: {  	v57 =	vperm.xlane v12, v5;
	v55 =	vperm.xlane v12, v6;
	[tilespmem:s25+$0x90] =	vst v15;
	v15 =	vadd.f32 v23, v19  }
0x3eb: {  	v17 =	vperm.xlane v26, v8;
	v49 =	vperm.xlane v26, v6;
	[tilespmem:s25+$0xA0] =	vst v20  }
0x3ec: {  	v62 =	vld [tilespmem:s26+$0x0];
	v51 =	vperm.xlane v41, v7;
	v19 =	vperm.xlane v41, v10;
	[tilespmem:s25+$0xB0] =	vst v15  }
0x3ed: {  	v52 =	vperm.xlane v26, v11;
	v56 =	vperm.xlane v26, v2;
	v50 =	vld [tilespmem:s26+$0x280]  }
0x3ee: {  	v15 =	vperm.xlane v41, v0;
	v17 =	vsel vm2, v19, v17;
	v19 =	vperm.xlane v26, v5;
	v53 =	vld [tilespmem:s26+$0x270]  }
0x3ef: {  	v58 =	vperm.xlane v26, v3;
	v42 =	vperm.xlane v26, v1  }
0x3f0: {  	v20 =	vperm.xlane v41, v4;
	v15 =	vsel vm0, v15, v19;
	v19 =	vperm.xlane v13, v4  }
0x3f1: {  	v43 =	vperm.xlane v62, v10;
	v45 =	vperm.xlane v62, v4  }
0x3f2: {  	v16 =	vsel vm1, v19, v55;
	v19 =	vperm.xlane v50, v2;
	v59 =	vperm.xlane v50, v3  }
0x3f3: {  	v60 =	vperm.xlane v53, v10;
	v61 =	vperm.xlane v50, v8  }
0x3f4: {  	v63 =	vperm.xlane v53, v4;
	v36 =	vperm.xlane v50, v6  }
0x3f5: {  	v37 =	vld [tilespmem:s26+$0x10];
	v18 =	vsel vm3, v51, v52;
	v39 =	vperm.xlane v53, v0;
	v40 =	vperm.xlane v50, v5  }
0x3f6: {  	v28 =	vperm.xlane v53, v7;
	v41 =	vperm.xlane v50, v11;
	v22 =	vsel vm2, v60, v61  }
0x3f7: {  	v25 =	vperm.xlane v50, v9;
	v24 =	vsel vm1, v63, v36;
	v19 =	vadd.f32 v19, v22  }
0x3f8: {  	v38 =	vperm.xlane v50, v1;
	v24 =	vadd.f32 v59, v24;
	v22 =	vsel vm3, v28, v41  }
0x3f9: {  	v47 =	vperm.xlane v62, v0;
	v23 =	vsel vm0, v39, v40;
	v22 =	vadd.f32 v25, v22;
	[tilespmem:s25+$0x680] =	vst v19  }
0x3fa: {  	v48 =	vperm.xlane v62, v7;
	v44 =	vperm.xlane v37, v8;
	v19 =	vadd.f32 v38, v23;
	[tilespmem:s25+$0x690] =	vst v24  }
0x3fb: {  	v20 =	vsel vm1, v20, v49;
	v46 =	vperm.xlane v37, v6;
	v51 =	vperm.xlane v37, v11;
	[tilespmem:s25+$0x6B0] =	vst v22  }
0x3fc: {  	v17 =	vadd.f32 v56, v17;
	v20 =	vadd.f32 v58, v20;
	v56 =	vperm.xlane v26, v9;
	[tilespmem:s25+$0x6A0] =	vst v19  }
0x3fd: {  	[tilespmem:s24+$0x12B0] =	vst v14;
	v13 =	vperm.xlane v13, v0;
	v49 =	vsel vm2, v43, v44;
	v14 =	vsel vm1, v45, v46;
	v52 =	vld [tilespmem:s26+$0x4C0]  }
0x3fe: {  	v15 =	vadd.f32 v42, v15;
	[tilespmem:s24+$0x1200] =	vst v17;
	v17 =	vperm.xlane v37, v1;
	v19 =	vperm.xlane v37, v5;
	v54 =	vld [tilespmem:s26+$0x4B0]  }
0x3ff: {  	[tilespmem:s24+$0x1210] =	vst v20;
	v20 =	vperm.xlane v37, v9;
	v18 =	vadd.f32 v56, v18;
	v13 =	vsel vm0, v13, v57  }
0x400: {  	v55 =	vsel vm3, v48, v51;
	v57 =	vperm.xlane v12, v3;
	v19 =	vsel vm0, v47, v19  }
0x401: {  	v20 =	vadd.f32 v20, v55;
	[tilespmem:s24+$0x1220] =	vst v15;
	v53 =	vperm.xlane v37, v3;
	v17 =	vadd.f32 v17, v19  }
0x402: {  	[tilespmem:s24+$0x1230] =	vst v18;
	v50 =	vperm.xlane v37, v2;
	v15 =	vadd.f32 v57, v16;
	v19 =	vperm.xlane v12, v2  }
0x403: {  	v14 =	vadd.f32 v53, v14;
	[tilespmem:s25+$0x20] =	vst v17;
	v59 =	vperm.xlane v52, v3;
	v17 =	vperm.xlane v54, v10  }
0x404: {  	[tilespmem:s25+$0x30] =	vst v20;
	v22 =	vadd.f32 v50, v49;
	v61 =	vperm.xlane v54, v4;
	v16 =	vperm.xlane v52, v6  }
0x405: {  	[tilespmem:s25+$0x10] =	vst v14;
	v62 =	vperm.xlane v54, v0;
	v18 =	vperm.xlane v52, v5  }
0x406: {  	[tilespmem:s25+$0x0] =	vst v22;
	v19 =	vadd.f32 v19, v21;
	v60 =	vperm.xlane v52, v1;
	v20 =	vperm.xlane v52, v8  }
0x407: {  	[tilespmem:s24+$0x1290] =	vst v15;
	v58 =	vperm.xlane v52, v2;
	v14 =	vld [tilespmem:s26+$0x240];
	v16 =	vsel vm1, v61, v16;
	v15 =	vsel vm0, v62, v18  }
0x408: {  	v17 =	vsel vm2, v17, v20;
	v21 =	vadd.f32 v59, v16;
	v16 =	vadd.f32 v60, v15;
	v15 =	vld [tilespmem:s26+$0x250]  }
0x409: {  	[tilespmem:s24+$0x1280] =	vst v19;
	v19 =	vperm.xlane v52, v11;
	v20 =	vperm.xlane v54, v7;
	v17 =	vadd.f32 v58, v17  }
0x40a: {  	v63 =	vperm.xlane v52, v9  }
0x40b: {  	v12 =	vperm.xlane v12, v1;
	[tilespmem:s25+$0xC80] =	vst v17;
	v17 =	vsel vm3, v20, v19  }
0x40c: {  	s1 =	simm.s32 $0x2;
	s0 =	sadd.s32 $0x60, s26;
	v19 =	vperm.xlane v14, v10;
	v18 =	vperm.xlane v14, v4;
	[tilespmem:s25+$0xC90] =	vst v21;
	v17 =	vadd.f32 v63, v17  }
.LBB2_8:
0x40d: {  	v20 =	vld [tilespmem:s0+$0xFFFFF740];
	v21 =	vperm.xlane v15, v8;
	v22 =	vperm.xlane v15, v6;
	[tilespmem:s25+$0xCA0] =	vst v16;
	v12 =	vadd.f32 v12, v13  }
0x40e: {  	v23 =	vperm.xlane v14, v0;
	v24 =	vperm.xlane v15, v5;
	v16 =	vld [tilespmem:s0+$0xFFFFF730];
	[tilespmem:s25+$0xCB0] =	vst v17  }
0x40f: {  	v14 =	vperm.xlane v14, v7;
	v17 =	vsel vm2, v19, v21;
	v19 =	vperm.xlane v15, v11;
	v13 =	vld [tilespmem:s26+$0x6F0];
	[tilespmem:s24+$0x12A0] =	vst v12;
	s24 =	smov.u32 s25  }
0x410: {  	v21 =	vperm.xlane v15, v2;
	v18 =	vsel vm1, v18, v22;
	v22 =	vperm.xlane v15, v3;
	v12 =	vld [tilespmem:s26+$0x700]  }
0x411: {  	v23 =	vsel vm0, v23, v24;
	v24 =	vperm.xlane v15, v1;
	v15 =	vperm.xlane v15, v9;
	v25 =	vld [tilespmem:s0+$0xFFFFF710]  }
0x412: {  	v14 =	vsel vm3, v14, v19;
	v26 =	vld [tilespmem:s0+$0xFFFFF700];
	v27 =	vperm.xlane v20, v2;
	v28 =	vperm.xlane v20, v3  }
0x413: {  	v17 =	vadd.f32 v21, v17;
	v29 =	vperm.xlane v20, v1;
	v19 =	vperm.xlane v16, v10  }
0x414: {  	v18 =	vadd.f32 v22, v18;
	v21 =	vperm.xlane v20, v8;
	v30 =	vperm.xlane v16, v4  }
0x415: {  	v22 =	vperm.xlane v13, v7;
	[tilespmem:s25+$0x600] =	vst v17;
	v17 =	vadd.f32 v24, v23;
	v23 =	vperm.xlane v12, v11  }
0x416: {  	v14 =	vadd.f32 v15, v14;
	v24 =	vperm.xlane v20, v6;
	v15 =	vperm.xlane v12, v9;
	[tilespmem:s25+$0x610] =	vst v18  }
0x417: {  	v31 =	vperm.xlane v20, v5;
	v18 =	vperm.xlane v16, v0;
	[tilespmem:s25+$0x620] =	vst v17;
	v17 =	vsel vm3, v22, v23  }
0x418: {  	v19 =	vsel vm2, v19, v21;
	v21 =	vperm.xlane v16, v7;
	[tilespmem:s25+$0x630] =	vst v14;
	v15 =	vadd.f32 v15, v17  }
0x419: {  	v17 =	vadd.f32 v27, v19;
	v14 =	vsel vm1, v30, v24;
	v19 =	vperm.xlane v20, v11;
	v16 =	vld [tilespmem:s26+$0x480]  }
0x41a: {  	v18 =	vsel vm0, v18, v31;
	v20 =	vperm.xlane v20, v9;
	s25 =	sadd.s32 $0x100, s25;
	v22 =	vadd.f32 v28, v14;
	v14 =	vld [tilespmem:s26+$0x490];
	[tilespmem:s24+$0x12B0] =	vst v15  }
0x41b: {  	v15 =	vperm.xlane v26, v10;
	[tilespmem:s25+$0xFFFFE880] =	vst v17;
	v17 =	vadd.f32 v29, v18;
	v18 =	vsel vm3, v21, v19  }
0x41c: {  	v19 =	vperm.xlane v25, v8;
	v21 =	vperm.xlane v26, v4;
	[tilespmem:s25+$0xFFFFE890] =	vst v22;
	v18 =	vadd.f32 v20, v18  }
0x41d: {  	v20 =	vperm.xlane v25, v6;
	v22 =	vperm.xlane v26, v0;
	[tilespmem:s25+$0xFFFFE8A0] =	vst v17  }
0x41e: {  	v15 =	vsel vm2, v15, v19;
	v17 =	vperm.xlane v25, v5;
	v19 =	vperm.xlane v26, v7;
	[tilespmem:s25+$0xFFFFE8B0] =	vst v18  }
0x41f: {  	v18 =	vperm.xlane v25, v2;
	v20 =	vsel vm1, v21, v20;
	v21 =	vperm.xlane v25, v11;
	v23 =	vld [tilespmem:s0+$0xFFFFF980]  }
0x420: {  	v24 =	vperm.xlane v25, v3;
	v17 =	vsel vm0, v22, v17;
	v22 =	vperm.xlane v25, v1;
	v26 =	vld [tilespmem:s0+$0xFFFFF970]  }
0x421: {  	v15 =	vadd.f32 v18, v15;
	v18 =	vsel vm3, v19, v21;
	v19 =	vperm.xlane v25, v9  }
0x422: {  	v20 =	vadd.f32 v24, v20;
	v21 =	vperm.xlane v16, v10;
	v17 =	vadd.f32 v22, v17  }
0x423: {  	v18 =	vadd.f32 v19, v18;
	v19 =	vperm.xlane v16, v4;
	[tilespmem:s25+$0xFFFFE800] =	vst v15;
	v15 =	vperm.xlane v14, v8  }
0x424: {  	[tilespmem:s25+$0xFFFFE810] =	vst v20;
	v20 =	vperm.xlane v23, v2;
	v22 =	vperm.xlane v23, v3  }
0x425: {  	v24 =	vperm.xlane v23, v1;
	[tilespmem:s25+$0xFFFFE820] =	vst v17;
	v17 =	vperm.xlane v26, v10;
	v15 =	vsel vm2, v21, v15  }
0x426: {  	v21 =	vperm.xlane v26, v4;
	[tilespmem:s25+$0xFFFFE830] =	vst v18;
	v18 =	vperm.xlane v23, v8  }
0x427: {  	v27 =	vperm.xlane v23, v6;
	v28 =	vperm.xlane v26, v0;
	v25 =	vld [tilespmem:s0+$0xFFFFF940]  }
0x428: {  	v26 =	vperm.xlane v26, v7;
	v29 =	vld [tilespmem:s0+$0xFFFFF950];
	v17 =	vsel vm2, v17, v18;
	v18 =	vperm.xlane v23, v5  }
0x429: {  	v17 =	vadd.f32 v20, v17;
	v20 =	vsel vm1, v21, v27;
	v21 =	vperm.xlane v23, v11  }
0x42a: {  	v20 =	vadd.f32 v22, v20;
	v18 =	vsel vm0, v28, v18;
	v22 =	vperm.xlane v23, v9  }
0x42b: {  	[tilespmem:s25+$0xFFFFEE80] =	vst v17;
	v17 =	vadd.f32 v24, v18;
	v18 =	vsel vm3, v26, v21;
	v21 =	vperm.xlane v14, v6  }
0x42c: {  	v23 =	vperm.xlane v25, v10;
	v24 =	vperm.xlane v25, v4;
	[tilespmem:s25+$0xFFFFEE90] =	vst v20;
	v18 =	vadd.f32 v22, v18  }
0x42d: {  	v20 =	vperm.xlane v29, v8;
	v22 =	vperm.xlane v29, v6;
	[tilespmem:s25+$0xFFFFEEA0] =	vst v17;
	v17 =	vsel vm1, v19, v21  }
0x42e: {  	v19 =	vperm.xlane v25, v0;
	v21 =	vperm.xlane v29, v5;
	[tilespmem:s25+$0xFFFFEEB0] =	vst v18  }
0x42f: {  	v18 =	vsel vm2, v23, v20;
	v20 =	vperm.xlane v25, v7;
	v23 =	vperm.xlane v29, v11;
	v25 =	vld [tilespmem:s0+$0xFFFFFBC0]  }
0x430: {  	v26 =	vperm.xlane v29, v2;
	v22 =	vsel vm1, v24, v22;
	v24 =	vperm.xlane v29, v3;
	v27 =	vld [tilespmem:s0+$0xFFFFFBB0]  }
0x431: {  	v28 =	vperm.xlane v29, v9;
	v19 =	vsel vm0, v19, v21;
	v21 =	vperm.xlane v29, v1  }
0x432: {  	v18 =	vadd.f32 v26, v18;
	v22 =	vadd.f32 v24, v22;
	v20 =	vsel vm3, v20, v23  }
0x433: {  	s1 =	sadd.s32 $0x2, s1;
	v19 =	vadd.f32 v21, v19;
	v21 =	vperm.xlane v16, v0;
	v20 =	vadd.f32 v28, v20  }
0x434: {  	p0 =	slt.u32 s1, $0xA;
	[tilespmem:s25+$0xFFFFEE00] =	vst v18;
	v18 =	vperm.xlane v25, v2;
	v23 =	vperm.xlane v25, v3  }
0x435: {  	v24 =	vperm.xlane v25, v1;
	[tilespmem:s25+$0xFFFFEE10] =	vst v22;
	v22 =	vperm.xlane v27, v10  }
0x436: {  	v26 =	vperm.xlane v27, v4;
	[tilespmem:s25+$0xFFFFEE20] =	vst v19;
	v19 =	vperm.xlane v25, v8  }
0x437: {  	v28 =	vperm.xlane v27, v0;
	[tilespmem:s25+$0xFFFFEE30] =	vst v20;
	v20 =	vperm.xlane v25, v6  }
0x438: {  	v27 =	vperm.xlane v27, v7;
	v29 =	vld [tilespmem:s0+$0xFFFFFB80];
	v19 =	vsel vm2, v22, v19;
	v22 =	vperm.xlane v25, v5  }
0x439: {  	v30 =	vld [tilespmem:s0+$0xFFFFFB90];
	v18 =	vadd.f32 v18, v19;
	v19 =	vsel vm1, v26, v20;
	v20 =	vperm.xlane v25, v11  }
0x43a: {  	v19 =	vadd.f32 v23, v19;
	v22 =	vsel vm0, v28, v22;
	v23 =	vperm.xlane v25, v9  }
0x43b: {  	[tilespmem:s25+$0xFFFFF480] =	vst v18;
	v18 =	vadd.f32 v24, v22;
	v20 =	vsel vm3, v27, v20;
	v22 =	vperm.xlane v14, v5  }
0x43c: {  	v16 =	vperm.xlane v16, v7;
	[tilespmem:s25+$0xFFFFF490] =	vst v19;
	v19 =	vadd.f32 v23, v20;
	v20 =	vperm.xlane v14, v11  }
0x43d: {  	v23 =	vperm.xlane v29, v10;
	v24 =	vperm.xlane v29, v4;
	[tilespmem:s25+$0xFFFFF4A0] =	vst v18;
	v18 =	vsel vm0, v21, v22  }
0x43e: {  	v21 =	vperm.xlane v30, v8;
	v22 =	vperm.xlane v30, v6;
	[tilespmem:s25+$0xFFFFF4B0] =	vst v19;
	v16 =	vsel vm3, v16, v20  }
0x43f: {  	v19 =	vperm.xlane v29, v0;
	v20 =	vperm.xlane v30, v5;
	v25 =	vld [tilespmem:s0+$0xFFFFFE00]  }
0x440: {  	v26 =	vperm.xlane v30, v11;
	v21 =	vsel vm2, v23, v21;
	v23 =	vperm.xlane v29, v7;
	v27 =	vld [tilespmem:s0+$0xFFFFFDF0]  }
0x441: {  	v28 =	vperm.xlane v30, v2;
	v22 =	vsel vm1, v24, v22;
	v24 =	vperm.xlane v30, v3  }
0x442: {  	v19 =	vsel vm0, v19, v20;
	v20 =	vperm.xlane v30, v1;
	v29 =	vperm.xlane v30, v9  }
0x443: {  	v21 =	vadd.f32 v28, v21;
	v22 =	vadd.f32 v24, v22;
	v23 =	vsel vm3, v23, v26  }
0x444: {  	v19 =	vadd.f32 v20, v19;
	v20 =	vperm.xlane v25, v2;
	v24 =	vperm.xlane v25, v3  }
0x445: {  	v26 =	vperm.xlane v25, v1;
	[tilespmem:s25+$0xFFFFF400] =	vst v21;
	v21 =	vadd.f32 v29, v23;
	v23 =	vperm.xlane v27, v10  }
0x446: {  	v28 =	vperm.xlane v27, v4;
	[tilespmem:s25+$0xFFFFF410] =	vst v22;
	v22 =	vperm.xlane v25, v8  }
0x447: {  	v29 =	vperm.xlane v27, v0;
	[tilespmem:s25+$0xFFFFF420] =	vst v19;
	v19 =	vperm.xlane v25, v6  }
0x448: {  	[tilespmem:s25+$0xFFFFF430] =	vst v21;
	v21 =	vsel vm2, v23, v22;
	v22 =	vperm.xlane v25, v5;
	v23 =	vperm.xlane v27, v7  }
0x449: {  	v27 =	vld [tilespmem:s0+$0xFFFFFDC0];
	v20 =	vadd.f32 v20, v21;
	v19 =	vsel vm1, v28, v19;
	v21 =	vperm.xlane v25, v11  }
0x44a: {  	v28 =	vld [tilespmem:s0+$0xFFFFFDD0];
	v19 =	vadd.f32 v24, v19;
	v22 =	vsel vm0, v29, v22;
	v24 =	vperm.xlane v25, v9  }
0x44b: {  	[tilespmem:s25+$0xFFFFFA80] =	vst v20;
	v20 =	vadd.f32 v26, v22;
	v21 =	vsel vm3, v23, v21;
	v22 =	vperm.xlane v14, v2  }
0x44c: {  	v23 =	vperm.xlane v14, v1;
	[tilespmem:s25+$0xFFFFFA90] =	vst v19;
	v19 =	vadd.f32 v24, v21;
	v21 =	vperm.xlane v14, v3  }
0x44d: {  	v14 =	vperm.xlane v14, v9;
	[tilespmem:s25+$0xFFFFFAA0] =	vst v20;
	v15 =	vadd.f32 v22, v15;
	v20 =	vperm.xlane v13, v10  }
0x44e: {  	v22 =	vperm.xlane v27, v10;
	v24 =	vperm.xlane v27, v4;
	[tilespmem:s25+$0xFFFFFAB0] =	vst v19;
	v17 =	vadd.f32 v21, v17  }
0x44f: {  	v19 =	vperm.xlane v28, v8;
	v21 =	vperm.xlane v28, v6;
	v25 =	vld [tilespmem:s0+$0x40];
	[tilespmem:s24+$0xC00] =	vst v15;
	v15 =	vadd.f32 v23, v18  }
0x450: {  	v14 =	vadd.f32 v14, v16;
	v18 =	vperm.xlane v27, v0;
	v23 =	vperm.xlane v28, v5;
	v26 =	vld [tilespmem:s0+$0x30];
	[tilespmem:s24+$0xC10] =	vst v17  }
0x451: {  	v17 =	vperm.xlane v27, v7;
	v16 =	vsel vm2, v22, v19;
	v19 =	vperm.xlane v28, v11;
	[tilespmem:s24+$0xC20] =	vst v15  }
0x452: {  	v15 =	vperm.xlane v28, v2;
	v21 =	vsel vm1, v24, v21;
	v22 =	vperm.xlane v28, v3;
	[tilespmem:s24+$0xC30] =	vst v14  }
0x453: {  	v18 =	vsel vm0, v18, v23;
	v23 =	vperm.xlane v28, v1;
	v24 =	vperm.xlane v28, v9;
	v27 =	vld [tilespmem:s26+$0x6C0]  }
0x454: {  	v17 =	vsel vm3, v17, v19;
	v19 =	vperm.xlane v25, v2;
	v28 =	vperm.xlane v25, v3;
	v14 =	vld [tilespmem:s26+$0x6D0];
	s26 =	smov.u32 s0  }
0x455: {  	v15 =	vadd.f32 v15, v16;
	v29 =	vperm.xlane v25, v1;
	v16 =	vperm.xlane v26, v10  }
0x456: {  	v21 =	vadd.f32 v22, v21;
	v22 =	vperm.xlane v25, v8;
	v30 =	vperm.xlane v26, v4  }
0x457: {  	[tilespmem:s25+$0xFFFFFA00] =	vst v15;
	v15 =	vadd.f32 v23, v18;
	v18 =	vperm.xlane v25, v6;
	v23 =	vperm.xlane v26, v0  }
0x458: {  	v16 =	vsel vm2, v16, v22;
	v22 =	vperm.xlane v26, v7;
	[tilespmem:s25+$0xFFFFFA10] =	vst v21;
	v21 =	vperm.xlane v25, v5  }
0x459: {  	[tilespmem:s25+$0xFFFFFA20] =	vst v15;
	v15 =	vadd.f32 v19, v16;
	v16 =	vsel vm1, v30, v18;
	v18 =	vperm.xlane v25, v11  }
0x45a: {  	v16 =	vadd.f32 v28, v16;
	v19 =	vsel vm0, v23, v21;
	v21 =	vperm.xlane v25, v9  }
0x45b: {  	v17 =	vadd.f32 v24, v17;
	[tilespmem:s25+$0x80] =	vst v15;
	v15 =	vadd.f32 v29, v19;
	v18 =	vsel vm3, v22, v18  }
0x45c: {  	v19 =	vperm.xlane v14, v8;
	[tilespmem:s25+$0x90] =	vst v16;
	v16 =	vadd.f32 v21, v18;
	v18 =	vperm.xlane v27, v10  }
0x45d: {  	v21 =	vperm.xlane v14, v6;
	[tilespmem:s25+$0xA0] =	vst v15;
	v15 =	vperm.xlane v27, v4  }
0x45e: {  	[tilespmem:s25+$0xB0] =	vst v16;
	v16 =	vsel vm2, v18, v19;
	v18 =	vperm.xlane v27, v0;
	v19 =	vperm.xlane v14, v5  }
0x45f: {  	v22 =	vperm.xlane v14, v11;
	[tilespmem:s25+$0xFFFFFA30] =	vst v17;
	v17 =	vld [tilespmem:s0+$0x280];
	v15 =	vsel vm1, v15, v21;
	v21 =	vperm.xlane v27, v7  }
0x460: {  	v24 =	vperm.xlane v13, v4;
	v23 =	vld [tilespmem:s0+$0x270];
	v18 =	vsel vm0, v18, v19;
	v19 =	vperm.xlane v12, v8  }
0x461: {  	v13 =	vperm.xlane v13, v0;
	v25 =	vld [tilespmem:s0+$0x0];
	v21 =	vsel vm3, v21, v22;
	v22 =	vperm.xlane v12, v6  }
0x462: {  	v27 =	vperm.xlane v14, v2;
	v26 =	vld [tilespmem:s0+$0x10];
	v19 =	vsel vm2, v20, v19;
	v20 =	vperm.xlane v12, v5  }
0x463: {  	v28 =	vperm.xlane v14, v3;
	v29 =	vperm.xlane v14, v1;
	v22 =	vsel vm1, v24, v22  }
0x464: {  	v24 =	vperm.xlane v17, v2;
	v30 =	vperm.xlane v17, v3;
	v13 =	vsel vm0, v13, v20  }
0x465: {  	v16 =	vadd.f32 v27, v16;
	v31 =	vperm.xlane v17, v1;
	v20 =	vperm.xlane v23, v10  }
0x466: {  	v15 =	vadd.f32 v28, v15;
	v27 =	vperm.xlane v17, v8;
	v32 =	vperm.xlane v23, v4  }
0x467: {  	v28 =	vperm.xlane v17, v6;
	v33 =	vperm.xlane v23, v0;
	[tilespmem:s24+$0x1200] =	vst v16;
	v16 =	vadd.f32 v29, v18  }
0x468: {  	v23 =	vperm.xlane v23, v7;
	v18 =	vsel vm2, v20, v27;
	v20 =	vperm.xlane v17, v5;
	[tilespmem:s24+$0x1210] =	vst v15  }
0x469: {  	v15 =	vadd.f32 v24, v18;
	v18 =	vsel vm1, v32, v28;
	v24 =	vperm.xlane v17, v11;
	[tilespmem:s24+$0x1220] =	vst v16  }
0x46a: {  	v17 =	vperm.xlane v17, v9;
	v16 =	vadd.f32 v30, v18;
	v18 =	vsel vm0, v33, v20  }
0x46b: {  	v20 =	vperm.xlane v25, v10;
	[tilespmem:s25+$0x680] =	vst v15;
	v15 =	vadd.f32 v31, v18;
	v18 =	vsel vm3, v23, v24  }
0x46c: {  	v23 =	vperm.xlane v26, v8;
	v24 =	vperm.xlane v25, v4;
	[tilespmem:s25+$0x690] =	vst v16;
	v16 =	vadd.f32 v17, v18  }
0x46d: {  	v17 =	vperm.xlane v26, v6;
	v18 =	vperm.xlane v25, v0;
	[tilespmem:s25+$0x6A0] =	vst v15  }
0x46e: {  	v15 =	vsel vm2, v20, v23;
	v20 =	vperm.xlane v26, v5;
	v23 =	vperm.xlane v25, v7;
	[tilespmem:s25+$0x6B0] =	vst v16  }
0x46f: {  	v16 =	vperm.xlane v26, v2;
	v17 =	vsel vm1, v24, v17;
	v24 =	vperm.xlane v26, v11;
	v25 =	vld [tilespmem:s0+$0x4C0]  }
0x470: {  	v27 =	vperm.xlane v26, v3;
	v18 =	vsel vm0, v18, v20;
	v20 =	vperm.xlane v26, v1;
	v28 =	vld [tilespmem:s0+$0x4B0]  }
0x471: {  	v15 =	vadd.f32 v16, v15;
	v16 =	vsel vm3, v23, v24;
	v23 =	vperm.xlane v26, v9  }
0x472: {  	v14 =	vperm.xlane v14, v9;
	v17 =	vadd.f32 v27, v17;
	v18 =	vadd.f32 v20, v18  }
0x473: {  	v20 =	vperm.xlane v12, v3;
	[tilespmem:s25+$0x0] =	vst v15;
	v15 =	vadd.f32 v23, v16;
	v16 =	vperm.xlane v12, v2  }
0x474: {  	v21 =	vadd.f32 v14, v21;
	[tilespmem:s25+$0x10] =	vst v17;
	v17 =	vperm.xlane v25, v2;
	v23 =	vperm.xlane v25, v3  }
0x475: {  	v24 =	vperm.xlane v25, v1;
	[tilespmem:s25+$0x20] =	vst v18;
	v18 =	vperm.xlane v28, v10;
	v16 =	vadd.f32 v16, v19  }
0x476: {  	v20 =	vadd.f32 v20, v22;
	v19 =	vperm.xlane v25, v8;
	v26 =	vperm.xlane v28, v4;
	[tilespmem:s25+$0x30] =	vst v15  }
0x477: {  	v22 =	vperm.xlane v25, v6;
	v27 =	vperm.xlane v28, v0;
	v14 =	vld [tilespmem:s0+$0x240];
	[tilespmem:s24+$0x1230] =	vst v21  }
.Ltmp3:
0x478: {  	v18 =	vsel vm2, v18, v19;
	v19 =	vperm.xlane v25, v5;
	v21 =	vperm.xlane v28, v7;
	v15 =	vld [tilespmem:s0+$0x250];
	[tilespmem:s24+$0x1280] =	vst v16;
	(pc) =	sbr.rel @p0 .LBB2_8-.Ltmp3, $4  }
0x479: {  	v16 =	vadd.f32 v17, v18;
	v17 =	vsel vm1, v26, v22;
	v18 =	vperm.xlane v25, v11;
	[tilespmem:s24+$0x1290] =	vst v20  }
0x47a: {  	v17 =	vadd.f32 v23, v17;
	v19 =	vsel vm0, v27, v19;
	v20 =	vperm.xlane v25, v9  }
0x47b: {  	v12 =	vperm.xlane v12, v1;
	v21 =	vsel vm3, v21, v18;
	[tilespmem:s25+$0xC80] =	vst v16;
	v16 =	vadd.f32 v24, v19  }
0x47c: {  	s0 =	sadd.s32 $0x60, s0;
	v19 =	vperm.xlane v14, v10;
	v18 =	vperm.xlane v14, v4;
	[tilespmem:s25+$0xC90] =	vst v17;
	v17 =	vadd.f32 v20, v21  }
0x47d: {  	v20 =	vperm.xlane v15, v8;
	v21 =	vperm.xlane v15, v6  }
0x47e: {  	v22 =	vperm.xlane v14, v0;
	v23 =	vperm.xlane v15, v5  }
0x47f: {  	v55 =	vperm.xlane v15, v2;
	v56 =	vperm.xlane v14, v7  }
0x480: {  	v57 =	vperm.xlane v15, v3;
	v24 =	vperm.xlane v15, v11;
	v19 =	vsel vm2, v19, v20  }
0x481: {  	v58 =	vperm.xlane v15, v1;
	v18 =	vsel vm1, v18, v21;
	v19 =	vadd.f32 v55, v19  }
0x482: {  	v59 =	vperm.xlane v15, v9;
	v22 =	vsel vm0, v22, v23;
	v18 =	vadd.f32 v57, v18  }
0x483: {  	v14 =	vsel vm3, v56, v24;
	v60 =	vadd.f32 v58, v22;
	[tilespmem:s25+$0x600] =	vst v19  }
0x484: {  	v14 =	vadd.f32 v59, v14;
	[tilespmem:s25+$0x610] =	vst v18  }
0x485: {  	[tilespmem:s25+$0x620] =	vst v60  }
0x486: {  	[tilespmem:s25+$0x630] =	vst v14  }
0x487: {  	v14 =	vld [tilespmem:s26+$0x480]  }
0x488: {  	v61 =	vld [tilespmem:s26+$0x490];
	_ =	sdelay $0x4  }
0x489: {  	v62 =	vperm.xlane v14, v10;
	v63 =	vperm.xlane v61, v8  }
0x48a: {  	v24 =	vperm.xlane v14, v4;
	v25 =	vperm.xlane v61, v6  }
0x48b: {  	v26 =	vperm.xlane v14, v0;
	v27 =	vperm.xlane v61, v5  }
0x48c: {  	[tilespmem:s25+$0xCA0] =	vst v16;
	v28 =	vperm.xlane v61, v2;
	v14 =	vperm.xlane v14, v7  }
0x48d: {  	[tilespmem:s25+$0xCB0] =	vst v17;
	v29 =	vperm.xlane v61, v3;
	v30 =	vperm.xlane v61, v11;
	v18 =	vsel vm2, v62, v63  }
0x48e: {  	v35 =	vld [tilespmem:s26+$0x6F0];
	v31 =	vperm.xlane v61, v1;
	v20 =	vsel vm1, v24, v25;
	v18 =	vadd.f32 v28, v18  }
0x48f: {  	v36 =	vld [tilespmem:s26+$0x700];
	v15 =	vperm.xlane v61, v9;
	v32 =	vsel vm0, v26, v27;
	v33 =	vadd.f32 v29, v20  }
0x490: {  	v14 =	vsel vm3, v14, v30;
	v34 =	vadd.f32 v31, v32;
	[tilespmem:s25+$0xC00] =	vst v18  }
0x491: {  	v14 =	vadd.f32 v15, v14;
	[tilespmem:s25+$0xC10] =	vst v33  }
0x492: {  	[tilespmem:s25+$0xC20] =	vst v34  }
0x493: {  	v38 =	vperm.xlane v35, v7;
	[tilespmem:s25+$0xC30] =	vst v14  }
0x494: {  	v39 =	vperm.xlane v36, v11;
	v40 =	vperm.xlane v36, v9;
	v14 =	vld [tilespmem:s26+$0x6C0]  }
0x495: {  	v41 =	vperm.xlane v35, v10;
	v51 =	vperm.xlane v36, v8;
	v37 =	vld [tilespmem:s26+$0x6D0]  }
0x496: {  	v53 =	vperm.xlane v35, v4;
	v55 =	vperm.xlane v36, v6  }
0x497: {  	v57 =	vperm.xlane v35, v0;
	v60 =	vperm.xlane v36, v2  }
0x498: {  	v61 =	vperm.xlane v36, v5;
	v62 =	vperm.xlane v36, v3  }
0x499: {  	v12 =	vadd.f32 v12, v13;
	v63 =	vperm.xlane v36, v1;
	v42 =	vperm.xlane v14, v10  }
0x49a: {  	v18 =	vsel vm3, v38, v39;
	v43 =	vperm.xlane v37, v8;
	v44 =	vperm.xlane v14, v4  }
0x49b: {  	v13 =	vadd.f32 v40, v18;
	v45 =	vperm.xlane v37, v6;
	v46 =	vperm.xlane v14, v0  }
0x49c: {  	v47 =	vperm.xlane v37, v5;
	v48 =	vperm.xlane v14, v7;
	v8 =	vsel vm2, v41, v51  }
0x49d: {  	[tilespmem:s24+$0x12A0] =	vst v12;
	v52 =	vperm.xlane v37, v2;
	v4 =	vsel vm1, v53, v55;
	v2 =	vadd.f32 v60, v8  }
0x49e: {  	[tilespmem:s25+$0x12B0] =	vst v13;
	v54 =	vperm.xlane v37, v3;
	v0 =	vsel vm0, v57, v61;
	v3 =	vadd.f32 v62, v4  }
0x49f: {  	v49 =	vperm.xlane v37, v11;
	v0 =	vadd.f32 v63, v0;
	v10 =	vsel vm2, v42, v43;
	[tilespmem:s25+$0x1280] =	vst v2  }
0x4a0: {  	v56 =	vperm.xlane v37, v1;
	v18 =	vsel vm1, v44, v45;
	v10 =	vadd.f32 v52, v10;
	[tilespmem:s25+$0x1290] =	vst v3  }
0x4a1: {  	v58 =	vperm.xlane v37, v9;
	v50 =	vsel vm0, v46, v47;
	v11 =	vadd.f32 v54, v18;
	[tilespmem:s25+$0x12A0] =	vst v0  }
0x4a2: {  	v7 =	vsel vm3, v48, v49;
	v59 =	vadd.f32 v56, v50;
	[tilespmem:s25+$0x1200] =	vst v10  }
0x4a3: {  	v7 =	vadd.f32 v58, v7;
	[tilespmem:s25+$0x1210] =	vst v11  }
0x4a4: {  	[tilespmem:s25+$0x1220] =	vst v59  }
0x4a5: {  	s23 =	sadd.s32 $0x1, s23;
	[tilespmem:s25+$0x1230] =	vst v7  }
0x4a6: {  	[hbm4b:s9+s17] =	stream.strided.scatter [tilespmem:s19], [sflag:$0x2], $0x3000, s18, s17, $0x38;
	[tilespmem:$0x1E400] =	vst v63  }
0x4a7: {  	p0 =	sne.s32 s23, s10;
	_ =	swait.ge [sflag:s21], $0x3000  }
.Ltmp4:
0x4a8: {  	[sflag:s21] =	ssyncset.done $0x0;
	(pc) =	sbr.rel @p0 .LBB2_1-.Ltmp4, $4  }
0x4a9: {  	[sflag:s21] =	ssyncadd.s32 $0xFFFFD000  }
0x4aa: {  	_ =	swait.ge [sflag:s22], $0x3000  }
0x4ab: {  	[sflag:s22] =	ssyncset.done $0x0  }
0x4ac: {  	[sflag:s22] =	ssyncadd.s32 $0xFFFFD000  }
0x4ad: {  	_ =	sfence.sel $0x180000  }
0x4ae: {  	[bflag:$0x0] =	sbarrier.arrive $0xFFFF  }
0x4af: {  	_ =	strace $0x90000047  }
0x4b0: {  	s0 =	stileid.u32;
	[bflag:$0x2] =	sbarrier.arrive $0xFFFF  }
0x4b1: {  	p0 =	sne.s32 s0, $0x0;
	s0 =	rddreg [dreg:$0x2]  }
0x4b2: {  	s0 =	sadd.s32 @!p0 $0x100000, s0  }
0x4b3: {  	[sflag:s0] =	ssyncadd.tile.s32 @!p0 $0x1;
	_ =	shalt  }
.Lfunc_end2:
_tile_overlayer_lowered:
.L_overlay_start_2:
0x4b4: {  	(tag) =	ssettag $0x2  }
0x4b5: {  	s0 =	rddreg [dreg:$0x0];
	s2 =	stileid.u32  }
0x4b6: {  	s1 =	rddreg [dreg:$0x1];
	p0 =	sne.s32 s2, $0x0  }
0x4b7: {  	s3 =	rddreg [dreg:$0x2];
	[bflag:$0x3] =	sbarrier.arrive $0xFFFF;
	s2 =	simm.s32 @!p0 $0x1C04  }
0x4b8: {  	[timem:s3], [sflag:s2] =	dma.local @!p0 [hbm:s0], s1  }
0x4b9: {  	s0 =	simm.s32 @!p0 $0x4  }
0x4ba: {  	_ =	swait.ge @!p0 [sflag:s0], s1  }
0x4bb: {  	s1 =	ssub.s32 @!p0 $0x0, s1;
	[sflag:s0] =	ssyncset.done @!p0 $0x0  }
0x4bc: {  	[sflag:s0] =	ssyncadd.s32 @!p0 s1  }
0x4bd: {  	[bflag:$0x3] =	sbarrier.arrive $0xFFFF  }
0x4be: {  	_ =	shalt  }

</sc_bundles>
